<compile_context>
chip_gen: v7x
topology: tpu7x:2x2x1
jax: 0.10.2.dev20260603
libtpu: 0.0.44.dev20260713+nightly
codegen_flags: <defaults>
</compile_context>

<pallas_src>
import functools

import jax
import jax.numpy as jnp
from jax import lax
from jax.experimental import pallas as pl
from jax.experimental.pallas import tpu as pltpu
from jax.experimental.pallas import tpu_sc as plsc

_N = 10000
_E = 320000
_NS = 16
_CHUNK = 128
_NPAD = 10240
_ZROWS = 128
_RPT = _NPAD // _NS
_NROWS = 2560
_NCH = _NROWS // _NS
_SEG = 32
_W = 64


def _sc_aggregate(nparts: int):
  nphases = nparts // 2
  mesh = plsc.VectorSubcoreMesh(core_axis_name="c", subcore_axis_name="s")

  @functools.partial(
      pl.kernel,
      out_type=jax.ShapeDtypeStruct((nparts, _NPAD, _W), jnp.float32),
      mesh=mesh,
      compiler_params=pltpu.CompilerParams(use_tc_tiling_on_sc=False),
      scratch_types=[
          pltpu.VMEM((2, _SEG, _CHUNK), jnp.int32),
          pltpu.VMEM((2, _SEG, _CHUNK), jnp.int32),
          pltpu.VMEM((_CHUNK, _W), jnp.float32),
          pltpu.VMEM((_CHUNK, _W), jnp.float32),
          pltpu.VMEM((_ZROWS, _W), jnp.float32),
          pltpu.VMEM_SHARED((_NPAD, _W), jnp.float32),
          pltpu.VMEM_SHARED((_NPAD, _W), jnp.float32),
          pltpu.SemaphoreType.DMA,
          pltpu.SemaphoreType.DMA,
          pltpu.SemaphoreType.DMA,
          pltpu.SemaphoreType.DMA,
          pltpu.SemaphoreType.DMA,
      ],
  )
  def agg_kernel(*refs):
    qs = refs[:nparts]
    src2, dst2, out = refs[nparts:nparts + 3]
    (src_v, dst_v, rows_a, rows_b, zbuf, xsp, acc,
     sem_ga, sem_gb, sem_sa, sem_sb, sem_i) = refs[nparts + 3:]
    c = lax.axis_index("c")
    s = lax.axis_index("s")
    r0 = s * _RPT
    z16 = jnp.zeros((16,), jnp.float32)

    def zrow(r, carry):
      for j in range(_W // 16):
        zbuf[r, pl.ds(j * 16, 16)] = z16
      return carry

    lax.fori_loop(0, _ZROWS, zrow, 0)

    def start_idx(g):
      row0 = s * _NCH + g * _SEG
      par = g & 1
      pltpu.async_copy(src2.at[pl.ds(row0, _SEG)], src_v.at[par], sem_i)
      pltpu.async_copy(dst2.at[pl.ds(row0, _SEG)], dst_v.at[par], sem_i)

    def wait_idx():
      for _ in range(2):
        pltpu.make_async_copy(
            src2.at[pl.ds(0, _SEG)], src_v.at[0], sem_i).wait()

    def wait_gather(rows, sem):
      pltpu.make_async_copy(xsp.at[pl.ds(0, _CHUNK)], rows, sem).wait()

    def wait_scatter(rows, sem):
      pltpu.make_async_copy(rows, acc.at[pl.ds(0, _CHUNK)], sem).wait()

    for phase in range(nphases):
      for jj in range(_RPT // _ZROWS):
        rr = r0 + jj * _ZROWS

        @pl.when(c == 0)
        def _():
          pltpu.sync_copy(qs[2 * phase].at[pl.ds(rr, _ZROWS)], rows_a)

        @pl.when(c == 1)
        def _():
          pltpu.sync_copy(qs[2 * phase + 1].at[pl.ds(rr, _ZROWS)], rows_a)

        pltpu.sync_copy(rows_a, xsp.at[pl.ds(rr, _ZROWS)])
        pltpu.sync_copy(zbuf, acc.at[pl.ds(rr, _ZROWS)])
      plsc.subcore_barrier()

      def seg_body(g, carry):
        par = g & 1

        @pl.when(g > 0)
        def _():
          wait_scatter(rows_b, sem_sb)

        wait_idx()

        @pl.when(g + 1 < _NCH // _SEG)
        def _():
          start_idx(g + 1)

        def start_gather(i, rows, sem):
          pltpu.async_copy(xsp.at[src_v.at[par, i]], rows, sem)

        def start_scatter(i, rows, sem):
          pltpu.async_copy(rows, acc.at[dst_v.at[par, i]], sem, add=True)

        start_gather(0, rows_a, sem_ga)

        def pair(p, carry2):
          ia = 2 * p
          ib = 2 * p + 1
          wait_gather(rows_a, sem_ga)
          start_scatter(ia, rows_a, sem_sa)

          @pl.when(p > 0)
          def _():
            wait_scatter(rows_b, sem_sb)

          start_gather(ib, rows_b, sem_gb)
          wait_gather(rows_b, sem_gb)
          start_scatter(ib, rows_b, sem_sb)
          wait_scatter(rows_a, sem_sa)

          @pl.when(ib + 1 < _SEG)
          def _():
            start_gather(ib + 1, rows_a, sem_ga)

          return carry2

        lax.fori_loop(0, _SEG // 2, pair, 0)
        return carry

      start_idx(0)
      lax.fori_loop(0, _NCH // _SEG, seg_body, 0)
      wait_scatter(rows_b, sem_sb)
      plsc.subcore_barrier()

      for jj in range(_RPT // _ZROWS):
        rr = r0 + jj * _ZROWS
        pltpu.sync_copy(acc.at[pl.ds(rr, _ZROWS)], rows_a)

        @pl.when(c == 0)
        def _():
          pltpu.sync_copy(rows_a, out.at[2 * phase, pl.ds(rr, _ZROWS)])

        @pl.when(c == 1)
        def _():
          pltpu.sync_copy(rows_a, out.at[2 * phase + 1, pl.ds(rr, _ZROWS)])

      if phase + 1 < nphases:
        plsc.subcore_barrier()

  return agg_kernel


def _pad_edges(ei):
  pad = _NROWS * _CHUNK - _E
  fills = jnp.array([[0], [_N]], jnp.int32)
  eip = jnp.concatenate(
      [ei, jnp.broadcast_to(fills, (2, pad))], axis=1).reshape(
          2, _NROWS, _CHUNK)
  return eip[0], eip[1]


_BLK = 2000


def _mlp1_body(eps_ref, x_ref, agg_ref, w1_ref, b1_ref, w2_ref, b2_ref,
               q0_ref, q1_ref, q2_ref, q3_ref):
  g = (x_ref[...] * (1.0 + eps_ref[0, 0])
       + jnp.concatenate([agg_ref[0], agg_ref[1]], axis=1))
  t = jnp.maximum(
      jnp.dot(g, w1_ref[...], preferred_element_type=jnp.float32)
      + b1_ref[...], 0.0)
  h = jnp.maximum(
      jnp.dot(t, w2_ref[...], preferred_element_type=jnp.float32)
      + b2_ref[...], 0.0)
  q0_ref[...] = h[:, 0:64]
  q1_ref[...] = h[:, 64:128]
  q2_ref[...] = h[:, 128:192]
  q3_ref[...] = h[:, 192:256]


def _tc_mlp1(x, agg, w1, b1, w2, b2, eps):
  return pl.pallas_call(
      _mlp1_body,
      grid=(_N // _BLK,),
      in_specs=[
          pl.BlockSpec(memory_space=pltpu.SMEM),
          pl.BlockSpec((_BLK, 128), lambda i: (i, 0)),
          pl.BlockSpec((2, _BLK, _W), lambda i: (0, i, 0)),
          pl.BlockSpec((128, 256), lambda i: (0, 0)),
          pl.BlockSpec((1, 256), lambda i: (0, 0)),
          pl.BlockSpec((256, 256), lambda i: (0, 0)),
          pl.BlockSpec((1, 256), lambda i: (0, 0)),
      ],
      out_specs=[
          pl.BlockSpec((_BLK, _W), lambda i: (i, 0)),
          pl.BlockSpec((_BLK, _W), lambda i: (i, 0)),
          pl.BlockSpec((_BLK, _W), lambda i: (i, 0)),
          pl.BlockSpec((_BLK, _W), lambda i: (i, 0)),
      ],
      out_shape=[
          jax.ShapeDtypeStruct((_NPAD, _W), jnp.float32),
          jax.ShapeDtypeStruct((_NPAD, _W), jnp.float32),
          jax.ShapeDtypeStruct((_NPAD, _W), jnp.float32),
          jax.ShapeDtypeStruct((_NPAD, _W), jnp.float32),
      ],
  )(eps, x, agg, w1, b1, w2, b2)


def _mlp2_body(eps_ref, q0_ref, q1_ref, q2_ref, q3_ref, agg_ref, w1_ref,
               b1_ref, w2_ref, b2_ref, wfc_ref, bfc_ref, out_ref, emb_ref):
  e = 1.0 + eps_ref[0, 0]
  g = jnp.concatenate(
      [q0_ref[...] * e + agg_ref[0], q1_ref[...] * e + agg_ref[1],
       q2_ref[...] * e + agg_ref[2], q3_ref[...] * e + agg_ref[3]],
      axis=1)
  t = jnp.maximum(
      jnp.dot(g, w1_ref[...], preferred_element_type=jnp.float32)
      + b1_ref[...], 0.0)
  h2 = jnp.maximum(
      jnp.dot(t, w2_ref[...], preferred_element_type=jnp.float32)
      + b2_ref[...], 0.0)
  emb_ref[...] = h2
  out_ref[...] = (
      jnp.dot(h2, wfc_ref[...], preferred_element_type=jnp.float32)
      + bfc_ref[...])


def _tc_mlp2(q0, q1, q2, q3, agg, w1, b1, w2, b2, eps, wfc, bfc):
  return pl.pallas_call(
      _mlp2_body,
      grid=(_N // _BLK,),
      in_specs=[
          pl.BlockSpec(memory_space=pltpu.SMEM),
          pl.BlockSpec((_BLK, _W), lambda i: (i, 0)),
          pl.BlockSpec((_BLK, _W), lambda i: (i, 0)),
          pl.BlockSpec((_BLK, _W), lambda i: (i, 0)),
          pl.BlockSpec((_BLK, _W), lambda i: (i, 0)),
          pl.BlockSpec((4, _BLK, _W), lambda i: (0, i, 0)),
          pl.BlockSpec((256, 64), lambda i: (0, 0)),
          pl.BlockSpec((1, 64), lambda i: (0, 0)),
          pl.BlockSpec((64, 64), lambda i: (0, 0)),
          pl.BlockSpec((1, 64), lambda i: (0, 0)),
          pl.BlockSpec((64, 64), lambda i: (0, 0)),
          pl.BlockSpec((1, 64), lambda i: (0, 0)),
      ],
      out_specs=[
          pl.BlockSpec((_BLK, 64), lambda i: (i, 0)),
          pl.BlockSpec((_BLK, 64), lambda i: (i, 0)),
      ],
      out_shape=[
          jax.ShapeDtypeStruct((_N, 64), jnp.float32),
          jax.ShapeDtypeStruct((_N, 64), jnp.float32),
      ],
  )(eps, q0, q1, q2, q3, agg, w1, b1, w2, b2, wfc, bfc)


def kernel(x, edge_index, w1a, b1a, w2a, b2a, eps1, w1b, b1b, w2b, b2b, eps2,
           wfc, bfc):
  src2, dst2 = _pad_edges(edge_index.astype(jnp.int32))

  xpad = jnp.pad(x, ((0, _NPAD - _N), (0, 0)))
  agg1 = _sc_aggregate(2)(xpad[:, :_W], xpad[:, _W:], src2, dst2)
  q0, q1, q2, q3 = _tc_mlp1(x, agg1, w1a, b1a.reshape(1, -1), w2a,
                            b2a.reshape(1, -1), jnp.reshape(eps1, (1, 1)))
  agg2 = _sc_aggregate(4)(q0, q1, q2, q3, src2, dst2)
  out, emb = _tc_mlp2(q0, q1, q2, q3, agg2, w1b, b1b.reshape(1, -1), w2b,
                      b2b.reshape(1, -1), jnp.reshape(eps2, (1, 1)), wfc,
                      bfc.reshape(1, -1))
  return (out, emb)

# --- scband reference (transcript-rebuilt; emitter-appended) ---
"""Pipeline reference for scband-gin-23227183137278 (READ-ONLY COPY).

The authoritative reference and input builder live on the scoring server;
editing this copy changes nothing except your own understanding.
"""

import jax, jax.numpy as jnp
import numpy as np

N_NODES = 10000
N_EDGES = 320000
D_IN = 128
H1 = 256
H2 = 64
D_OUT = 64


def setup_inputs(seed: int = 0) -> dict:
    key = jax.random.key(seed)
    ks = jax.random.split(key, 16)
    x = jax.random.normal(ks[0], (N_NODES, D_IN), dtype=jnp.float32)
    edge_index = jax.random.randint(ks[1], (2, N_EDGES), 0, N_NODES, dtype=jnp.int64)
    # conv1 MLP: Linear(128->256), ReLU, Linear(256->256)
    w1a = jax.random.normal(ks[2], (D_IN, H1), dtype=jnp.float32) * 0.05
    b1a = jnp.zeros((H1,), dtype=jnp.float32)
    w2a = jax.random.normal(ks[3], (H1, H1), dtype=jnp.float32) * 0.05
    b2a = jnp.zeros((H1,), dtype=jnp.float32)
    eps1 = jnp.zeros((), dtype=jnp.float32)
    # conv2 MLP: Linear(256->64), ReLU, Linear(64->64)
    w1b = jax.random.normal(ks[4], (H1, H2), dtype=jnp.float32) * 0.05
    b1b = jnp.zeros((H2,), dtype=jnp.float32)
    w2b = jax.random.normal(ks[5], (H2, H2), dtype=jnp.float32) * 0.05
    b2b = jnp.zeros((H2,), dtype=jnp.float32)
    eps2 = jnp.zeros((), dtype=jnp.float32)
    # fc2: Linear(64->features_out)
    wfc = jax.random.normal(ks[6], (H2, D_OUT), dtype=jnp.float32) * 0.05
    bfc = jnp.zeros((D_OUT,), dtype=jnp.float32)
    return {"x": x, "edge_index": edge_index, "w1a": w1a, "b1a": b1a, "w2a": w2a, "b2a": b2a, "eps1": eps1, "w1b": w1b, "b1b": b1b, "w2b": w2b, "b2b": b2b, "eps2": eps2, "wfc": wfc, "bfc": bfc}


def _gin_conv(x, edge_index, w1, b1, w2, b2, eps):
    src = edge_index[0]
    dst = edge_index[1]
    # message = x_j gathered from source nodes, aggregated by sum at dst
    msgs = jnp.take(x, src, axis=0)
    agg = jax.ops.segment_sum(msgs, dst, num_segments=x.shape[0])
    h = (1.0 + eps) * x + agg
    h = jax.nn.relu(h @ w1 + b1)
    h = h @ w2 + b2
    return h


def reference(x, edge_index, w1a, b1a, w2a, b2a, eps1, w1b, b1b, w2b, b2b, eps2, wfc, bfc):
    h = jax.nn.relu(_gin_conv(x, edge_index, w1a, b1a, w2a, b2a, eps1))
    h = jax.nn.relu(_gin_conv(h, edge_index, w1b, b1b, w2b, b2b, eps2))
    emb = jax.lax.stop_gradient(h)
    out = h @ wfc + bfc
    return (out, emb)

if __name__ == "__main__":
    import jax
    _d = setup_inputs()
    print(jax.jit(kernel)(*tuple(_d.values())))

</pallas_src>

<mosaic_0001>
#map = affine_map<(d0, d1) -> (0, 0)>
#map1 = affine_map<(d0, d1) -> (0, 0, 0)>
module attributes {stable_mosaic.version = 14 : i64} {
  func.func @agg_kernel(%arg0: i32, %arg1: i32, %arg2: memref<10240x64xf32, #tpu.memory_space<hbm>>, %arg3: memref<10240x64xf32, #tpu.memory_space<hbm>>, %arg4: memref<2560x128xi32, #tpu.memory_space<hbm>>, %arg5: memref<2560x128xi32, #tpu.memory_space<hbm>>, %arg6: memref<2x10240x64xf32, #tpu.memory_space<hbm>>, %arg7: memref<2x32x128xi32, #tpu.memory_space<vmem>>, %arg8: memref<2x32x128xi32, #tpu.memory_space<vmem>>, %arg9: memref<128x64xf32, #tpu.memory_space<vmem>>, %arg10: memref<128x64xf32, #tpu.memory_space<vmem>>, %arg11: memref<128x64xf32, #tpu.memory_space<vmem>>, %arg12: memref<10240x64xf32, #tpu.memory_space<vmem_shared>>, %arg13: memref<10240x64xf32, #tpu.memory_space<vmem_shared>>, %arg14: memref<!tpu.dma_semaphore, #tpu.memory_space<semaphore_mem>>, %arg15: memref<!tpu.dma_semaphore, #tpu.memory_space<semaphore_mem>>, %arg16: memref<!tpu.dma_semaphore, #tpu.memory_space<semaphore_mem>>, %arg17: memref<!tpu.dma_semaphore, #tpu.memory_space<semaphore_mem>>, %arg18: memref<!tpu.dma_semaphore, #tpu.memory_space<semaphore_mem>>) attributes {dimension_semantics = [#tpu.dimension_semantics<core_parallel>, #tpu.dimension_semantics<subcore_parallel>], iteration_bounds = array<i64: 2, 16>, scalar_prefetch = 0 : i64, scratch_operands = 12 : i64, tpu.core_type = #tpu.core_type<sc_vector_subcore>, window_params = [{transform_indices = #map}, {transform_indices = #map}, {transform_indices = #map}, {transform_indices = #map}, {transform_indices = #map1}]} {
    %mul3A = arith.constant 640 : i32
    %mul3A_0 = arith.muli %arg1, %mul3A : i32
    %broadcast_in_dim3A = arith.constant 0.000000e+00 : f32
    %broadcast_in_dim3A_1 = vector.broadcast %broadcast_in_dim3A : f32 to vector<16xf32>
    %scan3A = arith.constant 0 : i32
    %scan3A_2 = arith.constant 0 : i32
    %scan3A_3 = arith.constant 128 : i32
    %scan3A_4 = arith.addi %scan3A_2, %scan3A_3 : i32
    %scan3A_5 = arith.constant 1 : i32
    scf.for %scan3A_164 = %scan3A_2 to %scan3A_4 step %scan3A_5  : i32 {
      %swap3A = arith.index_cast %scan3A_164 : i32 to index
      %swap3A_165 = arith.constant 0 : index
      %swap3A_166 = tpu.vector_load %arg11[%swap3A, %swap3A_165] {strides = array<i32>} : memref<128x64xf32, #tpu.memory_space<vmem>>, vector<1x16xf32>,
      %swap3A_167 = vector.shape_cast %swap3A_166 : vector<1x16xf32> to vector<16xf32>
      %swap3A_168 = vector.shape_cast %broadcast_in_dim3A_1 : vector<16xf32> to vector<1x16xf32>
      tpu.vector_store %arg11[%swap3A, %swap3A_165], %swap3A_168 {strides = array<i32>} : memref<128x64xf32, #tpu.memory_space<vmem>>, vector<1x16xf32>,
      %swap3A_169 = arith.index_cast %scan3A_164 : i32 to index
      %swap3A_170 = arith.constant 16 : index
      %swap3A_171 = tpu.vector_load %arg11[%swap3A_169, %swap3A_170] {strides = array<i32>} : memref<128x64xf32, #tpu.memory_space<vmem>>, vector<1x16xf32>,
      %swap3A_172 = vector.shape_cast %swap3A_171 : vector<1x16xf32> to vector<16xf32>
      %swap3A_173 = vector.shape_cast %broadcast_in_dim3A_1 : vector<16xf32> to vector<1x16xf32>
      tpu.vector_store %arg11[%swap3A_169, %swap3A_170], %swap3A_173 {strides = array<i32>} : memref<128x64xf32, #tpu.memory_space<vmem>>, vector<1x16xf32>,
      %swap3A_174 = arith.index_cast %scan3A_164 : i32 to index
      %swap3A_175 = arith.constant 32 : index
      %swap3A_176 = tpu.vector_load %arg11[%swap3A_174, %swap3A_175] {strides = array<i32>} : memref<128x64xf32, #tpu.memory_space<vmem>>, vector<1x16xf32>,
      %swap3A_177 = vector.shape_cast %swap3A_176 : vector<1x16xf32> to vector<16xf32>
      %swap3A_178 = vector.shape_cast %broadcast_in_dim3A_1 : vector<16xf32> to vector<1x16xf32>
      tpu.vector_store %arg11[%swap3A_174, %swap3A_175], %swap3A_178 {strides = array<i32>} : memref<128x64xf32, #tpu.memory_space<vmem>>, vector<1x16xf32>,
      %swap3A_179 = arith.index_cast %scan3A_164 : i32 to index
      %swap3A_180 = arith.constant 48 : index
      %swap3A_181 = tpu.vector_load %arg11[%swap3A_179, %swap3A_180] {strides = array<i32>} : memref<128x64xf32, #tpu.memory_space<vmem>>, vector<1x16xf32>,
      %swap3A_182 = vector.shape_cast %swap3A_181 : vector<1x16xf32> to vector<16xf32>
      %swap3A_183 = vector.shape_cast %broadcast_in_dim3A_1 : vector<16xf32> to vector<1x16xf32>
      tpu.vector_store %arg11[%swap3A_179, %swap3A_180], %swap3A_183 {strides = array<i32>} : memref<128x64xf32, #tpu.memory_space<vmem>>, vector<1x16xf32>,
    }
    %scan3A_6 = arith.constant 128 : i32
    %add3A = arith.constant 0 : i32
    %add3A_7 = arith.addi %mul3A_0, %add3A : i32
    %eq3A = arith.constant 0 : i32
    %eq3A_8 = arith.cmpi eq, %arg0, %eq3A : i32
    %convert_element_type3A = arith.extui %eq3A_8 : i1 to i32
    %cond3A = arith.constant 0 : i32
    %cond3A_9 = arith.cmpi ne, %convert_element_type3A, %cond3A : i32
    scf.if %cond3A_9 {
      "tpu.region"() ({
        %run_scoped3A = tpu.sem_alloc : memref<!tpu.dma_semaphore, #tpu.memory_space<semaphore_mem>>
        %dma_start3A_164 = arith.constant 0 : i32
        %dma_start3A_165 = tpu.memref_slice %arg2[%add3A_7, %dma_start3A_164] : memref<10240x64xf32, #tpu.memory_space<hbm>> -> memref<128x64xf32, #tpu.memory_space<hbm>>
        %dma_start3A_166 = arith.constant 0 : i32
        %dma_start3A_167 = tpu.memref_slice %arg2[%add3A_7, %dma_start3A_166] : memref<10240x64xf32, #tpu.memory_space<hbm>> -> memref<128x64xf32, #tpu.memory_space<hbm>>
        tpu.enqueue_dma source(%dma_start3A_167 : memref<128x64xf32, #tpu.memory_space<hbm>>) target(%arg9 : memref<128x64xf32, #tpu.memory_space<vmem>>) target_semaphore(%run_scoped3A : memref<!tpu.dma_semaphore, #tpu.memory_space<semaphore_mem>>)
        %dma_wait3A_168 = arith.constant 0 : i32
        %dma_wait3A_169 = tpu.memref_slice %arg2[%add3A_7, %dma_wait3A_168] : memref<10240x64xf32, #tpu.memory_space<hbm>> -> memref<128x64xf32, #tpu.memory_space<hbm>>
        %dma_wait3A_170 = arith.constant 0 : i32
        %dma_wait3A_171 = tpu.memref_slice %arg2[%add3A_7, %dma_wait3A_170] : memref<10240x64xf32, #tpu.memory_space<hbm>> -> memref<128x64xf32, #tpu.memory_space<hbm>>
        tpu.wait_dma2 semaphore(%run_scoped3A : memref<!tpu.dma_semaphore, #tpu.memory_space<semaphore_mem>>) src(%dma_wait3A_171 : memref<128x64xf32, #tpu.memory_space<hbm>>) dst(%arg9 : memref<128x64xf32, #tpu.memory_space<vmem>>)
        tpu.yield
      }) : () -> ()
    } else {
    }
    %eq3A_10 = arith.constant 1 : i32
    %eq3A_11 = arith.cmpi eq, %arg0, %eq3A_10 : i32
    %convert_element_type3A_12 = arith.extui %eq3A_11 : i1 to i32
    %cond3A_13 = arith.constant 0 : i32
    %cond3A_14 = arith.cmpi ne, %convert_element_type3A_12, %cond3A_13 : i32
    scf.if %cond3A_14 {
      "tpu.region"() ({
        %run_scoped3A = tpu.sem_alloc : memref<!tpu.dma_semaphore, #tpu.memory_space<semaphore_mem>>
        %dma_start3A_164 = arith.constant 0 : i32
        %dma_start3A_165 = tpu.memref_slice %arg3[%add3A_7, %dma_start3A_164] : memref<10240x64xf32, #tpu.memory_space<hbm>> -> memref<128x64xf32, #tpu.memory_space<hbm>>
        %dma_start3A_166 = arith.constant 0 : i32
        %dma_start3A_167 = tpu.memref_slice %arg3[%add3A_7, %dma_start3A_166] : memref<10240x64xf32, #tpu.memory_space<hbm>> -> memref<128x64xf32, #tpu.memory_space<hbm>>
        tpu.enqueue_dma source(%dma_start3A_167 : memref<128x64xf32, #tpu.memory_space<hbm>>) target(%arg9 : memref<128x64xf32, #tpu.memory_space<vmem>>) target_semaphore(%run_scoped3A : memref<!tpu.dma_semaphore, #tpu.memory_space<semaphore_mem>>)
        %dma_wait3A_168 = arith.constant 0 : i32
        %dma_wait3A_169 = tpu.memref_slice %arg3[%add3A_7, %dma_wait3A_168] : memref<10240x64xf32, #tpu.memory_space<hbm>> -> memref<128x64xf32, #tpu.memory_space<hbm>>
        %dma_wait3A_170 = arith.constant 0 : i32
        %dma_wait3A_171 = tpu.memref_slice %arg3[%add3A_7, %dma_wait3A_170] : memref<10240x64xf32, #tpu.memory_space<hbm>> -> memref<128x64xf32, #tpu.memory_space<hbm>>
        tpu.wait_dma2 semaphore(%run_scoped3A : memref<!tpu.dma_semaphore, #tpu.memory_space<semaphore_mem>>) src(%dma_wait3A_171 : memref<128x64xf32, #tpu.memory_space<hbm>>) dst(%arg9 : memref<128x64xf32, #tpu.memory_space<vmem>>)
        tpu.yield
      }) : () -> ()
    } else {
    }
    "tpu.region"() ({
      %run_scoped3A = tpu.sem_alloc : memref<!tpu.dma_semaphore, #tpu.memory_space<semaphore_mem>>
      %dma_start3A_164 = arith.constant 0 : i32
      %dma_start3A_165 = tpu.memref_slice %arg12[%add3A_7, %dma_start3A_164] : memref<10240x64xf32, #tpu.memory_space<vmem_shared>> -> memref<128x64xf32, #tpu.memory_space<vmem_shared>>
      %dma_start3A_166 = arith.constant 0 : i32
      %dma_start3A_167 = tpu.memref_slice %arg12[%add3A_7, %dma_start3A_166] : memref<10240x64xf32, #tpu.memory_space<vmem_shared>> -> memref<128x64xf32, #tpu.memory_space<vmem_shared>>
      tpu.enqueue_dma source(%arg9 : memref<128x64xf32, #tpu.memory_space<vmem>>) target(%dma_start3A_167 : memref<128x64xf32, #tpu.memory_space<vmem_shared>>) target_semaphore(%run_scoped3A : memref<!tpu.dma_semaphore, #tpu.memory_space<semaphore_mem>>)
      %dma_wait3A_168 = arith.constant 0 : i32
      %dma_wait3A_169 = tpu.memref_slice %arg12[%add3A_7, %dma_wait3A_168] : memref<10240x64xf32, #tpu.memory_space<vmem_shared>> -> memref<128x64xf32, #tpu.memory_space<vmem_shared>>
      %dma_wait3A_170 = arith.constant 0 : i32
      %dma_wait3A_171 = tpu.memref_slice %arg12[%add3A_7, %dma_wait3A_170] : memref<10240x64xf32, #tpu.memory_space<vmem_shared>> -> memref<128x64xf32, #tpu.memory_space<vmem_shared>>
      tpu.wait_dma2 semaphore(%run_scoped3A : memref<!tpu.dma_semaphore, #tpu.memory_space<semaphore_mem>>) src(%arg9 : memref<128x64xf32, #tpu.memory_space<vmem>>) dst(%dma_wait3A_171 : memref<128x64xf32, #tpu.memory_space<vmem_shared>>)
      tpu.yield
    }) : () -> ()
    "tpu.region"() ({
      %run_scoped3A = tpu.sem_alloc : memref<!tpu.dma_semaphore, #tpu.memory_space<semaphore_mem>>
      %dma_start3A_164 = arith.constant 0 : i32
      %dma_start3A_165 = tpu.memref_slice %arg13[%add3A_7, %dma_start3A_164] : memref<10240x64xf32, #tpu.memory_space<vmem_shared>> -> memref<128x64xf32, #tpu.memory_space<vmem_shared>>
      %dma_start3A_166 = arith.constant 0 : i32
      %dma_start3A_167 = tpu.memref_slice %arg13[%add3A_7, %dma_start3A_166] : memref<10240x64xf32, #tpu.memory_space<vmem_shared>> -> memref<128x64xf32, #tpu.memory_space<vmem_shared>>
      tpu.enqueue_dma source(%arg11 : memref<128x64xf32, #tpu.memory_space<vmem>>) target(%dma_start3A_167 : memref<128x64xf32, #tpu.memory_space<vmem_shared>>) target_semaphore(%run_scoped3A : memref<!tpu.dma_semaphore, #tpu.memory_space<semaphore_mem>>)
      %dma_wait3A_168 = arith.constant 0 : i32
      %dma_wait3A_169 = tpu.memref_slice %arg13[%add3A_7, %dma_wait3A_168] : memref<10240x64xf32, #tpu.memory_space<vmem_shared>> -> memref<128x64xf32, #tpu.memory_space<vmem_shared>>
      %dma_wait3A_170 = arith.constant 0 : i32
      %dma_wait3A_171 = tpu.memref_slice %arg13[%add3A_7, %dma_wait3A_170] : memref<10240x64xf32, #tpu.memory_space<vmem_shared>> -> memref<128x64xf32, #tpu.memory_space<vmem_shared>>
      tpu.wait_dma2 semaphore(%run_scoped3A : memref<!tpu.dma_semaphore, #tpu.memory_space<semaphore_mem>>) src(%arg11 : memref<128x64xf32, #tpu.memory_space<vmem>>) dst(%dma_wait3A_171 : memref<128x64xf32, #tpu.memory_space<vmem_shared>>)
      tpu.yield
    }) : () -> ()
    %add3A_15 = arith.constant 128 : i32
    %add3A_16 = arith.addi %mul3A_0, %add3A_15 : i32
    %eq3A_17 = arith.constant 0 : i32
    %eq3A_18 = arith.cmpi eq, %arg0, %eq3A_17 : i32
    %convert_element_type3A_19 = arith.extui %eq3A_18 : i1 to i32
    %cond3A_20 = arith.constant 0 : i32
    %cond3A_21 = arith.cmpi ne, %convert_element_type3A_19, %cond3A_20 : i32
    scf.if %cond3A_21 {
      "tpu.region"() ({
        %run_scoped3A = tpu.sem_alloc : memref<!tpu.dma_semaphore, #tpu.memory_space<semaphore_mem>>
        %dma_start3A_164 = arith.constant 0 : i32
        %dma_start3A_165 = tpu.memref_slice %arg2[%add3A_16, %dma_start3A_164] : memref<10240x64xf32, #tpu.memory_space<hbm>> -> memref<128x64xf32, #tpu.memory_space<hbm>>
        %dma_start3A_166 = arith.constant 0 : i32
        %dma_start3A_167 = tpu.memref_slice %arg2[%add3A_16, %dma_start3A_166] : memref<10240x64xf32, #tpu.memory_space<hbm>> -> memref<128x64xf32, #tpu.memory_space<hbm>>
        tpu.enqueue_dma source(%dma_start3A_167 : memref<128x64xf32, #tpu.memory_space<hbm>>) target(%arg9 : memref<128x64xf32, #tpu.memory_space<vmem>>) target_semaphore(%run_scoped3A : memref<!tpu.dma_semaphore, #tpu.memory_space<semaphore_mem>>)
        %dma_wait3A_168 = arith.constant 0 : i32
        %dma_wait3A_169 = tpu.memref_slice %arg2[%add3A_16, %dma_wait3A_168] : memref<10240x64xf32, #tpu.memory_space<hbm>> -> memref<128x64xf32, #tpu.memory_space<hbm>>
        %dma_wait3A_170 = arith.constant 0 : i32
        %dma_wait3A_171 = tpu.memref_slice %arg2[%add3A_16, %dma_wait3A_170] : memref<10240x64xf32, #tpu.memory_space<hbm>> -> memref<128x64xf32, #tpu.memory_space<hbm>>
        tpu.wait_dma2 semaphore(%run_scoped3A : memref<!tpu.dma_semaphore, #tpu.memory_space<semaphore_mem>>) src(%dma_wait3A_171 : memref<128x64xf32, #tpu.memory_space<hbm>>) dst(%arg9 : memref<128x64xf32, #tpu.memory_space<vmem>>)
        tpu.yield
      }) : () -> ()
    } else {
    }
    %eq3A_22 = arith.constant 1 : i32
    %eq3A_23 = arith.cmpi eq, %arg0, %eq3A_22 : i32
    %convert_element_type3A_24 = arith.extui %eq3A_23 : i1 to i32
    %cond3A_25 = arith.constant 0 : i32
    %cond3A_26 = arith.cmpi ne, %convert_element_type3A_24, %cond3A_25 : i32
    scf.if %cond3A_26 {
      "tpu.region"() ({
        %run_scoped3A = tpu.sem_alloc : memref<!tpu.dma_semaphore, #tpu.memory_space<semaphore_mem>>
        %dma_start3A_164 = arith.constant 0 : i32
        %dma_start3A_165 = tpu.memref_slice %arg3[%add3A_16, %dma_start3A_164] : memref<10240x64xf32, #tpu.memory_space<hbm>> -> memref<128x64xf32, #tpu.memory_space<hbm>>
        %dma_start3A_166 = arith.constant 0 : i32
        %dma_start3A_167 = tpu.memref_slice %arg3[%add3A_16, %dma_start3A_166] : memref<10240x64xf32, #tpu.memory_space<hbm>> -> memref<128x64xf32, #tpu.memory_space<hbm>>
        tpu.enqueue_dma source(%dma_start3A_167 : memref<128x64xf32, #tpu.memory_space<hbm>>) target(%arg9 : memref<128x64xf32, #tpu.memory_space<vmem>>) target_semaphore(%run_scoped3A : memref<!tpu.dma_semaphore, #tpu.memory_space<semaphore_mem>>)
        %dma_wait3A_168 = arith.constant 0 : i32
        %dma_wait3A_169 = tpu.memref_slice %arg3[%add3A_16, %dma_wait3A_168] : memref<10240x64xf32, #tpu.memory_space<hbm>> -> memref<128x64xf32, #tpu.memory_space<hbm>>
        %dma_wait3A_170 = arith.constant 0 : i32
        %dma_wait3A_171 = tpu.memref_slice %arg3[%add3A_16, %dma_wait3A_170] : memref<10240x64xf32, #tpu.memory_space<hbm>> -> memref<128x64xf32, #tpu.memory_space<hbm>>
        tpu.wait_dma2 semaphore(%run_scoped3A : memref<!tpu.dma_semaphore, #tpu.memory_space<semaphore_mem>>) src(%dma_wait3A_171 : memref<128x64xf32, #tpu.memory_space<hbm>>) dst(%arg9 : memref<128x64xf32, #tpu.memory_space<vmem>>)
        tpu.yield
      }) : () -> ()
    } else {
    }
    "tpu.region"() ({
      %run_scoped3A = tpu.sem_alloc : memref<!tpu.dma_semaphore, #tpu.memory_space<semaphore_mem>>
      %dma_start3A_164 = arith.constant 0 : i32
      %dma_start3A_165 = tpu.memref_slice %arg12[%add3A_16, %dma_start3A_164] : memref<10240x64xf32, #tpu.memory_space<vmem_shared>> -> memref<128x64xf32, #tpu.memory_space<vmem_shared>>
      %dma_start3A_166 = arith.constant 0 : i32
      %dma_start3A_167 = tpu.memref_slice %arg12[%add3A_16, %dma_start3A_166] : memref<10240x64xf32, #tpu.memory_space<vmem_shared>> -> memref<128x64xf32, #tpu.memory_space<vmem_shared>>
      tpu.enqueue_dma source(%arg9 : memref<128x64xf32, #tpu.memory_space<vmem>>) target(%dma_start3A_167 : memref<128x64xf32, #tpu.memory_space<vmem_shared>>) target_semaphore(%run_scoped3A : memref<!tpu.dma_semaphore, #tpu.memory_space<semaphore_mem>>)
      %dma_wait3A_168 = arith.constant 0 : i32
      %dma_wait3A_169 = tpu.memref_slice %arg12[%add3A_16, %dma_wait3A_168] : memref<10240x64xf32, #tpu.memory_space<vmem_shared>> -> memref<128x64xf32, #tpu.memory_space<vmem_shared>>
      %dma_wait3A_170 = arith.constant 0 : i32
      %dma_wait3A_171 = tpu.memref_slice %arg12[%add3A_16, %dma_wait3A_170] : memref<10240x64xf32, #tpu.memory_space<vmem_shared>> -> memref<128x64xf32, #tpu.memory_space<vmem_shared>>
      tpu.wait_dma2 semaphore(%run_scoped3A : memref<!tpu.dma_semaphore, #tpu.memory_space<semaphore_mem>>) src(%arg9 : memref<128x64xf32, #tpu.memory_space<vmem>>) dst(%dma_wait3A_171 : memref<128x64xf32, #tpu.memory_space<vmem_shared>>)
      tpu.yield
    }) : () -> ()
    "tpu.region"() ({
      %run_scoped3A = tpu.sem_alloc : memref<!tpu.dma_semaphore, #tpu.memory_space<semaphore_mem>>
      %dma_start3A_164 = arith.constant 0 : i32
      %dma_start3A_165 = tpu.memref_slice %arg13[%add3A_16, %dma_start3A_164] : memref<10240x64xf32, #tpu.memory_space<vmem_shared>> -> memref<128x64xf32, #tpu.memory_space<vmem_shared>>
      %dma_start3A_166 = arith.constant 0 : i32
      %dma_start3A_167 = tpu.memref_slice %arg13[%add3A_16, %dma_start3A_166] : memref<10240x64xf32, #tpu.memory_space<vmem_shared>> -> memref<128x64xf32, #tpu.memory_space<vmem_shared>>
      tpu.enqueue_dma source(%arg11 : memref<128x64xf32, #tpu.memory_space<vmem>>) target(%dma_start3A_167 : memref<128x64xf32, #tpu.memory_space<vmem_shared>>) target_semaphore(%run_scoped3A : memref<!tpu.dma_semaphore, #tpu.memory_space<semaphore_mem>>)
      %dma_wait3A_168 = arith.constant 0 : i32
      %dma_wait3A_169 = tpu.memref_slice %arg13[%add3A_16, %dma_wait3A_168] : memref<10240x64xf32, #tpu.memory_space<vmem_shared>> -> memref<128x64xf32, #tpu.memory_space<vmem_shared>>
      %dma_wait3A_170 = arith.constant 0 : i32
      %dma_wait3A_171 = tpu.memref_slice %arg13[%add3A_16, %dma_wait3A_170] : memref<10240x64xf32, #tpu.memory_space<vmem_shared>> -> memref<128x64xf32, #tpu.memory_space<vmem_shared>>
      tpu.wait_dma2 semaphore(%run_scoped3A : memref<!tpu.dma_semaphore, #tpu.memory_space<semaphore_mem>>) src(%arg11 : memref<128x64xf32, #tpu.memory_space<vmem>>) dst(%dma_wait3A_171 : memref<128x64xf32, #tpu.memory_space<vmem_shared>>)
      tpu.yield
    }) : () -> ()
    %add3A_27 = arith.constant 256 : i32
    %add3A_28 = arith.addi %mul3A_0, %add3A_27 : i32
    %eq3A_29 = arith.constant 0 : i32
    %eq3A_30 = arith.cmpi eq, %arg0, %eq3A_29 : i32
    %convert_element_type3A_31 = arith.extui %eq3A_30 : i1 to i32
    %cond3A_32 = arith.constant 0 : i32
    %cond3A_33 = arith.cmpi ne, %convert_element_type3A_31, %cond3A_32 : i32
    scf.if %cond3A_33 {
      "tpu.region"() ({
        %run_scoped3A = tpu.sem_alloc : memref<!tpu.dma_semaphore, #tpu.memory_space<semaphore_mem>>
        %dma_start3A_164 = arith.constant 0 : i32
        %dma_start3A_165 = tpu.memref_slice %arg2[%add3A_28, %dma_start3A_164] : memref<10240x64xf32, #tpu.memory_space<hbm>> -> memref<128x64xf32, #tpu.memory_space<hbm>>
        %dma_start3A_166 = arith.constant 0 : i32
        %dma_start3A_167 = tpu.memref_slice %arg2[%add3A_28, %dma_start3A_166] : memref<10240x64xf32, #tpu.memory_space<hbm>> -> memref<128x64xf32, #tpu.memory_space<hbm>>
        tpu.enqueue_dma source(%dma_start3A_167 : memref<128x64xf32, #tpu.memory_space<hbm>>) target(%arg9 : memref<128x64xf32, #tpu.memory_space<vmem>>) target_semaphore(%run_scoped3A : memref<!tpu.dma_semaphore, #tpu.memory_space<semaphore_mem>>)
        %dma_wait3A_168 = arith.constant 0 : i32
        %dma_wait3A_169 = tpu.memref_slice %arg2[%add3A_28, %dma_wait3A_168] : memref<10240x64xf32, #tpu.memory_space<hbm>> -> memref<128x64xf32, #tpu.memory_space<hbm>>
        %dma_wait3A_170 = arith.constant 0 : i32
        %dma_wait3A_171 = tpu.memref_slice %arg2[%add3A_28, %dma_wait3A_170] : memref<10240x64xf32, #tpu.memory_space<hbm>> -> memref<128x64xf32, #tpu.memory_space<hbm>>
        tpu.wait_dma2 semaphore(%run_scoped3A : memref<!tpu.dma_semaphore, #tpu.memory_space<semaphore_mem>>) src(%dma_wait3A_171 : memref<128x64xf32, #tpu.memory_space<hbm>>) dst(%arg9 : memref<128x64xf32, #tpu.memory_space<vmem>>)
        tpu.yield
      }) : () -> ()
    } else {
    }
    %eq3A_34 = arith.constant 1 : i32
    %eq3A_35 = arith.cmpi eq, %arg0, %eq3A_34 : i32
    %convert_element_type3A_36 = arith.extui %eq3A_35 : i1 to i32
    %cond3A_37 = arith.constant 0 : i32
    %cond3A_38 = arith.cmpi ne, %convert_element_type3A_36, %cond3A_37 : i32
    scf.if %cond3A_38 {
      "tpu.region"() ({
        %run_scoped3A = tpu.sem_alloc : memref<!tpu.dma_semaphore, #tpu.memory_space<semaphore_mem>>
        %dma_start3A_164 = arith.constant 0 : i32
        %dma_start3A_165 = tpu.memref_slice %arg3[%add3A_28, %dma_start3A_164] : memref<10240x64xf32, #tpu.memory_space<hbm>> -> memref<128x64xf32, #tpu.memory_space<hbm>>
        %dma_start3A_166 = arith.constant 0 : i32
        %dma_start3A_167 = tpu.memref_slice %arg3[%add3A_28, %dma_start3A_166] : memref<10240x64xf32, #tpu.memory_space<hbm>> -> memref<128x64xf32, #tpu.memory_space<hbm>>
        tpu.enqueue_dma source(%dma_start3A_167 : memref<128x64xf32, #tpu.memory_space<hbm>>) target(%arg9 : memref<128x64xf32, #tpu.memory_space<vmem>>) target_semaphore(%run_scoped3A : memref<!tpu.dma_semaphore, #tpu.memory_space<semaphore_mem>>)
        %dma_wait3A_168 = arith.constant 0 : i32
        %dma_wait3A_169 = tpu.memref_slice %arg3[%add3A_28, %dma_wait3A_168] : memref<10240x64xf32, #tpu.memory_space<hbm>> -> memref<128x64xf32, #tpu.memory_space<hbm>>
        %dma_wait3A_170 = arith.constant 0 : i32
        %dma_wait3A_171 = tpu.memref_slice %arg3[%add3A_28, %dma_wait3A_170] : memref<10240x64xf32, #tpu.memory_space<hbm>> -> memref<128x64xf32, #tpu.memory_space<hbm>>
        tpu.wait_dma2 semaphore(%run_scoped3A : memref<!tpu.dma_semaphore, #tpu.memory_space<semaphore_mem>>) src(%dma_wait3A_171 : memref<128x64xf32, #tpu.memory_space<hbm>>) dst(%arg9 : memref<128x64xf32, #tpu.memory_space<vmem>>)
        tpu.yield
      }) : () -> ()
    } else {
    }
    "tpu.region"() ({
      %run_scoped3A = tpu.sem_alloc : memref<!tpu.dma_semaphore, #tpu.memory_space<semaphore_mem>>
      %dma_start3A_164 = arith.constant 0 : i32
      %dma_start3A_165 = tpu.memref_slice %arg12[%add3A_28, %dma_start3A_164] : memref<10240x64xf32, #tpu.memory_space<vmem_shared>> -> memref<128x64xf32, #tpu.memory_space<vmem_shared>>
      %dma_start3A_166 = arith.constant 0 : i32
      %dma_start3A_167 = tpu.memref_slice %arg12[%add3A_28, %dma_start3A_166] : memref<10240x64xf32, #tpu.memory_space<vmem_shared>> -> memref<128x64xf32, #tpu.memory_space<vmem_shared>>
      tpu.enqueue_dma source(%arg9 : memref<128x64xf32, #tpu.memory_space<vmem>>) target(%dma_start3A_167 : memref<128x64xf32, #tpu.memory_space<vmem_shared>>) target_semaphore(%run_scoped3A : memref<!tpu.dma_semaphore, #tpu.memory_space<semaphore_mem>>)
      %dma_wait3A_168 = arith.constant 0 : i32
      %dma_wait3A_169 = tpu.memref_slice %arg12[%add3A_28, %dma_wait3A_168] : memref<10240x64xf32, #tpu.memory_space<vmem_shared>> -> memref<128x64xf32, #tpu.memory_space<vmem_shared>>
      %dma_wait3A_170 = arith.constant 0 : i32
      %dma_wait3A_171 = tpu.memref_slice %arg12[%add3A_28, %dma_wait3A_170] : memref<10240x64xf32, #tpu.memory_space<vmem_shared>> -> memref<128x64xf32, #tpu.memory_space<vmem_shared>>
      tpu.wait_dma2 semaphore(%run_scoped3A : memref<!tpu.dma_semaphore, #tpu.memory_space<semaphore_mem>>) src(%arg9 : memref<128x64xf32, #tpu.memory_space<vmem>>) dst(%dma_wait3A_171 : memref<128x64xf32, #tpu.memory_space<vmem_shared>>)
      tpu.yield
    }) : () -> ()
    "tpu.region"() ({
      %run_scoped3A = tpu.sem_alloc : memref<!tpu.dma_semaphore, #tpu.memory_space<semaphore_mem>>
      %dma_start3A_164 = arith.constant 0 : i32
      %dma_start3A_165 = tpu.memref_slice %arg13[%add3A_28, %dma_start3A_164] : memref<10240x64xf32, #tpu.memory_space<vmem_shared>> -> memref<128x64xf32, #tpu.memory_space<vmem_shared>>
      %dma_start3A_166 = arith.constant 0 : i32
      %dma_start3A_167 = tpu.memref_slice %arg13[%add3A_28, %dma_start3A_166] : memref<10240x64xf32, #tpu.memory_space<vmem_shared>> -> memref<128x64xf32, #tpu.memory_space<vmem_shared>>
      tpu.enqueue_dma source(%arg11 : memref<128x64xf32, #tpu.memory_space<vmem>>) target(%dma_start3A_167 : memref<128x64xf32, #tpu.memory_space<vmem_shared>>) target_semaphore(%run_scoped3A : memref<!tpu.dma_semaphore, #tpu.memory_space<semaphore_mem>>)
      %dma_wait3A_168 = arith.constant 0 : i32
      %dma_wait3A_169 = tpu.memref_slice %arg13[%add3A_28, %dma_wait3A_168] : memref<10240x64xf32, #tpu.memory_space<vmem_shared>> -> memref<128x64xf32, #tpu.memory_space<vmem_shared>>
      %dma_wait3A_170 = arith.constant 0 : i32
      %dma_wait3A_171 = tpu.memref_slice %arg13[%add3A_28, %dma_wait3A_170] : memref<10240x64xf32, #tpu.memory_space<vmem_shared>> -> memref<128x64xf32, #tpu.memory_space<vmem_shared>>
      tpu.wait_dma2 semaphore(%run_scoped3A : memref<!tpu.dma_semaphore, #tpu.memory_space<semaphore_mem>>) src(%arg11 : memref<128x64xf32, #tpu.memory_space<vmem>>) dst(%dma_wait3A_171 : memref<128x64xf32, #tpu.memory_space<vmem_shared>>)
      tpu.yield
    }) : () -> ()
    %add3A_39 = arith.constant 384 : i32
    %add3A_40 = arith.addi %mul3A_0, %add3A_39 : i32
    %eq3A_41 = arith.constant 0 : i32
    %eq3A_42 = arith.cmpi eq, %arg0, %eq3A_41 : i32
    %convert_element_type3A_43 = arith.extui %eq3A_42 : i1 to i32
    %cond3A_44 = arith.constant 0 : i32
    %cond3A_45 = arith.cmpi ne, %convert_element_type3A_43, %cond3A_44 : i32
    scf.if %cond3A_45 {
      "tpu.region"() ({
        %run_scoped3A = tpu.sem_alloc : memref<!tpu.dma_semaphore, #tpu.memory_space<semaphore_mem>>
        %dma_start3A_164 = arith.constant 0 : i32
        %dma_start3A_165 = tpu.memref_slice %arg2[%add3A_40, %dma_start3A_164] : memref<10240x64xf32, #tpu.memory_space<hbm>> -> memref<128x64xf32, #tpu.memory_space<hbm>>
        %dma_start3A_166 = arith.constant 0 : i32
        %dma_start3A_167 = tpu.memref_slice %arg2[%add3A_40, %dma_start3A_166] : memref<10240x64xf32, #tpu.memory_space<hbm>> -> memref<128x64xf32, #tpu.memory_space<hbm>>
        tpu.enqueue_dma source(%dma_start3A_167 : memref<128x64xf32, #tpu.memory_space<hbm>>) target(%arg9 : memref<128x64xf32, #tpu.memory_space<vmem>>) target_semaphore(%run_scoped3A : memref<!tpu.dma_semaphore, #tpu.memory_space<semaphore_mem>>)
        %dma_wait3A_168 = arith.constant 0 : i32
        %dma_wait3A_169 = tpu.memref_slice %arg2[%add3A_40, %dma_wait3A_168] : memref<10240x64xf32, #tpu.memory_space<hbm>> -> memref<128x64xf32, #tpu.memory_space<hbm>>
        %dma_wait3A_170 = arith.constant 0 : i32
        %dma_wait3A_171 = tpu.memref_slice %arg2[%add3A_40, %dma_wait3A_170] : memref<10240x64xf32, #tpu.memory_space<hbm>> -> memref<128x64xf32, #tpu.memory_space<hbm>>
        tpu.wait_dma2 semaphore(%run_scoped3A : memref<!tpu.dma_semaphore, #tpu.memory_space<semaphore_mem>>) src(%dma_wait3A_171 : memref<128x64xf32, #tpu.memory_space<hbm>>) dst(%arg9 : memref<128x64xf32, #tpu.memory_space<vmem>>)
        tpu.yield
      }) : () -> ()
    } else {
    }
    %eq3A_46 = arith.constant 1 : i32
    %eq3A_47 = arith.cmpi eq, %arg0, %eq3A_46 : i32
    %convert_element_type3A_48 = arith.extui %eq3A_47 : i1 to i32
    %cond3A_49 = arith.constant 0 : i32
    %cond3A_50 = arith.cmpi ne, %convert_element_type3A_48, %cond3A_49 : i32
    scf.if %cond3A_50 {
      "tpu.region"() ({
        %run_scoped3A = tpu.sem_alloc : memref<!tpu.dma_semaphore, #tpu.memory_space<semaphore_mem>>
        %dma_start3A_164 = arith.constant 0 : i32
        %dma_start3A_165 = tpu.memref_slice %arg3[%add3A_40, %dma_start3A_164] : memref<10240x64xf32, #tpu.memory_space<hbm>> -> memref<128x64xf32, #tpu.memory_space<hbm>>
        %dma_start3A_166 = arith.constant 0 : i32
        %dma_start3A_167 = tpu.memref_slice %arg3[%add3A_40, %dma_start3A_166] : memref<10240x64xf32, #tpu.memory_space<hbm>> -> memref<128x64xf32, #tpu.memory_space<hbm>>
        tpu.enqueue_dma source(%dma_start3A_167 : memref<128x64xf32, #tpu.memory_space<hbm>>) target(%arg9 : memref<128x64xf32, #tpu.memory_space<vmem>>) target_semaphore(%run_scoped3A : memref<!tpu.dma_semaphore, #tpu.memory_space<semaphore_mem>>)
        %dma_wait3A_168 = arith.constant 0 : i32
        %dma_wait3A_169 = tpu.memref_slice %arg3[%add3A_40, %dma_wait3A_168] : memref<10240x64xf32, #tpu.memory_space<hbm>> -> memref<128x64xf32, #tpu.memory_space<hbm>>
        %dma_wait3A_170 = arith.constant 0 : i32
        %dma_wait3A_171 = tpu.memref_slice %arg3[%add3A_40, %dma_wait3A_170] : memref<10240x64xf32, #tpu.memory_space<hbm>> -> memref<128x64xf32, #tpu.memory_space<hbm>>
        tpu.wait_dma2 semaphore(%run_scoped3A : memref<!tpu.dma_semaphore, #tpu.memory_space<semaphore_mem>>) src(%dma_wait3A_171 : memref<128x64xf32, #tpu.memory_space<hbm>>) dst(%arg9 : memref<128x64xf32, #tpu.memory_space<vmem>>)
        tpu.yield
      }) : () -> ()
    } else {
    }
    "tpu.region"() ({
      %run_scoped3A = tpu.sem_alloc : memref<!tpu.dma_semaphore, #tpu.memory_space<semaphore_mem>>
      %dma_start3A_164 = arith.constant 0 : i32
      %dma_start3A_165 = tpu.memref_slice %arg12[%add3A_40, %dma_start3A_164] : memref<10240x64xf32, #tpu.memory_space<vmem_shared>> -> memref<128x64xf32, #tpu.memory_space<vmem_shared>>
      %dma_start3A_166 = arith.constant 0 : i32
      %dma_start3A_167 = tpu.memref_slice %arg12[%add3A_40, %dma_start3A_166] : memref<10240x64xf32, #tpu.memory_space<vmem_shared>> -> memref<128x64xf32, #tpu.memory_space<vmem_shared>>
      tpu.enqueue_dma source(%arg9 : memref<128x64xf32, #tpu.memory_space<vmem>>) target(%dma_start3A_167 : memref<128x64xf32, #tpu.memory_space<vmem_shared>>) target_semaphore(%run_scoped3A : memref<!tpu.dma_semaphore, #tpu.memory_space<semaphore_mem>>)
      %dma_wait3A_168 = arith.constant 0 : i32
      %dma_wait3A_169 = tpu.memref_slice %arg12[%add3A_40, %dma_wait3A_168] : memref<10240x64xf32, #tpu.memory_space<vmem_shared>> -> memref<128x64xf32, #tpu.memory_space<vmem_shared>>
      %dma_wait3A_170 = arith.constant 0 : i32
      %dma_wait3A_171 = tpu.memref_slice %arg12[%add3A_40, %dma_wait3A_170] : memref<10240x64xf32, #tpu.memory_space<vmem_shared>> -> memref<128x64xf32, #tpu.memory_space<vmem_shared>>
      tpu.wait_dma2 semaphore(%run_scoped3A : memref<!tpu.dma_semaphore, #tpu.memory_space<semaphore_mem>>) src(%arg9 : memref<128x64xf32, #tpu.memory_space<vmem>>) dst(%dma_wait3A_171 : memref<128x64xf32, #tpu.memory_space<vmem_shared>>)
      tpu.yield
    }) : () -> ()
    "tpu.region"() ({
      %run_scoped3A = tpu.sem_alloc : memref<!tpu.dma_semaphore, #tpu.memory_space<semaphore_mem>>
      %dma_start3A_164 = arith.constant 0 : i32
      %dma_start3A_165 = tpu.memref_slice %arg13[%add3A_40, %dma_start3A_164] : memref<10240x64xf32, #tpu.memory_space<vmem_shared>> -> memref<128x64xf32, #tpu.memory_space<vmem_shared>>
      %dma_start3A_166 = arith.constant 0 : i32
      %dma_start3A_167 = tpu.memref_slice %arg13[%add3A_40, %dma_start3A_166] : memref<10240x64xf32, #tpu.memory_space<vmem_shared>> -> memref<128x64xf32, #tpu.memory_space<vmem_shared>>
      tpu.enqueue_dma source(%arg11 : memref<128x64xf32, #tpu.memory_space<vmem>>) target(%dma_start3A_167 : memref<128x64xf32, #tpu.memory_space<vmem_shared>>) target_semaphore(%run_scoped3A : memref<!tpu.dma_semaphore, #tpu.memory_space<semaphore_mem>>)
      %dma_wait3A_168 = arith.constant 0 : i32
      %dma_wait3A_169 = tpu.memref_slice %arg13[%add3A_40, %dma_wait3A_168] : memref<10240x64xf32, #tpu.memory_space<vmem_shared>> -> memref<128x64xf32, #tpu.memory_space<vmem_shared>>
      %dma_wait3A_170 = arith.constant 0 : i32
      %dma_wait3A_171 = tpu.memref_slice %arg13[%add3A_40, %dma_wait3A_170] : memref<10240x64xf32, #tpu.memory_space<vmem_shared>> -> memref<128x64xf32, #tpu.memory_space<vmem_shared>>
      tpu.wait_dma2 semaphore(%run_scoped3A : memref<!tpu.dma_semaphore, #tpu.memory_space<semaphore_mem>>) src(%arg11 : memref<128x64xf32, #tpu.memory_space<vmem>>) dst(%dma_wait3A_171 : memref<128x64xf32, #tpu.memory_space<vmem_shared>>)
      tpu.yield
    }) : () -> ()
    %add3A_51 = arith.constant 512 : i32
    %add3A_52 = arith.addi %mul3A_0, %add3A_51 : i32
    %eq3A_53 = arith.constant 0 : i32
    %eq3A_54 = arith.cmpi eq, %arg0, %eq3A_53 : i32
    %convert_element_type3A_55 = arith.extui %eq3A_54 : i1 to i32
    %cond3A_56 = arith.constant 0 : i32
    %cond3A_57 = arith.cmpi ne, %convert_element_type3A_55, %cond3A_56 : i32
    scf.if %cond3A_57 {
      "tpu.region"() ({
        %run_scoped3A = tpu.sem_alloc : memref<!tpu.dma_semaphore, #tpu.memory_space<semaphore_mem>>
        %dma_start3A_164 = arith.constant 0 : i32
        %dma_start3A_165 = tpu.memref_slice %arg2[%add3A_52, %dma_start3A_164] : memref<10240x64xf32, #tpu.memory_space<hbm>> -> memref<128x64xf32, #tpu.memory_space<hbm>>
        %dma_start3A_166 = arith.constant 0 : i32
        %dma_start3A_167 = tpu.memref_slice %arg2[%add3A_52, %dma_start3A_166] : memref<10240x64xf32, #tpu.memory_space<hbm>> -> memref<128x64xf32, #tpu.memory_space<hbm>>
        tpu.enqueue_dma source(%dma_start3A_167 : memref<128x64xf32, #tpu.memory_space<hbm>>) target(%arg9 : memref<128x64xf32, #tpu.memory_space<vmem>>) target_semaphore(%run_scoped3A : memref<!tpu.dma_semaphore, #tpu.memory_space<semaphore_mem>>)
        %dma_wait3A_168 = arith.constant 0 : i32
        %dma_wait3A_169 = tpu.memref_slice %arg2[%add3A_52, %dma_wait3A_168] : memref<10240x64xf32, #tpu.memory_space<hbm>> -> memref<128x64xf32, #tpu.memory_space<hbm>>
        %dma_wait3A_170 = arith.constant 0 : i32
        %dma_wait3A_171 = tpu.memref_slice %arg2[%add3A_52, %dma_wait3A_170] : memref<10240x64xf32, #tpu.memory_space<hbm>> -> memref<128x64xf32, #tpu.memory_space<hbm>>
        tpu.wait_dma2 semaphore(%run_scoped3A : memref<!tpu.dma_semaphore, #tpu.memory_space<semaphore_mem>>) src(%dma_wait3A_171 : memref<128x64xf32, #tpu.memory_space<hbm>>) dst(%arg9 : memref<128x64xf32, #tpu.memory_space<vmem>>)
        tpu.yield
      }) : () -> ()
    } else {
    }
    %eq3A_58 = arith.constant 1 : i32
    %eq3A_59 = arith.cmpi eq, %arg0, %eq3A_58 : i32
    %convert_element_type3A_60 = arith.extui %eq3A_59 : i1 to i32
    %cond3A_61 = arith.constant 0 : i32
    %cond3A_62 = arith.cmpi ne, %convert_element_type3A_60, %cond3A_61 : i32
    scf.if %cond3A_62 {
      "tpu.region"() ({
        %run_scoped3A = tpu.sem_alloc : memref<!tpu.dma_semaphore, #tpu.memory_space<semaphore_mem>>
        %dma_start3A_164 = arith.constant 0 : i32
        %dma_start3A_165 = tpu.memref_slice %arg3[%add3A_52, %dma_start3A_164] : memref<10240x64xf32, #tpu.memory_space<hbm>> -> memref<128x64xf32, #tpu.memory_space<hbm>>
        %dma_start3A_166 = arith.constant 0 : i32
        %dma_start3A_167 = tpu.memref_slice %arg3[%add3A_52, %dma_start3A_166] : memref<10240x64xf32, #tpu.memory_space<hbm>> -> memref<128x64xf32, #tpu.memory_space<hbm>>
        tpu.enqueue_dma source(%dma_start3A_167 : memref<128x64xf32, #tpu.memory_space<hbm>>) target(%arg9 : memref<128x64xf32, #tpu.memory_space<vmem>>) target_semaphore(%run_scoped3A : memref<!tpu.dma_semaphore, #tpu.memory_space<semaphore_mem>>)
        %dma_wait3A_168 = arith.constant 0 : i32
        %dma_wait3A_169 = tpu.memref_slice %arg3[%add3A_52, %dma_wait3A_168] : memref<10240x64xf32, #tpu.memory_space<hbm>> -> memref<128x64xf32, #tpu.memory_space<hbm>>
        %dma_wait3A_170 = arith.constant 0 : i32
        %dma_wait3A_171 = tpu.memref_slice %arg3[%add3A_52, %dma_wait3A_170] : memref<10240x64xf32, #tpu.memory_space<hbm>> -> memref<128x64xf32, #tpu.memory_space<hbm>>
        tpu.wait_dma2 semaphore(%run_scoped3A : memref<!tpu.dma_semaphore, #tpu.memory_space<semaphore_mem>>) src(%dma_wait3A_171 : memref<128x64xf32, #tpu.memory_space<hbm>>) dst(%arg9 : memref<128x64xf32, #tpu.memory_space<vmem>>)
        tpu.yield
      }) : () -> ()
    } else {
    }
    "tpu.region"() ({
      %run_scoped3A = tpu.sem_alloc : memref<!tpu.dma_semaphore, #tpu.memory_space<semaphore_mem>>
      %dma_start3A_164 = arith.constant 0 : i32
      %dma_start3A_165 = tpu.memref_slice %arg12[%add3A_52, %dma_start3A_164] : memref<10240x64xf32, #tpu.memory_space<vmem_shared>> -> memref<128x64xf32, #tpu.memory_space<vmem_shared>>
      %dma_start3A_166 = arith.constant 0 : i32
      %dma_start3A_167 = tpu.memref_slice %arg12[%add3A_52, %dma_start3A_166] : memref<10240x64xf32, #tpu.memory_space<vmem_shared>> -> memref<128x64xf32, #tpu.memory_space<vmem_shared>>
      tpu.enqueue_dma source(%arg9 : memref<128x64xf32, #tpu.memory_space<vmem>>) target(%dma_start3A_167 : memref<128x64xf32, #tpu.memory_space<vmem_shared>>) target_semaphore(%run_scoped3A : memref<!tpu.dma_semaphore, #tpu.memory_space<semaphore_mem>>)
      %dma_wait3A_168 = arith.constant 0 : i32
      %dma_wait3A_169 = tpu.memref_slice %arg12[%add3A_52, %dma_wait3A_168] : memref<10240x64xf32, #tpu.memory_space<vmem_shared>> -> memref<128x64xf32, #tpu.memory_space<vmem_shared>>
      %dma_wait3A_170 = arith.constant 0 : i32
      %dma_wait3A_171 = tpu.memref_slice %arg12[%add3A_52, %dma_wait3A_170] : memref<10240x64xf32, #tpu.memory_space<vmem_shared>> -> memref<128x64xf32, #tpu.memory_space<vmem_shared>>
      tpu.wait_dma2 semaphore(%run_scoped3A : memref<!tpu.dma_semaphore, #tpu.memory_space<semaphore_mem>>) src(%arg9 : memref<128x64xf32, #tpu.memory_space<vmem>>) dst(%dma_wait3A_171 : memref<128x64xf32, #tpu.memory_space<vmem_shared>>)
      tpu.yield
    }) : () -> ()
    "tpu.region"() ({
      %run_scoped3A = tpu.sem_alloc : memref<!tpu.dma_semaphore, #tpu.memory_space<semaphore_mem>>
      %dma_start3A_164 = arith.constant 0 : i32
      %dma_start3A_165 = tpu.memref_slice %arg13[%add3A_52, %dma_start3A_164] : memref<10240x64xf32, #tpu.memory_space<vmem_shared>> -> memref<128x64xf32, #tpu.memory_space<vmem_shared>>
      %dma_start3A_166 = arith.constant 0 : i32
      %dma_start3A_167 = tpu.memref_slice %arg13[%add3A_52, %dma_start3A_166] : memref<10240x64xf32, #tpu.memory_space<vmem_shared>> -> memref<128x64xf32, #tpu.memory_space<vmem_shared>>
      tpu.enqueue_dma source(%arg11 : memref<128x64xf32, #tpu.memory_space<vmem>>) target(%dma_start3A_167 : memref<128x64xf32, #tpu.memory_space<vmem_shared>>) target_semaphore(%run_scoped3A : memref<!tpu.dma_semaphore, #tpu.memory_space<semaphore_mem>>)
      %dma_wait3A_168 = arith.constant 0 : i32
      %dma_wait3A_169 = tpu.memref_slice %arg13[%add3A_52, %dma_wait3A_168] : memref<10240x64xf32, #tpu.memory_space<vmem_shared>> -> memref<128x64xf32, #tpu.memory_space<vmem_shared>>
      %dma_wait3A_170 = arith.constant 0 : i32
      %dma_wait3A_171 = tpu.memref_slice %arg13[%add3A_52, %dma_wait3A_170] : memref<10240x64xf32, #tpu.memory_space<vmem_shared>> -> memref<128x64xf32, #tpu.memory_space<vmem_shared>>
      tpu.wait_dma2 semaphore(%run_scoped3A : memref<!tpu.dma_semaphore, #tpu.memory_space<semaphore_mem>>) src(%arg11 : memref<128x64xf32, #tpu.memory_space<vmem>>) dst(%dma_wait3A_171 : memref<128x64xf32, #tpu.memory_space<vmem_shared>>)
      tpu.yield
    }) : () -> ()
    %barrier3A = arith.constant 0 : index
    tpu.barrier barrier_id(%barrier3A)
    %mul3A_63 = arith.constant 160 : i32
    %mul3A_64 = arith.muli %arg1, %mul3A_63 : i32
    %add3A_65 = arith.constant 0 : i32
    %add3A_66 = arith.addi %mul3A_64, %add3A_65 : i32
    %dma_start3A = arith.constant 0 : i32
    %dma_start3A_67 = arith.constant 0 : i32
    %dma_start3A_68 = arith.constant 0 : i32
    %dma_start3A_69 = tpu.memref_slice %arg7[%dma_start3A, %dma_start3A_67, %dma_start3A_68] : memref<2x32x128xi32, #tpu.memory_space<vmem>> -> memref<1x32x128xi32, #tpu.memory_space<vmem>>
    %dma_start3A_70 = tpu.memref_squeeze %dma_start3A_69 : memref<1x32x128xi32, #tpu.memory_space<vmem>> -> memref<32x128xi32, #tpu.memory_space<vmem>>
    %dma_start3A_71 = arith.constant 0 : i32
    %dma_start3A_72 = tpu.memref_slice %arg4[%add3A_66, %dma_start3A_71] : memref<2560x128xi32, #tpu.memory_space<hbm>> -> memref<32x128xi32, #tpu.memory_space<hbm>>
    %dma_start3A_73 = arith.constant 0 : i32
    %dma_start3A_74 = arith.constant 0 : i32
    %dma_start3A_75 = tpu.memref_slice %arg7[%dma_start3A, %dma_start3A_73, %dma_start3A_74] : memref<2x32x128xi32, #tpu.memory_space<vmem>> -> memref<1x32x128xi32, #tpu.memory_space<vmem>>
    %dma_start3A_76 = tpu.memref_squeeze %dma_start3A_75 : memref<1x32x128xi32, #tpu.memory_space<vmem>> -> memref<32x128xi32, #tpu.memory_space<vmem>>
    %dma_start3A_77 = arith.constant 0 : i32
    %dma_start3A_78 = tpu.memref_slice %arg4[%add3A_66, %dma_start3A_77] : memref<2560x128xi32, #tpu.memory_space<hbm>> -> memref<32x128xi32, #tpu.memory_space<hbm>>
    tpu.enqueue_dma source(%dma_start3A_78 : memref<32x128xi32, #tpu.memory_space<hbm>>) target(%dma_start3A_76 : memref<32x128xi32, #tpu.memory_space<vmem>>) target_semaphore(%arg18 : memref<!tpu.dma_semaphore, #tpu.memory_space<semaphore_mem>>)
    %dma_start3A_79 = arith.constant 0 : i32
    %dma_start3A_80 = arith.constant 0 : i32
    %dma_start3A_81 = arith.constant 0 : i32
    %dma_start3A_82 = tpu.memref_slice %arg8[%dma_start3A_79, %dma_start3A_80, %dma_start3A_81] : memref<2x32x128xi32, #tpu.memory_space<vmem>> -> memref<1x32x128xi32, #tpu.memory_space<vmem>>
    %dma_start3A_83 = tpu.memref_squeeze %dma_start3A_82 : memref<1x32x128xi32, #tpu.memory_space<vmem>> -> memref<32x128xi32, #tpu.memory_space<vmem>>
    %dma_start3A_84 = arith.constant 0 : i32
    %dma_start3A_85 = tpu.memref_slice %arg5[%add3A_66, %dma_start3A_84] : memref<2560x128xi32, #tpu.memory_space<hbm>> -> memref<32x128xi32, #tpu.memory_space<hbm>>
    %dma_start3A_86 = arith.constant 0 : i32
    %dma_start3A_87 = arith.constant 0 : i32
    %dma_start3A_88 = tpu.memref_slice %arg8[%dma_start3A_79, %dma_start3A_86, %dma_start3A_87] : memref<2x32x128xi32, #tpu.memory_space<vmem>> -> memref<1x32x128xi32, #tpu.memory_space<vmem>>
    %dma_start3A_89 = tpu.memref_squeeze %dma_start3A_88 : memref<1x32x128xi32, #tpu.memory_space<vmem>> -> memref<32x128xi32, #tpu.memory_space<vmem>>
    %dma_start3A_90 = arith.constant 0 : i32
    %dma_start3A_91 = tpu.memref_slice %arg5[%add3A_66, %dma_start3A_90] : memref<2560x128xi32, #tpu.memory_space<hbm>> -> memref<32x128xi32, #tpu.memory_space<hbm>>
    tpu.enqueue_dma source(%dma_start3A_91 : memref<32x128xi32, #tpu.memory_space<hbm>>) target(%dma_start3A_89 : memref<32x128xi32, #tpu.memory_space<vmem>>) target_semaphore(%arg18 : memref<!tpu.dma_semaphore, #tpu.memory_space<semaphore_mem>>)
    %scan3A_92 = arith.constant 0 : i32
    %scan3A_93 = arith.constant 0 : i32
    %scan3A_94 = arith.constant 5 : i32
    %scan3A_95 = arith.addi %scan3A_93, %scan3A_94 : i32
    %scan3A_96 = arith.constant 1 : i32
    scf.for %scan3A_164 = %scan3A_93 to %scan3A_95 step %scan3A_96  : i32 {
      %and3A = arith.constant 1 : i32
      %and3A_165 = arith.andi %scan3A_164, %and3A : i32
      %gt3A = arith.constant 0 : i32
      %gt3A_166 = arith.cmpi sgt, %scan3A_164, %gt3A : i32
      %convert_element_type3A_167 = arith.extui %gt3A_166 : i1 to i32
      %cond3A_168 = arith.constant 0 : i32
      %cond3A_169 = arith.cmpi ne, %convert_element_type3A_167, %cond3A_168 : i32
      scf.if %cond3A_169 {
        %dma_wait3A_219 = arith.constant 0 : i32
        %dma_wait3A_220 = arith.constant 0 : i32
        %dma_wait3A_221 = tpu.memref_slice %arg13[%dma_wait3A_219, %dma_wait3A_220] : memref<10240x64xf32, #tpu.memory_space<vmem_shared>> -> memref<128x64xf32, #tpu.memory_space<vmem_shared>>
        %dma_wait3A_222 = arith.constant 0 : i32
        %dma_wait3A_223 = arith.constant 0 : i32
        %dma_wait3A_224 = tpu.memref_slice %arg13[%dma_wait3A_222, %dma_wait3A_223] : memref<10240x64xf32, #tpu.memory_space<vmem_shared>> -> memref<128x64xf32, #tpu.memory_space<vmem_shared>>
        tpu.wait_dma2 semaphore(%arg17 : memref<!tpu.dma_semaphore, #tpu.memory_space<semaphore_mem>>) src(%arg10 : memref<128x64xf32, #tpu.memory_space<vmem>>) dst(%dma_wait3A_224 : memref<128x64xf32, #tpu.memory_space<vmem_shared>>)
      } else {
      }
      %dma_wait3A_170 = arith.constant 0 : i32
      %dma_wait3A_171 = arith.constant 0 : i32
      %dma_wait3A_172 = arith.constant 0 : i32
      %dma_wait3A_173 = tpu.memref_slice %arg7[%dma_wait3A_170, %dma_wait3A_171, %dma_wait3A_172] : memref<2x32x128xi32, #tpu.memory_space<vmem>> -> memref<1x32x128xi32, #tpu.memory_space<vmem>>
      %dma_wait3A_174 = tpu.memref_squeeze %dma_wait3A_173 : memref<1x32x128xi32, #tpu.memory_space<vmem>> -> memref<32x128xi32, #tpu.memory_space<vmem>>
      %dma_wait3A_175 = arith.constant 0 : i32
      %dma_wait3A_176 = arith.constant 0 : i32
      %dma_wait3A_177 = tpu.memref_slice %arg4[%dma_wait3A_175, %dma_wait3A_176] : memref<2560x128xi32, #tpu.memory_space<hbm>> -> memref<32x128xi32, #tpu.memory_space<hbm>>
      %dma_wait3A_178 = arith.constant 0 : i32
      %dma_wait3A_179 = arith.constant 0 : i32
      %dma_wait3A_180 = tpu.memref_slice %arg7[%dma_wait3A_170, %dma_wait3A_178, %dma_wait3A_179] : memref<2x32x128xi32, #tpu.memory_space<vmem>> -> memref<1x32x128xi32, #tpu.memory_space<vmem>>
      %dma_wait3A_181 = tpu.memref_squeeze %dma_wait3A_180 : memref<1x32x128xi32, #tpu.memory_space<vmem>> -> memref<32x128xi32, #tpu.memory_space<vmem>>
      %dma_wait3A_182 = arith.constant 0 : i32
      %dma_wait3A_183 = arith.constant 0 : i32
      %dma_wait3A_184 = tpu.memref_slice %arg4[%dma_wait3A_182, %dma_wait3A_183] : memref<2560x128xi32, #tpu.memory_space<hbm>> -> memref<32x128xi32, #tpu.memory_space<hbm>>
      tpu.wait_dma2 semaphore(%arg18 : memref<!tpu.dma_semaphore, #tpu.memory_space<semaphore_mem>>) src(%dma_wait3A_184 : memref<32x128xi32, #tpu.memory_space<hbm>>) dst(%dma_wait3A_181 : memref<32x128xi32, #tpu.memory_space<vmem>>)
      %dma_wait3A_185 = arith.constant 0 : i32
      %dma_wait3A_186 = arith.constant 0 : i32
      %dma_wait3A_187 = arith.constant 0 : i32
      %dma_wait3A_188 = tpu.memref_slice %arg7[%dma_wait3A_185, %dma_wait3A_186, %dma_wait3A_187] : memref<2x32x128xi32, #tpu.memory_space<vmem>> -> memref<1x32x128xi32, #tpu.memory_space<vmem>>
      %dma_wait3A_189 = tpu.memref_squeeze %dma_wait3A_188 : memref<1x32x128xi32, #tpu.memory_space<vmem>> -> memref<32x128xi32, #tpu.memory_space<vmem>>
      %dma_wait3A_190 = arith.constant 0 : i32
      %dma_wait3A_191 = arith.constant 0 : i32
      %dma_wait3A_192 = tpu.memref_slice %arg4[%dma_wait3A_190, %dma_wait3A_191] : memref<2560x128xi32, #tpu.memory_space<hbm>> -> memref<32x128xi32, #tpu.memory_space<hbm>>
      %dma_wait3A_193 = arith.constant 0 : i32
      %dma_wait3A_194 = arith.constant 0 : i32
      %dma_wait3A_195 = tpu.memref_slice %arg7[%dma_wait3A_185, %dma_wait3A_193, %dma_wait3A_194] : memref<2x32x128xi32, #tpu.memory_space<vmem>> -> memref<1x32x128xi32, #tpu.memory_space<vmem>>
      %dma_wait3A_196 = tpu.memref_squeeze %dma_wait3A_195 : memref<1x32x128xi32, #tpu.memory_space<vmem>> -> memref<32x128xi32, #tpu.memory_space<vmem>>
      %dma_wait3A_197 = arith.constant 0 : i32
      %dma_wait3A_198 = arith.constant 0 : i32
      %dma_wait3A_199 = tpu.memref_slice %arg4[%dma_wait3A_197, %dma_wait3A_198] : memref<2560x128xi32, #tpu.memory_space<hbm>> -> memref<32x128xi32, #tpu.memory_space<hbm>>
      tpu.wait_dma2 semaphore(%arg18 : memref<!tpu.dma_semaphore, #tpu.memory_space<semaphore_mem>>) src(%dma_wait3A_199 : memref<32x128xi32, #tpu.memory_space<hbm>>) dst(%dma_wait3A_196 : memref<32x128xi32, #tpu.memory_space<vmem>>)
      %add3A_200 = arith.constant 1 : i32
      %add3A_201 = arith.addi %scan3A_164, %add3A_200 : i32
      %lt3A = arith.constant 5 : i32
      %lt3A_202 = arith.cmpi slt, %add3A_201, %lt3A : i32
      %convert_element_type3A_203 = arith.extui %lt3A_202 : i1 to i32
      %cond3A_204 = arith.constant 0 : i32
      %cond3A_205 = arith.cmpi ne, %convert_element_type3A_203, %cond3A_204 : i32
      scf.if %cond3A_205 {
        %add3A_219 = arith.constant 1 : i32
        %add3A_220 = arith.addi %scan3A_164, %add3A_219 : i32
        %mul3A_221 = arith.constant 160 : i32
        %mul3A_222 = arith.muli %arg1, %mul3A_221 : i32
        %mul3A_223 = arith.constant 32 : i32
        %mul3A_224 = arith.muli %add3A_220, %mul3A_223 : i32
        %add3A_225 = arith.addi %mul3A_222, %mul3A_224 : i32
        %and3A_226 = arith.constant 1 : i32
        %and3A_227 = arith.andi %add3A_220, %and3A_226 : i32
        %dma_start3A_228 = arith.constant 0 : i32
        %dma_start3A_229 = arith.constant 0 : i32
        %dma_start3A_230 = tpu.memref_slice %arg7[%and3A_227, %dma_start3A_228, %dma_start3A_229] : memref<2x32x128xi32, #tpu.memory_space<vmem>> -> memref<1x32x128xi32, #tpu.memory_space<vmem>>
        %dma_start3A_231 = tpu.memref_squeeze %dma_start3A_230 : memref<1x32x128xi32, #tpu.memory_space<vmem>> -> memref<32x128xi32, #tpu.memory_space<vmem>>
        %dma_start3A_232 = arith.constant 0 : i32
        %dma_start3A_233 = tpu.memref_slice %arg4[%add3A_225, %dma_start3A_232] : memref<2560x128xi32, #tpu.memory_space<hbm>> -> memref<32x128xi32, #tpu.memory_space<hbm>>
        %dma_start3A_234 = arith.constant 0 : i32
        %dma_start3A_235 = arith.constant 0 : i32
        %dma_start3A_236 = tpu.memref_slice %arg7[%and3A_227, %dma_start3A_234, %dma_start3A_235] : memref<2x32x128xi32, #tpu.memory_space<vmem>> -> memref<1x32x128xi32, #tpu.memory_space<vmem>>
        %dma_start3A_237 = tpu.memref_squeeze %dma_start3A_236 : memref<1x32x128xi32, #tpu.memory_space<vmem>> -> memref<32x128xi32, #tpu.memory_space<vmem>>
        %dma_start3A_238 = arith.constant 0 : i32
        %dma_start3A_239 = tpu.memref_slice %arg4[%add3A_225, %dma_start3A_238] : memref<2560x128xi32, #tpu.memory_space<hbm>> -> memref<32x128xi32, #tpu.memory_space<hbm>>
        tpu.enqueue_dma source(%dma_start3A_239 : memref<32x128xi32, #tpu.memory_space<hbm>>) target(%dma_start3A_237 : memref<32x128xi32, #tpu.memory_space<vmem>>) target_semaphore(%arg18 : memref<!tpu.dma_semaphore, #tpu.memory_space<semaphore_mem>>)
        %dma_start3A_240 = arith.constant 0 : i32
        %dma_start3A_241 = arith.constant 0 : i32
        %dma_start3A_242 = tpu.memref_slice %arg8[%and3A_227, %dma_start3A_240, %dma_start3A_241] : memref<2x32x128xi32, #tpu.memory_space<vmem>> -> memref<1x32x128xi32, #tpu.memory_space<vmem>>
        %dma_start3A_243 = tpu.memref_squeeze %dma_start3A_242 : memref<1x32x128xi32, #tpu.memory_space<vmem>> -> memref<32x128xi32, #tpu.memory_space<vmem>>
        %dma_start3A_244 = arith.constant 0 : i32
        %dma_start3A_245 = tpu.memref_slice %arg5[%add3A_225, %dma_start3A_244] : memref<2560x128xi32, #tpu.memory_space<hbm>> -> memref<32x128xi32, #tpu.memory_space<hbm>>
        %dma_start3A_246 = arith.constant 0 : i32
        %dma_start3A_247 = arith.constant 0 : i32
        %dma_start3A_248 = tpu.memref_slice %arg8[%and3A_227, %dma_start3A_246, %dma_start3A_247] : memref<2x32x128xi32, #tpu.memory_space<vmem>> -> memref<1x32x128xi32, #tpu.memory_space<vmem>>
        %dma_start3A_249 = tpu.memref_squeeze %dma_start3A_248 : memref<1x32x128xi32, #tpu.memory_space<vmem>> -> memref<32x128xi32, #tpu.memory_space<vmem>>
        %dma_start3A_250 = arith.constant 0 : i32
        %dma_start3A_251 = tpu.memref_slice %arg5[%add3A_225, %dma_start3A_250] : memref<2560x128xi32, #tpu.memory_space<hbm>> -> memref<32x128xi32, #tpu.memory_space<hbm>>
        tpu.enqueue_dma source(%dma_start3A_251 : memref<32x128xi32, #tpu.memory_space<hbm>>) target(%dma_start3A_249 : memref<32x128xi32, #tpu.memory_space<vmem>>) target_semaphore(%arg18 : memref<!tpu.dma_semaphore, #tpu.memory_space<semaphore_mem>>)
      } else {
      }
      %dma_start3A_206 = arith.constant 0 : i32
      %dma_start3A_207 = arith.constant 0 : i32
      %dma_start3A_208 = tpu.memref_slice %arg7[%and3A_165, %dma_start3A_206, %dma_start3A_207] : memref<2x32x128xi32, #tpu.memory_space<vmem>> -> memref<1x1x128xi32, #tpu.memory_space<vmem>>
      %dma_start3A_209 = tpu.memref_squeeze %dma_start3A_208 : memref<1x1x128xi32, #tpu.memory_space<vmem>> -> memref<128xi32, #tpu.memory_space<vmem>>
      %dma_start3A_210 = arith.constant 0 : i32
      %dma_start3A_211 = arith.constant 0 : i32
      %dma_start3A_212 = tpu.memref_slice %arg12[%dma_start3A_210, %dma_start3A_211] : memref<10240x64xf32, #tpu.memory_space<vmem_shared>> -> memref<10240x64xf32, #tpu.memory_space<vmem_shared>>
      tpu.enqueue_indirect_dma source(%dma_start3A_212 : memref<10240x64xf32, #tpu.memory_space<vmem_shared>>) target(%arg9 : memref<128x64xf32, #tpu.memory_space<vmem>>) offsets(%dma_start3A_209 : memref<128xi32, #tpu.memory_space<vmem>>) semaphore(%arg14 : memref<!tpu.dma_semaphore, #tpu.memory_space<semaphore_mem>>)
      %scan3A_213 = arith.constant 0 : i32
      %scan3A_214 = arith.constant 0 : i32
      %scan3A_215 = arith.constant 16 : i32
      %scan3A_216 = arith.addi %scan3A_214, %scan3A_215 : i32
      %scan3A_217 = arith.constant 1 : i32
      scf.for %scan3A_219 = %scan3A_214 to %scan3A_216 step %scan3A_217  : i32 {
        %mul3A_220 = arith.constant 2 : i32
        %mul3A_221 = arith.muli %mul3A_220, %scan3A_219 : i32
        %mul3A_222 = arith.constant 2 : i32
        %mul3A_223 = arith.muli %mul3A_222, %scan3A_219 : i32
        %add3A_224 = arith.constant 1 : i32
        %add3A_225 = arith.addi %mul3A_223, %add3A_224 : i32
        %dma_wait3A_226 = arith.constant 0 : i32
        %dma_wait3A_227 = arith.constant 0 : i32
        %dma_wait3A_228 = tpu.memref_slice %arg12[%dma_wait3A_226, %dma_wait3A_227] : memref<10240x64xf32, #tpu.memory_space<vmem_shared>> -> memref<128x64xf32, #tpu.memory_space<vmem_shared>>
        %dma_wait3A_229 = arith.constant 0 : i32
        %dma_wait3A_230 = arith.constant 0 : i32
        %dma_wait3A_231 = tpu.memref_slice %arg12[%dma_wait3A_229, %dma_wait3A_230] : memref<10240x64xf32, #tpu.memory_space<vmem_shared>> -> memref<128x64xf32, #tpu.memory_space<vmem_shared>>
        tpu.wait_dma2 semaphore(%arg14 : memref<!tpu.dma_semaphore, #tpu.memory_space<semaphore_mem>>) src(%dma_wait3A_231 : memref<128x64xf32, #tpu.memory_space<vmem_shared>>) dst(%arg9 : memref<128x64xf32, #tpu.memory_space<vmem>>)
        %dma_start3A_232 = arith.constant 0 : i32
        %dma_start3A_233 = tpu.memref_slice %arg8[%and3A_165, %mul3A_221, %dma_start3A_232] : memref<2x32x128xi32, #tpu.memory_space<vmem>> -> memref<1x1x128xi32, #tpu.memory_space<vmem>>
        %dma_start3A_234 = tpu.memref_squeeze %dma_start3A_233 : memref<1x1x128xi32, #tpu.memory_space<vmem>> -> memref<128xi32, #tpu.memory_space<vmem>>
        %dma_start3A_235 = arith.constant 0 : i32
        %dma_start3A_236 = arith.constant 0 : i32
        %dma_start3A_237 = tpu.memref_slice %arg13[%dma_start3A_235, %dma_start3A_236] : memref<10240x64xf32, #tpu.memory_space<vmem_shared>> -> memref<10240x64xf32, #tpu.memory_space<vmem_shared>>
        tpu.enqueue_indirect_dma source(%arg9 : memref<128x64xf32, #tpu.memory_space<vmem>>) target(%dma_start3A_237 : memref<10240x64xf32, #tpu.memory_space<vmem_shared>>) offsets(%dma_start3A_234 : memref<128xi32, #tpu.memory_space<vmem>>) semaphore(%arg16 : memref<!tpu.dma_semaphore, #tpu.memory_space<semaphore_mem>>) {add = true}
        %gt3A_238 = arith.constant 0 : i32
        %gt3A_239 = arith.cmpi sgt, %scan3A_219, %gt3A_238 : i32
        %convert_element_type3A_240 = arith.extui %gt3A_239 : i1 to i32
        %cond3A_241 = arith.constant 0 : i32
        %cond3A_242 = arith.cmpi ne, %convert_element_type3A_240, %cond3A_241 : i32
        scf.if %cond3A_242 {
          %dma_wait3A_274 = arith.constant 0 : i32
          %dma_wait3A_275 = arith.constant 0 : i32
          %dma_wait3A_276 = tpu.memref_slice %arg13[%dma_wait3A_274, %dma_wait3A_275] : memref<10240x64xf32, #tpu.memory_space<vmem_shared>> -> memref<128x64xf32, #tpu.memory_space<vmem_shared>>
          %dma_wait3A_277 = arith.constant 0 : i32
          %dma_wait3A_278 = arith.constant 0 : i32
          %dma_wait3A_279 = tpu.memref_slice %arg13[%dma_wait3A_277, %dma_wait3A_278] : memref<10240x64xf32, #tpu.memory_space<vmem_shared>> -> memref<128x64xf32, #tpu.memory_space<vmem_shared>>
          tpu.wait_dma2 semaphore(%arg17 : memref<!tpu.dma_semaphore, #tpu.memory_space<semaphore_mem>>) src(%arg10 : memref<128x64xf32, #tpu.memory_space<vmem>>) dst(%dma_wait3A_279 : memref<128x64xf32, #tpu.memory_space<vmem_shared>>)
        } else {
        }
        %dma_start3A_243 = arith.constant 0 : i32
        %dma_start3A_244 = tpu.memref_slice %arg7[%and3A_165, %add3A_225, %dma_start3A_243] : memref<2x32x128xi32, #tpu.memory_space<vmem>> -> memref<1x1x128xi32, #tpu.memory_space<vmem>>
        %dma_start3A_245 = tpu.memref_squeeze %dma_start3A_244 : memref<1x1x128xi32, #tpu.memory_space<vmem>> -> memref<128xi32, #tpu.memory_space<vmem>>
        %dma_start3A_246 = arith.constant 0 : i32
        %dma_start3A_247 = arith.constant 0 : i32
        %dma_start3A_248 = tpu.memref_slice %arg12[%dma_start3A_246, %dma_start3A_247] : memref<10240x64xf32, #tpu.memory_space<vmem_shared>> -> memref<10240x64xf32, #tpu.memory_space<vmem_shared>>
        tpu.enqueue_indirect_dma source(%dma_start3A_248 : memref<10240x64xf32, #tpu.memory_space<vmem_shared>>) target(%arg10 : memref<128x64xf32, #tpu.memory_space<vmem>>) offsets(%dma_start3A_245 : memref<128xi32, #tpu.memory_space<vmem>>) semaphore(%arg15 : memref<!tpu.dma_semaphore, #tpu.memory_space<semaphore_mem>>)
        %dma_wait3A_249 = arith.constant 0 : i32
        %dma_wait3A_250 = arith.constant 0 : i32
        %dma_wait3A_251 = tpu.memref_slice %arg12[%dma_wait3A_249, %dma_wait3A_250] : memref<10240x64xf32, #tpu.memory_space<vmem_shared>> -> memref<128x64xf32, #tpu.memory_space<vmem_shared>>
        %dma_wait3A_252 = arith.constant 0 : i32
        %dma_wait3A_253 = arith.constant 0 : i32
        %dma_wait3A_254 = tpu.memref_slice %arg12[%dma_wait3A_252, %dma_wait3A_253] : memref<10240x64xf32, #tpu.memory_space<vmem_shared>> -> memref<128x64xf32, #tpu.memory_space<vmem_shared>>
        tpu.wait_dma2 semaphore(%arg15 : memref<!tpu.dma_semaphore, #tpu.memory_space<semaphore_mem>>) src(%dma_wait3A_254 : memref<128x64xf32, #tpu.memory_space<vmem_shared>>) dst(%arg10 : memref<128x64xf32, #tpu.memory_space<vmem>>)
        %dma_start3A_255 = arith.constant 0 : i32
        %dma_start3A_256 = tpu.memref_slice %arg8[%and3A_165, %add3A_225, %dma_start3A_255] : memref<2x32x128xi32, #tpu.memory_space<vmem>> -> memref<1x1x128xi32, #tpu.memory_space<vmem>>
        %dma_start3A_257 = tpu.memref_squeeze %dma_start3A_256 : memref<1x1x128xi32, #tpu.memory_space<vmem>> -> memref<128xi32, #tpu.memory_space<vmem>>
        %dma_start3A_258 = arith.constant 0 : i32
        %dma_start3A_259 = arith.constant 0 : i32
        %dma_start3A_260 = tpu.memref_slice %arg13[%dma_start3A_258, %dma_start3A_259] : memref<10240x64xf32, #tpu.memory_space<vmem_shared>> -> memref<10240x64xf32, #tpu.memory_space<vmem_shared>>
        tpu.enqueue_indirect_dma source(%arg10 : memref<128x64xf32, #tpu.memory_space<vmem>>) target(%dma_start3A_260 : memref<10240x64xf32, #tpu.memory_space<vmem_shared>>) offsets(%dma_start3A_257 : memref<128xi32, #tpu.memory_space<vmem>>) semaphore(%arg17 : memref<!tpu.dma_semaphore, #tpu.memory_space<semaphore_mem>>) {add = true}
        %dma_wait3A_261 = arith.constant 0 : i32
        %dma_wait3A_262 = arith.constant 0 : i32
        %dma_wait3A_263 = tpu.memref_slice %arg13[%dma_wait3A_261, %dma_wait3A_262] : memref<10240x64xf32, #tpu.memory_space<vmem_shared>> -> memref<128x64xf32, #tpu.memory_space<vmem_shared>>
        %dma_wait3A_264 = arith.constant 0 : i32
        %dma_wait3A_265 = arith.constant 0 : i32
        %dma_wait3A_266 = tpu.memref_slice %arg13[%dma_wait3A_264, %dma_wait3A_265] : memref<10240x64xf32, #tpu.memory_space<vmem_shared>> -> memref<128x64xf32, #tpu.memory_space<vmem_shared>>
        tpu.wait_dma2 semaphore(%arg16 : memref<!tpu.dma_semaphore, #tpu.memory_space<semaphore_mem>>) src(%arg9 : memref<128x64xf32, #tpu.memory_space<vmem>>) dst(%dma_wait3A_266 : memref<128x64xf32, #tpu.memory_space<vmem_shared>>)
        %add3A_267 = arith.constant 1 : i32
        %add3A_268 = arith.addi %add3A_225, %add3A_267 : i32
        %lt3A_269 = arith.constant 32 : i32
        %lt3A_270 = arith.cmpi slt, %add3A_268, %lt3A_269 : i32
        %convert_element_type3A_271 = arith.extui %lt3A_270 : i1 to i32
        %cond3A_272 = arith.constant 0 : i32
        %cond3A_273 = arith.cmpi ne, %convert_element_type3A_271, %cond3A_272 : i32
        scf.if %cond3A_273 {
          %add3A_274 = arith.constant 1 : i32
          %add3A_275 = arith.addi %add3A_225, %add3A_274 : i32
          %dma_start3A_276 = arith.constant 0 : i32
          %dma_start3A_277 = tpu.memref_slice %arg7[%and3A_165, %add3A_275, %dma_start3A_276] : memref<2x32x128xi32, #tpu.memory_space<vmem>> -> memref<1x1x128xi32, #tpu.memory_space<vmem>>
          %dma_start3A_278 = tpu.memref_squeeze %dma_start3A_277 : memref<1x1x128xi32, #tpu.memory_space<vmem>> -> memref<128xi32, #tpu.memory_space<vmem>>
          %dma_start3A_279 = arith.constant 0 : i32
          %dma_start3A_280 = arith.constant 0 : i32
          %dma_start3A_281 = tpu.memref_slice %arg12[%dma_start3A_279, %dma_start3A_280] : memref<10240x64xf32, #tpu.memory_space<vmem_shared>> -> memref<10240x64xf32, #tpu.memory_space<vmem_shared>>
          tpu.enqueue_indirect_dma source(%dma_start3A_281 : memref<10240x64xf32, #tpu.memory_space<vmem_shared>>) target(%arg9 : memref<128x64xf32, #tpu.memory_space<vmem>>) offsets(%dma_start3A_278 : memref<128xi32, #tpu.memory_space<vmem>>) semaphore(%arg14 : memref<!tpu.dma_semaphore, #tpu.memory_space<semaphore_mem>>)
        } else {
        }
      }
      %scan3A_218 = arith.constant 16 : i32
    }
    %scan3A_97 = arith.constant 5 : i32
    %dma_wait3A = arith.constant 0 : i32
    %dma_wait3A_98 = arith.constant 0 : i32
    %dma_wait3A_99 = tpu.memref_slice %arg13[%dma_wait3A, %dma_wait3A_98] : memref<10240x64xf32, #tpu.memory_space<vmem_shared>> -> memref<128x64xf32, #tpu.memory_space<vmem_shared>>
    %dma_wait3A_100 = arith.constant 0 : i32
    %dma_wait3A_101 = arith.constant 0 : i32
    %dma_wait3A_102 = tpu.memref_slice %arg13[%dma_wait3A_100, %dma_wait3A_101] : memref<10240x64xf32, #tpu.memory_space<vmem_shared>> -> memref<128x64xf32, #tpu.memory_space<vmem_shared>>
    tpu.wait_dma2 semaphore(%arg17 : memref<!tpu.dma_semaphore, #tpu.memory_space<semaphore_mem>>) src(%arg10 : memref<128x64xf32, #tpu.memory_space<vmem>>) dst(%dma_wait3A_102 : memref<128x64xf32, #tpu.memory_space<vmem_shared>>)
    %barrier3A_103 = arith.constant 0 : index
    tpu.barrier barrier_id(%barrier3A_103)
    %add3A_104 = arith.constant 0 : i32
    %add3A_105 = arith.addi %mul3A_0, %add3A_104 : i32
    "tpu.region"() ({
      %run_scoped3A = tpu.sem_alloc : memref<!tpu.dma_semaphore, #tpu.memory_space<semaphore_mem>>
      %dma_start3A_164 = arith.constant 0 : i32
      %dma_start3A_165 = tpu.memref_slice %arg13[%add3A_105, %dma_start3A_164] : memref<10240x64xf32, #tpu.memory_space<vmem_shared>> -> memref<128x64xf32, #tpu.memory_space<vmem_shared>>
      %dma_start3A_166 = arith.constant 0 : i32
      %dma_start3A_167 = tpu.memref_slice %arg13[%add3A_105, %dma_start3A_166] : memref<10240x64xf32, #tpu.memory_space<vmem_shared>> -> memref<128x64xf32, #tpu.memory_space<vmem_shared>>
      tpu.enqueue_dma source(%dma_start3A_167 : memref<128x64xf32, #tpu.memory_space<vmem_shared>>) target(%arg9 : memref<128x64xf32, #tpu.memory_space<vmem>>) target_semaphore(%run_scoped3A : memref<!tpu.dma_semaphore, #tpu.memory_space<semaphore_mem>>)
      %dma_wait3A_168 = arith.constant 0 : i32
      %dma_wait3A_169 = tpu.memref_slice %arg13[%add3A_105, %dma_wait3A_168] : memref<10240x64xf32, #tpu.memory_space<vmem_shared>> -> memref<128x64xf32, #tpu.memory_space<vmem_shared>>
      %dma_wait3A_170 = arith.constant 0 : i32
      %dma_wait3A_171 = tpu.memref_slice %arg13[%add3A_105, %dma_wait3A_170] : memref<10240x64xf32, #tpu.memory_space<vmem_shared>> -> memref<128x64xf32, #tpu.memory_space<vmem_shared>>
      tpu.wait_dma2 semaphore(%run_scoped3A : memref<!tpu.dma_semaphore, #tpu.memory_space<semaphore_mem>>) src(%dma_wait3A_171 : memref<128x64xf32, #tpu.memory_space<vmem_shared>>) dst(%arg9 : memref<128x64xf32, #tpu.memory_space<vmem>>)
      tpu.yield
    }) : () -> ()
    %eq3A_106 = arith.constant 0 : i32
    %eq3A_107 = arith.cmpi eq, %arg0, %eq3A_106 : i32
    %convert_element_type3A_108 = arith.extui %eq3A_107 : i1 to i32
    %cond3A_109 = arith.constant 0 : i32
    %cond3A_110 = arith.cmpi ne, %convert_element_type3A_108, %cond3A_109 : i32
    scf.if %cond3A_110 {
      %run_scoped3A = arith.constant 0 : i32
      "tpu.region"() ({
        %run_scoped3A_164 = tpu.sem_alloc : memref<!tpu.dma_semaphore, #tpu.memory_space<semaphore_mem>>
        %dma_start3A_165 = arith.constant 0 : i32
        %dma_start3A_166 = tpu.memref_slice %arg6[%run_scoped3A, %add3A_105, %dma_start3A_165] : memref<2x10240x64xf32, #tpu.memory_space<hbm>> -> memref<1x128x64xf32, #tpu.memory_space<hbm>>
        %dma_start3A_167 = tpu.memref_squeeze %dma_start3A_166 : memref<1x128x64xf32, #tpu.memory_space<hbm>> -> memref<128x64xf32, #tpu.memory_space<hbm>>
        %dma_start3A_168 = arith.constant 0 : i32
        %dma_start3A_169 = tpu.memref_slice %arg6[%run_scoped3A, %add3A_105, %dma_start3A_168] : memref<2x10240x64xf32, #tpu.memory_space<hbm>> -> memref<1x128x64xf32, #tpu.memory_space<hbm>>
        %dma_start3A_170 = tpu.memref_squeeze %dma_start3A_169 : memref<1x128x64xf32, #tpu.memory_space<hbm>> -> memref<128x64xf32, #tpu.memory_space<hbm>>
        tpu.enqueue_dma source(%arg9 : memref<128x64xf32, #tpu.memory_space<vmem>>) target(%dma_start3A_170 : memref<128x64xf32, #tpu.memory_space<hbm>>) target_semaphore(%run_scoped3A_164 : memref<!tpu.dma_semaphore, #tpu.memory_space<semaphore_mem>>)
        %dma_wait3A_171 = arith.constant 0 : i32
        %dma_wait3A_172 = tpu.memref_slice %arg6[%run_scoped3A, %add3A_105, %dma_wait3A_171] : memref<2x10240x64xf32, #tpu.memory_space<hbm>> -> memref<1x128x64xf32, #tpu.memory_space<hbm>>
        %dma_wait3A_173 = tpu.memref_squeeze %dma_wait3A_172 : memref<1x128x64xf32, #tpu.memory_space<hbm>> -> memref<128x64xf32, #tpu.memory_space<hbm>>
        %dma_wait3A_174 = arith.constant 0 : i32
        %dma_wait3A_175 = tpu.memref_slice %arg6[%run_scoped3A, %add3A_105, %dma_wait3A_174] : memref<2x10240x64xf32, #tpu.memory_space<hbm>> -> memref<1x128x64xf32, #tpu.memory_space<hbm>>
        %dma_wait3A_176 = tpu.memref_squeeze %dma_wait3A_175 : memref<1x128x64xf32, #tpu.memory_space<hbm>> -> memref<128x64xf32, #tpu.memory_space<hbm>>
        tpu.wait_dma2 semaphore(%run_scoped3A_164 : memref<!tpu.dma_semaphore, #tpu.memory_space<semaphore_mem>>) src(%arg9 : memref<128x64xf32, #tpu.memory_space<vmem>>) dst(%dma_wait3A_176 : memref<128x64xf32, #tpu.memory_space<hbm>>)
        tpu.yield
      }) : () -> ()
    } else {
    }
    %eq3A_111 = arith.constant 1 : i32
    %eq3A_112 = arith.cmpi eq, %arg0, %eq3A_111 : i32
    %convert_element_type3A_113 = arith.extui %eq3A_112 : i1 to i32
    %cond3A_114 = arith.constant 0 : i32
    %cond3A_115 = arith.cmpi ne, %convert_element_type3A_113, %cond3A_114 : i32
    scf.if %cond3A_115 {
      %run_scoped3A = arith.constant 1 : i32
      "tpu.region"() ({
        %run_scoped3A_164 = tpu.sem_alloc : memref<!tpu.dma_semaphore, #tpu.memory_space<semaphore_mem>>
        %dma_start3A_165 = arith.constant 0 : i32
        %dma_start3A_166 = tpu.memref_slice %arg6[%run_scoped3A, %add3A_105, %dma_start3A_165] : memref<2x10240x64xf32, #tpu.memory_space<hbm>> -> memref<1x128x64xf32, #tpu.memory_space<hbm>>
        %dma_start3A_167 = tpu.memref_squeeze %dma_start3A_166 : memref<1x128x64xf32, #tpu.memory_space<hbm>> -> memref<128x64xf32, #tpu.memory_space<hbm>>
        %dma_start3A_168 = arith.constant 0 : i32
        %dma_start3A_169 = tpu.memref_slice %arg6[%run_scoped3A, %add3A_105, %dma_start3A_168] : memref<2x10240x64xf32, #tpu.memory_space<hbm>> -> memref<1x128x64xf32, #tpu.memory_space<hbm>>
        %dma_start3A_170 = tpu.memref_squeeze %dma_start3A_169 : memref<1x128x64xf32, #tpu.memory_space<hbm>> -> memref<128x64xf32, #tpu.memory_space<hbm>>
        tpu.enqueue_dma source(%arg9 : memref<128x64xf32, #tpu.memory_space<vmem>>) target(%dma_start3A_170 : memref<128x64xf32, #tpu.memory_space<hbm>>) target_semaphore(%run_scoped3A_164 : memref<!tpu.dma_semaphore, #tpu.memory_space<semaphore_mem>>)
        %dma_wait3A_171 = arith.constant 0 : i32
        %dma_wait3A_172 = tpu.memref_slice %arg6[%run_scoped3A, %add3A_105, %dma_wait3A_171] : memref<2x10240x64xf32, #tpu.memory_space<hbm>> -> memref<1x128x64xf32, #tpu.memory_space<hbm>>
        %dma_wait3A_173 = tpu.memref_squeeze %dma_wait3A_172 : memref<1x128x64xf32, #tpu.memory_space<hbm>> -> memref<128x64xf32, #tpu.memory_space<hbm>>
        %dma_wait3A_174 = arith.constant 0 : i32
        %dma_wait3A_175 = tpu.memref_slice %arg6[%run_scoped3A, %add3A_105, %dma_wait3A_174] : memref<2x10240x64xf32, #tpu.memory_space<hbm>> -> memref<1x128x64xf32, #tpu.memory_space<hbm>>
        %dma_wait3A_176 = tpu.memref_squeeze %dma_wait3A_175 : memref<1x128x64xf32, #tpu.memory_space<hbm>> -> memref<128x64xf32, #tpu.memory_space<hbm>>
        tpu.wait_dma2 semaphore(%run_scoped3A_164 : memref<!tpu.dma_semaphore, #tpu.memory_space<semaphore_mem>>) src(%arg9 : memref<128x64xf32, #tpu.memory_space<vmem>>) dst(%dma_wait3A_176 : memref<128x64xf32, #tpu.memory_space<hbm>>)
        tpu.yield
      }) : () -> ()
    } else {
    }
    %add3A_116 = arith.constant 128 : i32
    %add3A_117 = arith.addi %mul3A_0, %add3A_116 : i32
    "tpu.region"() ({
      %run_scoped3A = tpu.sem_alloc : memref<!tpu.dma_semaphore, #tpu.memory_space<semaphore_mem>>
      %dma_start3A_164 = arith.constant 0 : i32
      %dma_start3A_165 = tpu.memref_slice %arg13[%add3A_117, %dma_start3A_164] : memref<10240x64xf32, #tpu.memory_space<vmem_shared>> -> memref<128x64xf32, #tpu.memory_space<vmem_shared>>
      %dma_start3A_166 = arith.constant 0 : i32
      %dma_start3A_167 = tpu.memref_slice %arg13[%add3A_117, %dma_start3A_166] : memref<10240x64xf32, #tpu.memory_space<vmem_shared>> -> memref<128x64xf32, #tpu.memory_space<vmem_shared>>
      tpu.enqueue_dma source(%dma_start3A_167 : memref<128x64xf32, #tpu.memory_space<vmem_shared>>) target(%arg9 : memref<128x64xf32, #tpu.memory_space<vmem>>) target_semaphore(%run_scoped3A : memref<!tpu.dma_semaphore, #tpu.memory_space<semaphore_mem>>)
      %dma_wait3A_168 = arith.constant 0 : i32
      %dma_wait3A_169 = tpu.memref_slice %arg13[%add3A_117, %dma_wait3A_168] : memref<10240x64xf32, #tpu.memory_space<vmem_shared>> -> memref<128x64xf32, #tpu.memory_space<vmem_shared>>
      %dma_wait3A_170 = arith.constant 0 : i32
      %dma_wait3A_171 = tpu.memref_slice %arg13[%add3A_117, %dma_wait3A_170] : memref<10240x64xf32, #tpu.memory_space<vmem_shared>> -> memref<128x64xf32, #tpu.memory_space<vmem_shared>>
      tpu.wait_dma2 semaphore(%run_scoped3A : memref<!tpu.dma_semaphore, #tpu.memory_space<semaphore_mem>>) src(%dma_wait3A_171 : memref<128x64xf32, #tpu.memory_space<vmem_shared>>) dst(%arg9 : memref<128x64xf32, #tpu.memory_space<vmem>>)
      tpu.yield
    }) : () -> ()
    %eq3A_118 = arith.constant 0 : i32
    %eq3A_119 = arith.cmpi eq, %arg0, %eq3A_118 : i32
    %convert_element_type3A_120 = arith.extui %eq3A_119 : i1 to i32
    %cond3A_121 = arith.constant 0 : i32
    %cond3A_122 = arith.cmpi ne, %convert_element_type3A_120, %cond3A_121 : i32
    scf.if %cond3A_122 {
      %run_scoped3A = arith.constant 0 : i32
      "tpu.region"() ({
        %run_scoped3A_164 = tpu.sem_alloc : memref<!tpu.dma_semaphore, #tpu.memory_space<semaphore_mem>>
        %dma_start3A_165 = arith.constant 0 : i32
        %dma_start3A_166 = tpu.memref_slice %arg6[%run_scoped3A, %add3A_117, %dma_start3A_165] : memref<2x10240x64xf32, #tpu.memory_space<hbm>> -> memref<1x128x64xf32, #tpu.memory_space<hbm>>
        %dma_start3A_167 = tpu.memref_squeeze %dma_start3A_166 : memref<1x128x64xf32, #tpu.memory_space<hbm>> -> memref<128x64xf32, #tpu.memory_space<hbm>>
        %dma_start3A_168 = arith.constant 0 : i32
        %dma_start3A_169 = tpu.memref_slice %arg6[%run_scoped3A, %add3A_117, %dma_start3A_168] : memref<2x10240x64xf32, #tpu.memory_space<hbm>> -> memref<1x128x64xf32, #tpu.memory_space<hbm>>
        %dma_start3A_170 = tpu.memref_squeeze %dma_start3A_169 : memref<1x128x64xf32, #tpu.memory_space<hbm>> -> memref<128x64xf32, #tpu.memory_space<hbm>>
        tpu.enqueue_dma source(%arg9 : memref<128x64xf32, #tpu.memory_space<vmem>>) target(%dma_start3A_170 : memref<128x64xf32, #tpu.memory_space<hbm>>) target_semaphore(%run_scoped3A_164 : memref<!tpu.dma_semaphore, #tpu.memory_space<semaphore_mem>>)
        %dma_wait3A_171 = arith.constant 0 : i32
        %dma_wait3A_172 = tpu.memref_slice %arg6[%run_scoped3A, %add3A_117, %dma_wait3A_171] : memref<2x10240x64xf32, #tpu.memory_space<hbm>> -> memref<1x128x64xf32, #tpu.memory_space<hbm>>
        %dma_wait3A_173 = tpu.memref_squeeze %dma_wait3A_172 : memref<1x128x64xf32, #tpu.memory_space<hbm>> -> memref<128x64xf32, #tpu.memory_space<hbm>>
        %dma_wait3A_174 = arith.constant 0 : i32
        %dma_wait3A_175 = tpu.memref_slice %arg6[%run_scoped3A, %add3A_117, %dma_wait3A_174] : memref<2x10240x64xf32, #tpu.memory_space<hbm>> -> memref<1x128x64xf32, #tpu.memory_space<hbm>>
        %dma_wait3A_176 = tpu.memref_squeeze %dma_wait3A_175 : memref<1x128x64xf32, #tpu.memory_space<hbm>> -> memref<128x64xf32, #tpu.memory_space<hbm>>
        tpu.wait_dma2 semaphore(%run_scoped3A_164 : memref<!tpu.dma_semaphore, #tpu.memory_space<semaphore_mem>>) src(%arg9 : memref<128x64xf32, #tpu.memory_space<vmem>>) dst(%dma_wait3A_176 : memref<128x64xf32, #tpu.memory_space<hbm>>)
        tpu.yield
      }) : () -> ()
    } else {
    }
    %eq3A_123 = arith.constant 1 : i32
    %eq3A_124 = arith.cmpi eq, %arg0, %eq3A_123 : i32
    %convert_element_type3A_125 = arith.extui %eq3A_124 : i1 to i32
    %cond3A_126 = arith.constant 0 : i32
    %cond3A_127 = arith.cmpi ne, %convert_element_type3A_125, %cond3A_126 : i32
    scf.if %cond3A_127 {
      %run_scoped3A = arith.constant 1 : i32
      "tpu.region"() ({
        %run_scoped3A_164 = tpu.sem_alloc : memref<!tpu.dma_semaphore, #tpu.memory_space<semaphore_mem>>
        %dma_start3A_165 = arith.constant 0 : i32
        %dma_start3A_166 = tpu.memref_slice %arg6[%run_scoped3A, %add3A_117, %dma_start3A_165] : memref<2x10240x64xf32, #tpu.memory_space<hbm>> -> memref<1x128x64xf32, #tpu.memory_space<hbm>>
        %dma_start3A_167 = tpu.memref_squeeze %dma_start3A_166 : memref<1x128x64xf32, #tpu.memory_space<hbm>> -> memref<128x64xf32, #tpu.memory_space<hbm>>
        %dma_start3A_168 = arith.constant 0 : i32
        %dma_start3A_169 = tpu.memref_slice %arg6[%run_scoped3A, %add3A_117, %dma_start3A_168] : memref<2x10240x64xf32, #tpu.memory_space<hbm>> -> memref<1x128x64xf32, #tpu.memory_space<hbm>>
        %dma_start3A_170 = tpu.memref_squeeze %dma_start3A_169 : memref<1x128x64xf32, #tpu.memory_space<hbm>> -> memref<128x64xf32, #tpu.memory_space<hbm>>
        tpu.enqueue_dma source(%arg9 : memref<128x64xf32, #tpu.memory_space<vmem>>) target(%dma_start3A_170 : memref<128x64xf32, #tpu.memory_space<hbm>>) target_semaphore(%run_scoped3A_164 : memref<!tpu.dma_semaphore, #tpu.memory_space<semaphore_mem>>)
        %dma_wait3A_171 = arith.constant 0 : i32
        %dma_wait3A_172 = tpu.memref_slice %arg6[%run_scoped3A, %add3A_117, %dma_wait3A_171] : memref<2x10240x64xf32, #tpu.memory_space<hbm>> -> memref<1x128x64xf32, #tpu.memory_space<hbm>>
        %dma_wait3A_173 = tpu.memref_squeeze %dma_wait3A_172 : memref<1x128x64xf32, #tpu.memory_space<hbm>> -> memref<128x64xf32, #tpu.memory_space<hbm>>
        %dma_wait3A_174 = arith.constant 0 : i32
        %dma_wait3A_175 = tpu.memref_slice %arg6[%run_scoped3A, %add3A_117, %dma_wait3A_174] : memref<2x10240x64xf32, #tpu.memory_space<hbm>> -> memref<1x128x64xf32, #tpu.memory_space<hbm>>
        %dma_wait3A_176 = tpu.memref_squeeze %dma_wait3A_175 : memref<1x128x64xf32, #tpu.memory_space<hbm>> -> memref<128x64xf32, #tpu.memory_space<hbm>>
        tpu.wait_dma2 semaphore(%run_scoped3A_164 : memref<!tpu.dma_semaphore, #tpu.memory_space<semaphore_mem>>) src(%arg9 : memref<128x64xf32, #tpu.memory_space<vmem>>) dst(%dma_wait3A_176 : memref<128x64xf32, #tpu.memory_space<hbm>>)
        tpu.yield
      }) : () -> ()
    } else {
    }
    %add3A_128 = arith.constant 256 : i32
    %add3A_129 = arith.addi %mul3A_0, %add3A_128 : i32
    "tpu.region"() ({
      %run_scoped3A = tpu.sem_alloc : memref<!tpu.dma_semaphore, #tpu.memory_space<semaphore_mem>>
      %dma_start3A_164 = arith.constant 0 : i32
      %dma_start3A_165 = tpu.memref_slice %arg13[%add3A_129, %dma_start3A_164] : memref<10240x64xf32, #tpu.memory_space<vmem_shared>> -> memref<128x64xf32, #tpu.memory_space<vmem_shared>>
      %dma_start3A_166 = arith.constant 0 : i32
      %dma_start3A_167 = tpu.memref_slice %arg13[%add3A_129, %dma_start3A_166] : memref<10240x64xf32, #tpu.memory_space<vmem_shared>> -> memref<128x64xf32, #tpu.memory_space<vmem_shared>>
      tpu.enqueue_dma source(%dma_start3A_167 : memref<128x64xf32, #tpu.memory_space<vmem_shared>>) target(%arg9 : memref<128x64xf32, #tpu.memory_space<vmem>>) target_semaphore(%run_scoped3A : memref<!tpu.dma_semaphore, #tpu.memory_space<semaphore_mem>>)
      %dma_wait3A_168 = arith.constant 0 : i32
      %dma_wait3A_169 = tpu.memref_slice %arg13[%add3A_129, %dma_wait3A_168] : memref<10240x64xf32, #tpu.memory_space<vmem_shared>> -> memref<128x64xf32, #tpu.memory_space<vmem_shared>>
      %dma_wait3A_170 = arith.constant 0 : i32
      %dma_wait3A_171 = tpu.memref_slice %arg13[%add3A_129, %dma_wait3A_170] : memref<10240x64xf32, #tpu.memory_space<vmem_shared>> -> memref<128x64xf32, #tpu.memory_space<vmem_shared>>
      tpu.wait_dma2 semaphore(%run_scoped3A : memref<!tpu.dma_semaphore, #tpu.memory_space<semaphore_mem>>) src(%dma_wait3A_171 : memref<128x64xf32, #tpu.memory_space<vmem_shared>>) dst(%arg9 : memref<128x64xf32, #tpu.memory_space<vmem>>)
      tpu.yield
    }) : () -> ()
    %eq3A_130 = arith.constant 0 : i32
    %eq3A_131 = arith.cmpi eq, %arg0, %eq3A_130 : i32
    %convert_element_type3A_132 = arith.extui %eq3A_131 : i1 to i32
    %cond3A_133 = arith.constant 0 : i32
    %cond3A_134 = arith.cmpi ne, %convert_element_type3A_132, %cond3A_133 : i32
    scf.if %cond3A_134 {
      %run_scoped3A = arith.constant 0 : i32
      "tpu.region"() ({
        %run_scoped3A_164 = tpu.sem_alloc : memref<!tpu.dma_semaphore, #tpu.memory_space<semaphore_mem>>
        %dma_start3A_165 = arith.constant 0 : i32
        %dma_start3A_166 = tpu.memref_slice %arg6[%run_scoped3A, %add3A_129, %dma_start3A_165] : memref<2x10240x64xf32, #tpu.memory_space<hbm>> -> memref<1x128x64xf32, #tpu.memory_space<hbm>>
        %dma_start3A_167 = tpu.memref_squeeze %dma_start3A_166 : memref<1x128x64xf32, #tpu.memory_space<hbm>> -> memref<128x64xf32, #tpu.memory_space<hbm>>
        %dma_start3A_168 = arith.constant 0 : i32
        %dma_start3A_169 = tpu.memref_slice %arg6[%run_scoped3A, %add3A_129, %dma_start3A_168] : memref<2x10240x64xf32, #tpu.memory_space<hbm>> -> memref<1x128x64xf32, #tpu.memory_space<hbm>>
        %dma_start3A_170 = tpu.memref_squeeze %dma_start3A_169 : memref<1x128x64xf32, #tpu.memory_space<hbm>> -> memref<128x64xf32, #tpu.memory_space<hbm>>
        tpu.enqueue_dma source(%arg9 : memref<128x64xf32, #tpu.memory_space<vmem>>) target(%dma_start3A_170 : memref<128x64xf32, #tpu.memory_space<hbm>>) target_semaphore(%run_scoped3A_164 : memref<!tpu.dma_semaphore, #tpu.memory_space<semaphore_mem>>)
        %dma_wait3A_171 = arith.constant 0 : i32
        %dma_wait3A_172 = tpu.memref_slice %arg6[%run_scoped3A, %add3A_129, %dma_wait3A_171] : memref<2x10240x64xf32, #tpu.memory_space<hbm>> -> memref<1x128x64xf32, #tpu.memory_space<hbm>>
        %dma_wait3A_173 = tpu.memref_squeeze %dma_wait3A_172 : memref<1x128x64xf32, #tpu.memory_space<hbm>> -> memref<128x64xf32, #tpu.memory_space<hbm>>
        %dma_wait3A_174 = arith.constant 0 : i32
        %dma_wait3A_175 = tpu.memref_slice %arg6[%run_scoped3A, %add3A_129, %dma_wait3A_174] : memref<2x10240x64xf32, #tpu.memory_space<hbm>> -> memref<1x128x64xf32, #tpu.memory_space<hbm>>
        %dma_wait3A_176 = tpu.memref_squeeze %dma_wait3A_175 : memref<1x128x64xf32, #tpu.memory_space<hbm>> -> memref<128x64xf32, #tpu.memory_space<hbm>>
        tpu.wait_dma2 semaphore(%run_scoped3A_164 : memref<!tpu.dma_semaphore, #tpu.memory_space<semaphore_mem>>) src(%arg9 : memref<128x64xf32, #tpu.memory_space<vmem>>) dst(%dma_wait3A_176 : memref<128x64xf32, #tpu.memory_space<hbm>>)
        tpu.yield
      }) : () -> ()
    } else {
    }
    %eq3A_135 = arith.constant 1 : i32
    %eq3A_136 = arith.cmpi eq, %arg0, %eq3A_135 : i32
    %convert_element_type3A_137 = arith.extui %eq3A_136 : i1 to i32
    %cond3A_138 = arith.constant 0 : i32
    %cond3A_139 = arith.cmpi ne, %convert_element_type3A_137, %cond3A_138 : i32
    scf.if %cond3A_139 {
      %run_scoped3A = arith.constant 1 : i32
      "tpu.region"() ({
        %run_scoped3A_164 = tpu.sem_alloc : memref<!tpu.dma_semaphore, #tpu.memory_space<semaphore_mem>>
        %dma_start3A_165 = arith.constant 0 : i32
        %dma_start3A_166 = tpu.memref_slice %arg6[%run_scoped3A, %add3A_129, %dma_start3A_165] : memref<2x10240x64xf32, #tpu.memory_space<hbm>> -> memref<1x128x64xf32, #tpu.memory_space<hbm>>
        %dma_start3A_167 = tpu.memref_squeeze %dma_start3A_166 : memref<1x128x64xf32, #tpu.memory_space<hbm>> -> memref<128x64xf32, #tpu.memory_space<hbm>>
        %dma_start3A_168 = arith.constant 0 : i32
        %dma_start3A_169 = tpu.memref_slice %arg6[%run_scoped3A, %add3A_129, %dma_start3A_168] : memref<2x10240x64xf32, #tpu.memory_space<hbm>> -> memref<1x128x64xf32, #tpu.memory_space<hbm>>
        %dma_start3A_170 = tpu.memref_squeeze %dma_start3A_169 : memref<1x128x64xf32, #tpu.memory_space<hbm>> -> memref<128x64xf32, #tpu.memory_space<hbm>>
        tpu.enqueue_dma source(%arg9 : memref<128x64xf32, #tpu.memory_space<vmem>>) target(%dma_start3A_170 : memref<128x64xf32, #tpu.memory_space<hbm>>) target_semaphore(%run_scoped3A_164 : memref<!tpu.dma_semaphore, #tpu.memory_space<semaphore_mem>>)
        %dma_wait3A_171 = arith.constant 0 : i32
        %dma_wait3A_172 = tpu.memref_slice %arg6[%run_scoped3A, %add3A_129, %dma_wait3A_171] : memref<2x10240x64xf32, #tpu.memory_space<hbm>> -> memref<1x128x64xf32, #tpu.memory_space<hbm>>
        %dma_wait3A_173 = tpu.memref_squeeze %dma_wait3A_172 : memref<1x128x64xf32, #tpu.memory_space<hbm>> -> memref<128x64xf32, #tpu.memory_space<hbm>>
        %dma_wait3A_174 = arith.constant 0 : i32
        %dma_wait3A_175 = tpu.memref_slice %arg6[%run_scoped3A, %add3A_129, %dma_wait3A_174] : memref<2x10240x64xf32, #tpu.memory_space<hbm>> -> memref<1x128x64xf32, #tpu.memory_space<hbm>>
        %dma_wait3A_176 = tpu.memref_squeeze %dma_wait3A_175 : memref<1x128x64xf32, #tpu.memory_space<hbm>> -> memref<128x64xf32, #tpu.memory_space<hbm>>
        tpu.wait_dma2 semaphore(%run_scoped3A_164 : memref<!tpu.dma_semaphore, #tpu.memory_space<semaphore_mem>>) src(%arg9 : memref<128x64xf32, #tpu.memory_space<vmem>>) dst(%dma_wait3A_176 : memref<128x64xf32, #tpu.memory_space<hbm>>)
        tpu.yield
      }) : () -> ()
    } else {
    }
    %add3A_140 = arith.constant 384 : i32
    %add3A_141 = arith.addi %mul3A_0, %add3A_140 : i32
    "tpu.region"() ({
      %run_scoped3A = tpu.sem_alloc : memref<!tpu.dma_semaphore, #tpu.memory_space<semaphore_mem>>
      %dma_start3A_164 = arith.constant 0 : i32
      %dma_start3A_165 = tpu.memref_slice %arg13[%add3A_141, %dma_start3A_164] : memref<10240x64xf32, #tpu.memory_space<vmem_shared>> -> memref<128x64xf32, #tpu.memory_space<vmem_shared>>
      %dma_start3A_166 = arith.constant 0 : i32
      %dma_start3A_167 = tpu.memref_slice %arg13[%add3A_141, %dma_start3A_166] : memref<10240x64xf32, #tpu.memory_space<vmem_shared>> -> memref<128x64xf32, #tpu.memory_space<vmem_shared>>
      tpu.enqueue_dma source(%dma_start3A_167 : memref<128x64xf32, #tpu.memory_space<vmem_shared>>) target(%arg9 : memref<128x64xf32, #tpu.memory_space<vmem>>) target_semaphore(%run_scoped3A : memref<!tpu.dma_semaphore, #tpu.memory_space<semaphore_mem>>)
      %dma_wait3A_168 = arith.constant 0 : i32
      %dma_wait3A_169 = tpu.memref_slice %arg13[%add3A_141, %dma_wait3A_168] : memref<10240x64xf32, #tpu.memory_space<vmem_shared>> -> memref<128x64xf32, #tpu.memory_space<vmem_shared>>
      %dma_wait3A_170 = arith.constant 0 : i32
      %dma_wait3A_171 = tpu.memref_slice %arg13[%add3A_141, %dma_wait3A_170] : memref<10240x64xf32, #tpu.memory_space<vmem_shared>> -> memref<128x64xf32, #tpu.memory_space<vmem_shared>>
      tpu.wait_dma2 semaphore(%run_scoped3A : memref<!tpu.dma_semaphore, #tpu.memory_space<semaphore_mem>>) src(%dma_wait3A_171 : memref<128x64xf32, #tpu.memory_space<vmem_shared>>) dst(%arg9 : memref<128x64xf32, #tpu.memory_space<vmem>>)
      tpu.yield
    }) : () -> ()
    %eq3A_142 = arith.constant 0 : i32
    %eq3A_143 = arith.cmpi eq, %arg0, %eq3A_142 : i32
    %convert_element_type3A_144 = arith.extui %eq3A_143 : i1 to i32
    %cond3A_145 = arith.constant 0 : i32
    %cond3A_146 = arith.cmpi ne, %convert_element_type3A_144, %cond3A_145 : i32
    scf.if %cond3A_146 {
      %run_scoped3A = arith.constant 0 : i32
      "tpu.region"() ({
        %run_scoped3A_164 = tpu.sem_alloc : memref<!tpu.dma_semaphore, #tpu.memory_space<semaphore_mem>>
        %dma_start3A_165 = arith.constant 0 : i32
        %dma_start3A_166 = tpu.memref_slice %arg6[%run_scoped3A, %add3A_141, %dma_start3A_165] : memref<2x10240x64xf32, #tpu.memory_space<hbm>> -> memref<1x128x64xf32, #tpu.memory_space<hbm>>
        %dma_start3A_167 = tpu.memref_squeeze %dma_start3A_166 : memref<1x128x64xf32, #tpu.memory_space<hbm>> -> memref<128x64xf32, #tpu.memory_space<hbm>>
        %dma_start3A_168 = arith.constant 0 : i32
        %dma_start3A_169 = tpu.memref_slice %arg6[%run_scoped3A, %add3A_141, %dma_start3A_168] : memref<2x10240x64xf32, #tpu.memory_space<hbm>> -> memref<1x128x64xf32, #tpu.memory_space<hbm>>
        %dma_start3A_170 = tpu.memref_squeeze %dma_start3A_169 : memref<1x128x64xf32, #tpu.memory_space<hbm>> -> memref<128x64xf32, #tpu.memory_space<hbm>>
        tpu.enqueue_dma source(%arg9 : memref<128x64xf32, #tpu.memory_space<vmem>>) target(%dma_start3A_170 : memref<128x64xf32, #tpu.memory_space<hbm>>) target_semaphore(%run_scoped3A_164 : memref<!tpu.dma_semaphore, #tpu.memory_space<semaphore_mem>>)
        %dma_wait3A_171 = arith.constant 0 : i32
        %dma_wait3A_172 = tpu.memref_slice %arg6[%run_scoped3A, %add3A_141, %dma_wait3A_171] : memref<2x10240x64xf32, #tpu.memory_space<hbm>> -> memref<1x128x64xf32, #tpu.memory_space<hbm>>
        %dma_wait3A_173 = tpu.memref_squeeze %dma_wait3A_172 : memref<1x128x64xf32, #tpu.memory_space<hbm>> -> memref<128x64xf32, #tpu.memory_space<hbm>>
        %dma_wait3A_174 = arith.constant 0 : i32
        %dma_wait3A_175 = tpu.memref_slice %arg6[%run_scoped3A, %add3A_141, %dma_wait3A_174] : memref<2x10240x64xf32, #tpu.memory_space<hbm>> -> memref<1x128x64xf32, #tpu.memory_space<hbm>>
        %dma_wait3A_176 = tpu.memref_squeeze %dma_wait3A_175 : memref<1x128x64xf32, #tpu.memory_space<hbm>> -> memref<128x64xf32, #tpu.memory_space<hbm>>
        tpu.wait_dma2 semaphore(%run_scoped3A_164 : memref<!tpu.dma_semaphore, #tpu.memory_space<semaphore_mem>>) src(%arg9 : memref<128x64xf32, #tpu.memory_space<vmem>>) dst(%dma_wait3A_176 : memref<128x64xf32, #tpu.memory_space<hbm>>)
        tpu.yield
      }) : () -> ()
    } else {
    }
    %eq3A_147 = arith.constant 1 : i32
    %eq3A_148 = arith.cmpi eq, %arg0, %eq3A_147 : i32
    %convert_element_type3A_149 = arith.extui %eq3A_148 : i1 to i32
    %cond3A_150 = arith.constant 0 : i32
    %cond3A_151 = arith.cmpi ne, %convert_element_type3A_149, %cond3A_150 : i32
    scf.if %cond3A_151 {
      %run_scoped3A = arith.constant 1 : i32
      "tpu.region"() ({
        %run_scoped3A_164 = tpu.sem_alloc : memref<!tpu.dma_semaphore, #tpu.memory_space<semaphore_mem>>
        %dma_start3A_165 = arith.constant 0 : i32
        %dma_start3A_166 = tpu.memref_slice %arg6[%run_scoped3A, %add3A_141, %dma_start3A_165] : memref<2x10240x64xf32, #tpu.memory_space<hbm>> -> memref<1x128x64xf32, #tpu.memory_space<hbm>>
        %dma_start3A_167 = tpu.memref_squeeze %dma_start3A_166 : memref<1x128x64xf32, #tpu.memory_space<hbm>> -> memref<128x64xf32, #tpu.memory_space<hbm>>
        %dma_start3A_168 = arith.constant 0 : i32
        %dma_start3A_169 = tpu.memref_slice %arg6[%run_scoped3A, %add3A_141, %dma_start3A_168] : memref<2x10240x64xf32, #tpu.memory_space<hbm>> -> memref<1x128x64xf32, #tpu.memory_space<hbm>>
        %dma_start3A_170 = tpu.memref_squeeze %dma_start3A_169 : memref<1x128x64xf32, #tpu.memory_space<hbm>> -> memref<128x64xf32, #tpu.memory_space<hbm>>
        tpu.enqueue_dma source(%arg9 : memref<128x64xf32, #tpu.memory_space<vmem>>) target(%dma_start3A_170 : memref<128x64xf32, #tpu.memory_space<hbm>>) target_semaphore(%run_scoped3A_164 : memref<!tpu.dma_semaphore, #tpu.memory_space<semaphore_mem>>)
        %dma_wait3A_171 = arith.constant 0 : i32
        %dma_wait3A_172 = tpu.memref_slice %arg6[%run_scoped3A, %add3A_141, %dma_wait3A_171] : memref<2x10240x64xf32, #tpu.memory_space<hbm>> -> memref<1x128x64xf32, #tpu.memory_space<hbm>>
        %dma_wait3A_173 = tpu.memref_squeeze %dma_wait3A_172 : memref<1x128x64xf32, #tpu.memory_space<hbm>> -> memref<128x64xf32, #tpu.memory_space<hbm>>
        %dma_wait3A_174 = arith.constant 0 : i32
        %dma_wait3A_175 = tpu.memref_slice %arg6[%run_scoped3A, %add3A_141, %dma_wait3A_174] : memref<2x10240x64xf32, #tpu.memory_space<hbm>> -> memref<1x128x64xf32, #tpu.memory_space<hbm>>
        %dma_wait3A_176 = tpu.memref_squeeze %dma_wait3A_175 : memref<1x128x64xf32, #tpu.memory_space<hbm>> -> memref<128x64xf32, #tpu.memory_space<hbm>>
        tpu.wait_dma2 semaphore(%run_scoped3A_164 : memref<!tpu.dma_semaphore, #tpu.memory_space<semaphore_mem>>) src(%arg9 : memref<128x64xf32, #tpu.memory_space<vmem>>) dst(%dma_wait3A_176 : memref<128x64xf32, #tpu.memory_space<hbm>>)
        tpu.yield
      }) : () -> ()
    } else {
    }
    %add3A_152 = arith.constant 512 : i32
    %add3A_153 = arith.addi %mul3A_0, %add3A_152 : i32
    "tpu.region"() ({
      %run_scoped3A = tpu.sem_alloc : memref<!tpu.dma_semaphore, #tpu.memory_space<semaphore_mem>>
      %dma_start3A_164 = arith.constant 0 : i32
      %dma_start3A_165 = tpu.memref_slice %arg13[%add3A_153, %dma_start3A_164] : memref<10240x64xf32, #tpu.memory_space<vmem_shared>> -> memref<128x64xf32, #tpu.memory_space<vmem_shared>>
      %dma_start3A_166 = arith.constant 0 : i32
      %dma_start3A_167 = tpu.memref_slice %arg13[%add3A_153, %dma_start3A_166] : memref<10240x64xf32, #tpu.memory_space<vmem_shared>> -> memref<128x64xf32, #tpu.memory_space<vmem_shared>>
      tpu.enqueue_dma source(%dma_start3A_167 : memref<128x64xf32, #tpu.memory_space<vmem_shared>>) target(%arg9 : memref<128x64xf32, #tpu.memory_space<vmem>>) target_semaphore(%run_scoped3A : memref<!tpu.dma_semaphore, #tpu.memory_space<semaphore_mem>>)
      %dma_wait3A_168 = arith.constant 0 : i32
      %dma_wait3A_169 = tpu.memref_slice %arg13[%add3A_153, %dma_wait3A_168] : memref<10240x64xf32, #tpu.memory_space<vmem_shared>> -> memref<128x64xf32, #tpu.memory_space<vmem_shared>>
      %dma_wait3A_170 = arith.constant 0 : i32
      %dma_wait3A_171 = tpu.memref_slice %arg13[%add3A_153, %dma_wait3A_170] : memref<10240x64xf32, #tpu.memory_space<vmem_shared>> -> memref<128x64xf32, #tpu.memory_space<vmem_shared>>
      tpu.wait_dma2 semaphore(%run_scoped3A : memref<!tpu.dma_semaphore, #tpu.memory_space<semaphore_mem>>) src(%dma_wait3A_171 : memref<128x64xf32, #tpu.memory_space<vmem_shared>>) dst(%arg9 : memref<128x64xf32, #tpu.memory_space<vmem>>)
      tpu.yield
    }) : () -> ()
    %eq3A_154 = arith.constant 0 : i32
    %eq3A_155 = arith.cmpi eq, %arg0, %eq3A_154 : i32
    %convert_element_type3A_156 = arith.extui %eq3A_155 : i1 to i32
    %cond3A_157 = arith.constant 0 : i32
    %cond3A_158 = arith.cmpi ne, %convert_element_type3A_156, %cond3A_157 : i32
    scf.if %cond3A_158 {
      %run_scoped3A = arith.constant 0 : i32
      "tpu.region"() ({
        %run_scoped3A_164 = tpu.sem_alloc : memref<!tpu.dma_semaphore, #tpu.memory_space<semaphore_mem>>
        %dma_start3A_165 = arith.constant 0 : i32
        %dma_start3A_166 = tpu.memref_slice %arg6[%run_scoped3A, %add3A_153, %dma_start3A_165] : memref<2x10240x64xf32, #tpu.memory_space<hbm>> -> memref<1x128x64xf32, #tpu.memory_space<hbm>>
        %dma_start3A_167 = tpu.memref_squeeze %dma_start3A_166 : memref<1x128x64xf32, #tpu.memory_space<hbm>> -> memref<128x64xf32, #tpu.memory_space<hbm>>
        %dma_start3A_168 = arith.constant 0 : i32
        %dma_start3A_169 = tpu.memref_slice %arg6[%run_scoped3A, %add3A_153, %dma_start3A_168] : memref<2x10240x64xf32, #tpu.memory_space<hbm>> -> memref<1x128x64xf32, #tpu.memory_space<hbm>>
        %dma_start3A_170 = tpu.memref_squeeze %dma_start3A_169 : memref<1x128x64xf32, #tpu.memory_space<hbm>> -> memref<128x64xf32, #tpu.memory_space<hbm>>
        tpu.enqueue_dma source(%arg9 : memref<128x64xf32, #tpu.memory_space<vmem>>) target(%dma_start3A_170 : memref<128x64xf32, #tpu.memory_space<hbm>>) target_semaphore(%run_scoped3A_164 : memref<!tpu.dma_semaphore, #tpu.memory_space<semaphore_mem>>)
        %dma_wait3A_171 = arith.constant 0 : i32
        %dma_wait3A_172 = tpu.memref_slice %arg6[%run_scoped3A, %add3A_153, %dma_wait3A_171] : memref<2x10240x64xf32, #tpu.memory_space<hbm>> -> memref<1x128x64xf32, #tpu.memory_space<hbm>>
        %dma_wait3A_173 = tpu.memref_squeeze %dma_wait3A_172 : memref<1x128x64xf32, #tpu.memory_space<hbm>> -> memref<128x64xf32, #tpu.memory_space<hbm>>
        %dma_wait3A_174 = arith.constant 0 : i32
        %dma_wait3A_175 = tpu.memref_slice %arg6[%run_scoped3A, %add3A_153, %dma_wait3A_174] : memref<2x10240x64xf32, #tpu.memory_space<hbm>> -> memref<1x128x64xf32, #tpu.memory_space<hbm>>
        %dma_wait3A_176 = tpu.memref_squeeze %dma_wait3A_175 : memref<1x128x64xf32, #tpu.memory_space<hbm>> -> memref<128x64xf32, #tpu.memory_space<hbm>>
        tpu.wait_dma2 semaphore(%run_scoped3A_164 : memref<!tpu.dma_semaphore, #tpu.memory_space<semaphore_mem>>) src(%arg9 : memref<128x64xf32, #tpu.memory_space<vmem>>) dst(%dma_wait3A_176 : memref<128x64xf32, #tpu.memory_space<hbm>>)
        tpu.yield
      }) : () -> ()
    } else {
    }
    %eq3A_159 = arith.constant 1 : i32
    %eq3A_160 = arith.cmpi eq, %arg0, %eq3A_159 : i32
    %convert_element_type3A_161 = arith.extui %eq3A_160 : i1 to i32
    %cond3A_162 = arith.constant 0 : i32
    %cond3A_163 = arith.cmpi ne, %convert_element_type3A_161, %cond3A_162 : i32
    scf.if %cond3A_163 {
      %run_scoped3A = arith.constant 1 : i32
      "tpu.region"() ({
        %run_scoped3A_164 = tpu.sem_alloc : memref<!tpu.dma_semaphore, #tpu.memory_space<semaphore_mem>>
        %dma_start3A_165 = arith.constant 0 : i32
        %dma_start3A_166 = tpu.memref_slice %arg6[%run_scoped3A, %add3A_153, %dma_start3A_165] : memref<2x10240x64xf32, #tpu.memory_space<hbm>> -> memref<1x128x64xf32, #tpu.memory_space<hbm>>
        %dma_start3A_167 = tpu.memref_squeeze %dma_start3A_166 : memref<1x128x64xf32, #tpu.memory_space<hbm>> -> memref<128x64xf32, #tpu.memory_space<hbm>>
        %dma_start3A_168 = arith.constant 0 : i32
        %dma_start3A_169 = tpu.memref_slice %arg6[%run_scoped3A, %add3A_153, %dma_start3A_168] : memref<2x10240x64xf32, #tpu.memory_space<hbm>> -> memref<1x128x64xf32, #tpu.memory_space<hbm>>
        %dma_start3A_170 = tpu.memref_squeeze %dma_start3A_169 : memref<1x128x64xf32, #tpu.memory_space<hbm>> -> memref<128x64xf32, #tpu.memory_space<hbm>>
        tpu.enqueue_dma source(%arg9 : memref<128x64xf32, #tpu.memory_space<vmem>>) target(%dma_start3A_170 : memref<128x64xf32, #tpu.memory_space<hbm>>) target_semaphore(%run_scoped3A_164 : memref<!tpu.dma_semaphore, #tpu.memory_space<semaphore_mem>>)
        %dma_wait3A_171 = arith.constant 0 : i32
        %dma_wait3A_172 = tpu.memref_slice %arg6[%run_scoped3A, %add3A_153, %dma_wait3A_171] : memref<2x10240x64xf32, #tpu.memory_space<hbm>> -> memref<1x128x64xf32, #tpu.memory_space<hbm>>
        %dma_wait3A_173 = tpu.memref_squeeze %dma_wait3A_172 : memref<1x128x64xf32, #tpu.memory_space<hbm>> -> memref<128x64xf32, #tpu.memory_space<hbm>>
        %dma_wait3A_174 = arith.constant 0 : i32
        %dma_wait3A_175 = tpu.memref_slice %arg6[%run_scoped3A, %add3A_153, %dma_wait3A_174] : memref<2x10240x64xf32, #tpu.memory_space<hbm>> -> memref<1x128x64xf32, #tpu.memory_space<hbm>>
        %dma_wait3A_176 = tpu.memref_squeeze %dma_wait3A_175 : memref<1x128x64xf32, #tpu.memory_space<hbm>> -> memref<128x64xf32, #tpu.memory_space<hbm>>
        tpu.wait_dma2 semaphore(%run_scoped3A_164 : memref<!tpu.dma_semaphore, #tpu.memory_space<semaphore_mem>>) src(%arg9 : memref<128x64xf32, #tpu.memory_space<vmem>>) dst(%dma_wait3A_176 : memref<128x64xf32, #tpu.memory_space<hbm>>)
        tpu.yield
      }) : () -> ()
    } else {
    }
    return
  }
}

#map = affine_map<(d0, d1) -> (0, 0)>
#map1 = affine_map<(d0, d1) -> (0, 0, 0)>
module attributes {stable_mosaic.version = 14 : i64} {
  func.func @agg_kernel(%arg0: i32, %arg1: i32, %arg2: memref<10240x64xf32, #tpu.memory_space<hbm>>, %arg3: memref<10240x64xf32, #tpu.memory_space<hbm>>, %arg4: memref<10240x64xf32, #tpu.memory_space<hbm>>, %arg5: memref<10240x64xf32, #tpu.memory_space<hbm>>, %arg6: memref<2560x128xi32, #tpu.memory_space<hbm>>, %arg7: memref<2560x128xi32, #tpu.memory_space<hbm>>, %arg8: memref<4x10240x64xf32, #tpu.memory_space<hbm>>, %arg9: memref<2x32x128xi32, #tpu.memory_space<vmem>>, %arg10: memref<2x32x128xi32, #tpu.memory_space<vmem>>, %arg11: memref<128x64xf32, #tpu.memory_space<vmem>>, %arg12: memref<128x64xf32, #tpu.memory_space<vmem>>, %arg13: memref<128x64xf32, #tpu.memory_space<vmem>>, %arg14: memref<10240x64xf32, #tpu.memory_space<vmem_shared>>, %arg15: memref<10240x64xf32, #tpu.memory_space<vmem_shared>>, %arg16: memref<!tpu.dma_semaphore, #tpu.memory_space<semaphore_mem>>, %arg17: memref<!tpu.dma_semaphore, #tpu.memory_space<semaphore_mem>>, %arg18: memref<!tpu.dma_semaphore, #tpu.memory_space<semaphore_mem>>, %arg19: memref<!tpu.dma_semaphore, #tpu.memory_space<semaphore_mem>>, %arg20: memref<!tpu.dma_semaphore, #tpu.memory_space<semaphore_mem>>) attributes {dimension_semantics = [#tpu.dimension_semantics<core_parallel>, #tpu.dimension_semantics<subcore_parallel>], iteration_bounds = array<i64: 2, 16>, scalar_prefetch = 0 : i64, scratch_operands = 12 : i64, tpu.core_type = #tpu.core_type<sc_vector_subcore>, window_params = [{transform_indices = #map}, {transform_indices = #map}, {transform_indices = #map}, {transform_indices = #map}, {transform_indices = #map}, {transform_indices = #map}, {transform_indices = #map1}]} {
    %mul3A = arith.constant 640 : i32
    %mul3A_0 = arith.muli %arg1, %mul3A : i32
    %broadcast_in_dim3A = arith.constant 0.000000e+00 : f32
    %broadcast_in_dim3A_1 = vector.broadcast %broadcast_in_dim3A : f32 to vector<16xf32>
    %scan3A = arith.constant 0 : i32
    %scan3A_2 = arith.constant 0 : i32
    %scan3A_3 = arith.constant 128 : i32
    %scan3A_4 = arith.addi %scan3A_2, %scan3A_3 : i32
    %scan3A_5 = arith.constant 1 : i32
    scf.for %scan3A_329 = %scan3A_2 to %scan3A_4 step %scan3A_5  : i32 {
      %swap3A = arith.index_cast %scan3A_329 : i32 to index
      %swap3A_330 = arith.constant 0 : index
      %swap3A_331 = tpu.vector_load %arg13[%swap3A, %swap3A_330] {strides = array<i32>} : memref<128x64xf32, #tpu.memory_space<vmem>>, vector<1x16xf32>,
      %swap3A_332 = vector.shape_cast %swap3A_331 : vector<1x16xf32> to vector<16xf32>
      %swap3A_333 = vector.shape_cast %broadcast_in_dim3A_1 : vector<16xf32> to vector<1x16xf32>
      tpu.vector_store %arg13[%swap3A, %swap3A_330], %swap3A_333 {strides = array<i32>} : memref<128x64xf32, #tpu.memory_space<vmem>>, vector<1x16xf32>,
      %swap3A_334 = arith.index_cast %scan3A_329 : i32 to index
      %swap3A_335 = arith.constant 16 : index
      %swap3A_336 = tpu.vector_load %arg13[%swap3A_334, %swap3A_335] {strides = array<i32>} : memref<128x64xf32, #tpu.memory_space<vmem>>, vector<1x16xf32>,
      %swap3A_337 = vector.shape_cast %swap3A_336 : vector<1x16xf32> to vector<16xf32>
      %swap3A_338 = vector.shape_cast %broadcast_in_dim3A_1 : vector<16xf32> to vector<1x16xf32>
      tpu.vector_store %arg13[%swap3A_334, %swap3A_335], %swap3A_338 {strides = array<i32>} : memref<128x64xf32, #tpu.memory_space<vmem>>, vector<1x16xf32>,
      %swap3A_339 = arith.index_cast %scan3A_329 : i32 to index
      %swap3A_340 = arith.constant 32 : index
      %swap3A_341 = tpu.vector_load %arg13[%swap3A_339, %swap3A_340] {strides = array<i32>} : memref<128x64xf32, #tpu.memory_space<vmem>>, vector<1x16xf32>,
      %swap3A_342 = vector.shape_cast %swap3A_341 : vector<1x16xf32> to vector<16xf32>
      %swap3A_343 = vector.shape_cast %broadcast_in_dim3A_1 : vector<16xf32> to vector<1x16xf32>
      tpu.vector_store %arg13[%swap3A_339, %swap3A_340], %swap3A_343 {strides = array<i32>} : memref<128x64xf32, #tpu.memory_space<vmem>>, vector<1x16xf32>,
      %swap3A_344 = arith.index_cast %scan3A_329 : i32 to index
      %swap3A_345 = arith.constant 48 : index
      %swap3A_346 = tpu.vector_load %arg13[%swap3A_344, %swap3A_345] {strides = array<i32>} : memref<128x64xf32, #tpu.memory_space<vmem>>, vector<1x16xf32>,
      %swap3A_347 = vector.shape_cast %swap3A_346 : vector<1x16xf32> to vector<16xf32>
      %swap3A_348 = vector.shape_cast %broadcast_in_dim3A_1 : vector<16xf32> to vector<1x16xf32>
      tpu.vector_store %arg13[%swap3A_344, %swap3A_345], %swap3A_348 {strides = array<i32>} : memref<128x64xf32, #tpu.memory_space<vmem>>, vector<1x16xf32>,
    }
    %scan3A_6 = arith.constant 128 : i32
    %add3A = arith.constant 0 : i32
    %add3A_7 = arith.addi %mul3A_0, %add3A : i32
    %eq3A = arith.constant 0 : i32
    %eq3A_8 = arith.cmpi eq, %arg0, %eq3A : i32
    %convert_element_type3A = arith.extui %eq3A_8 : i1 to i32
    %cond3A = arith.constant 0 : i32
    %cond3A_9 = arith.cmpi ne, %convert_element_type3A, %cond3A : i32
    scf.if %cond3A_9 {
      "tpu.region"() ({
        %run_scoped3A = tpu.sem_alloc : memref<!tpu.dma_semaphore, #tpu.memory_space<semaphore_mem>>
        %dma_start3A_329 = arith.constant 0 : i32
        %dma_start3A_330 = tpu.memref_slice %arg2[%add3A_7, %dma_start3A_329] : memref<10240x64xf32, #tpu.memory_space<hbm>> -> memref<128x64xf32, #tpu.memory_space<hbm>>
        %dma_start3A_331 = arith.constant 0 : i32
        %dma_start3A_332 = tpu.memref_slice %arg2[%add3A_7, %dma_start3A_331] : memref<10240x64xf32, #tpu.memory_space<hbm>> -> memref<128x64xf32, #tpu.memory_space<hbm>>
        tpu.enqueue_dma source(%dma_start3A_332 : memref<128x64xf32, #tpu.memory_space<hbm>>) target(%arg11 : memref<128x64xf32, #tpu.memory_space<vmem>>) target_semaphore(%run_scoped3A : memref<!tpu.dma_semaphore, #tpu.memory_space<semaphore_mem>>)
        %dma_wait3A_333 = arith.constant 0 : i32
        %dma_wait3A_334 = tpu.memref_slice %arg2[%add3A_7, %dma_wait3A_333] : memref<10240x64xf32, #tpu.memory_space<hbm>> -> memref<128x64xf32, #tpu.memory_space<hbm>>
        %dma_wait3A_335 = arith.constant 0 : i32
        %dma_wait3A_336 = tpu.memref_slice %arg2[%add3A_7, %dma_wait3A_335] : memref<10240x64xf32, #tpu.memory_space<hbm>> -> memref<128x64xf32, #tpu.memory_space<hbm>>
        tpu.wait_dma2 semaphore(%run_scoped3A : memref<!tpu.dma_semaphore, #tpu.memory_space<semaphore_mem>>) src(%dma_wait3A_336 : memref<128x64xf32, #tpu.memory_space<hbm>>) dst(%arg11 : memref<128x64xf32, #tpu.memory_space<vmem>>)
        tpu.yield
      }) : () -> ()
    } else {
    }
    %eq3A_10 = arith.constant 1 : i32
    %eq3A_11 = arith.cmpi eq, %arg0, %eq3A_10 : i32
    %convert_element_type3A_12 = arith.extui %eq3A_11 : i1 to i32
    %cond3A_13 = arith.constant 0 : i32
    %cond3A_14 = arith.cmpi ne, %convert_element_type3A_12, %cond3A_13 : i32
    scf.if %cond3A_14 {
      "tpu.region"() ({
        %run_scoped3A = tpu.sem_alloc : memref<!tpu.dma_semaphore, #tpu.memory_space<semaphore_mem>>
        %dma_start3A_329 = arith.constant 0 : i32
        %dma_start3A_330 = tpu.memref_slice %arg3[%add3A_7, %dma_start3A_329] : memref<10240x64xf32, #tpu.memory_space<hbm>> -> memref<128x64xf32, #tpu.memory_space<hbm>>
        %dma_start3A_331 = arith.constant 0 : i32
        %dma_start3A_332 = tpu.memref_slice %arg3[%add3A_7, %dma_start3A_331] : memref<10240x64xf32, #tpu.memory_space<hbm>> -> memref<128x64xf32, #tpu.memory_space<hbm>>
        tpu.enqueue_dma source(%dma_start3A_332 : memref<128x64xf32, #tpu.memory_space<hbm>>) target(%arg11 : memref<128x64xf32, #tpu.memory_space<vmem>>) target_semaphore(%run_scoped3A : memref<!tpu.dma_semaphore, #tpu.memory_space<semaphore_mem>>)
        %dma_wait3A_333 = arith.constant 0 : i32
        %dma_wait3A_334 = tpu.memref_slice %arg3[%add3A_7, %dma_wait3A_333] : memref<10240x64xf32, #tpu.memory_space<hbm>> -> memref<128x64xf32, #tpu.memory_space<hbm>>
        %dma_wait3A_335 = arith.constant 0 : i32
        %dma_wait3A_336 = tpu.memref_slice %arg3[%add3A_7, %dma_wait3A_335] : memref<10240x64xf32, #tpu.memory_space<hbm>> -> memref<128x64xf32, #tpu.memory_space<hbm>>
        tpu.wait_dma2 semaphore(%run_scoped3A : memref<!tpu.dma_semaphore, #tpu.memory_space<semaphore_mem>>) src(%dma_wait3A_336 : memref<128x64xf32, #tpu.memory_space<hbm>>) dst(%arg11 : memref<128x64xf32, #tpu.memory_space<vmem>>)
        tpu.yield
      }) : () -> ()
    } else {
    }
    "tpu.region"() ({
      %run_scoped3A = tpu.sem_alloc : memref<!tpu.dma_semaphore, #tpu.memory_space<semaphore_mem>>
      %dma_start3A_329 = arith.constant 0 : i32
      %dma_start3A_330 = tpu.memref_slice %arg14[%add3A_7, %dma_start3A_329] : memref<10240x64xf32, #tpu.memory_space<vmem_shared>> -> memref<128x64xf32, #tpu.memory_space<vmem_shared>>
      %dma_start3A_331 = arith.constant 0 : i32
      %dma_start3A_332 = tpu.memref_slice %arg14[%add3A_7, %dma_start3A_331] : memref<10240x64xf32, #tpu.memory_space<vmem_shared>> -> memref<128x64xf32, #tpu.memory_space<vmem_shared>>
      tpu.enqueue_dma source(%arg11 : memref<128x64xf32, #tpu.memory_space<vmem>>) target(%dma_start3A_332 : memref<128x64xf32, #tpu.memory_space<vmem_shared>>) target_semaphore(%run_scoped3A : memref<!tpu.dma_semaphore, #tpu.memory_space<semaphore_mem>>)
      %dma_wait3A_333 = arith.constant 0 : i32
      %dma_wait3A_334 = tpu.memref_slice %arg14[%add3A_7, %dma_wait3A_333] : memref<10240x64xf32, #tpu.memory_space<vmem_shared>> -> memref<128x64xf32, #tpu.memory_space<vmem_shared>>
      %dma_wait3A_335 = arith.constant 0 : i32
      %dma_wait3A_336 = tpu.memref_slice %arg14[%add3A_7, %dma_wait3A_335] : memref<10240x64xf32, #tpu.memory_space<vmem_shared>> -> memref<128x64xf32, #tpu.memory_space<vmem_shared>>
      tpu.wait_dma2 semaphore(%run_scoped3A : memref<!tpu.dma_semaphore, #tpu.memory_space<semaphore_mem>>) src(%arg11 : memref<128x64xf32, #tpu.memory_space<vmem>>) dst(%dma_wait3A_336 : memref<128x64xf32, #tpu.memory_space<vmem_shared>>)
      tpu.yield
    }) : () -> ()
    "tpu.region"() ({
      %run_scoped3A = tpu.sem_alloc : memref<!tpu.dma_semaphore, #tpu.memory_space<semaphore_mem>>
      %dma_start3A_329 = arith.constant 0 : i32
      %dma_start3A_330 = tpu.memref_slice %arg15[%add3A_7, %dma_start3A_329] : memref<10240x64xf32, #tpu.memory_space<vmem_shared>> -> memref<128x64xf32, #tpu.memory_space<vmem_shared>>
      %dma_start3A_331 = arith.constant 0 : i32
      %dma_start3A_332 = tpu.memref_slice %arg15[%add3A_7, %dma_start3A_331] : memref<10240x64xf32, #tpu.memory_space<vmem_shared>> -> memref<128x64xf32, #tpu.memory_space<vmem_shared>>
      tpu.enqueue_dma source(%arg13 : memref<128x64xf32, #tpu.memory_space<vmem>>) target(%dma_start3A_332 : memref<128x64xf32, #tpu.memory_space<vmem_shared>>) target_semaphore(%run_scoped3A : memref<!tpu.dma_semaphore, #tpu.memory_space<semaphore_mem>>)
      %dma_wait3A_333 = arith.constant 0 : i32
      %dma_wait3A_334 = tpu.memref_slice %arg15[%add3A_7, %dma_wait3A_333] : memref<10240x64xf32, #tpu.memory_space<vmem_shared>> -> memref<128x64xf32, #tpu.memory_space<vmem_shared>>
      %dma_wait3A_335 = arith.constant 0 : i32
      %dma_wait3A_336 = tpu.memref_slice %arg15[%add3A_7, %dma_wait3A_335] : memref<10240x64xf32, #tpu.memory_space<vmem_shared>> -> memref<128x64xf32, #tpu.memory_space<vmem_shared>>
      tpu.wait_dma2 semaphore(%run_scoped3A : memref<!tpu.dma_semaphore, #tpu.memory_space<semaphore_mem>>) src(%arg13 : memref<128x64xf32, #tpu.memory_space<vmem>>) dst(%dma_wait3A_336 : memref<128x64xf32, #tpu.memory_space<vmem_shared>>)
      tpu.yield
    }) : () -> ()
    %add3A_15 = arith.constant 128 : i32
    %add3A_16 = arith.addi %mul3A_0, %add3A_15 : i32
    %eq3A_17 = arith.constant 0 : i32
    %eq3A_18 = arith.cmpi eq, %arg0, %eq3A_17 : i32
    %convert_element_type3A_19 = arith.extui %eq3A_18 : i1 to i32
    %cond3A_20 = arith.constant 0 : i32
    %cond3A_21 = arith.cmpi ne, %convert_element_type3A_19, %cond3A_20 : i32
    scf.if %cond3A_21 {
      "tpu.region"() ({
        %run_scoped3A = tpu.sem_alloc : memref<!tpu.dma_semaphore, #tpu.memory_space<semaphore_mem>>
        %dma_start3A_329 = arith.constant 0 : i32
        %dma_start3A_330 = tpu.memref_slice %arg2[%add3A_16, %dma_start3A_329] : memref<10240x64xf32, #tpu.memory_space<hbm>> -> memref<128x64xf32, #tpu.memory_space<hbm>>
        %dma_start3A_331 = arith.constant 0 : i32
        %dma_start3A_332 = tpu.memref_slice %arg2[%add3A_16, %dma_start3A_331] : memref<10240x64xf32, #tpu.memory_space<hbm>> -> memref<128x64xf32, #tpu.memory_space<hbm>>
        tpu.enqueue_dma source(%dma_start3A_332 : memref<128x64xf32, #tpu.memory_space<hbm>>) target(%arg11 : memref<128x64xf32, #tpu.memory_space<vmem>>) target_semaphore(%run_scoped3A : memref<!tpu.dma_semaphore, #tpu.memory_space<semaphore_mem>>)
        %dma_wait3A_333 = arith.constant 0 : i32
        %dma_wait3A_334 = tpu.memref_slice %arg2[%add3A_16, %dma_wait3A_333] : memref<10240x64xf32, #tpu.memory_space<hbm>> -> memref<128x64xf32, #tpu.memory_space<hbm>>
        %dma_wait3A_335 = arith.constant 0 : i32
        %dma_wait3A_336 = tpu.memref_slice %arg2[%add3A_16, %dma_wait3A_335] : memref<10240x64xf32, #tpu.memory_space<hbm>> -> memref<128x64xf32, #tpu.memory_space<hbm>>
        tpu.wait_dma2 semaphore(%run_scoped3A : memref<!tpu.dma_semaphore, #tpu.memory_space<semaphore_mem>>) src(%dma_wait3A_336 : memref<128x64xf32, #tpu.memory_space<hbm>>) dst(%arg11 : memref<128x64xf32, #tpu.memory_space<vmem>>)
        tpu.yield
      }) : () -> ()
    } else {
    }
    %eq3A_22 = arith.constant 1 : i32
    %eq3A_23 = arith.cmpi eq, %arg0, %eq3A_22 : i32
    %convert_element_type3A_24 = arith.extui %eq3A_23 : i1 to i32
    %cond3A_25 = arith.constant 0 : i32
    %cond3A_26 = arith.cmpi ne, %convert_element_type3A_24, %cond3A_25 : i32
    scf.if %cond3A_26 {
      "tpu.region"() ({
        %run_scoped3A = tpu.sem_alloc : memref<!tpu.dma_semaphore, #tpu.memory_space<semaphore_mem>>
        %dma_start3A_329 = arith.constant 0 : i32
        %dma_start3A_330 = tpu.memref_slice %arg3[%add3A_16, %dma_start3A_329] : memref<10240x64xf32, #tpu.memory_space<hbm>> -> memref<128x64xf32, #tpu.memory_space<hbm>>
        %dma_start3A_331 = arith.constant 0 : i32
        %dma_start3A_332 = tpu.memref_slice %arg3[%add3A_16, %dma_start3A_331] : memref<10240x64xf32, #tpu.memory_space<hbm>> -> memref<128x64xf32, #tpu.memory_space<hbm>>
        tpu.enqueue_dma source(%dma_start3A_332 : memref<128x64xf32, #tpu.memory_space<hbm>>) target(%arg11 : memref<128x64xf32, #tpu.memory_space<vmem>>) target_semaphore(%run_scoped3A : memref<!tpu.dma_semaphore, #tpu.memory_space<semaphore_mem>>)
        %dma_wait3A_333 = arith.constant 0 : i32
        %dma_wait3A_334 = tpu.memref_slice %arg3[%add3A_16, %dma_wait3A_333] : memref<10240x64xf32, #tpu.memory_space<hbm>> -> memref<128x64xf32, #tpu.memory_space<hbm>>
        %dma_wait3A_335 = arith.constant 0 : i32
        %dma_wait3A_336 = tpu.memref_slice %arg3[%add3A_16, %dma_wait3A_335] : memref<10240x64xf32, #tpu.memory_space<hbm>> -> memref<128x64xf32, #tpu.memory_space<hbm>>
        tpu.wait_dma2 semaphore(%run_scoped3A : memref<!tpu.dma_semaphore, #tpu.memory_space<semaphore_mem>>) src(%dma_wait3A_336 : memref<128x64xf32, #tpu.memory_space<hbm>>) dst(%arg11 : memref<128x64xf32, #tpu.memory_space<vmem>>)
        tpu.yield
      }) : () -> ()
    } else {
    }
    "tpu.region"() ({
      %run_scoped3A = tpu.sem_alloc : memref<!tpu.dma_semaphore, #tpu.memory_space<semaphore_mem>>
      %dma_start3A_329 = arith.constant 0 : i32
      %dma_start3A_330 = tpu.memref_slice %arg14[%add3A_16, %dma_start3A_329] : memref<10240x64xf32, #tpu.memory_space<vmem_shared>> -> memref<128x64xf32, #tpu.memory_space<vmem_shared>>
      %dma_start3A_331 = arith.constant 0 : i32
      %dma_start3A_332 = tpu.memref_slice %arg14[%add3A_16, %dma_start3A_331] : memref<10240x64xf32, #tpu.memory_space<vmem_shared>> -> memref<128x64xf32, #tpu.memory_space<vmem_shared>>
      tpu.enqueue_dma source(%arg11 : memref<128x64xf32, #tpu.memory_space<vmem>>) target(%dma_start3A_332 : memref<128x64xf32, #tpu.memory_space<vmem_shared>>) target_semaphore(%run_scoped3A : memref<!tpu.dma_semaphore, #tpu.memory_space<semaphore_mem>>)
      %dma_wait3A_333 = arith.constant 0 : i32
      %dma_wait3A_334 = tpu.memref_slice %arg14[%add3A_16, %dma_wait3A_333] : memref<10240x64xf32, #tpu.memory_space<vmem_shared>> -> memref<128x64xf32, #tpu.memory_space<vmem_shared>>
      %dma_wait3A_335 = arith.constant 0 : i32
      %dma_wait3A_336 = tpu.memref_slice %arg14[%add3A_16, %dma_wait3A_335] : memref<10240x64xf32, #tpu.memory_space<vmem_shared>> -> memref<128x64xf32, #tpu.memory_space<vmem_shared>>
      tpu.wait_dma2 semaphore(%run_scoped3A : memref<!tpu.dma_semaphore, #tpu.memory_space<semaphore_mem>>) src(%arg11 : memref<128x64xf32, #tpu.memory_space<vmem>>) dst(%dma_wait3A_336 : memref<128x64xf32, #tpu.memory_space<vmem_shared>>)
      tpu.yield
    }) : () -> ()
    "tpu.region"() ({
      %run_scoped3A = tpu.sem_alloc : memref<!tpu.dma_semaphore, #tpu.memory_space<semaphore_mem>>
      %dma_start3A_329 = arith.constant 0 : i32
      %dma_start3A_330 = tpu.memref_slice %arg15[%add3A_16, %dma_start3A_329] : memref<10240x64xf32, #tpu.memory_space<vmem_shared>> -> memref<128x64xf32, #tpu.memory_space<vmem_shared>>
      %dma_start3A_331 = arith.constant 0 : i32
      %dma_start3A_332 = tpu.memref_slice %arg15[%add3A_16, %dma_start3A_331] : memref<10240x64xf32, #tpu.memory_space<vmem_shared>> -> memref<128x64xf32, #tpu.memory_space<vmem_shared>>
      tpu.enqueue_dma source(%arg13 : memref<128x64xf32, #tpu.memory_space<vmem>>) target(%dma_start3A_332 : memref<128x64xf32, #tpu.memory_space<vmem_shared>>) target_semaphore(%run_scoped3A : memref<!tpu.dma_semaphore, #tpu.memory_space<semaphore_mem>>)
      %dma_wait3A_333 = arith.constant 0 : i32
      %dma_wait3A_334 = tpu.memref_slice %arg15[%add3A_16, %dma_wait3A_333] : memref<10240x64xf32, #tpu.memory_space<vmem_shared>> -> memref<128x64xf32, #tpu.memory_space<vmem_shared>>
      %dma_wait3A_335 = arith.constant 0 : i32
      %dma_wait3A_336 = tpu.memref_slice %arg15[%add3A_16, %dma_wait3A_335] : memref<10240x64xf32, #tpu.memory_space<vmem_shared>> -> memref<128x64xf32, #tpu.memory_space<vmem_shared>>
      tpu.wait_dma2 semaphore(%run_scoped3A : memref<!tpu.dma_semaphore, #tpu.memory_space<semaphore_mem>>) src(%arg13 : memref<128x64xf32, #tpu.memory_space<vmem>>) dst(%dma_wait3A_336 : memref<128x64xf32, #tpu.memory_space<vmem_shared>>)
      tpu.yield
    }) : () -> ()
    %add3A_27 = arith.constant 256 : i32
    %add3A_28 = arith.addi %mul3A_0, %add3A_27 : i32
    %eq3A_29 = arith.constant 0 : i32
    %eq3A_30 = arith.cmpi eq, %arg0, %eq3A_29 : i32
    %convert_element_type3A_31 = arith.extui %eq3A_30 : i1 to i32
    %cond3A_32 = arith.constant 0 : i32
    %cond3A_33 = arith.cmpi ne, %convert_element_type3A_31, %cond3A_32 : i32
    scf.if %cond3A_33 {
      "tpu.region"() ({
        %run_scoped3A = tpu.sem_alloc : memref<!tpu.dma_semaphore, #tpu.memory_space<semaphore_mem>>
        %dma_start3A_329 = arith.constant 0 : i32
        %dma_start3A_330 = tpu.memref_slice %arg2[%add3A_28, %dma_start3A_329] : memref<10240x64xf32, #tpu.memory_space<hbm>> -> memref<128x64xf32, #tpu.memory_space<hbm>>
        %dma_start3A_331 = arith.constant 0 : i32
        %dma_start3A_332 = tpu.memref_slice %arg2[%add3A_28, %dma_start3A_331] : memref<10240x64xf32, #tpu.memory_space<hbm>> -> memref<128x64xf32, #tpu.memory_space<hbm>>
        tpu.enqueue_dma source(%dma_start3A_332 : memref<128x64xf32, #tpu.memory_space<hbm>>) target(%arg11 : memref<128x64xf32, #tpu.memory_space<vmem>>) target_semaphore(%run_scoped3A : memref<!tpu.dma_semaphore, #tpu.memory_space<semaphore_mem>>)
        %dma_wait3A_333 = arith.constant 0 : i32
        %dma_wait3A_334 = tpu.memref_slice %arg2[%add3A_28, %dma_wait3A_333] : memref<10240x64xf32, #tpu.memory_space<hbm>> -> memref<128x64xf32, #tpu.memory_space<hbm>>
        %dma_wait3A_335 = arith.constant 0 : i32
        %dma_wait3A_336 = tpu.memref_slice %arg2[%add3A_28, %dma_wait3A_335] : memref<10240x64xf32, #tpu.memory_space<hbm>> -> memref<128x64xf32, #tpu.memory_space<hbm>>
        tpu.wait_dma2 semaphore(%run_scoped3A : memref<!tpu.dma_semaphore, #tpu.memory_space<semaphore_mem>>) src(%dma_wait3A_336 : memref<128x64xf32, #tpu.memory_space<hbm>>) dst(%arg11 : memref<128x64xf32, #tpu.memory_space<vmem>>)
        tpu.yield
      }) : () -> ()
    } else {
    }
    %eq3A_34 = arith.constant 1 : i32
    %eq3A_35 = arith.cmpi eq, %arg0, %eq3A_34 : i32
    %convert_element_type3A_36 = arith.extui %eq3A_35 : i1 to i32
    %cond3A_37 = arith.constant 0 : i32
    %cond3A_38 = arith.cmpi ne, %convert_element_type3A_36, %cond3A_37 : i32
    scf.if %cond3A_38 {
      "tpu.region"() ({
        %run_scoped3A = tpu.sem_alloc : memref<!tpu.dma_semaphore, #tpu.memory_space<semaphore_mem>>
        %dma_start3A_329 = arith.constant 0 : i32
        %dma_start3A_330 = tpu.memref_slice %arg3[%add3A_28, %dma_start3A_329] : memref<10240x64xf32, #tpu.memory_space<hbm>> -> memref<128x64xf32, #tpu.memory_space<hbm>>
        %dma_start3A_331 = arith.constant 0 : i32
        %dma_start3A_332 = tpu.memref_slice %arg3[%add3A_28, %dma_start3A_331] : memref<10240x64xf32, #tpu.memory_space<hbm>> -> memref<128x64xf32, #tpu.memory_space<hbm>>
        tpu.enqueue_dma source(%dma_start3A_332 : memref<128x64xf32, #tpu.memory_space<hbm>>) target(%arg11 : memref<128x64xf32, #tpu.memory_space<vmem>>) target_semaphore(%run_scoped3A : memref<!tpu.dma_semaphore, #tpu.memory_space<semaphore_mem>>)
        %dma_wait3A_333 = arith.constant 0 : i32
        %dma_wait3A_334 = tpu.memref_slice %arg3[%add3A_28, %dma_wait3A_333] : memref<10240x64xf32, #tpu.memory_space<hbm>> -> memref<128x64xf32, #tpu.memory_space<hbm>>
        %dma_wait3A_335 = arith.constant 0 : i32
        %dma_wait3A_336 = tpu.memref_slice %arg3[%add3A_28, %dma_wait3A_335] : memref<10240x64xf32, #tpu.memory_space<hbm>> -> memref<128x64xf32, #tpu.memory_space<hbm>>
        tpu.wait_dma2 semaphore(%run_scoped3A : memref<!tpu.dma_semaphore, #tpu.memory_space<semaphore_mem>>) src(%dma_wait3A_336 : memref<128x64xf32, #tpu.memory_space<hbm>>) dst(%arg11 : memref<128x64xf32, #tpu.memory_space<vmem>>)
        tpu.yield
      }) : () -> ()
    } else {
    }
    "tpu.region"() ({
      %run_scoped3A = tpu.sem_alloc : memref<!tpu.dma_semaphore, #tpu.memory_space<semaphore_mem>>
      %dma_start3A_329 = arith.constant 0 : i32
      %dma_start3A_330 = tpu.memref_slice %arg14[%add3A_28, %dma_start3A_329] : memref<10240x64xf32, #tpu.memory_space<vmem_shared>> -> memref<128x64xf32, #tpu.memory_space<vmem_shared>>
      %dma_start3A_331 = arith.constant 0 : i32
      %dma_start3A_332 = tpu.memref_slice %arg14[%add3A_28, %dma_start3A_331] : memref<10240x64xf32, #tpu.memory_space<vmem_shared>> -> memref<128x64xf32, #tpu.memory_space<vmem_shared>>
      tpu.enqueue_dma source(%arg11 : memref<128x64xf32, #tpu.memory_space<vmem>>) target(%dma_start3A_332 : memref<128x64xf32, #tpu.memory_space<vmem_shared>>) target_semaphore(%run_scoped3A : memref<!tpu.dma_semaphore, #tpu.memory_space<semaphore_mem>>)
      %dma_wait3A_333 = arith.constant 0 : i32
      %dma_wait3A_334 = tpu.memref_slice %arg14[%add3A_28, %dma_wait3A_333] : memref<10240x64xf32, #tpu.memory_space<vmem_shared>> -> memref<128x64xf32, #tpu.memory_space<vmem_shared>>
      %dma_wait3A_335 = arith.constant 0 : i32
      %dma_wait3A_336 = tpu.memref_slice %arg14[%add3A_28, %dma_wait3A_335] : memref<10240x64xf32, #tpu.memory_space<vmem_shared>> -> memref<128x64xf32, #tpu.memory_space<vmem_shared>>
      tpu.wait_dma2 semaphore(%run_scoped3A : memref<!tpu.dma_semaphore, #tpu.memory_space<semaphore_mem>>) src(%arg11 : memref<128x64xf32, #tpu.memory_space<vmem>>) dst(%dma_wait3A_336 : memref<128x64xf32, #tpu.memory_space<vmem_shared>>)
      tpu.yield
    }) : () -> ()
    "tpu.region"() ({
      %run_scoped3A = tpu.sem_alloc : memref<!tpu.dma_semaphore, #tpu.memory_space<semaphore_mem>>
      %dma_start3A_329 = arith.constant 0 : i32
      %dma_start3A_330 = tpu.memref_slice %arg15[%add3A_28, %dma_start3A_329] : memref<10240x64xf32, #tpu.memory_space<vmem_shared>> -> memref<128x64xf32, #tpu.memory_space<vmem_shared>>
      %dma_start3A_331 = arith.constant 0 : i32
      %dma_start3A_332 = tpu.memref_slice %arg15[%add3A_28, %dma_start3A_331] : memref<10240x64xf32, #tpu.memory_space<vmem_shared>> -> memref<128x64xf32, #tpu.memory_space<vmem_shared>>
      tpu.enqueue_dma source(%arg13 : memref<128x64xf32, #tpu.memory_space<vmem>>) target(%dma_start3A_332 : memref<128x64xf32, #tpu.memory_space<vmem_shared>>) target_semaphore(%run_scoped3A : memref<!tpu.dma_semaphore, #tpu.memory_space<semaphore_mem>>)
      %dma_wait3A_333 = arith.constant 0 : i32
      %dma_wait3A_334 = tpu.memref_slice %arg15[%add3A_28, %dma_wait3A_333] : memref<10240x64xf32, #tpu.memory_space<vmem_shared>> -> memref<128x64xf32, #tpu.memory_space<vmem_shared>>
      %dma_wait3A_335 = arith.constant 0 : i32
      %dma_wait3A_336 = tpu.memref_slice %arg15[%add3A_28, %dma_wait3A_335] : memref<10240x64xf32, #tpu.memory_space<vmem_shared>> -> memref<128x64xf32, #tpu.memory_space<vmem_shared>>
      tpu.wait_dma2 semaphore(%run_scoped3A : memref<!tpu.dma_semaphore, #tpu.memory_space<semaphore_mem>>) src(%arg13 : memref<128x64xf32, #tpu.memory_space<vmem>>) dst(%dma_wait3A_336 : memref<128x64xf32, #tpu.memory_space<vmem_shared>>)
      tpu.yield
    }) : () -> ()
    %add3A_39 = arith.constant 384 : i32
    %add3A_40 = arith.addi %mul3A_0, %add3A_39 : i32
    %eq3A_41 = arith.constant 0 : i32
    %eq3A_42 = arith.cmpi eq, %arg0, %eq3A_41 : i32
    %convert_element_type3A_43 = arith.extui %eq3A_42 : i1 to i32
    %cond3A_44 = arith.constant 0 : i32
    %cond3A_45 = arith.cmpi ne, %convert_element_type3A_43, %cond3A_44 : i32
    scf.if %cond3A_45 {
      "tpu.region"() ({
        %run_scoped3A = tpu.sem_alloc : memref<!tpu.dma_semaphore, #tpu.memory_space<semaphore_mem>>
        %dma_start3A_329 = arith.constant 0 : i32
        %dma_start3A_330 = tpu.memref_slice %arg2[%add3A_40, %dma_start3A_329] : memref<10240x64xf32, #tpu.memory_space<hbm>> -> memref<128x64xf32, #tpu.memory_space<hbm>>
        %dma_start3A_331 = arith.constant 0 : i32
        %dma_start3A_332 = tpu.memref_slice %arg2[%add3A_40, %dma_start3A_331] : memref<10240x64xf32, #tpu.memory_space<hbm>> -> memref<128x64xf32, #tpu.memory_space<hbm>>
        tpu.enqueue_dma source(%dma_start3A_332 : memref<128x64xf32, #tpu.memory_space<hbm>>) target(%arg11 : memref<128x64xf32, #tpu.memory_space<vmem>>) target_semaphore(%run_scoped3A : memref<!tpu.dma_semaphore, #tpu.memory_space<semaphore_mem>>)
        %dma_wait3A_333 = arith.constant 0 : i32
        %dma_wait3A_334 = tpu.memref_slice %arg2[%add3A_40, %dma_wait3A_333] : memref<10240x64xf32, #tpu.memory_space<hbm>> -> memref<128x64xf32, #tpu.memory_space<hbm>>
        %dma_wait3A_335 = arith.constant 0 : i32
        %dma_wait3A_336 = tpu.memref_slice %arg2[%add3A_40, %dma_wait3A_335] : memref<10240x64xf32, #tpu.memory_space<hbm>> -> memref<128x64xf32, #tpu.memory_space<hbm>>
        tpu.wait_dma2 semaphore(%run_scoped3A : memref<!tpu.dma_semaphore, #tpu.memory_space<semaphore_mem>>) src(%dma_wait3A_336 : memref<128x64xf32, #tpu.memory_space<hbm>>) dst(%arg11 : memref<128x64xf32, #tpu.memory_space<vmem>>)
        tpu.yield
      }) : () -> ()
    } else {
    }
    %eq3A_46 = arith.constant 1 : i32
    %eq3A_47 = arith.cmpi eq, %arg0, %eq3A_46 : i32
    %convert_element_type3A_48 = arith.extui %eq3A_47 : i1 to i32
    %cond3A_49 = arith.constant 0 : i32
    %cond3A_50 = arith.cmpi ne, %convert_element_type3A_48, %cond3A_49 : i32
    scf.if %cond3A_50 {
      "tpu.region"() ({
        %run_scoped3A = tpu.sem_alloc : memref<!tpu.dma_semaphore, #tpu.memory_space<semaphore_mem>>
        %dma_start3A_329 = arith.constant 0 : i32
        %dma_start3A_330 = tpu.memref_slice %arg3[%add3A_40, %dma_start3A_329] : memref<10240x64xf32, #tpu.memory_space<hbm>> -> memref<128x64xf32, #tpu.memory_space<hbm>>
        %dma_start3A_331 = arith.constant 0 : i32
        %dma_start3A_332 = tpu.memref_slice %arg3[%add3A_40, %dma_start3A_331] : memref<10240x64xf32, #tpu.memory_space<hbm>> -> memref<128x64xf32, #tpu.memory_space<hbm>>
        tpu.enqueue_dma source(%dma_start3A_332 : memref<128x64xf32, #tpu.memory_space<hbm>>) target(%arg11 : memref<128x64xf32, #tpu.memory_space<vmem>>) target_semaphore(%run_scoped3A : memref<!tpu.dma_semaphore, #tpu.memory_space<semaphore_mem>>)
        %dma_wait3A_333 = arith.constant 0 : i32
        %dma_wait3A_334 = tpu.memref_slice %arg3[%add3A_40, %dma_wait3A_333] : memref<10240x64xf32, #tpu.memory_space<hbm>> -> memref<128x64xf32, #tpu.memory_space<hbm>>
        %dma_wait3A_335 = arith.constant 0 : i32
        %dma_wait3A_336 = tpu.memref_slice %arg3[%add3A_40, %dma_wait3A_335] : memref<10240x64xf32, #tpu.memory_space<hbm>> -> memref<128x64xf32, #tpu.memory_space<hbm>>
        tpu.wait_dma2 semaphore(%run_scoped3A : memref<!tpu.dma_semaphore, #tpu.memory_space<semaphore_mem>>) src(%dma_wait3A_336 : memref<128x64xf32, #tpu.memory_space<hbm>>) dst(%arg11 : memref<128x64xf32, #tpu.memory_space<vmem>>)
        tpu.yield
      }) : () -> ()
    } else {
    }
    "tpu.region"() ({
      %run_scoped3A = tpu.sem_alloc : memref<!tpu.dma_semaphore, #tpu.memory_space<semaphore_mem>>
      %dma_start3A_329 = arith.constant 0 : i32
      %dma_start3A_330 = tpu.memref_slice %arg14[%add3A_40, %dma_start3A_329] : memref<10240x64xf32, #tpu.memory_space<vmem_shared>> -> memref<128x64xf32, #tpu.memory_space<vmem_shared>>
      %dma_start3A_331 = arith.constant 0 : i32
      %dma_start3A_332 = tpu.memref_slice %arg14[%add3A_40, %dma_start3A_331] : memref<10240x64xf32, #tpu.memory_space<vmem_shared>> -> memref<128x64xf32, #tpu.memory_space<vmem_shared>>
      tpu.enqueue_dma source(%arg11 : memref<128x64xf32, #tpu.memory_space<vmem>>) target(%dma_start3A_332 : memref<128x64xf32, #tpu.memory_space<vmem_shared>>) target_semaphore(%run_scoped3A : memref<!tpu.dma_semaphore, #tpu.memory_space<semaphore_mem>>)
      %dma_wait3A_333 = arith.constant 0 : i32
      %dma_wait3A_334 = tpu.memref_slice %arg14[%add3A_40, %dma_wait3A_333] : memref<10240x64xf32, #tpu.memory_space<vmem_shared>> -> memref<128x64xf32, #tpu.memory_space<vmem_shared>>
      %dma_wait3A_335 = arith.constant 0 : i32
      %dma_wait3A_336 = tpu.memref_slice %arg14[%add3A_40, %dma_wait3A_335] : memref<10240x64xf32, #tpu.memory_space<vmem_shared>> -> memref<128x64xf32, #tpu.memory_space<vmem_shared>>
      tpu.wait_dma2 semaphore(%run_scoped3A : memref<!tpu.dma_semaphore, #tpu.memory_space<semaphore_mem>>) src(%arg11 : memref<128x64xf32, #tpu.memory_space<vmem>>) dst(%dma_wait3A_336 : memref<128x64xf32, #tpu.memory_space<vmem_shared>>)
      tpu.yield
    }) : () -> ()
    "tpu.region"() ({
      %run_scoped3A = tpu.sem_alloc : memref<!tpu.dma_semaphore, #tpu.memory_space<semaphore_mem>>
      %dma_start3A_329 = arith.constant 0 : i32
      %dma_start3A_330 = tpu.memref_slice %arg15[%add3A_40, %dma_start3A_329] : memref<10240x64xf32, #tpu.memory_space<vmem_shared>> -> memref<128x64xf32, #tpu.memory_space<vmem_shared>>
      %dma_start3A_331 = arith.constant 0 : i32
      %dma_start3A_332 = tpu.memref_slice %arg15[%add3A_40, %dma_start3A_331] : memref<10240x64xf32, #tpu.memory_space<vmem_shared>> -> memref<128x64xf32, #tpu.memory_space<vmem_shared>>
      tpu.enqueue_dma source(%arg13 : memref<128x64xf32, #tpu.memory_space<vmem>>) target(%dma_start3A_332 : memref<128x64xf32, #tpu.memory_space<vmem_shared>>) target_semaphore(%run_scoped3A : memref<!tpu.dma_semaphore, #tpu.memory_space<semaphore_mem>>)
      %dma_wait3A_333 = arith.constant 0 : i32
      %dma_wait3A_334 = tpu.memref_slice %arg15[%add3A_40, %dma_wait3A_333] : memref<10240x64xf32, #tpu.memory_space<vmem_shared>> -> memref<128x64xf32, #tpu.memory_space<vmem_shared>>
      %dma_wait3A_335 = arith.constant 0 : i32
      %dma_wait3A_336 = tpu.memref_slice %arg15[%add3A_40, %dma_wait3A_335] : memref<10240x64xf32, #tpu.memory_space<vmem_shared>> -> memref<128x64xf32, #tpu.memory_space<vmem_shared>>
      tpu.wait_dma2 semaphore(%run_scoped3A : memref<!tpu.dma_semaphore, #tpu.memory_space<semaphore_mem>>) src(%arg13 : memref<128x64xf32, #tpu.memory_space<vmem>>) dst(%dma_wait3A_336 : memref<128x64xf32, #tpu.memory_space<vmem_shared>>)
      tpu.yield
    }) : () -> ()
    %add3A_51 = arith.constant 512 : i32
    %add3A_52 = arith.addi %mul3A_0, %add3A_51 : i32
    %eq3A_53 = arith.constant 0 : i32
    %eq3A_54 = arith.cmpi eq, %arg0, %eq3A_53 : i32
    %convert_element_type3A_55 = arith.extui %eq3A_54 : i1 to i32
    %cond3A_56 = arith.constant 0 : i32
    %cond3A_57 = arith.cmpi ne, %convert_element_type3A_55, %cond3A_56 : i32
    scf.if %cond3A_57 {
      "tpu.region"() ({
        %run_scoped3A = tpu.sem_alloc : memref<!tpu.dma_semaphore, #tpu.memory_space<semaphore_mem>>
        %dma_start3A_329 = arith.constant 0 : i32
        %dma_start3A_330 = tpu.memref_slice %arg2[%add3A_52, %dma_start3A_329] : memref<10240x64xf32, #tpu.memory_space<hbm>> -> memref<128x64xf32, #tpu.memory_space<hbm>>
        %dma_start3A_331 = arith.constant 0 : i32
        %dma_start3A_332 = tpu.memref_slice %arg2[%add3A_52, %dma_start3A_331] : memref<10240x64xf32, #tpu.memory_space<hbm>> -> memref<128x64xf32, #tpu.memory_space<hbm>>
        tpu.enqueue_dma source(%dma_start3A_332 : memref<128x64xf32, #tpu.memory_space<hbm>>) target(%arg11 : memref<128x64xf32, #tpu.memory_space<vmem>>) target_semaphore(%run_scoped3A : memref<!tpu.dma_semaphore, #tpu.memory_space<semaphore_mem>>)
        %dma_wait3A_333 = arith.constant 0 : i32
        %dma_wait3A_334 = tpu.memref_slice %arg2[%add3A_52, %dma_wait3A_333] : memref<10240x64xf32, #tpu.memory_space<hbm>> -> memref<128x64xf32, #tpu.memory_space<hbm>>
        %dma_wait3A_335 = arith.constant 0 : i32
        %dma_wait3A_336 = tpu.memref_slice %arg2[%add3A_52, %dma_wait3A_335] : memref<10240x64xf32, #tpu.memory_space<hbm>> -> memref<128x64xf32, #tpu.memory_space<hbm>>
        tpu.wait_dma2 semaphore(%run_scoped3A : memref<!tpu.dma_semaphore, #tpu.memory_space<semaphore_mem>>) src(%dma_wait3A_336 : memref<128x64xf32, #tpu.memory_space<hbm>>) dst(%arg11 : memref<128x64xf32, #tpu.memory_space<vmem>>)
        tpu.yield
      }) : () -> ()
    } else {
    }
    %eq3A_58 = arith.constant 1 : i32
    %eq3A_59 = arith.cmpi eq, %arg0, %eq3A_58 : i32
    %convert_element_type3A_60 = arith.extui %eq3A_59 : i1 to i32
    %cond3A_61 = arith.constant 0 : i32
    %cond3A_62 = arith.cmpi ne, %convert_element_type3A_60, %cond3A_61 : i32
    scf.if %cond3A_62 {
      "tpu.region"() ({
        %run_scoped3A = tpu.sem_alloc : memref<!tpu.dma_semaphore, #tpu.memory_space<semaphore_mem>>
        %dma_start3A_329 = arith.constant 0 : i32
        %dma_start3A_330 = tpu.memref_slice %arg3[%add3A_52, %dma_start3A_329] : memref<10240x64xf32, #tpu.memory_space<hbm>> -> memref<128x64xf32, #tpu.memory_space<hbm>>
        %dma_start3A_331 = arith.constant 0 : i32
        %dma_start3A_332 = tpu.memref_slice %arg3[%add3A_52, %dma_start3A_331] : memref<10240x64xf32, #tpu.memory_space<hbm>> -> memref<128x64xf32, #tpu.memory_space<hbm>>
        tpu.enqueue_dma source(%dma_start3A_332 : memref<128x64xf32, #tpu.memory_space<hbm>>) target(%arg11 : memref<128x64xf32, #tpu.memory_space<vmem>>) target_semaphore(%run_scoped3A : memref<!tpu.dma_semaphore, #tpu.memory_space<semaphore_mem>>)
        %dma_wait3A_333 = arith.constant 0 : i32
        %dma_wait3A_334 = tpu.memref_slice %arg3[%add3A_52, %dma_wait3A_333] : memref<10240x64xf32, #tpu.memory_space<hbm>> -> memref<128x64xf32, #tpu.memory_space<hbm>>
        %dma_wait3A_335 = arith.constant 0 : i32
        %dma_wait3A_336 = tpu.memref_slice %arg3[%add3A_52, %dma_wait3A_335] : memref<10240x64xf32, #tpu.memory_space<hbm>> -> memref<128x64xf32, #tpu.memory_space<hbm>>
        tpu.wait_dma2 semaphore(%run_scoped3A : memref<!tpu.dma_semaphore, #tpu.memory_space<semaphore_mem>>) src(%dma_wait3A_336 : memref<128x64xf32, #tpu.memory_space<hbm>>) dst(%arg11 : memref<128x64xf32, #tpu.memory_space<vmem>>)
        tpu.yield
      }) : () -> ()
    } else {
    }
    "tpu.region"() ({
      %run_scoped3A = tpu.sem_alloc : memref<!tpu.dma_semaphore, #tpu.memory_space<semaphore_mem>>
      %dma_start3A_329 = arith.constant 0 : i32
      %dma_start3A_330 = tpu.memref_slice %arg14[%add3A_52, %dma_start3A_329] : memref<10240x64xf32, #tpu.memory_space<vmem_shared>> -> memref<128x64xf32, #tpu.memory_space<vmem_shared>>
      %dma_start3A_331 = arith.constant 0 : i32
      %dma_start3A_332 = tpu.memref_slice %arg14[%add3A_52, %dma_start3A_331] : memref<10240x64xf32, #tpu.memory_space<vmem_shared>> -> memref<128x64xf32, #tpu.memory_space<vmem_shared>>
      tpu.enqueue_dma source(%arg11 : memref<128x64xf32, #tpu.memory_space<vmem>>) target(%dma_start3A_332 : memref<128x64xf32, #tpu.memory_space<vmem_shared>>) target_semaphore(%run_scoped3A : memref<!tpu.dma_semaphore, #tpu.memory_space<semaphore_mem>>)
      %dma_wait3A_333 = arith.constant 0 : i32
      %dma_wait3A_334 = tpu.memref_slice %arg14[%add3A_52, %dma_wait3A_333] : memref<10240x64xf32, #tpu.memory_space<vmem_shared>> -> memref<128x64xf32, #tpu.memory_space<vmem_shared>>
      %dma_wait3A_335 = arith.constant 0 : i32
      %dma_wait3A_336 = tpu.memref_slice %arg14[%add3A_52, %dma_wait3A_335] : memref<10240x64xf32, #tpu.memory_space<vmem_shared>> -> memref<128x64xf32, #tpu.memory_space<vmem_shared>>
      tpu.wait_dma2 semaphore(%run_scoped3A : memref<!tpu.dma_semaphore, #tpu.memory_space<semaphore_mem>>) src(%arg11 : memref<128x64xf32, #tpu.memory_space<vmem>>) dst(%dma_wait3A_336 : memref<128x64xf32, #tpu.memory_space<vmem_shared>>)
      tpu.yield
    }) : () -> ()
    "tpu.region"() ({
      %run_scoped3A = tpu.sem_alloc : memref<!tpu.dma_semaphore, #tpu.memory_space<semaphore_mem>>
      %dma_start3A_329 = arith.constant 0 : i32
      %dma_start3A_330 = tpu.memref_slice %arg15[%add3A_52, %dma_start3A_329] : memref<10240x64xf32, #tpu.memory_space<vmem_shared>> -> memref<128x64xf32, #tpu.memory_space<vmem_shared>>
      %dma_start3A_331 = arith.constant 0 : i32
      %dma_start3A_332 = tpu.memref_slice %arg15[%add3A_52, %dma_start3A_331] : memref<10240x64xf32, #tpu.memory_space<vmem_shared>> -> memref<128x64xf32, #tpu.memory_space<vmem_shared>>
      tpu.enqueue_dma source(%arg13 : memref<128x64xf32, #tpu.memory_space<vmem>>) target(%dma_start3A_332 : memref<128x64xf32, #tpu.memory_space<vmem_shared>>) target_semaphore(%run_scoped3A : memref<!tpu.dma_semaphore, #tpu.memory_space<semaphore_mem>>)
      %dma_wait3A_333 = arith.constant 0 : i32
      %dma_wait3A_334 = tpu.memref_slice %arg15[%add3A_52, %dma_wait3A_333] : memref<10240x64xf32, #tpu.memory_space<vmem_shared>> -> memref<128x64xf32, #tpu.memory_space<vmem_shared>>
      %dma_wait3A_335 = arith.constant 0 : i32
      %dma_wait3A_336 = tpu.memref_slice %arg15[%add3A_52, %dma_wait3A_335] : memref<10240x64xf32, #tpu.memory_space<vmem_shared>> -> memref<128x64xf32, #tpu.memory_space<vmem_shared>>
      tpu.wait_dma2 semaphore(%run_scoped3A : memref<!tpu.dma_semaphore, #tpu.memory_space<semaphore_mem>>) src(%arg13 : memref<128x64xf32, #tpu.memory_space<vmem>>) dst(%dma_wait3A_336 : memref<128x64xf32, #tpu.memory_space<vmem_shared>>)
      tpu.yield
    }) : () -> ()
    %barrier3A = arith.constant 0 : index
    tpu.barrier barrier_id(%barrier3A)
    %mul3A_63 = arith.constant 160 : i32
    %mul3A_64 = arith.muli %arg1, %mul3A_63 : i32
    %add3A_65 = arith.constant 0 : i32
    %add3A_66 = arith.addi %mul3A_64, %add3A_65 : i32
    %dma_start3A = arith.constant 0 : i32
    %dma_start3A_67 = arith.constant 0 : i32
    %dma_start3A_68 = arith.constant 0 : i32
    %dma_start3A_69 = tpu.memref_slice %arg9[%dma_start3A, %dma_start3A_67, %dma_start3A_68] : memref<2x32x128xi32, #tpu.memory_space<vmem>> -> memref<1x32x128xi32, #tpu.memory_space<vmem>>
    %dma_start3A_70 = tpu.memref_squeeze %dma_start3A_69 : memref<1x32x128xi32, #tpu.memory_space<vmem>> -> memref<32x128xi32, #tpu.memory_space<vmem>>
    %dma_start3A_71 = arith.constant 0 : i32
    %dma_start3A_72 = tpu.memref_slice %arg6[%add3A_66, %dma_start3A_71] : memref<2560x128xi32, #tpu.memory_space<hbm>> -> memref<32x128xi32, #tpu.memory_space<hbm>>
    %dma_start3A_73 = arith.constant 0 : i32
    %dma_start3A_74 = arith.constant 0 : i32
    %dma_start3A_75 = tpu.memref_slice %arg9[%dma_start3A, %dma_start3A_73, %dma_start3A_74] : memref<2x32x128xi32, #tpu.memory_space<vmem>> -> memref<1x32x128xi32, #tpu.memory_space<vmem>>
    %dma_start3A_76 = tpu.memref_squeeze %dma_start3A_75 : memref<1x32x128xi32, #tpu.memory_space<vmem>> -> memref<32x128xi32, #tpu.memory_space<vmem>>
    %dma_start3A_77 = arith.constant 0 : i32
    %dma_start3A_78 = tpu.memref_slice %arg6[%add3A_66, %dma_start3A_77] : memref<2560x128xi32, #tpu.memory_space<hbm>> -> memref<32x128xi32, #tpu.memory_space<hbm>>
    tpu.enqueue_dma source(%dma_start3A_78 : memref<32x128xi32, #tpu.memory_space<hbm>>) target(%dma_start3A_76 : memref<32x128xi32, #tpu.memory_space<vmem>>) target_semaphore(%arg20 : memref<!tpu.dma_semaphore, #tpu.memory_space<semaphore_mem>>)
    %dma_start3A_79 = arith.constant 0 : i32
    %dma_start3A_80 = arith.constant 0 : i32
    %dma_start3A_81 = arith.constant 0 : i32
    %dma_start3A_82 = tpu.memref_slice %arg10[%dma_start3A_79, %dma_start3A_80, %dma_start3A_81] : memref<2x32x128xi32, #tpu.memory_space<vmem>> -> memref<1x32x128xi32, #tpu.memory_space<vmem>>
    %dma_start3A_83 = tpu.memref_squeeze %dma_start3A_82 : memref<1x32x128xi32, #tpu.memory_space<vmem>> -> memref<32x128xi32, #tpu.memory_space<vmem>>
    %dma_start3A_84 = arith.constant 0 : i32
    %dma_start3A_85 = tpu.memref_slice %arg7[%add3A_66, %dma_start3A_84] : memref<2560x128xi32, #tpu.memory_space<hbm>> -> memref<32x128xi32, #tpu.memory_space<hbm>>
    %dma_start3A_86 = arith.constant 0 : i32
    %dma_start3A_87 = arith.constant 0 : i32
    %dma_start3A_88 = tpu.memref_slice %arg10[%dma_start3A_79, %dma_start3A_86, %dma_start3A_87] : memref<2x32x128xi32, #tpu.memory_space<vmem>> -> memref<1x32x128xi32, #tpu.memory_space<vmem>>
    %dma_start3A_89 = tpu.memref_squeeze %dma_start3A_88 : memref<1x32x128xi32, #tpu.memory_space<vmem>> -> memref<32x128xi32, #tpu.memory_space<vmem>>
    %dma_start3A_90 = arith.constant 0 : i32
    %dma_start3A_91 = tpu.memref_slice %arg7[%add3A_66, %dma_start3A_90] : memref<2560x128xi32, #tpu.memory_space<hbm>> -> memref<32x128xi32, #tpu.memory_space<hbm>>
    tpu.enqueue_dma source(%dma_start3A_91 : memref<32x128xi32, #tpu.memory_space<hbm>>) target(%dma_start3A_89 : memref<32x128xi32, #tpu.memory_space<vmem>>) target_semaphore(%arg20 : memref<!tpu.dma_semaphore, #tpu.memory_space<semaphore_mem>>)
    %scan3A_92 = arith.constant 0 : i32
    %scan3A_93 = arith.constant 0 : i32
    %scan3A_94 = arith.constant 5 : i32
    %scan3A_95 = arith.addi %scan3A_93, %scan3A_94 : i32
    %scan3A_96 = arith.constant 1 : i32
    scf.for %scan3A_329 = %scan3A_93 to %scan3A_95 step %scan3A_96  : i32 {
      %and3A = arith.constant 1 : i32
      %and3A_330 = arith.andi %scan3A_329, %and3A : i32
      %gt3A = arith.constant 0 : i32
      %gt3A_331 = arith.cmpi sgt, %scan3A_329, %gt3A : i32
      %convert_element_type3A_332 = arith.extui %gt3A_331 : i1 to i32
      %cond3A_333 = arith.constant 0 : i32
      %cond3A_334 = arith.cmpi ne, %convert_element_type3A_332, %cond3A_333 : i32
      scf.if %cond3A_334 {
        %dma_wait3A_384 = arith.constant 0 : i32
        %dma_wait3A_385 = arith.constant 0 : i32
        %dma_wait3A_386 = tpu.memref_slice %arg15[%dma_wait3A_384, %dma_wait3A_385] : memref<10240x64xf32, #tpu.memory_space<vmem_shared>> -> memref<128x64xf32, #tpu.memory_space<vmem_shared>>
        %dma_wait3A_387 = arith.constant 0 : i32
        %dma_wait3A_388 = arith.constant 0 : i32
        %dma_wait3A_389 = tpu.memref_slice %arg15[%dma_wait3A_387, %dma_wait3A_388] : memref<10240x64xf32, #tpu.memory_space<vmem_shared>> -> memref<128x64xf32, #tpu.memory_space<vmem_shared>>
        tpu.wait_dma2 semaphore(%arg19 : memref<!tpu.dma_semaphore, #tpu.memory_space<semaphore_mem>>) src(%arg12 : memref<128x64xf32, #tpu.memory_space<vmem>>) dst(%dma_wait3A_389 : memref<128x64xf32, #tpu.memory_space<vmem_shared>>)
      } else {
      }
      %dma_wait3A_335 = arith.constant 0 : i32
      %dma_wait3A_336 = arith.constant 0 : i32
      %dma_wait3A_337 = arith.constant 0 : i32
      %dma_wait3A_338 = tpu.memref_slice %arg9[%dma_wait3A_335, %dma_wait3A_336, %dma_wait3A_337] : memref<2x32x128xi32, #tpu.memory_space<vmem>> -> memref<1x32x128xi32, #tpu.memory_space<vmem>>
      %dma_wait3A_339 = tpu.memref_squeeze %dma_wait3A_338 : memref<1x32x128xi32, #tpu.memory_space<vmem>> -> memref<32x128xi32, #tpu.memory_space<vmem>>
      %dma_wait3A_340 = arith.constant 0 : i32
      %dma_wait3A_341 = arith.constant 0 : i32
      %dma_wait3A_342 = tpu.memref_slice %arg6[%dma_wait3A_340, %dma_wait3A_341] : memref<2560x128xi32, #tpu.memory_space<hbm>> -> memref<32x128xi32, #tpu.memory_space<hbm>>
      %dma_wait3A_343 = arith.constant 0 : i32
      %dma_wait3A_344 = arith.constant 0 : i32
      %dma_wait3A_345 = tpu.memref_slice %arg9[%dma_wait3A_335, %dma_wait3A_343, %dma_wait3A_344] : memref<2x32x128xi32, #tpu.memory_space<vmem>> -> memref<1x32x128xi32, #tpu.memory_space<vmem>>
      %dma_wait3A_346 = tpu.memref_squeeze %dma_wait3A_345 : memref<1x32x128xi32, #tpu.memory_space<vmem>> -> memref<32x128xi32, #tpu.memory_space<vmem>>
      %dma_wait3A_347 = arith.constant 0 : i32
      %dma_wait3A_348 = arith.constant 0 : i32
      %dma_wait3A_349 = tpu.memref_slice %arg6[%dma_wait3A_347, %dma_wait3A_348] : memref<2560x128xi32, #tpu.memory_space<hbm>> -> memref<32x128xi32, #tpu.memory_space<hbm>>
      tpu.wait_dma2 semaphore(%arg20 : memref<!tpu.dma_semaphore, #tpu.memory_space<semaphore_mem>>) src(%dma_wait3A_349 : memref<32x128xi32, #tpu.memory_space<hbm>>) dst(%dma_wait3A_346 : memref<32x128xi32, #tpu.memory_space<vmem>>)
      %dma_wait3A_350 = arith.constant 0 : i32
      %dma_wait3A_351 = arith.constant 0 : i32
      %dma_wait3A_352 = arith.constant 0 : i32
      %dma_wait3A_353 = tpu.memref_slice %arg9[%dma_wait3A_350, %dma_wait3A_351, %dma_wait3A_352] : memref<2x32x128xi32, #tpu.memory_space<vmem>> -> memref<1x32x128xi32, #tpu.memory_space<vmem>>
      %dma_wait3A_354 = tpu.memref_squeeze %dma_wait3A_353 : memref<1x32x128xi32, #tpu.memory_space<vmem>> -> memref<32x128xi32, #tpu.memory_space<vmem>>
      %dma_wait3A_355 = arith.constant 0 : i32
      %dma_wait3A_356 = arith.constant 0 : i32
      %dma_wait3A_357 = tpu.memref_slice %arg6[%dma_wait3A_355, %dma_wait3A_356] : memref<2560x128xi32, #tpu.memory_space<hbm>> -> memref<32x128xi32, #tpu.memory_space<hbm>>
      %dma_wait3A_358 = arith.constant 0 : i32
      %dma_wait3A_359 = arith.constant 0 : i32
      %dma_wait3A_360 = tpu.memref_slice %arg9[%dma_wait3A_350, %dma_wait3A_358, %dma_wait3A_359] : memref<2x32x128xi32, #tpu.memory_space<vmem>> -> memref<1x32x128xi32, #tpu.memory_space<vmem>>
      %dma_wait3A_361 = tpu.memref_squeeze %dma_wait3A_360 : memref<1x32x128xi32, #tpu.memory_space<vmem>> -> memref<32x128xi32, #tpu.memory_space<vmem>>
      %dma_wait3A_362 = arith.constant 0 : i32
      %dma_wait3A_363 = arith.constant 0 : i32
      %dma_wait3A_364 = tpu.memref_slice %arg6[%dma_wait3A_362, %dma_wait3A_363] : memref<2560x128xi32, #tpu.memory_space<hbm>> -> memref<32x128xi32, #tpu.memory_space<hbm>>
      tpu.wait_dma2 semaphore(%arg20 : memref<!tpu.dma_semaphore, #tpu.memory_space<semaphore_mem>>) src(%dma_wait3A_364 : memref<32x128xi32, #tpu.memory_space<hbm>>) dst(%dma_wait3A_361 : memref<32x128xi32, #tpu.memory_space<vmem>>)
      %add3A_365 = arith.constant 1 : i32
      %add3A_366 = arith.addi %scan3A_329, %add3A_365 : i32
      %lt3A = arith.constant 5 : i32
      %lt3A_367 = arith.cmpi slt, %add3A_366, %lt3A : i32
      %convert_element_type3A_368 = arith.extui %lt3A_367 : i1 to i32
      %cond3A_369 = arith.constant 0 : i32
      %cond3A_370 = arith.cmpi ne, %convert_element_type3A_368, %cond3A_369 : i32
      scf.if %cond3A_370 {
        %add3A_384 = arith.constant 1 : i32
        %add3A_385 = arith.addi %scan3A_329, %add3A_384 : i32
        %mul3A_386 = arith.constant 160 : i32
        %mul3A_387 = arith.muli %arg1, %mul3A_386 : i32
        %mul3A_388 = arith.constant 32 : i32
        %mul3A_389 = arith.muli %add3A_385, %mul3A_388 : i32
        %add3A_390 = arith.addi %mul3A_387, %mul3A_389 : i32
        %and3A_391 = arith.constant 1 : i32
        %and3A_392 = arith.andi %add3A_385, %and3A_391 : i32
        %dma_start3A_393 = arith.constant 0 : i32
        %dma_start3A_394 = arith.constant 0 : i32
        %dma_start3A_395 = tpu.memref_slice %arg9[%and3A_392, %dma_start3A_393, %dma_start3A_394] : memref<2x32x128xi32, #tpu.memory_space<vmem>> -> memref<1x32x128xi32, #tpu.memory_space<vmem>>
        %dma_start3A_396 = tpu.memref_squeeze %dma_start3A_395 : memref<1x32x128xi32, #tpu.memory_space<vmem>> -> memref<32x128xi32, #tpu.memory_space<vmem>>
        %dma_start3A_397 = arith.constant 0 : i32
        %dma_start3A_398 = tpu.memref_slice %arg6[%add3A_390, %dma_start3A_397] : memref<2560x128xi32, #tpu.memory_space<hbm>> -> memref<32x128xi32, #tpu.memory_space<hbm>>
        %dma_start3A_399 = arith.constant 0 : i32
        %dma_start3A_400 = arith.constant 0 : i32
        %dma_start3A_401 = tpu.memref_slice %arg9[%and3A_392, %dma_start3A_399, %dma_start3A_400] : memref<2x32x128xi32, #tpu.memory_space<vmem>> -> memref<1x32x128xi32, #tpu.memory_space<vmem>>
        %dma_start3A_402 = tpu.memref_squeeze %dma_start3A_401 : memref<1x32x128xi32, #tpu.memory_space<vmem>> -> memref<32x128xi32, #tpu.memory_space<vmem>>
        %dma_start3A_403 = arith.constant 0 : i32
        %dma_start3A_404 = tpu.memref_slice %arg6[%add3A_390, %dma_start3A_403] : memref<2560x128xi32, #tpu.memory_space<hbm>> -> memref<32x128xi32, #tpu.memory_space<hbm>>
        tpu.enqueue_dma source(%dma_start3A_404 : memref<32x128xi32, #tpu.memory_space<hbm>>) target(%dma_start3A_402 : memref<32x128xi32, #tpu.memory_space<vmem>>) target_semaphore(%arg20 : memref<!tpu.dma_semaphore, #tpu.memory_space<semaphore_mem>>)
        %dma_start3A_405 = arith.constant 0 : i32
        %dma_start3A_406 = arith.constant 0 : i32
        %dma_start3A_407 = tpu.memref_slice %arg10[%and3A_392, %dma_start3A_405, %dma_start3A_406] : memref<2x32x128xi32, #tpu.memory_space<vmem>> -> memref<1x32x128xi32, #tpu.memory_space<vmem>>
        %dma_start3A_408 = tpu.memref_squeeze %dma_start3A_407 : memref<1x32x128xi32, #tpu.memory_space<vmem>> -> memref<32x128xi32, #tpu.memory_space<vmem>>
        %dma_start3A_409 = arith.constant 0 : i32
        %dma_start3A_410 = tpu.memref_slice %arg7[%add3A_390, %dma_start3A_409] : memref<2560x128xi32, #tpu.memory_space<hbm>> -> memref<32x128xi32, #tpu.memory_space<hbm>>
        %dma_start3A_411 = arith.constant 0 : i32
        %dma_start3A_412 = arith.constant 0 : i32
        %dma_start3A_413 = tpu.memref_slice %arg10[%and3A_392, %dma_start3A_411, %dma_start3A_412] : memref<2x32x128xi32, #tpu.memory_space<vmem>> -> memref<1x32x128xi32, #tpu.memory_space<vmem>>
        %dma_start3A_414 = tpu.memref_squeeze %dma_start3A_413 : memref<1x32x128xi32, #tpu.memory_space<vmem>> -> memref<32x128xi32, #tpu.memory_space<vmem>>
        %dma_start3A_415 = arith.constant 0 : i32
        %dma_start3A_416 = tpu.memref_slice %arg7[%add3A_390, %dma_start3A_415] : memref<2560x128xi32, #tpu.memory_space<hbm>> -> memref<32x128xi32, #tpu.memory_space<hbm>>
        tpu.enqueue_dma source(%dma_start3A_416 : memref<32x128xi32, #tpu.memory_space<hbm>>) target(%dma_start3A_414 : memref<32x128xi32, #tpu.memory_space<vmem>>) target_semaphore(%arg20 : memref<!tpu.dma_semaphore, #tpu.memory_space<semaphore_mem>>)
      } else {
      }
      %dma_start3A_371 = arith.constant 0 : i32
      %dma_start3A_372 = arith.constant 0 : i32
      %dma_start3A_373 = tpu.memref_slice %arg9[%and3A_330, %dma_start3A_371, %dma_start3A_372] : memref<2x32x128xi32, #tpu.memory_space<vmem>> -> memref<1x1x128xi32, #tpu.memory_space<vmem>>
      %dma_start3A_374 = tpu.memref_squeeze %dma_start3A_373 : memref<1x1x128xi32, #tpu.memory_space<vmem>> -> memref<128xi32, #tpu.memory_space<vmem>>
      %dma_start3A_375 = arith.constant 0 : i32
      %dma_start3A_376 = arith.constant 0 : i32
      %dma_start3A_377 = tpu.memref_slice %arg14[%dma_start3A_375, %dma_start3A_376] : memref<10240x64xf32, #tpu.memory_space<vmem_shared>> -> memref<10240x64xf32, #tpu.memory_space<vmem_shared>>
      tpu.enqueue_indirect_dma source(%dma_start3A_377 : memref<10240x64xf32, #tpu.memory_space<vmem_shared>>) target(%arg11 : memref<128x64xf32, #tpu.memory_space<vmem>>) offsets(%dma_start3A_374 : memref<128xi32, #tpu.memory_space<vmem>>) semaphore(%arg16 : memref<!tpu.dma_semaphore, #tpu.memory_space<semaphore_mem>>)
      %scan3A_378 = arith.constant 0 : i32
      %scan3A_379 = arith.constant 0 : i32
      %scan3A_380 = arith.constant 16 : i32
      %scan3A_381 = arith.addi %scan3A_379, %scan3A_380 : i32
      %scan3A_382 = arith.constant 1 : i32
      scf.for %scan3A_384 = %scan3A_379 to %scan3A_381 step %scan3A_382  : i32 {
        %mul3A_385 = arith.constant 2 : i32
        %mul3A_386 = arith.muli %mul3A_385, %scan3A_384 : i32
        %mul3A_387 = arith.constant 2 : i32
        %mul3A_388 = arith.muli %mul3A_387, %scan3A_384 : i32
        %add3A_389 = arith.constant 1 : i32
        %add3A_390 = arith.addi %mul3A_388, %add3A_389 : i32
        %dma_wait3A_391 = arith.constant 0 : i32
        %dma_wait3A_392 = arith.constant 0 : i32
        %dma_wait3A_393 = tpu.memref_slice %arg14[%dma_wait3A_391, %dma_wait3A_392] : memref<10240x64xf32, #tpu.memory_space<vmem_shared>> -> memref<128x64xf32, #tpu.memory_space<vmem_shared>>
        %dma_wait3A_394 = arith.constant 0 : i32
        %dma_wait3A_395 = arith.constant 0 : i32
        %dma_wait3A_396 = tpu.memref_slice %arg14[%dma_wait3A_394, %dma_wait3A_395] : memref<10240x64xf32, #tpu.memory_space<vmem_shared>> -> memref<128x64xf32, #tpu.memory_space<vmem_shared>>
        tpu.wait_dma2 semaphore(%arg16 : memref<!tpu.dma_semaphore, #tpu.memory_space<semaphore_mem>>) src(%dma_wait3A_396 : memref<128x64xf32, #tpu.memory_space<vmem_shared>>) dst(%arg11 : memref<128x64xf32, #tpu.memory_space<vmem>>)
        %dma_start3A_397 = arith.constant 0 : i32
        %dma_start3A_398 = tpu.memref_slice %arg10[%and3A_330, %mul3A_386, %dma_start3A_397] : memref<2x32x128xi32, #tpu.memory_space<vmem>> -> memref<1x1x128xi32, #tpu.memory_space<vmem>>
        %dma_start3A_399 = tpu.memref_squeeze %dma_start3A_398 : memref<1x1x128xi32, #tpu.memory_space<vmem>> -> memref<128xi32, #tpu.memory_space<vmem>>
        %dma_start3A_400 = arith.constant 0 : i32
        %dma_start3A_401 = arith.constant 0 : i32
        %dma_start3A_402 = tpu.memref_slice %arg15[%dma_start3A_400, %dma_start3A_401] : memref<10240x64xf32, #tpu.memory_space<vmem_shared>> -> memref<10240x64xf32, #tpu.memory_space<vmem_shared>>
        tpu.enqueue_indirect_dma source(%arg11 : memref<128x64xf32, #tpu.memory_space<vmem>>) target(%dma_start3A_402 : memref<10240x64xf32, #tpu.memory_space<vmem_shared>>) offsets(%dma_start3A_399 : memref<128xi32, #tpu.memory_space<vmem>>) semaphore(%arg18 : memref<!tpu.dma_semaphore, #tpu.memory_space<semaphore_mem>>) {add = true}
        %gt3A_403 = arith.constant 0 : i32
        %gt3A_404 = arith.cmpi sgt, %scan3A_384, %gt3A_403 : i32
        %convert_element_type3A_405 = arith.extui %gt3A_404 : i1 to i32
        %cond3A_406 = arith.constant 0 : i32
        %cond3A_407 = arith.cmpi ne, %convert_element_type3A_405, %cond3A_406 : i32
        scf.if %cond3A_407 {
          %dma_wait3A_439 = arith.constant 0 : i32
          %dma_wait3A_440 = arith.constant 0 : i32
          %dma_wait3A_441 = tpu.memref_slice %arg15[%dma_wait3A_439, %dma_wait3A_440] : memref<10240x64xf32, #tpu.memory_space<vmem_shared>> -> memref<128x64xf32, #tpu.memory_space<vmem_shared>>
          %dma_wait3A_442 = arith.constant 0 : i32
          %dma_wait3A_443 = arith.constant 0 : i32
          %dma_wait3A_444 = tpu.memref_slice %arg15[%dma_wait3A_442, %dma_wait3A_443] : memref<10240x64xf32, #tpu.memory_space<vmem_shared>> -> memref<128x64xf32, #tpu.memory_space<vmem_shared>>
          tpu.wait_dma2 semaphore(%arg19 : memref<!tpu.dma_semaphore, #tpu.memory_space<semaphore_mem>>) src(%arg12 : memref<128x64xf32, #tpu.memory_space<vmem>>) dst(%dma_wait3A_444 : memref<128x64xf32, #tpu.memory_space<vmem_shared>>)
        } else {
        }
        %dma_start3A_408 = arith.constant 0 : i32
        %dma_start3A_409 = tpu.memref_slice %arg9[%and3A_330, %add3A_390, %dma_start3A_408] : memref<2x32x128xi32, #tpu.memory_space<vmem>> -> memref<1x1x128xi32, #tpu.memory_space<vmem>>
        %dma_start3A_410 = tpu.memref_squeeze %dma_start3A_409 : memref<1x1x128xi32, #tpu.memory_space<vmem>> -> memref<128xi32, #tpu.memory_space<vmem>>
        %dma_start3A_411 = arith.constant 0 : i32
        %dma_start3A_412 = arith.constant 0 : i32
        %dma_start3A_413 = tpu.memref_slice %arg14[%dma_start3A_411, %dma_start3A_412] : memref<10240x64xf32, #tpu.memory_space<vmem_shared>> -> memref<10240x64xf32, #tpu.memory_space<vmem_shared>>
        tpu.enqueue_indirect_dma source(%dma_start3A_413 : memref<10240x64xf32, #tpu.memory_space<vmem_shared>>) target(%arg12 : memref<128x64xf32, #tpu.memory_space<vmem>>) offsets(%dma_start3A_410 : memref<128xi32, #tpu.memory_space<vmem>>) semaphore(%arg17 : memref<!tpu.dma_semaphore, #tpu.memory_space<semaphore_mem>>)
        %dma_wait3A_414 = arith.constant 0 : i32
        %dma_wait3A_415 = arith.constant 0 : i32
        %dma_wait3A_416 = tpu.memref_slice %arg14[%dma_wait3A_414, %dma_wait3A_415] : memref<10240x64xf32, #tpu.memory_space<vmem_shared>> -> memref<128x64xf32, #tpu.memory_space<vmem_shared>>
        %dma_wait3A_417 = arith.constant 0 : i32
        %dma_wait3A_418 = arith.constant 0 : i32
        %dma_wait3A_419 = tpu.memref_slice %arg14[%dma_wait3A_417, %dma_wait3A_418] : memref<10240x64xf32, #tpu.memory_space<vmem_shared>> -> memref<128x64xf32, #tpu.memory_space<vmem_shared>>
        tpu.wait_dma2 semaphore(%arg17 : memref<!tpu.dma_semaphore, #tpu.memory_space<semaphore_mem>>) src(%dma_wait3A_419 : memref<128x64xf32, #tpu.memory_space<vmem_shared>>) dst(%arg12 : memref<128x64xf32, #tpu.memory_space<vmem>>)
        %dma_start3A_420 = arith.constant 0 : i32
        %dma_start3A_421 = tpu.memref_slice %arg10[%and3A_330, %add3A_390, %dma_start3A_420] : memref<2x32x128xi32, #tpu.memory_space<vmem>> -> memref<1x1x128xi32, #tpu.memory_space<vmem>>
        %dma_start3A_422 = tpu.memref_squeeze %dma_start3A_421 : memref<1x1x128xi32, #tpu.memory_space<vmem>> -> memref<128xi32, #tpu.memory_space<vmem>>
        %dma_start3A_423 = arith.constant 0 : i32
        %dma_start3A_424 = arith.constant 0 : i32
        %dma_start3A_425 = tpu.memref_slice %arg15[%dma_start3A_423, %dma_start3A_424] : memref<10240x64xf32, #tpu.memory_space<vmem_shared>> -> memref<10240x64xf32, #tpu.memory_space<vmem_shared>>
        tpu.enqueue_indirect_dma source(%arg12 : memref<128x64xf32, #tpu.memory_space<vmem>>) target(%dma_start3A_425 : memref<10240x64xf32, #tpu.memory_space<vmem_shared>>) offsets(%dma_start3A_422 : memref<128xi32, #tpu.memory_space<vmem>>) semaphore(%arg19 : memref<!tpu.dma_semaphore, #tpu.memory_space<semaphore_mem>>) {add = true}
        %dma_wait3A_426 = arith.constant 0 : i32
        %dma_wait3A_427 = arith.constant 0 : i32
        %dma_wait3A_428 = tpu.memref_slice %arg15[%dma_wait3A_426, %dma_wait3A_427] : memref<10240x64xf32, #tpu.memory_space<vmem_shared>> -> memref<128x64xf32, #tpu.memory_space<vmem_shared>>
        %dma_wait3A_429 = arith.constant 0 : i32
        %dma_wait3A_430 = arith.constant 0 : i32
        %dma_wait3A_431 = tpu.memref_slice %arg15[%dma_wait3A_429, %dma_wait3A_430] : memref<10240x64xf32, #tpu.memory_space<vmem_shared>> -> memref<128x64xf32, #tpu.memory_space<vmem_shared>>
        tpu.wait_dma2 semaphore(%arg18 : memref<!tpu.dma_semaphore, #tpu.memory_space<semaphore_mem>>) src(%arg11 : memref<128x64xf32, #tpu.memory_space<vmem>>) dst(%dma_wait3A_431 : memref<128x64xf32, #tpu.memory_space<vmem_shared>>)
        %add3A_432 = arith.constant 1 : i32
        %add3A_433 = arith.addi %add3A_390, %add3A_432 : i32
        %lt3A_434 = arith.constant 32 : i32
        %lt3A_435 = arith.cmpi slt, %add3A_433, %lt3A_434 : i32
        %convert_element_type3A_436 = arith.extui %lt3A_435 : i1 to i32
        %cond3A_437 = arith.constant 0 : i32
        %cond3A_438 = arith.cmpi ne, %convert_element_type3A_436, %cond3A_437 : i32
        scf.if %cond3A_438 {
          %add3A_439 = arith.constant 1 : i32
          %add3A_440 = arith.addi %add3A_390, %add3A_439 : i32
          %dma_start3A_441 = arith.constant 0 : i32
          %dma_start3A_442 = tpu.memref_slice %arg9[%and3A_330, %add3A_440, %dma_start3A_441] : memref<2x32x128xi32, #tpu.memory_space<vmem>> -> memref<1x1x128xi32, #tpu.memory_space<vmem>>
          %dma_start3A_443 = tpu.memref_squeeze %dma_start3A_442 : memref<1x1x128xi32, #tpu.memory_space<vmem>> -> memref<128xi32, #tpu.memory_space<vmem>>
          %dma_start3A_444 = arith.constant 0 : i32
          %dma_start3A_445 = arith.constant 0 : i32
          %dma_start3A_446 = tpu.memref_slice %arg14[%dma_start3A_444, %dma_start3A_445] : memref<10240x64xf32, #tpu.memory_space<vmem_shared>> -> memref<10240x64xf32, #tpu.memory_space<vmem_shared>>
          tpu.enqueue_indirect_dma source(%dma_start3A_446 : memref<10240x64xf32, #tpu.memory_space<vmem_shared>>) target(%arg11 : memref<128x64xf32, #tpu.memory_space<vmem>>) offsets(%dma_start3A_443 : memref<128xi32, #tpu.memory_space<vmem>>) semaphore(%arg16 : memref<!tpu.dma_semaphore, #tpu.memory_space<semaphore_mem>>)
        } else {
        }
      }
      %scan3A_383 = arith.constant 16 : i32
    }
    %scan3A_97 = arith.constant 5 : i32
    %dma_wait3A = arith.constant 0 : i32
    %dma_wait3A_98 = arith.constant 0 : i32
    %dma_wait3A_99 = tpu.memref_slice %arg15[%dma_wait3A, %dma_wait3A_98] : memref<10240x64xf32, #tpu.memory_space<vmem_shared>> -> memref<128x64xf32, #tpu.memory_space<vmem_shared>>
    %dma_wait3A_100 = arith.constant 0 : i32
    %dma_wait3A_101 = arith.constant 0 : i32
    %dma_wait3A_102 = tpu.memref_slice %arg15[%dma_wait3A_100, %dma_wait3A_101] : memref<10240x64xf32, #tpu.memory_space<vmem_shared>> -> memref<128x64xf32, #tpu.memory_space<vmem_shared>>
    tpu.wait_dma2 semaphore(%arg19 : memref<!tpu.dma_semaphore, #tpu.memory_space<semaphore_mem>>) src(%arg12 : memref<128x64xf32, #tpu.memory_space<vmem>>) dst(%dma_wait3A_102 : memref<128x64xf32, #tpu.memory_space<vmem_shared>>)
    %barrier3A_103 = arith.constant 0 : index
    tpu.barrier barrier_id(%barrier3A_103)
    %add3A_104 = arith.constant 0 : i32
    %add3A_105 = arith.addi %mul3A_0, %add3A_104 : i32
    "tpu.region"() ({
      %run_scoped3A = tpu.sem_alloc : memref<!tpu.dma_semaphore, #tpu.memory_space<semaphore_mem>>
      %dma_start3A_329 = arith.constant 0 : i32
      %dma_start3A_330 = tpu.memref_slice %arg15[%add3A_105, %dma_start3A_329] : memref<10240x64xf32, #tpu.memory_space<vmem_shared>> -> memref<128x64xf32, #tpu.memory_space<vmem_shared>>
      %dma_start3A_331 = arith.constant 0 : i32
      %dma_start3A_332 = tpu.memref_slice %arg15[%add3A_105, %dma_start3A_331] : memref<10240x64xf32, #tpu.memory_space<vmem_shared>> -> memref<128x64xf32, #tpu.memory_space<vmem_shared>>
      tpu.enqueue_dma source(%dma_start3A_332 : memref<128x64xf32, #tpu.memory_space<vmem_shared>>) target(%arg11 : memref<128x64xf32, #tpu.memory_space<vmem>>) target_semaphore(%run_scoped3A : memref<!tpu.dma_semaphore, #tpu.memory_space<semaphore_mem>>)
      %dma_wait3A_333 = arith.constant 0 : i32
      %dma_wait3A_334 = tpu.memref_slice %arg15[%add3A_105, %dma_wait3A_333] : memref<10240x64xf32, #tpu.memory_space<vmem_shared>> -> memref<128x64xf32, #tpu.memory_space<vmem_shared>>
      %dma_wait3A_335 = arith.constant 0 : i32
      %dma_wait3A_336 = tpu.memref_slice %arg15[%add3A_105, %dma_wait3A_335] : memref<10240x64xf32, #tpu.memory_space<vmem_shared>> -> memref<128x64xf32, #tpu.memory_space<vmem_shared>>
      tpu.wait_dma2 semaphore(%run_scoped3A : memref<!tpu.dma_semaphore, #tpu.memory_space<semaphore_mem>>) src(%dma_wait3A_336 : memref<128x64xf32, #tpu.memory_space<vmem_shared>>) dst(%arg11 : memref<128x64xf32, #tpu.memory_space<vmem>>)
      tpu.yield
    }) : () -> ()
    %eq3A_106 = arith.constant 0 : i32
    %eq3A_107 = arith.cmpi eq, %arg0, %eq3A_106 : i32
    %convert_element_type3A_108 = arith.extui %eq3A_107 : i1 to i32
    %cond3A_109 = arith.constant 0 : i32
    %cond3A_110 = arith.cmpi ne, %convert_element_type3A_108, %cond3A_109 : i32
    scf.if %cond3A_110 {
      %run_scoped3A = arith.constant 0 : i32
      "tpu.region"() ({
        %run_scoped3A_329 = tpu.sem_alloc : memref<!tpu.dma_semaphore, #tpu.memory_space<semaphore_mem>>
        %dma_start3A_330 = arith.constant 0 : i32
        %dma_start3A_331 = tpu.memref_slice %arg8[%run_scoped3A, %add3A_105, %dma_start3A_330] : memref<4x10240x64xf32, #tpu.memory_space<hbm>> -> memref<1x128x64xf32, #tpu.memory_space<hbm>>
        %dma_start3A_332 = tpu.memref_squeeze %dma_start3A_331 : memref<1x128x64xf32, #tpu.memory_space<hbm>> -> memref<128x64xf32, #tpu.memory_space<hbm>>
        %dma_start3A_333 = arith.constant 0 : i32
        %dma_start3A_334 = tpu.memref_slice %arg8[%run_scoped3A, %add3A_105, %dma_start3A_333] : memref<4x10240x64xf32, #tpu.memory_space<hbm>> -> memref<1x128x64xf32, #tpu.memory_space<hbm>>
        %dma_start3A_335 = tpu.memref_squeeze %dma_start3A_334 : memref<1x128x64xf32, #tpu.memory_space<hbm>> -> memref<128x64xf32, #tpu.memory_space<hbm>>
        tpu.enqueue_dma source(%arg11 : memref<128x64xf32, #tpu.memory_space<vmem>>) target(%dma_start3A_335 : memref<128x64xf32, #tpu.memory_space<hbm>>) target_semaphore(%run_scoped3A_329 : memref<!tpu.dma_semaphore, #tpu.memory_space<semaphore_mem>>)
        %dma_wait3A_336 = arith.constant 0 : i32
        %dma_wait3A_337 = tpu.memref_slice %arg8[%run_scoped3A, %add3A_105, %dma_wait3A_336] : memref<4x10240x64xf32, #tpu.memory_space<hbm>> -> memref<1x128x64xf32, #tpu.memory_space<hbm>>
        %dma_wait3A_338 = tpu.memref_squeeze %dma_wait3A_337 : memref<1x128x64xf32, #tpu.memory_space<hbm>> -> memref<128x64xf32, #tpu.memory_space<hbm>>
        %dma_wait3A_339 = arith.constant 0 : i32
        %dma_wait3A_340 = tpu.memref_slice %arg8[%run_scoped3A, %add3A_105, %dma_wait3A_339] : memref<4x10240x64xf32, #tpu.memory_space<hbm>> -> memref<1x128x64xf32, #tpu.memory_space<hbm>>
        %dma_wait3A_341 = tpu.memref_squeeze %dma_wait3A_340 : memref<1x128x64xf32, #tpu.memory_space<hbm>> -> memref<128x64xf32, #tpu.memory_space<hbm>>
        tpu.wait_dma2 semaphore(%run_scoped3A_329 : memref<!tpu.dma_semaphore, #tpu.memory_space<semaphore_mem>>) src(%arg11 : memref<128x64xf32, #tpu.memory_space<vmem>>) dst(%dma_wait3A_341 : memref<128x64xf32, #tpu.memory_space<hbm>>)
        tpu.yield
      }) : () -> ()
    } else {
    }
    %eq3A_111 = arith.constant 1 : i32
    %eq3A_112 = arith.cmpi eq, %arg0, %eq3A_111 : i32
    %convert_element_type3A_113 = arith.extui %eq3A_112 : i1 to i32
    %cond3A_114 = arith.constant 0 : i32
    %cond3A_115 = arith.cmpi ne, %convert_element_type3A_113, %cond3A_114 : i32
    scf.if %cond3A_115 {
      %run_scoped3A = arith.constant 1 : i32
      "tpu.region"() ({
        %run_scoped3A_329 = tpu.sem_alloc : memref<!tpu.dma_semaphore, #tpu.memory_space<semaphore_mem>>
        %dma_start3A_330 = arith.constant 0 : i32
        %dma_start3A_331 = tpu.memref_slice %arg8[%run_scoped3A, %add3A_105, %dma_start3A_330] : memref<4x10240x64xf32, #tpu.memory_space<hbm>> -> memref<1x128x64xf32, #tpu.memory_space<hbm>>
        %dma_start3A_332 = tpu.memref_squeeze %dma_start3A_331 : memref<1x128x64xf32, #tpu.memory_space<hbm>> -> memref<128x64xf32, #tpu.memory_space<hbm>>
        %dma_start3A_333 = arith.constant 0 : i32
        %dma_start3A_334 = tpu.memref_slice %arg8[%run_scoped3A, %add3A_105, %dma_start3A_333] : memref<4x10240x64xf32, #tpu.memory_space<hbm>> -> memref<1x128x64xf32, #tpu.memory_space<hbm>>
        %dma_start3A_335 = tpu.memref_squeeze %dma_start3A_334 : memref<1x128x64xf32, #tpu.memory_space<hbm>> -> memref<128x64xf32, #tpu.memory_space<hbm>>
        tpu.enqueue_dma source(%arg11 : memref<128x64xf32, #tpu.memory_space<vmem>>) target(%dma_start3A_335 : memref<128x64xf32, #tpu.memory_space<hbm>>) target_semaphore(%run_scoped3A_329 : memref<!tpu.dma_semaphore, #tpu.memory_space<semaphore_mem>>)
        %dma_wait3A_336 = arith.constant 0 : i32
        %dma_wait3A_337 = tpu.memref_slice %arg8[%run_scoped3A, %add3A_105, %dma_wait3A_336] : memref<4x10240x64xf32, #tpu.memory_space<hbm>> -> memref<1x128x64xf32, #tpu.memory_space<hbm>>
        %dma_wait3A_338 = tpu.memref_squeeze %dma_wait3A_337 : memref<1x128x64xf32, #tpu.memory_space<hbm>> -> memref<128x64xf32, #tpu.memory_space<hbm>>
        %dma_wait3A_339 = arith.constant 0 : i32
        %dma_wait3A_340 = tpu.memref_slice %arg8[%run_scoped3A, %add3A_105, %dma_wait3A_339] : memref<4x10240x64xf32, #tpu.memory_space<hbm>> -> memref<1x128x64xf32, #tpu.memory_space<hbm>>
        %dma_wait3A_341 = tpu.memref_squeeze %dma_wait3A_340 : memref<1x128x64xf32, #tpu.memory_space<hbm>> -> memref<128x64xf32, #tpu.memory_space<hbm>>
        tpu.wait_dma2 semaphore(%run_scoped3A_329 : memref<!tpu.dma_semaphore, #tpu.memory_space<semaphore_mem>>) src(%arg11 : memref<128x64xf32, #tpu.memory_space<vmem>>) dst(%dma_wait3A_341 : memref<128x64xf32, #tpu.memory_space<hbm>>)
        tpu.yield
      }) : () -> ()
    } else {
    }
    %add3A_116 = arith.constant 128 : i32
    %add3A_117 = arith.addi %mul3A_0, %add3A_116 : i32
    "tpu.region"() ({
      %run_scoped3A = tpu.sem_alloc : memref<!tpu.dma_semaphore, #tpu.memory_space<semaphore_mem>>
      %dma_start3A_329 = arith.constant 0 : i32
      %dma_start3A_330 = tpu.memref_slice %arg15[%add3A_117, %dma_start3A_329] : memref<10240x64xf32, #tpu.memory_space<vmem_shared>> -> memref<128x64xf32, #tpu.memory_space<vmem_shared>>
      %dma_start3A_331 = arith.constant 0 : i32
      %dma_start3A_332 = tpu.memref_slice %arg15[%add3A_117, %dma_start3A_331] : memref<10240x64xf32, #tpu.memory_space<vmem_shared>> -> memref<128x64xf32, #tpu.memory_space<vmem_shared>>
      tpu.enqueue_dma source(%dma_start3A_332 : memref<128x64xf32, #tpu.memory_space<vmem_shared>>) target(%arg11 : memref<128x64xf32, #tpu.memory_space<vmem>>) target_semaphore(%run_scoped3A : memref<!tpu.dma_semaphore, #tpu.memory_space<semaphore_mem>>)
      %dma_wait3A_333 = arith.constant 0 : i32
      %dma_wait3A_334 = tpu.memref_slice %arg15[%add3A_117, %dma_wait3A_333] : memref<10240x64xf32, #tpu.memory_space<vmem_shared>> -> memref<128x64xf32, #tpu.memory_space<vmem_shared>>
      %dma_wait3A_335 = arith.constant 0 : i32
      %dma_wait3A_336 = tpu.memref_slice %arg15[%add3A_117, %dma_wait3A_335] : memref<10240x64xf32, #tpu.memory_space<vmem_shared>> -> memref<128x64xf32, #tpu.memory_space<vmem_shared>>
      tpu.wait_dma2 semaphore(%run_scoped3A : memref<!tpu.dma_semaphore, #tpu.memory_space<semaphore_mem>>) src(%dma_wait3A_336 : memref<128x64xf32, #tpu.memory_space<vmem_shared>>) dst(%arg11 : memref<128x64xf32, #tpu.memory_space<vmem>>)
      tpu.yield
    }) : () -> ()
    %eq3A_118 = arith.constant 0 : i32
    %eq3A_119 = arith.cmpi eq, %arg0, %eq3A_118 : i32
    %convert_element_type3A_120 = arith.extui %eq3A_119 : i1 to i32
    %cond3A_121 = arith.constant 0 : i32
    %cond3A_122 = arith.cmpi ne, %convert_element_type3A_120, %cond3A_121 : i32
    scf.if %cond3A_122 {
      %run_scoped3A = arith.constant 0 : i32
      "tpu.region"() ({
        %run_scoped3A_329 = tpu.sem_alloc : memref<!tpu.dma_semaphore, #tpu.memory_space<semaphore_mem>>
        %dma_start3A_330 = arith.constant 0 : i32
        %dma_start3A_331 = tpu.memref_slice %arg8[%run_scoped3A, %add3A_117, %dma_start3A_330] : memref<4x10240x64xf32, #tpu.memory_space<hbm>> -> memref<1x128x64xf32, #tpu.memory_space<hbm>>
        %dma_start3A_332 = tpu.memref_squeeze %dma_start3A_331 : memref<1x128x64xf32, #tpu.memory_space<hbm>> -> memref<128x64xf32, #tpu.memory_space<hbm>>
        %dma_start3A_333 = arith.constant 0 : i32
        %dma_start3A_334 = tpu.memref_slice %arg8[%run_scoped3A, %add3A_117, %dma_start3A_333] : memref<4x10240x64xf32, #tpu.memory_space<hbm>> -> memref<1x128x64xf32, #tpu.memory_space<hbm>>
        %dma_start3A_335 = tpu.memref_squeeze %dma_start3A_334 : memref<1x128x64xf32, #tpu.memory_space<hbm>> -> memref<128x64xf32, #tpu.memory_space<hbm>>
        tpu.enqueue_dma source(%arg11 : memref<128x64xf32, #tpu.memory_space<vmem>>) target(%dma_start3A_335 : memref<128x64xf32, #tpu.memory_space<hbm>>) target_semaphore(%run_scoped3A_329 : memref<!tpu.dma_semaphore, #tpu.memory_space<semaphore_mem>>)
        %dma_wait3A_336 = arith.constant 0 : i32
        %dma_wait3A_337 = tpu.memref_slice %arg8[%run_scoped3A, %add3A_117, %dma_wait3A_336] : memref<4x10240x64xf32, #tpu.memory_space<hbm>> -> memref<1x128x64xf32, #tpu.memory_space<hbm>>
        %dma_wait3A_338 = tpu.memref_squeeze %dma_wait3A_337 : memref<1x128x64xf32, #tpu.memory_space<hbm>> -> memref<128x64xf32, #tpu.memory_space<hbm>>
        %dma_wait3A_339 = arith.constant 0 : i32
        %dma_wait3A_340 = tpu.memref_slice %arg8[%run_scoped3A, %add3A_117, %dma_wait3A_339] : memref<4x10240x64xf32, #tpu.memory_space<hbm>> -> memref<1x128x64xf32, #tpu.memory_space<hbm>>
        %dma_wait3A_341 = tpu.memref_squeeze %dma_wait3A_340 : memref<1x128x64xf32, #tpu.memory_space<hbm>> -> memref<128x64xf32, #tpu.memory_space<hbm>>
        tpu.wait_dma2 semaphore(%run_scoped3A_329 : memref<!tpu.dma_semaphore, #tpu.memory_space<semaphore_mem>>) src(%arg11 : memref<128x64xf32, #tpu.memory_space<vmem>>) dst(%dma_wait3A_341 : memref<128x64xf32, #tpu.memory_space<hbm>>)
        tpu.yield
      }) : () -> ()
    } else {
    }
    %eq3A_123 = arith.constant 1 : i32
    %eq3A_124 = arith.cmpi eq, %arg0, %eq3A_123 : i32
    %convert_element_type3A_125 = arith.extui %eq3A_124 : i1 to i32
    %cond3A_126 = arith.constant 0 : i32
    %cond3A_127 = arith.cmpi ne, %convert_element_type3A_125, %cond3A_126 : i32
    scf.if %cond3A_127 {
      %run_scoped3A = arith.constant 1 : i32
      "tpu.region"() ({
        %run_scoped3A_329 = tpu.sem_alloc : memref<!tpu.dma_semaphore, #tpu.memory_space<semaphore_mem>>
        %dma_start3A_330 = arith.constant 0 : i32
        %dma_start3A_331 = tpu.memref_slice %arg8[%run_scoped3A, %add3A_117, %dma_start3A_330] : memref<4x10240x64xf32, #tpu.memory_space<hbm>> -> memref<1x128x64xf32, #tpu.memory_space<hbm>>
        %dma_start3A_332 = tpu.memref_squeeze %dma_start3A_331 : memref<1x128x64xf32, #tpu.memory_space<hbm>> -> memref<128x64xf32, #tpu.memory_space<hbm>>
        %dma_start3A_333 = arith.constant 0 : i32
        %dma_start3A_334 = tpu.memref_slice %arg8[%run_scoped3A, %add3A_117, %dma_start3A_333] : memref<4x10240x64xf32, #tpu.memory_space<hbm>> -> memref<1x128x64xf32, #tpu.memory_space<hbm>>
        %dma_start3A_335 = tpu.memref_squeeze %dma_start3A_334 : memref<1x128x64xf32, #tpu.memory_space<hbm>> -> memref<128x64xf32, #tpu.memory_space<hbm>>
        tpu.enqueue_dma source(%arg11 : memref<128x64xf32, #tpu.memory_space<vmem>>) target(%dma_start3A_335 : memref<128x64xf32, #tpu.memory_space<hbm>>) target_semaphore(%run_scoped3A_329 : memref<!tpu.dma_semaphore, #tpu.memory_space<semaphore_mem>>)
        %dma_wait3A_336 = arith.constant 0 : i32
        %dma_wait3A_337 = tpu.memref_slice %arg8[%run_scoped3A, %add3A_117, %dma_wait3A_336] : memref<4x10240x64xf32, #tpu.memory_space<hbm>> -> memref<1x128x64xf32, #tpu.memory_space<hbm>>
        %dma_wait3A_338 = tpu.memref_squeeze %dma_wait3A_337 : memref<1x128x64xf32, #tpu.memory_space<hbm>> -> memref<128x64xf32, #tpu.memory_space<hbm>>
        %dma_wait3A_339 = arith.constant 0 : i32
        %dma_wait3A_340 = tpu.memref_slice %arg8[%run_scoped3A, %add3A_117, %dma_wait3A_339] : memref<4x10240x64xf32, #tpu.memory_space<hbm>> -> memref<1x128x64xf32, #tpu.memory_space<hbm>>
        %dma_wait3A_341 = tpu.memref_squeeze %dma_wait3A_340 : memref<1x128x64xf32, #tpu.memory_space<hbm>> -> memref<128x64xf32, #tpu.memory_space<hbm>>
        tpu.wait_dma2 semaphore(%run_scoped3A_329 : memref<!tpu.dma_semaphore, #tpu.memory_space<semaphore_mem>>) src(%arg11 : memref<128x64xf32, #tpu.memory_space<vmem>>) dst(%dma_wait3A_341 : memref<128x64xf32, #tpu.memory_space<hbm>>)
        tpu.yield
      }) : () -> ()
    } else {
    }
    %add3A_128 = arith.constant 256 : i32
    %add3A_129 = arith.addi %mul3A_0, %add3A_128 : i32
    "tpu.region"() ({
      %run_scoped3A = tpu.sem_alloc : memref<!tpu.dma_semaphore, #tpu.memory_space<semaphore_mem>>
      %dma_start3A_329 = arith.constant 0 : i32
      %dma_start3A_330 = tpu.memref_slice %arg15[%add3A_129, %dma_start3A_329] : memref<10240x64xf32, #tpu.memory_space<vmem_shared>> -> memref<128x64xf32, #tpu.memory_space<vmem_shared>>
      %dma_start3A_331 = arith.constant 0 : i32
      %dma_start3A_332 = tpu.memref_slice %arg15[%add3A_129, %dma_start3A_331] : memref<10240x64xf32, #tpu.memory_space<vmem_shared>> -> memref<128x64xf32, #tpu.memory_space<vmem_shared>>
      tpu.enqueue_dma source(%dma_start3A_332 : memref<128x64xf32, #tpu.memory_space<vmem_shared>>) target(%arg11 : memref<128x64xf32, #tpu.memory_space<vmem>>) target_semaphore(%run_scoped3A : memref<!tpu.dma_semaphore, #tpu.memory_space<semaphore_mem>>)
      %dma_wait3A_333 = arith.constant 0 : i32
      %dma_wait3A_334 = tpu.memref_slice %arg15[%add3A_129, %dma_wait3A_333] : memref<10240x64xf32, #tpu.memory_space<vmem_shared>> -> memref<128x64xf32, #tpu.memory_space<vmem_shared>>
      %dma_wait3A_335 = arith.constant 0 : i32
      %dma_wait3A_336 = tpu.memref_slice %arg15[%add3A_129, %dma_wait3A_335] : memref<10240x64xf32, #tpu.memory_space<vmem_shared>> -> memref<128x64xf32, #tpu.memory_space<vmem_shared>>
      tpu.wait_dma2 semaphore(%run_scoped3A : memref<!tpu.dma_semaphore, #tpu.memory_space<semaphore_mem>>) src(%dma_wait3A_336 : memref<128x64xf32, #tpu.memory_space<vmem_shared>>) dst(%arg11 : memref<128x64xf32, #tpu.memory_space<vmem>>)
      tpu.yield
    }) : () -> ()
    %eq3A_130 = arith.constant 0 : i32
    %eq3A_131 = arith.cmpi eq, %arg0, %eq3A_130 : i32
    %convert_element_type3A_132 = arith.extui %eq3A_131 : i1 to i32
    %cond3A_133 = arith.constant 0 : i32
    %cond3A_134 = arith.cmpi ne, %convert_element_type3A_132, %cond3A_133 : i32
    scf.if %cond3A_134 {
      %run_scoped3A = arith.constant 0 : i32
      "tpu.region"() ({
        %run_scoped3A_329 = tpu.sem_alloc : memref<!tpu.dma_semaphore, #tpu.memory_space<semaphore_mem>>
        %dma_start3A_330 = arith.constant 0 : i32
        %dma_start3A_331 = tpu.memref_slice %arg8[%run_scoped3A, %add3A_129, %dma_start3A_330] : memref<4x10240x64xf32, #tpu.memory_space<hbm>> -> memref<1x128x64xf32, #tpu.memory_space<hbm>>
        %dma_start3A_332 = tpu.memref_squeeze %dma_start3A_331 : memref<1x128x64xf32, #tpu.memory_space<hbm>> -> memref<128x64xf32, #tpu.memory_space<hbm>>
        %dma_start3A_333 = arith.constant 0 : i32
        %dma_start3A_334 = tpu.memref_slice %arg8[%run_scoped3A, %add3A_129, %dma_start3A_333] : memref<4x10240x64xf32, #tpu.memory_space<hbm>> -> memref<1x128x64xf32, #tpu.memory_space<hbm>>
        %dma_start3A_335 = tpu.memref_squeeze %dma_start3A_334 : memref<1x128x64xf32, #tpu.memory_space<hbm>> -> memref<128x64xf32, #tpu.memory_space<hbm>>
        tpu.enqueue_dma source(%arg11 : memref<128x64xf32, #tpu.memory_space<vmem>>) target(%dma_start3A_335 : memref<128x64xf32, #tpu.memory_space<hbm>>) target_semaphore(%run_scoped3A_329 : memref<!tpu.dma_semaphore, #tpu.memory_space<semaphore_mem>>)
        %dma_wait3A_336 = arith.constant 0 : i32
        %dma_wait3A_337 = tpu.memref_slice %arg8[%run_scoped3A, %add3A_129, %dma_wait3A_336] : memref<4x10240x64xf32, #tpu.memory_space<hbm>> -> memref<1x128x64xf32, #tpu.memory_space<hbm>>
        %dma_wait3A_338 = tpu.memref_squeeze %dma_wait3A_337 : memref<1x128x64xf32, #tpu.memory_space<hbm>> -> memref<128x64xf32, #tpu.memory_space<hbm>>
        %dma_wait3A_339 = arith.constant 0 : i32
        %dma_wait3A_340 = tpu.memref_slice %arg8[%run_scoped3A, %add3A_129, %dma_wait3A_339] : memref<4x10240x64xf32, #tpu.memory_space<hbm>> -> memref<1x128x64xf32, #tpu.memory_space<hbm>>
        %dma_wait3A_341 = tpu.memref_squeeze %dma_wait3A_340 : memref<1x128x64xf32, #tpu.memory_space<hbm>> -> memref<128x64xf32, #tpu.memory_space<hbm>>
        tpu.wait_dma2 semaphore(%run_scoped3A_329 : memref<!tpu.dma_semaphore, #tpu.memory_space<semaphore_mem>>) src(%arg11 : memref<128x64xf32, #tpu.memory_space<vmem>>) dst(%dma_wait3A_341 : memref<128x64xf32, #tpu.memory_space<hbm>>)
        tpu.yield
      }) : () -> ()
    } else {
    }
    %eq3A_135 = arith.constant 1 : i32
    %eq3A_136 = arith.cmpi eq, %arg0, %eq3A_135 : i32
    %convert_element_type3A_137 = arith.extui %eq3A_136 : i1 to i32
    %cond3A_138 = arith.constant 0 : i32
    %cond3A_139 = arith.cmpi ne, %convert_element_type3A_137, %cond3A_138 : i32
    scf.if %cond3A_139 {
      %run_scoped3A = arith.constant 1 : i32
      "tpu.region"() ({
        %run_scoped3A_329 = tpu.sem_alloc : memref<!tpu.dma_semaphore, #tpu.memory_space<semaphore_mem>>
        %dma_start3A_330 = arith.constant 0 : i32
        %dma_start3A_331 = tpu.memref_slice %arg8[%run_scoped3A, %add3A_129, %dma_start3A_330] : memref<4x10240x64xf32, #tpu.memory_space<hbm>> -> memref<1x128x64xf32, #tpu.memory_space<hbm>>
        %dma_start3A_332 = tpu.memref_squeeze %dma_start3A_331 : memref<1x128x64xf32, #tpu.memory_space<hbm>> -> memref<128x64xf32, #tpu.memory_space<hbm>>
        %dma_start3A_333 = arith.constant 0 : i32
        %dma_start3A_334 = tpu.memref_slice %arg8[%run_scoped3A, %add3A_129, %dma_start3A_333] : memref<4x10240x64xf32, #tpu.memory_space<hbm>> -> memref<1x128x64xf32, #tpu.memory_space<hbm>>
        %dma_start3A_335 = tpu.memref_squeeze %dma_start3A_334 : memref<1x128x64xf32, #tpu.memory_space<hbm>> -> memref<128x64xf32, #tpu.memory_space<hbm>>
        tpu.enqueue_dma source(%arg11 : memref<128x64xf32, #tpu.memory_space<vmem>>) target(%dma_start3A_335 : memref<128x64xf32, #tpu.memory_space<hbm>>) target_semaphore(%run_scoped3A_329 : memref<!tpu.dma_semaphore, #tpu.memory_space<semaphore_mem>>)
        %dma_wait3A_336 = arith.constant 0 : i32
        %dma_wait3A_337 = tpu.memref_slice %arg8[%run_scoped3A, %add3A_129, %dma_wait3A_336] : memref<4x10240x64xf32, #tpu.memory_space<hbm>> -> memref<1x128x64xf32, #tpu.memory_space<hbm>>
        %dma_wait3A_338 = tpu.memref_squeeze %dma_wait3A_337 : memref<1x128x64xf32, #tpu.memory_space<hbm>> -> memref<128x64xf32, #tpu.memory_space<hbm>>
        %dma_wait3A_339 = arith.constant 0 : i32
        %dma_wait3A_340 = tpu.memref_slice %arg8[%run_scoped3A, %add3A_129, %dma_wait3A_339] : memref<4x10240x64xf32, #tpu.memory_space<hbm>> -> memref<1x128x64xf32, #tpu.memory_space<hbm>>
        %dma_wait3A_341 = tpu.memref_squeeze %dma_wait3A_340 : memref<1x128x64xf32, #tpu.memory_space<hbm>> -> memref<128x64xf32, #tpu.memory_space<hbm>>
        tpu.wait_dma2 semaphore(%run_scoped3A_329 : memref<!tpu.dma_semaphore, #tpu.memory_space<semaphore_mem>>) src(%arg11 : memref<128x64xf32, #tpu.memory_space<vmem>>) dst(%dma_wait3A_341 : memref<128x64xf32, #tpu.memory_space<hbm>>)
        tpu.yield
      }) : () -> ()
    } else {
    }
    %add3A_140 = arith.constant 384 : i32
    %add3A_141 = arith.addi %mul3A_0, %add3A_140 : i32
    "tpu.region"() ({
      %run_scoped3A = tpu.sem_alloc : memref<!tpu.dma_semaphore, #tpu.memory_space<semaphore_mem>>
      %dma_start3A_329 = arith.constant 0 : i32
      %dma_start3A_330 = tpu.memref_slice %arg15[%add3A_141, %dma_start3A_329] : memref<10240x64xf32, #tpu.memory_space<vmem_shared>> -> memref<128x64xf32, #tpu.memory_space<vmem_shared>>
      %dma_start3A_331 = arith.constant 0 : i32
      %dma_start3A_332 = tpu.memref_slice %arg15[%add3A_141, %dma_start3A_331] : memref<10240x64xf32, #tpu.memory_space<vmem_shared>> -> memref<128x64xf32, #tpu.memory_space<vmem_shared>>
      tpu.enqueue_dma source(%dma_start3A_332 : memref<128x64xf32, #tpu.memory_space<vmem_shared>>) target(%arg11 : memref<128x64xf32, #tpu.memory_space<vmem>>) target_semaphore(%run_scoped3A : memref<!tpu.dma_semaphore, #tpu.memory_space<semaphore_mem>>)
      %dma_wait3A_333 = arith.constant 0 : i32
      %dma_wait3A_334 = tpu.memref_slice %arg15[%add3A_141, %dma_wait3A_333] : memref<10240x64xf32, #tpu.memory_space<vmem_shared>> -> memref<128x64xf32, #tpu.memory_space<vmem_shared>>
      %dma_wait3A_335 = arith.constant 0 : i32
      %dma_wait3A_336 = tpu.memref_slice %arg15[%add3A_141, %dma_wait3A_335] : memref<10240x64xf32, #tpu.memory_space<vmem_shared>> -> memref<128x64xf32, #tpu.memory_space<vmem_shared>>
      tpu.wait_dma2 semaphore(%run_scoped3A : memref<!tpu.dma_semaphore, #tpu.memory_space<semaphore_mem>>) src(%dma_wait3A_336 : memref<128x64xf32, #tpu.memory_space<vmem_shared>>) dst(%arg11 : memref<128x64xf32, #tpu.memory_space<vmem>>)
      tpu.yield
    }) : () -> ()
    %eq3A_142 = arith.constant 0 : i32
    %eq3A_143 = arith.cmpi eq, %arg0, %eq3A_142 : i32
    %convert_element_type3A_144 = arith.extui %eq3A_143 : i1 to i32
    %cond3A_145 = arith.constant 0 : i32
    %cond3A_146 = arith.cmpi ne, %convert_element_type3A_144, %cond3A_145 : i32
    scf.if %cond3A_146 {
      %run_scoped3A = arith.constant 0 : i32
      "tpu.region"() ({
        %run_scoped3A_329 = tpu.sem_alloc : memref<!tpu.dma_semaphore, #tpu.memory_space<semaphore_mem>>
        %dma_start3A_330 = arith.constant 0 : i32
        %dma_start3A_331 = tpu.memref_slice %arg8[%run_scoped3A, %add3A_141, %dma_start3A_330] : memref<4x10240x64xf32, #tpu.memory_space<hbm>> -> memref<1x128x64xf32, #tpu.memory_space<hbm>>
        %dma_start3A_332 = tpu.memref_squeeze %dma_start3A_331 : memref<1x128x64xf32, #tpu.memory_space<hbm>> -> memref<128x64xf32, #tpu.memory_space<hbm>>
        %dma_start3A_333 = arith.constant 0 : i32
        %dma_start3A_334 = tpu.memref_slice %arg8[%run_scoped3A, %add3A_141, %dma_start3A_333] : memref<4x10240x64xf32, #tpu.memory_space<hbm>> -> memref<1x128x64xf32, #tpu.memory_space<hbm>>
        %dma_start3A_335 = tpu.memref_squeeze %dma_start3A_334 : memref<1x128x64xf32, #tpu.memory_space<hbm>> -> memref<128x64xf32, #tpu.memory_space<hbm>>
        tpu.enqueue_dma source(%arg11 : memref<128x64xf32, #tpu.memory_space<vmem>>) target(%dma_start3A_335 : memref<128x64xf32, #tpu.memory_space<hbm>>) target_semaphore(%run_scoped3A_329 : memref<!tpu.dma_semaphore, #tpu.memory_space<semaphore_mem>>)
        %dma_wait3A_336 = arith.constant 0 : i32
        %dma_wait3A_337 = tpu.memref_slice %arg8[%run_scoped3A, %add3A_141, %dma_wait3A_336] : memref<4x10240x64xf32, #tpu.memory_space<hbm>> -> memref<1x128x64xf32, #tpu.memory_space<hbm>>
        %dma_wait3A_338 = tpu.memref_squeeze %dma_wait3A_337 : memref<1x128x64xf32, #tpu.memory_space<hbm>> -> memref<128x64xf32, #tpu.memory_space<hbm>>
        %dma_wait3A_339 = arith.constant 0 : i32
        %dma_wait3A_340 = tpu.memref_slice %arg8[%run_scoped3A, %add3A_141, %dma_wait3A_339] : memref<4x10240x64xf32, #tpu.memory_space<hbm>> -> memref<1x128x64xf32, #tpu.memory_space<hbm>>
        %dma_wait3A_341 = tpu.memref_squeeze %dma_wait3A_340 : memref<1x128x64xf32, #tpu.memory_space<hbm>> -> memref<128x64xf32, #tpu.memory_space<hbm>>
        tpu.wait_dma2 semaphore(%run_scoped3A_329 : memref<!tpu.dma_semaphore, #tpu.memory_space<semaphore_mem>>) src(%arg11 : memref<128x64xf32, #tpu.memory_space<vmem>>) dst(%dma_wait3A_341 : memref<128x64xf32, #tpu.memory_space<hbm>>)
        tpu.yield
      }) : () -> ()
    } else {
    }
    %eq3A_147 = arith.constant 1 : i32
    %eq3A_148 = arith.cmpi eq, %arg0, %eq3A_147 : i32
    %convert_element_type3A_149 = arith.extui %eq3A_148 : i1 to i32
    %cond3A_150 = arith.constant 0 : i32
    %cond3A_151 = arith.cmpi ne, %convert_element_type3A_149, %cond3A_150 : i32
    scf.if %cond3A_151 {
      %run_scoped3A = arith.constant 1 : i32
      "tpu.region"() ({
        %run_scoped3A_329 = tpu.sem_alloc : memref<!tpu.dma_semaphore, #tpu.memory_space<semaphore_mem>>
        %dma_start3A_330 = arith.constant 0 : i32
        %dma_start3A_331 = tpu.memref_slice %arg8[%run_scoped3A, %add3A_141, %dma_start3A_330] : memref<4x10240x64xf32, #tpu.memory_space<hbm>> -> memref<1x128x64xf32, #tpu.memory_space<hbm>>
        %dma_start3A_332 = tpu.memref_squeeze %dma_start3A_331 : memref<1x128x64xf32, #tpu.memory_space<hbm>> -> memref<128x64xf32, #tpu.memory_space<hbm>>
        %dma_start3A_333 = arith.constant 0 : i32
        %dma_start3A_334 = tpu.memref_slice %arg8[%run_scoped3A, %add3A_141, %dma_start3A_333] : memref<4x10240x64xf32, #tpu.memory_space<hbm>> -> memref<1x128x64xf32, #tpu.memory_space<hbm>>
        %dma_start3A_335 = tpu.memref_squeeze %dma_start3A_334 : memref<1x128x64xf32, #tpu.memory_space<hbm>> -> memref<128x64xf32, #tpu.memory_space<hbm>>
        tpu.enqueue_dma source(%arg11 : memref<128x64xf32, #tpu.memory_space<vmem>>) target(%dma_start3A_335 : memref<128x64xf32, #tpu.memory_space<hbm>>) target_semaphore(%run_scoped3A_329 : memref<!tpu.dma_semaphore, #tpu.memory_space<semaphore_mem>>)
        %dma_wait3A_336 = arith.constant 0 : i32
        %dma_wait3A_337 = tpu.memref_slice %arg8[%run_scoped3A, %add3A_141, %dma_wait3A_336] : memref<4x10240x64xf32, #tpu.memory_space<hbm>> -> memref<1x128x64xf32, #tpu.memory_space<hbm>>
        %dma_wait3A_338 = tpu.memref_squeeze %dma_wait3A_337 : memref<1x128x64xf32, #tpu.memory_space<hbm>> -> memref<128x64xf32, #tpu.memory_space<hbm>>
        %dma_wait3A_339 = arith.constant 0 : i32
        %dma_wait3A_340 = tpu.memref_slice %arg8[%run_scoped3A, %add3A_141, %dma_wait3A_339] : memref<4x10240x64xf32, #tpu.memory_space<hbm>> -> memref<1x128x64xf32, #tpu.memory_space<hbm>>
        %dma_wait3A_341 = tpu.memref_squeeze %dma_wait3A_340 : memref<1x128x64xf32, #tpu.memory_space<hbm>> -> memref<128x64xf32, #tpu.memory_space<hbm>>
        tpu.wait_dma2 semaphore(%run_scoped3A_329 : memref<!tpu.dma_semaphore, #tpu.memory_space<semaphore_mem>>) src(%arg11 : memref<128x64xf32, #tpu.memory_space<vmem>>) dst(%dma_wait3A_341 : memref<128x64xf32, #tpu.memory_space<hbm>>)
        tpu.yield
      }) : () -> ()
    } else {
    }
    %add3A_152 = arith.constant 512 : i32
    %add3A_153 = arith.addi %mul3A_0, %add3A_152 : i32
    "tpu.region"() ({
      %run_scoped3A = tpu.sem_alloc : memref<!tpu.dma_semaphore, #tpu.memory_space<semaphore_mem>>
      %dma_start3A_329 = arith.constant 0 : i32
      %dma_start3A_330 = tpu.memref_slice %arg15[%add3A_153, %dma_start3A_329] : memref<10240x64xf32, #tpu.memory_space<vmem_shared>> -> memref<128x64xf32, #tpu.memory_space<vmem_shared>>
      %dma_start3A_331 = arith.constant 0 : i32
      %dma_start3A_332 = tpu.memref_slice %arg15[%add3A_153, %dma_start3A_331] : memref<10240x64xf32, #tpu.memory_space<vmem_shared>> -> memref<128x64xf32, #tpu.memory_space<vmem_shared>>
      tpu.enqueue_dma source(%dma_start3A_332 : memref<128x64xf32, #tpu.memory_space<vmem_shared>>) target(%arg11 : memref<128x64xf32, #tpu.memory_space<vmem>>) target_semaphore(%run_scoped3A : memref<!tpu.dma_semaphore, #tpu.memory_space<semaphore_mem>>)
      %dma_wait3A_333 = arith.constant 0 : i32
      %dma_wait3A_334 = tpu.memref_slice %arg15[%add3A_153, %dma_wait3A_333] : memref<10240x64xf32, #tpu.memory_space<vmem_shared>> -> memref<128x64xf32, #tpu.memory_space<vmem_shared>>
      %dma_wait3A_335 = arith.constant 0 : i32
      %dma_wait3A_336 = tpu.memref_slice %arg15[%add3A_153, %dma_wait3A_335] : memref<10240x64xf32, #tpu.memory_space<vmem_shared>> -> memref<128x64xf32, #tpu.memory_space<vmem_shared>>
      tpu.wait_dma2 semaphore(%run_scoped3A : memref<!tpu.dma_semaphore, #tpu.memory_space<semaphore_mem>>) src(%dma_wait3A_336 : memref<128x64xf32, #tpu.memory_space<vmem_shared>>) dst(%arg11 : memref<128x64xf32, #tpu.memory_space<vmem>>)
      tpu.yield
    }) : () -> ()
    %eq3A_154 = arith.constant 0 : i32
    %eq3A_155 = arith.cmpi eq, %arg0, %eq3A_154 : i32
    %convert_element_type3A_156 = arith.extui %eq3A_155 : i1 to i32
    %cond3A_157 = arith.constant 0 : i32
    %cond3A_158 = arith.cmpi ne, %convert_element_type3A_156, %cond3A_157 : i32
    scf.if %cond3A_158 {
      %run_scoped3A = arith.constant 0 : i32
      "tpu.region"() ({
        %run_scoped3A_329 = tpu.sem_alloc : memref<!tpu.dma_semaphore, #tpu.memory_space<semaphore_mem>>
        %dma_start3A_330 = arith.constant 0 : i32
        %dma_start3A_331 = tpu.memref_slice %arg8[%run_scoped3A, %add3A_153, %dma_start3A_330] : memref<4x10240x64xf32, #tpu.memory_space<hbm>> -> memref<1x128x64xf32, #tpu.memory_space<hbm>>
        %dma_start3A_332 = tpu.memref_squeeze %dma_start3A_331 : memref<1x128x64xf32, #tpu.memory_space<hbm>> -> memref<128x64xf32, #tpu.memory_space<hbm>>
        %dma_start3A_333 = arith.constant 0 : i32
        %dma_start3A_334 = tpu.memref_slice %arg8[%run_scoped3A, %add3A_153, %dma_start3A_333] : memref<4x10240x64xf32, #tpu.memory_space<hbm>> -> memref<1x128x64xf32, #tpu.memory_space<hbm>>
        %dma_start3A_335 = tpu.memref_squeeze %dma_start3A_334 : memref<1x128x64xf32, #tpu.memory_space<hbm>> -> memref<128x64xf32, #tpu.memory_space<hbm>>
        tpu.enqueue_dma source(%arg11 : memref<128x64xf32, #tpu.memory_space<vmem>>) target(%dma_start3A_335 : memref<128x64xf32, #tpu.memory_space<hbm>>) target_semaphore(%run_scoped3A_329 : memref<!tpu.dma_semaphore, #tpu.memory_space<semaphore_mem>>)
        %dma_wait3A_336 = arith.constant 0 : i32
        %dma_wait3A_337 = tpu.memref_slice %arg8[%run_scoped3A, %add3A_153, %dma_wait3A_336] : memref<4x10240x64xf32, #tpu.memory_space<hbm>> -> memref<1x128x64xf32, #tpu.memory_space<hbm>>
        %dma_wait3A_338 = tpu.memref_squeeze %dma_wait3A_337 : memref<1x128x64xf32, #tpu.memory_space<hbm>> -> memref<128x64xf32, #tpu.memory_space<hbm>>
        %dma_wait3A_339 = arith.constant 0 : i32
        %dma_wait3A_340 = tpu.memref_slice %arg8[%run_scoped3A, %add3A_153, %dma_wait3A_339] : memref<4x10240x64xf32, #tpu.memory_space<hbm>> -> memref<1x128x64xf32, #tpu.memory_space<hbm>>
        %dma_wait3A_341 = tpu.memref_squeeze %dma_wait3A_340 : memref<1x128x64xf32, #tpu.memory_space<hbm>> -> memref<128x64xf32, #tpu.memory_space<hbm>>
        tpu.wait_dma2 semaphore(%run_scoped3A_329 : memref<!tpu.dma_semaphore, #tpu.memory_space<semaphore_mem>>) src(%arg11 : memref<128x64xf32, #tpu.memory_space<vmem>>) dst(%dma_wait3A_341 : memref<128x64xf32, #tpu.memory_space<hbm>>)
        tpu.yield
      }) : () -> ()
    } else {
    }
    %eq3A_159 = arith.constant 1 : i32
    %eq3A_160 = arith.cmpi eq, %arg0, %eq3A_159 : i32
    %convert_element_type3A_161 = arith.extui %eq3A_160 : i1 to i32
    %cond3A_162 = arith.constant 0 : i32
    %cond3A_163 = arith.cmpi ne, %convert_element_type3A_161, %cond3A_162 : i32
    scf.if %cond3A_163 {
      %run_scoped3A = arith.constant 1 : i32
      "tpu.region"() ({
        %run_scoped3A_329 = tpu.sem_alloc : memref<!tpu.dma_semaphore, #tpu.memory_space<semaphore_mem>>
        %dma_start3A_330 = arith.constant 0 : i32
        %dma_start3A_331 = tpu.memref_slice %arg8[%run_scoped3A, %add3A_153, %dma_start3A_330] : memref<4x10240x64xf32, #tpu.memory_space<hbm>> -> memref<1x128x64xf32, #tpu.memory_space<hbm>>
        %dma_start3A_332 = tpu.memref_squeeze %dma_start3A_331 : memref<1x128x64xf32, #tpu.memory_space<hbm>> -> memref<128x64xf32, #tpu.memory_space<hbm>>
        %dma_start3A_333 = arith.constant 0 : i32
        %dma_start3A_334 = tpu.memref_slice %arg8[%run_scoped3A, %add3A_153, %dma_start3A_333] : memref<4x10240x64xf32, #tpu.memory_space<hbm>> -> memref<1x128x64xf32, #tpu.memory_space<hbm>>
        %dma_start3A_335 = tpu.memref_squeeze %dma_start3A_334 : memref<1x128x64xf32, #tpu.memory_space<hbm>> -> memref<128x64xf32, #tpu.memory_space<hbm>>
        tpu.enqueue_dma source(%arg11 : memref<128x64xf32, #tpu.memory_space<vmem>>) target(%dma_start3A_335 : memref<128x64xf32, #tpu.memory_space<hbm>>) target_semaphore(%run_scoped3A_329 : memref<!tpu.dma_semaphore, #tpu.memory_space<semaphore_mem>>)
        %dma_wait3A_336 = arith.constant 0 : i32
        %dma_wait3A_337 = tpu.memref_slice %arg8[%run_scoped3A, %add3A_153, %dma_wait3A_336] : memref<4x10240x64xf32, #tpu.memory_space<hbm>> -> memref<1x128x64xf32, #tpu.memory_space<hbm>>
        %dma_wait3A_338 = tpu.memref_squeeze %dma_wait3A_337 : memref<1x128x64xf32, #tpu.memory_space<hbm>> -> memref<128x64xf32, #tpu.memory_space<hbm>>
        %dma_wait3A_339 = arith.constant 0 : i32
        %dma_wait3A_340 = tpu.memref_slice %arg8[%run_scoped3A, %add3A_153, %dma_wait3A_339] : memref<4x10240x64xf32, #tpu.memory_space<hbm>> -> memref<1x128x64xf32, #tpu.memory_space<hbm>>
        %dma_wait3A_341 = tpu.memref_squeeze %dma_wait3A_340 : memref<1x128x64xf32, #tpu.memory_space<hbm>> -> memref<128x64xf32, #tpu.memory_space<hbm>>
        tpu.wait_dma2 semaphore(%run_scoped3A_329 : memref<!tpu.dma_semaphore, #tpu.memory_space<semaphore_mem>>) src(%arg11 : memref<128x64xf32, #tpu.memory_space<vmem>>) dst(%dma_wait3A_341 : memref<128x64xf32, #tpu.memory_space<hbm>>)
        tpu.yield
      }) : () -> ()
    } else {
    }
    %barrier3A_164 = arith.constant 0 : index
    tpu.barrier barrier_id(%barrier3A_164)
    %add3A_165 = arith.constant 0 : i32
    %add3A_166 = arith.addi %mul3A_0, %add3A_165 : i32
    %eq3A_167 = arith.constant 0 : i32
    %eq3A_168 = arith.cmpi eq, %arg0, %eq3A_167 : i32
    %convert_element_type3A_169 = arith.extui %eq3A_168 : i1 to i32
    %cond3A_170 = arith.constant 0 : i32
    %cond3A_171 = arith.cmpi ne, %convert_element_type3A_169, %cond3A_170 : i32
    scf.if %cond3A_171 {
      "tpu.region"() ({
        %run_scoped3A = tpu.sem_alloc : memref<!tpu.dma_semaphore, #tpu.memory_space<semaphore_mem>>
        %dma_start3A_329 = arith.constant 0 : i32
        %dma_start3A_330 = tpu.memref_slice %arg4[%add3A_166, %dma_start3A_329] : memref<10240x64xf32, #tpu.memory_space<hbm>> -> memref<128x64xf32, #tpu.memory_space<hbm>>
        %dma_start3A_331 = arith.constant 0 : i32
        %dma_start3A_332 = tpu.memref_slice %arg4[%add3A_166, %dma_start3A_331] : memref<10240x64xf32, #tpu.memory_space<hbm>> -> memref<128x64xf32, #tpu.memory_space<hbm>>
        tpu.enqueue_dma source(%dma_start3A_332 : memref<128x64xf32, #tpu.memory_space<hbm>>) target(%arg11 : memref<128x64xf32, #tpu.memory_space<vmem>>) target_semaphore(%run_scoped3A : memref<!tpu.dma_semaphore, #tpu.memory_space<semaphore_mem>>)
        %dma_wait3A_333 = arith.constant 0 : i32
        %dma_wait3A_334 = tpu.memref_slice %arg4[%add3A_166, %dma_wait3A_333] : memref<10240x64xf32, #tpu.memory_space<hbm>> -> memref<128x64xf32, #tpu.memory_space<hbm>>
        %dma_wait3A_335 = arith.constant 0 : i32
        %dma_wait3A_336 = tpu.memref_slice %arg4[%add3A_166, %dma_wait3A_335] : memref<10240x64xf32, #tpu.memory_space<hbm>> -> memref<128x64xf32, #tpu.memory_space<hbm>>
        tpu.wait_dma2 semaphore(%run_scoped3A : memref<!tpu.dma_semaphore, #tpu.memory_space<semaphore_mem>>) src(%dma_wait3A_336 : memref<128x64xf32, #tpu.memory_space<hbm>>) dst(%arg11 : memref<128x64xf32, #tpu.memory_space<vmem>>)
        tpu.yield
      }) : () -> ()
    } else {
    }
    %eq3A_172 = arith.constant 1 : i32
    %eq3A_173 = arith.cmpi eq, %arg0, %eq3A_172 : i32
    %convert_element_type3A_174 = arith.extui %eq3A_173 : i1 to i32
    %cond3A_175 = arith.constant 0 : i32
    %cond3A_176 = arith.cmpi ne, %convert_element_type3A_174, %cond3A_175 : i32
    scf.if %cond3A_176 {
      "tpu.region"() ({
        %run_scoped3A = tpu.sem_alloc : memref<!tpu.dma_semaphore, #tpu.memory_space<semaphore_mem>>
        %dma_start3A_329 = arith.constant 0 : i32
        %dma_start3A_330 = tpu.memref_slice %arg5[%add3A_166, %dma_start3A_329] : memref<10240x64xf32, #tpu.memory_space<hbm>> -> memref<128x64xf32, #tpu.memory_space<hbm>>
        %dma_start3A_331 = arith.constant 0 : i32
        %dma_start3A_332 = tpu.memref_slice %arg5[%add3A_166, %dma_start3A_331] : memref<10240x64xf32, #tpu.memory_space<hbm>> -> memref<128x64xf32, #tpu.memory_space<hbm>>
        tpu.enqueue_dma source(%dma_start3A_332 : memref<128x64xf32, #tpu.memory_space<hbm>>) target(%arg11 : memref<128x64xf32, #tpu.memory_space<vmem>>) target_semaphore(%run_scoped3A : memref<!tpu.dma_semaphore, #tpu.memory_space<semaphore_mem>>)
        %dma_wait3A_333 = arith.constant 0 : i32
        %dma_wait3A_334 = tpu.memref_slice %arg5[%add3A_166, %dma_wait3A_333] : memref<10240x64xf32, #tpu.memory_space<hbm>> -> memref<128x64xf32, #tpu.memory_space<hbm>>
        %dma_wait3A_335 = arith.constant 0 : i32
        %dma_wait3A_336 = tpu.memref_slice %arg5[%add3A_166, %dma_wait3A_335] : memref<10240x64xf32, #tpu.memory_space<hbm>> -> memref<128x64xf32, #tpu.memory_space<hbm>>
        tpu.wait_dma2 semaphore(%run_scoped3A : memref<!tpu.dma_semaphore, #tpu.memory_space<semaphore_mem>>) src(%dma_wait3A_336 : memref<128x64xf32, #tpu.memory_space<hbm>>) dst(%arg11 : memref<128x64xf32, #tpu.memory_space<vmem>>)
        tpu.yield
      }) : () -> ()
    } else {
    }
    "tpu.region"() ({
      %run_scoped3A = tpu.sem_alloc : memref<!tpu.dma_semaphore, #tpu.memory_space<semaphore_mem>>
      %dma_start3A_329 = arith.constant 0 : i32
      %dma_start3A_330 = tpu.memref_slice %arg14[%add3A_166, %dma_start3A_329] : memref<10240x64xf32, #tpu.memory_space<vmem_shared>> -> memref<128x64xf32, #tpu.memory_space<vmem_shared>>
      %dma_start3A_331 = arith.constant 0 : i32
      %dma_start3A_332 = tpu.memref_slice %arg14[%add3A_166, %dma_start3A_331] : memref<10240x64xf32, #tpu.memory_space<vmem_shared>> -> memref<128x64xf32, #tpu.memory_space<vmem_shared>>
      tpu.enqueue_dma source(%arg11 : memref<128x64xf32, #tpu.memory_space<vmem>>) target(%dma_start3A_332 : memref<128x64xf32, #tpu.memory_space<vmem_shared>>) target_semaphore(%run_scoped3A : memref<!tpu.dma_semaphore, #tpu.memory_space<semaphore_mem>>)
      %dma_wait3A_333 = arith.constant 0 : i32
      %dma_wait3A_334 = tpu.memref_slice %arg14[%add3A_166, %dma_wait3A_333] : memref<10240x64xf32, #tpu.memory_space<vmem_shared>> -> memref<128x64xf32, #tpu.memory_space<vmem_shared>>
      %dma_wait3A_335 = arith.constant 0 : i32
      %dma_wait3A_336 = tpu.memref_slice %arg14[%add3A_166, %dma_wait3A_335] : memref<10240x64xf32, #tpu.memory_space<vmem_shared>> -> memref<128x64xf32, #tpu.memory_space<vmem_shared>>
      tpu.wait_dma2 semaphore(%run_scoped3A : memref<!tpu.dma_semaphore, #tpu.memory_space<semaphore_mem>>) src(%arg11 : memref<128x64xf32, #tpu.memory_space<vmem>>) dst(%dma_wait3A_336 : memref<128x64xf32, #tpu.memory_space<vmem_shared>>)
      tpu.yield
    }) : () -> ()
    "tpu.region"() ({
      %run_scoped3A = tpu.sem_alloc : memref<!tpu.dma_semaphore, #tpu.memory_space<semaphore_mem>>
      %dma_start3A_329 = arith.constant 0 : i32
      %dma_start3A_330 = tpu.memref_slice %arg15[%add3A_166, %dma_start3A_329] : memref<10240x64xf32, #tpu.memory_space<vmem_shared>> -> memref<128x64xf32, #tpu.memory_space<vmem_shared>>
      %dma_start3A_331 = arith.constant 0 : i32
      %dma_start3A_332 = tpu.memref_slice %arg15[%add3A_166, %dma_start3A_331] : memref<10240x64xf32, #tpu.memory_space<vmem_shared>> -> memref<128x64xf32, #tpu.memory_space<vmem_shared>>
      tpu.enqueue_dma source(%arg13 : memref<128x64xf32, #tpu.memory_space<vmem>>) target(%dma_start3A_332 : memref<128x64xf32, #tpu.memory_space<vmem_shared>>) target_semaphore(%run_scoped3A : memref<!tpu.dma_semaphore, #tpu.memory_space<semaphore_mem>>)
      %dma_wait3A_333 = arith.constant 0 : i32
      %dma_wait3A_334 = tpu.memref_slice %arg15[%add3A_166, %dma_wait3A_333] : memref<10240x64xf32, #tpu.memory_space<vmem_shared>> -> memref<128x64xf32, #tpu.memory_space<vmem_shared>>
      %dma_wait3A_335 = arith.constant 0 : i32
      %dma_wait3A_336 = tpu.memref_slice %arg15[%add3A_166, %dma_wait3A_335] : memref<10240x64xf32, #tpu.memory_space<vmem_shared>> -> memref<128x64xf32, #tpu.memory_space<vmem_shared>>
      tpu.wait_dma2 semaphore(%run_scoped3A : memref<!tpu.dma_semaphore, #tpu.memory_space<semaphore_mem>>) src(%arg13 : memref<128x64xf32, #tpu.memory_space<vmem>>) dst(%dma_wait3A_336 : memref<128x64xf32, #tpu.memory_space<vmem_shared>>)
      tpu.yield
    }) : () -> ()
    %add3A_177 = arith.constant 128 : i32
    %add3A_178 = arith.addi %mul3A_0, %add3A_177 : i32
    %eq3A_179 = arith.constant 0 : i32
    %eq3A_180 = arith.cmpi eq, %arg0, %eq3A_179 : i32
    %convert_element_type3A_181 = arith.extui %eq3A_180 : i1 to i32
    %cond3A_182 = arith.constant 0 : i32
    %cond3A_183 = arith.cmpi ne, %convert_element_type3A_181, %cond3A_182 : i32
    scf.if %cond3A_183 {
      "tpu.region"() ({
        %run_scoped3A = tpu.sem_alloc : memref<!tpu.dma_semaphore, #tpu.memory_space<semaphore_mem>>
        %dma_start3A_329 = arith.constant 0 : i32
        %dma_start3A_330 = tpu.memref_slice %arg4[%add3A_178, %dma_start3A_329] : memref<10240x64xf32, #tpu.memory_space<hbm>> -> memref<128x64xf32, #tpu.memory_space<hbm>>
        %dma_start3A_331 = arith.constant 0 : i32
        %dma_start3A_332 = tpu.memref_slice %arg4[%add3A_178, %dma_start3A_331] : memref<10240x64xf32, #tpu.memory_space<hbm>> -> memref<128x64xf32, #tpu.memory_space<hbm>>
        tpu.enqueue_dma source(%dma_start3A_332 : memref<128x64xf32, #tpu.memory_space<hbm>>) target(%arg11 : memref<128x64xf32, #tpu.memory_space<vmem>>) target_semaphore(%run_scoped3A : memref<!tpu.dma_semaphore, #tpu.memory_space<semaphore_mem>>)
        %dma_wait3A_333 = arith.constant 0 : i32
        %dma_wait3A_334 = tpu.memref_slice %arg4[%add3A_178, %dma_wait3A_333] : memref<10240x64xf32, #tpu.memory_space<hbm>> -> memref<128x64xf32, #tpu.memory_space<hbm>>
        %dma_wait3A_335 = arith.constant 0 : i32
        %dma_wait3A_336 = tpu.memref_slice %arg4[%add3A_178, %dma_wait3A_335] : memref<10240x64xf32, #tpu.memory_space<hbm>> -> memref<128x64xf32, #tpu.memory_space<hbm>>
        tpu.wait_dma2 semaphore(%run_scoped3A : memref<!tpu.dma_semaphore, #tpu.memory_space<semaphore_mem>>) src(%dma_wait3A_336 : memref<128x64xf32, #tpu.memory_space<hbm>>) dst(%arg11 : memref<128x64xf32, #tpu.memory_space<vmem>>)
        tpu.yield
      }) : () -> ()
    } else {
    }
    %eq3A_184 = arith.constant 1 : i32
    %eq3A_185 = arith.cmpi eq, %arg0, %eq3A_184 : i32
    %convert_element_type3A_186 = arith.extui %eq3A_185 : i1 to i32
    %cond3A_187 = arith.constant 0 : i32
    %cond3A_188 = arith.cmpi ne, %convert_element_type3A_186, %cond3A_187 : i32
    scf.if %cond3A_188 {
      "tpu.region"() ({
        %run_scoped3A = tpu.sem_alloc : memref<!tpu.dma_semaphore, #tpu.memory_space<semaphore_mem>>
        %dma_start3A_329 = arith.constant 0 : i32
        %dma_start3A_330 = tpu.memref_slice %arg5[%add3A_178, %dma_start3A_329] : memref<10240x64xf32, #tpu.memory_space<hbm>> -> memref<128x64xf32, #tpu.memory_space<hbm>>
        %dma_start3A_331 = arith.constant 0 : i32
        %dma_start3A_332 = tpu.memref_slice %arg5[%add3A_178, %dma_start3A_331] : memref<10240x64xf32, #tpu.memory_space<hbm>> -> memref<128x64xf32, #tpu.memory_space<hbm>>
        tpu.enqueue_dma source(%dma_start3A_332 : memref<128x64xf32, #tpu.memory_space<hbm>>) target(%arg11 : memref<128x64xf32, #tpu.memory_space<vmem>>) target_semaphore(%run_scoped3A : memref<!tpu.dma_semaphore, #tpu.memory_space<semaphore_mem>>)
        %dma_wait3A_333 = arith.constant 0 : i32
        %dma_wait3A_334 = tpu.memref_slice %arg5[%add3A_178, %dma_wait3A_333] : memref<10240x64xf32, #tpu.memory_space<hbm>> -> memref<128x64xf32, #tpu.memory_space<hbm>>
        %dma_wait3A_335 = arith.constant 0 : i32
        %dma_wait3A_336 = tpu.memref_slice %arg5[%add3A_178, %dma_wait3A_335] : memref<10240x64xf32, #tpu.memory_space<hbm>> -> memref<128x64xf32, #tpu.memory_space<hbm>>
        tpu.wait_dma2 semaphore(%run_scoped3A : memref<!tpu.dma_semaphore, #tpu.memory_space<semaphore_mem>>) src(%dma_wait3A_336 : memref<128x64xf32, #tpu.memory_space<hbm>>) dst(%arg11 : memref<128x64xf32, #tpu.memory_space<vmem>>)
        tpu.yield
      }) : () -> ()
    } else {
    }
    "tpu.region"() ({
      %run_scoped3A = tpu.sem_alloc : memref<!tpu.dma_semaphore, #tpu.memory_space<semaphore_mem>>
      %dma_start3A_329 = arith.constant 0 : i32
      %dma_start3A_330 = tpu.memref_slice %arg14[%add3A_178, %dma_start3A_329] : memref<10240x64xf32, #tpu.memory_space<vmem_shared>> -> memref<128x64xf32, #tpu.memory_space<vmem_shared>>
      %dma_start3A_331 = arith.constant 0 : i32
      %dma_start3A_332 = tpu.memref_slice %arg14[%add3A_178, %dma_start3A_331] : memref<10240x64xf32, #tpu.memory_space<vmem_shared>> -> memref<128x64xf32, #tpu.memory_space<vmem_shared>>
      tpu.enqueue_dma source(%arg11 : memref<128x64xf32, #tpu.memory_space<vmem>>) target(%dma_start3A_332 : memref<128x64xf32, #tpu.memory_space<vmem_shared>>) target_semaphore(%run_scoped3A : memref<!tpu.dma_semaphore, #tpu.memory_space<semaphore_mem>>)
      %dma_wait3A_333 = arith.constant 0 : i32
      %dma_wait3A_334 = tpu.memref_slice %arg14[%add3A_178, %dma_wait3A_333] : memref<10240x64xf32, #tpu.memory_space<vmem_shared>> -> memref<128x64xf32, #tpu.memory_space<vmem_shared>>
      %dma_wait3A_335 = arith.constant 0 : i32
      %dma_wait3A_336 = tpu.memref_slice %arg14[%add3A_178, %dma_wait3A_335] : memref<10240x64xf32, #tpu.memory_space<vmem_shared>> -> memref<128x64xf32, #tpu.memory_space<vmem_shared>>
      tpu.wait_dma2 semaphore(%run_scoped3A : memref<!tpu.dma_semaphore, #tpu.memory_space<semaphore_mem>>) src(%arg11 : memref<128x64xf32, #tpu.memory_space<vmem>>) dst(%dma_wait3A_336 : memref<128x64xf32, #tpu.memory_space<vmem_shared>>)
      tpu.yield
    }) : () -> ()
    "tpu.region"() ({
      %run_scoped3A = tpu.sem_alloc : memref<!tpu.dma_semaphore, #tpu.memory_space<semaphore_mem>>
      %dma_start3A_329 = arith.constant 0 : i32
      %dma_start3A_330 = tpu.memref_slice %arg15[%add3A_178, %dma_start3A_329] : memref<10240x64xf32, #tpu.memory_space<vmem_shared>> -> memref<128x64xf32, #tpu.memory_space<vmem_shared>>
      %dma_start3A_331 = arith.constant 0 : i32
      %dma_start3A_332 = tpu.memref_slice %arg15[%add3A_178, %dma_start3A_331] : memref<10240x64xf32, #tpu.memory_space<vmem_shared>> -> memref<128x64xf32, #tpu.memory_space<vmem_shared>>
      tpu.enqueue_dma source(%arg13 : memref<128x64xf32, #tpu.memory_space<vmem>>) target(%dma_start3A_332 : memref<128x64xf32, #tpu.memory_space<vmem_shared>>) target_semaphore(%run_scoped3A : memref<!tpu.dma_semaphore, #tpu.memory_space<semaphore_mem>>)
      %dma_wait3A_333 = arith.constant 0 : i32
      %dma_wait3A_334 = tpu.memref_slice %arg15[%add3A_178, %dma_wait3A_333] : memref<10240x64xf32, #tpu.memory_space<vmem_shared>> -> memref<128x64xf32, #tpu.memory_space<vmem_shared>>
      %dma_wait3A_335 = arith.constant 0 : i32
      %dma_wait3A_336 = tpu.memref_slice %arg15[%add3A_178, %dma_wait3A_335] : memref<10240x64xf32, #tpu.memory_space<vmem_shared>> -> memref<128x64xf32, #tpu.memory_space<vmem_shared>>
      tpu.wait_dma2 semaphore(%run_scoped3A : memref<!tpu.dma_semaphore, #tpu.memory_space<semaphore_mem>>) src(%arg13 : memref<128x64xf32, #tpu.memory_space<vmem>>) dst(%dma_wait3A_336 : memref<128x64xf32, #tpu.memory_space<vmem_shared>>)
      tpu.yield
    }) : () -> ()
    %add3A_189 = arith.constant 256 : i32
    %add3A_190 = arith.addi %mul3A_0, %add3A_189 : i32
    %eq3A_191 = arith.constant 0 : i32
    %eq3A_192 = arith.cmpi eq, %arg0, %eq3A_191 : i32
    %convert_element_type3A_193 = arith.extui %eq3A_192 : i1 to i32
    %cond3A_194 = arith.constant 0 : i32
    %cond3A_195 = arith.cmpi ne, %convert_element_type3A_193, %cond3A_194 : i32
    scf.if %cond3A_195 {
      "tpu.region"() ({
        %run_scoped3A = tpu.sem_alloc : memref<!tpu.dma_semaphore, #tpu.memory_space<semaphore_mem>>
        %dma_start3A_329 = arith.constant 0 : i32
        %dma_start3A_330 = tpu.memref_slice %arg4[%add3A_190, %dma_start3A_329] : memref<10240x64xf32, #tpu.memory_space<hbm>> -> memref<128x64xf32, #tpu.memory_space<hbm>>
        %dma_start3A_331 = arith.constant 0 : i32
        %dma_start3A_332 = tpu.memref_slice %arg4[%add3A_190, %dma_start3A_331] : memref<10240x64xf32, #tpu.memory_space<hbm>> -> memref<128x64xf32, #tpu.memory_space<hbm>>
        tpu.enqueue_dma source(%dma_start3A_332 : memref<128x64xf32, #tpu.memory_space<hbm>>) target(%arg11 : memref<128x64xf32, #tpu.memory_space<vmem>>) target_semaphore(%run_scoped3A : memref<!tpu.dma_semaphore, #tpu.memory_space<semaphore_mem>>)
        %dma_wait3A_333 = arith.constant 0 : i32
        %dma_wait3A_334 = tpu.memref_slice %arg4[%add3A_190, %dma_wait3A_333] : memref<10240x64xf32, #tpu.memory_space<hbm>> -> memref<128x64xf32, #tpu.memory_space<hbm>>
        %dma_wait3A_335 = arith.constant 0 : i32
        %dma_wait3A_336 = tpu.memref_slice %arg4[%add3A_190, %dma_wait3A_335] : memref<10240x64xf32, #tpu.memory_space<hbm>> -> memref<128x64xf32, #tpu.memory_space<hbm>>
        tpu.wait_dma2 semaphore(%run_scoped3A : memref<!tpu.dma_semaphore, #tpu.memory_space<semaphore_mem>>) src(%dma_wait3A_336 : memref<128x64xf32, #tpu.memory_space<hbm>>) dst(%arg11 : memref<128x64xf32, #tpu.memory_space<vmem>>)
        tpu.yield
      }) : () -> ()
    } else {
    }
    %eq3A_196 = arith.constant 1 : i32
    %eq3A_197 = arith.cmpi eq, %arg0, %eq3A_196 : i32
    %convert_element_type3A_198 = arith.extui %eq3A_197 : i1 to i32
    %cond3A_199 = arith.constant 0 : i32
    %cond3A_200 = arith.cmpi ne, %convert_element_type3A_198, %cond3A_199 : i32
    scf.if %cond3A_200 {
      "tpu.region"() ({
        %run_scoped3A = tpu.sem_alloc : memref<!tpu.dma_semaphore, #tpu.memory_space<semaphore_mem>>
        %dma_start3A_329 = arith.constant 0 : i32
        %dma_start3A_330 = tpu.memref_slice %arg5[%add3A_190, %dma_start3A_329] : memref<10240x64xf32, #tpu.memory_space<hbm>> -> memref<128x64xf32, #tpu.memory_space<hbm>>
        %dma_start3A_331 = arith.constant 0 : i32
        %dma_start3A_332 = tpu.memref_slice %arg5[%add3A_190, %dma_start3A_331] : memref<10240x64xf32, #tpu.memory_space<hbm>> -> memref<128x64xf32, #tpu.memory_space<hbm>>
        tpu.enqueue_dma source(%dma_start3A_332 : memref<128x64xf32, #tpu.memory_space<hbm>>) target(%arg11 : memref<128x64xf32, #tpu.memory_space<vmem>>) target_semaphore(%run_scoped3A : memref<!tpu.dma_semaphore, #tpu.memory_space<semaphore_mem>>)
        %dma_wait3A_333 = arith.constant 0 : i32
        %dma_wait3A_334 = tpu.memref_slice %arg5[%add3A_190, %dma_wait3A_333] : memref<10240x64xf32, #tpu.memory_space<hbm>> -> memref<128x64xf32, #tpu.memory_space<hbm>>
        %dma_wait3A_335 = arith.constant 0 : i32
        %dma_wait3A_336 = tpu.memref_slice %arg5[%add3A_190, %dma_wait3A_335] : memref<10240x64xf32, #tpu.memory_space<hbm>> -> memref<128x64xf32, #tpu.memory_space<hbm>>
        tpu.wait_dma2 semaphore(%run_scoped3A : memref<!tpu.dma_semaphore, #tpu.memory_space<semaphore_mem>>) src(%dma_wait3A_336 : memref<128x64xf32, #tpu.memory_space<hbm>>) dst(%arg11 : memref<128x64xf32, #tpu.memory_space<vmem>>)
        tpu.yield
      }) : () -> ()
    } else {
    }
    "tpu.region"() ({
      %run_scoped3A = tpu.sem_alloc : memref<!tpu.dma_semaphore, #tpu.memory_space<semaphore_mem>>
      %dma_start3A_329 = arith.constant 0 : i32
      %dma_start3A_330 = tpu.memref_slice %arg14[%add3A_190, %dma_start3A_329] : memref<10240x64xf32, #tpu.memory_space<vmem_shared>> -> memref<128x64xf32, #tpu.memory_space<vmem_shared>>
      %dma_start3A_331 = arith.constant 0 : i32
      %dma_start3A_332 = tpu.memref_slice %arg14[%add3A_190, %dma_start3A_331] : memref<10240x64xf32, #tpu.memory_space<vmem_shared>> -> memref<128x64xf32, #tpu.memory_space<vmem_shared>>
      tpu.enqueue_dma source(%arg11 : memref<128x64xf32, #tpu.memory_space<vmem>>) target(%dma_start3A_332 : memref<128x64xf32, #tpu.memory_space<vmem_shared>>) target_semaphore(%run_scoped3A : memref<!tpu.dma_semaphore, #tpu.memory_space<semaphore_mem>>)
      %dma_wait3A_333 = arith.constant 0 : i32
      %dma_wait3A_334 = tpu.memref_slice %arg14[%add3A_190, %dma_wait3A_333] : memref<10240x64xf32, #tpu.memory_space<vmem_shared>> -> memref<128x64xf32, #tpu.memory_space<vmem_shared>>
      %dma_wait3A_335 = arith.constant 0 : i32
      %dma_wait3A_336 = tpu.memref_slice %arg14[%add3A_190, %dma_wait3A_335] : memref<10240x64xf32, #tpu.memory_space<vmem_shared>> -> memref<128x64xf32, #tpu.memory_space<vmem_shared>>
      tpu.wait_dma2 semaphore(%run_scoped3A : memref<!tpu.dma_semaphore, #tpu.memory_space<semaphore_mem>>) src(%arg11 : memref<128x64xf32, #tpu.memory_space<vmem>>) dst(%dma_wait3A_336 : memref<128x64xf32, #tpu.memory_space<vmem_shared>>)
      tpu.yield
    }) : () -> ()
    "tpu.region"() ({
      %run_scoped3A = tpu.sem_alloc : memref<!tpu.dma_semaphore, #tpu.memory_space<semaphore_mem>>
      %dma_start3A_329 = arith.constant 0 : i32
      %dma_start3A_330 = tpu.memref_slice %arg15[%add3A_190, %dma_start3A_329] : memref<10240x64xf32, #tpu.memory_space<vmem_shared>> -> memref<128x64xf32, #tpu.memory_space<vmem_shared>>
      %dma_start3A_331 = arith.constant 0 : i32
      %dma_start3A_332 = tpu.memref_slice %arg15[%add3A_190, %dma_start3A_331] : memref<10240x64xf32, #tpu.memory_space<vmem_shared>> -> memref<128x64xf32, #tpu.memory_space<vmem_shared>>
      tpu.enqueue_dma source(%arg13 : memref<128x64xf32, #tpu.memory_space<vmem>>) target(%dma_start3A_332 : memref<128x64xf32, #tpu.memory_space<vmem_shared>>) target_semaphore(%run_scoped3A : memref<!tpu.dma_semaphore, #tpu.memory_space<semaphore_mem>>)
      %dma_wait3A_333 = arith.constant 0 : i32
      %dma_wait3A_334 = tpu.memref_slice %arg15[%add3A_190, %dma_wait3A_333] : memref<10240x64xf32, #tpu.memory_space<vmem_shared>> -> memref<128x64xf32, #tpu.memory_space<vmem_shared>>
      %dma_wait3A_335 = arith.constant 0 : i32
      %dma_wait3A_336 = tpu.memref_slice %arg15[%add3A_190, %dma_wait3A_335] : memref<10240x64xf32, #tpu.memory_space<vmem_shared>> -> memref<128x64xf32, #tpu.memory_space<vmem_shared>>
      tpu.wait_dma2 semaphore(%run_scoped3A : memref<!tpu.dma_semaphore, #tpu.memory_space<semaphore_mem>>) src(%arg13 : memref<128x64xf32, #tpu.memory_space<vmem>>) dst(%dma_wait3A_336 : memref<128x64xf32, #tpu.memory_space<vmem_shared>>)
      tpu.yield
    }) : () -> ()
    %add3A_201 = arith.constant 384 : i32
    %add3A_202 = arith.addi %mul3A_0, %add3A_201 : i32
    %eq3A_203 = arith.constant 0 : i32
    %eq3A_204 = arith.cmpi eq, %arg0, %eq3A_203 : i32
    %convert_element_type3A_205 = arith.extui %eq3A_204 : i1 to i32
    %cond3A_206 = arith.constant 0 : i32
    %cond3A_207 = arith.cmpi ne, %convert_element_type3A_205, %cond3A_206 : i32
    scf.if %cond3A_207 {
      "tpu.region"() ({
        %run_scoped3A = tpu.sem_alloc : memref<!tpu.dma_semaphore, #tpu.memory_space<semaphore_mem>>
        %dma_start3A_329 = arith.constant 0 : i32
        %dma_start3A_330 = tpu.memref_slice %arg4[%add3A_202, %dma_start3A_329] : memref<10240x64xf32, #tpu.memory_space<hbm>> -> memref<128x64xf32, #tpu.memory_space<hbm>>
        %dma_start3A_331 = arith.constant 0 : i32
        %dma_start3A_332 = tpu.memref_slice %arg4[%add3A_202, %dma_start3A_331] : memref<10240x64xf32, #tpu.memory_space<hbm>> -> memref<128x64xf32, #tpu.memory_space<hbm>>
        tpu.enqueue_dma source(%dma_start3A_332 : memref<128x64xf32, #tpu.memory_space<hbm>>) target(%arg11 : memref<128x64xf32, #tpu.memory_space<vmem>>) target_semaphore(%run_scoped3A : memref<!tpu.dma_semaphore, #tpu.memory_space<semaphore_mem>>)
        %dma_wait3A_333 = arith.constant 0 : i32
        %dma_wait3A_334 = tpu.memref_slice %arg4[%add3A_202, %dma_wait3A_333] : memref<10240x64xf32, #tpu.memory_space<hbm>> -> memref<128x64xf32, #tpu.memory_space<hbm>>
        %dma_wait3A_335 = arith.constant 0 : i32
        %dma_wait3A_336 = tpu.memref_slice %arg4[%add3A_202, %dma_wait3A_335] : memref<10240x64xf32, #tpu.memory_space<hbm>> -> memref<128x64xf32, #tpu.memory_space<hbm>>
        tpu.wait_dma2 semaphore(%run_scoped3A : memref<!tpu.dma_semaphore, #tpu.memory_space<semaphore_mem>>) src(%dma_wait3A_336 : memref<128x64xf32, #tpu.memory_space<hbm>>) dst(%arg11 : memref<128x64xf32, #tpu.memory_space<vmem>>)
        tpu.yield
      }) : () -> ()
    } else {
    }
    %eq3A_208 = arith.constant 1 : i32
    %eq3A_209 = arith.cmpi eq, %arg0, %eq3A_208 : i32
    %convert_element_type3A_210 = arith.extui %eq3A_209 : i1 to i32
    %cond3A_211 = arith.constant 0 : i32
    %cond3A_212 = arith.cmpi ne, %convert_element_type3A_210, %cond3A_211 : i32
    scf.if %cond3A_212 {
      "tpu.region"() ({
        %run_scoped3A = tpu.sem_alloc : memref<!tpu.dma_semaphore, #tpu.memory_space<semaphore_mem>>
        %dma_start3A_329 = arith.constant 0 : i32
        %dma_start3A_330 = tpu.memref_slice %arg5[%add3A_202, %dma_start3A_329] : memref<10240x64xf32, #tpu.memory_space<hbm>> -> memref<128x64xf32, #tpu.memory_space<hbm>>
        %dma_start3A_331 = arith.constant 0 : i32
        %dma_start3A_332 = tpu.memref_slice %arg5[%add3A_202, %dma_start3A_331] : memref<10240x64xf32, #tpu.memory_space<hbm>> -> memref<128x64xf32, #tpu.memory_space<hbm>>
        tpu.enqueue_dma source(%dma_start3A_332 : memref<128x64xf32, #tpu.memory_space<hbm>>) target(%arg11 : memref<128x64xf32, #tpu.memory_space<vmem>>) target_semaphore(%run_scoped3A : memref<!tpu.dma_semaphore, #tpu.memory_space<semaphore_mem>>)
        %dma_wait3A_333 = arith.constant 0 : i32
        %dma_wait3A_334 = tpu.memref_slice %arg5[%add3A_202, %dma_wait3A_333] : memref<10240x64xf32, #tpu.memory_space<hbm>> -> memref<128x64xf32, #tpu.memory_space<hbm>>
        %dma_wait3A_335 = arith.constant 0 : i32
        %dma_wait3A_336 = tpu.memref_slice %arg5[%add3A_202, %dma_wait3A_335] : memref<10240x64xf32, #tpu.memory_space<hbm>> -> memref<128x64xf32, #tpu.memory_space<hbm>>
        tpu.wait_dma2 semaphore(%run_scoped3A : memref<!tpu.dma_semaphore, #tpu.memory_space<semaphore_mem>>) src(%dma_wait3A_336 : memref<128x64xf32, #tpu.memory_space<hbm>>) dst(%arg11 : memref<128x64xf32, #tpu.memory_space<vmem>>)
        tpu.yield
      }) : () -> ()
    } else {
    }
    "tpu.region"() ({
      %run_scoped3A = tpu.sem_alloc : memref<!tpu.dma_semaphore, #tpu.memory_space<semaphore_mem>>
      %dma_start3A_329 = arith.constant 0 : i32
      %dma_start3A_330 = tpu.memref_slice %arg14[%add3A_202, %dma_start3A_329] : memref<10240x64xf32, #tpu.memory_space<vmem_shared>> -> memref<128x64xf32, #tpu.memory_space<vmem_shared>>
      %dma_start3A_331 = arith.constant 0 : i32
      %dma_start3A_332 = tpu.memref_slice %arg14[%add3A_202, %dma_start3A_331] : memref<10240x64xf32, #tpu.memory_space<vmem_shared>> -> memref<128x64xf32, #tpu.memory_space<vmem_shared>>
      tpu.enqueue_dma source(%arg11 : memref<128x64xf32, #tpu.memory_space<vmem>>) target(%dma_start3A_332 : memref<128x64xf32, #tpu.memory_space<vmem_shared>>) target_semaphore(%run_scoped3A : memref<!tpu.dma_semaphore, #tpu.memory_space<semaphore_mem>>)
      %dma_wait3A_333 = arith.constant 0 : i32
      %dma_wait3A_334 = tpu.memref_slice %arg14[%add3A_202, %dma_wait3A_333] : memref<10240x64xf32, #tpu.memory_space<vmem_shared>> -> memref<128x64xf32, #tpu.memory_space<vmem_shared>>
      %dma_wait3A_335 = arith.constant 0 : i32
      %dma_wait3A_336 = tpu.memref_slice %arg14[%add3A_202, %dma_wait3A_335] : memref<10240x64xf32, #tpu.memory_space<vmem_shared>> -> memref<128x64xf32, #tpu.memory_space<vmem_shared>>
      tpu.wait_dma2 semaphore(%run_scoped3A : memref<!tpu.dma_semaphore, #tpu.memory_space<semaphore_mem>>) src(%arg11 : memref<128x64xf32, #tpu.memory_space<vmem>>) dst(%dma_wait3A_336 : memref<128x64xf32, #tpu.memory_space<vmem_shared>>)
      tpu.yield
    }) : () -> ()
    "tpu.region"() ({
      %run_scoped3A = tpu.sem_alloc : memref<!tpu.dma_semaphore, #tpu.memory_space<semaphore_mem>>
      %dma_start3A_329 = arith.constant 0 : i32
      %dma_start3A_330 = tpu.memref_slice %arg15[%add3A_202, %dma_start3A_329] : memref<10240x64xf32, #tpu.memory_space<vmem_shared>> -> memref<128x64xf32, #tpu.memory_space<vmem_shared>>
      %dma_start3A_331 = arith.constant 0 : i32
      %dma_start3A_332 = tpu.memref_slice %arg15[%add3A_202, %dma_start3A_331] : memref<10240x64xf32, #tpu.memory_space<vmem_shared>> -> memref<128x64xf32, #tpu.memory_space<vmem_shared>>
      tpu.enqueue_dma source(%arg13 : memref<128x64xf32, #tpu.memory_space<vmem>>) target(%dma_start3A_332 : memref<128x64xf32, #tpu.memory_space<vmem_shared>>) target_semaphore(%run_scoped3A : memref<!tpu.dma_semaphore, #tpu.memory_space<semaphore_mem>>)
      %dma_wait3A_333 = arith.constant 0 : i32
      %dma_wait3A_334 = tpu.memref_slice %arg15[%add3A_202, %dma_wait3A_333] : memref<10240x64xf32, #tpu.memory_space<vmem_shared>> -> memref<128x64xf32, #tpu.memory_space<vmem_shared>>
      %dma_wait3A_335 = arith.constant 0 : i32
      %dma_wait3A_336 = tpu.memref_slice %arg15[%add3A_202, %dma_wait3A_335] : memref<10240x64xf32, #tpu.memory_space<vmem_shared>> -> memref<128x64xf32, #tpu.memory_space<vmem_shared>>
      tpu.wait_dma2 semaphore(%run_scoped3A : memref<!tpu.dma_semaphore, #tpu.memory_space<semaphore_mem>>) src(%arg13 : memref<128x64xf32, #tpu.memory_space<vmem>>) dst(%dma_wait3A_336 : memref<128x64xf32, #tpu.memory_space<vmem_shared>>)
      tpu.yield
    }) : () -> ()
    %add3A_213 = arith.constant 512 : i32
    %add3A_214 = arith.addi %mul3A_0, %add3A_213 : i32
    %eq3A_215 = arith.constant 0 : i32
    %eq3A_216 = arith.cmpi eq, %arg0, %eq3A_215 : i32
    %convert_element_type3A_217 = arith.extui %eq3A_216 : i1 to i32
    %cond3A_218 = arith.constant 0 : i32
    %cond3A_219 = arith.cmpi ne, %convert_element_type3A_217, %cond3A_218 : i32
    scf.if %cond3A_219 {
      "tpu.region"() ({
        %run_scoped3A = tpu.sem_alloc : memref<!tpu.dma_semaphore, #tpu.memory_space<semaphore_mem>>
        %dma_start3A_329 = arith.constant 0 : i32
        %dma_start3A_330 = tpu.memref_slice %arg4[%add3A_214, %dma_start3A_329] : memref<10240x64xf32, #tpu.memory_space<hbm>> -> memref<128x64xf32, #tpu.memory_space<hbm>>
        %dma_start3A_331 = arith.constant 0 : i32
        %dma_start3A_332 = tpu.memref_slice %arg4[%add3A_214, %dma_start3A_331] : memref<10240x64xf32, #tpu.memory_space<hbm>> -> memref<128x64xf32, #tpu.memory_space<hbm>>
        tpu.enqueue_dma source(%dma_start3A_332 : memref<128x64xf32, #tpu.memory_space<hbm>>) target(%arg11 : memref<128x64xf32, #tpu.memory_space<vmem>>) target_semaphore(%run_scoped3A : memref<!tpu.dma_semaphore, #tpu.memory_space<semaphore_mem>>)
        %dma_wait3A_333 = arith.constant 0 : i32
        %dma_wait3A_334 = tpu.memref_slice %arg4[%add3A_214, %dma_wait3A_333] : memref<10240x64xf32, #tpu.memory_space<hbm>> -> memref<128x64xf32, #tpu.memory_space<hbm>>
        %dma_wait3A_335 = arith.constant 0 : i32
        %dma_wait3A_336 = tpu.memref_slice %arg4[%add3A_214, %dma_wait3A_335] : memref<10240x64xf32, #tpu.memory_space<hbm>> -> memref<128x64xf32, #tpu.memory_space<hbm>>
        tpu.wait_dma2 semaphore(%run_scoped3A : memref<!tpu.dma_semaphore, #tpu.memory_space<semaphore_mem>>) src(%dma_wait3A_336 : memref<128x64xf32, #tpu.memory_space<hbm>>) dst(%arg11 : memref<128x64xf32, #tpu.memory_space<vmem>>)
        tpu.yield
      }) : () -> ()
    } else {
    }
    %eq3A_220 = arith.constant 1 : i32
    %eq3A_221 = arith.cmpi eq, %arg0, %eq3A_220 : i32
    %convert_element_type3A_222 = arith.extui %eq3A_221 : i1 to i32
    %cond3A_223 = arith.constant 0 : i32
    %cond3A_224 = arith.cmpi ne, %convert_element_type3A_222, %cond3A_223 : i32
    scf.if %cond3A_224 {
      "tpu.region"() ({
        %run_scoped3A = tpu.sem_alloc : memref<!tpu.dma_semaphore, #tpu.memory_space<semaphore_mem>>
        %dma_start3A_329 = arith.constant 0 : i32
        %dma_start3A_330 = tpu.memref_slice %arg5[%add3A_214, %dma_start3A_329] : memref<10240x64xf32, #tpu.memory_space<hbm>> -> memref<128x64xf32, #tpu.memory_space<hbm>>
        %dma_start3A_331 = arith.constant 0 : i32
        %dma_start3A_332 = tpu.memref_slice %arg5[%add3A_214, %dma_start3A_331] : memref<10240x64xf32, #tpu.memory_space<hbm>> -> memref<128x64xf32, #tpu.memory_space<hbm>>
        tpu.enqueue_dma source(%dma_start3A_332 : memref<128x64xf32, #tpu.memory_space<hbm>>) target(%arg11 : memref<128x64xf32, #tpu.memory_space<vmem>>) target_semaphore(%run_scoped3A : memref<!tpu.dma_semaphore, #tpu.memory_space<semaphore_mem>>)
        %dma_wait3A_333 = arith.constant 0 : i32
        %dma_wait3A_334 = tpu.memref_slice %arg5[%add3A_214, %dma_wait3A_333] : memref<10240x64xf32, #tpu.memory_space<hbm>> -> memref<128x64xf32, #tpu.memory_space<hbm>>
        %dma_wait3A_335 = arith.constant 0 : i32
        %dma_wait3A_336 = tpu.memref_slice %arg5[%add3A_214, %dma_wait3A_335] : memref<10240x64xf32, #tpu.memory_space<hbm>> -> memref<128x64xf32, #tpu.memory_space<hbm>>
        tpu.wait_dma2 semaphore(%run_scoped3A : memref<!tpu.dma_semaphore, #tpu.memory_space<semaphore_mem>>) src(%dma_wait3A_336 : memref<128x64xf32, #tpu.memory_space<hbm>>) dst(%arg11 : memref<128x64xf32, #tpu.memory_space<vmem>>)
        tpu.yield
      }) : () -> ()
    } else {
    }
    "tpu.region"() ({
      %run_scoped3A = tpu.sem_alloc : memref<!tpu.dma_semaphore, #tpu.memory_space<semaphore_mem>>
      %dma_start3A_329 = arith.constant 0 : i32
      %dma_start3A_330 = tpu.memref_slice %arg14[%add3A_214, %dma_start3A_329] : memref<10240x64xf32, #tpu.memory_space<vmem_shared>> -> memref<128x64xf32, #tpu.memory_space<vmem_shared>>
      %dma_start3A_331 = arith.constant 0 : i32
      %dma_start3A_332 = tpu.memref_slice %arg14[%add3A_214, %dma_start3A_331] : memref<10240x64xf32, #tpu.memory_space<vmem_shared>> -> memref<128x64xf32, #tpu.memory_space<vmem_shared>>
      tpu.enqueue_dma source(%arg11 : memref<128x64xf32, #tpu.memory_space<vmem>>) target(%dma_start3A_332 : memref<128x64xf32, #tpu.memory_space<vmem_shared>>) target_semaphore(%run_scoped3A : memref<!tpu.dma_semaphore, #tpu.memory_space<semaphore_mem>>)
      %dma_wait3A_333 = arith.constant 0 : i32
      %dma_wait3A_334 = tpu.memref_slice %arg14[%add3A_214, %dma_wait3A_333] : memref<10240x64xf32, #tpu.memory_space<vmem_shared>> -> memref<128x64xf32, #tpu.memory_space<vmem_shared>>
      %dma_wait3A_335 = arith.constant 0 : i32
      %dma_wait3A_336 = tpu.memref_slice %arg14[%add3A_214, %dma_wait3A_335] : memref<10240x64xf32, #tpu.memory_space<vmem_shared>> -> memref<128x64xf32, #tpu.memory_space<vmem_shared>>
      tpu.wait_dma2 semaphore(%run_scoped3A : memref<!tpu.dma_semaphore, #tpu.memory_space<semaphore_mem>>) src(%arg11 : memref<128x64xf32, #tpu.memory_space<vmem>>) dst(%dma_wait3A_336 : memref<128x64xf32, #tpu.memory_space<vmem_shared>>)
      tpu.yield
    }) : () -> ()
    "tpu.region"() ({
      %run_scoped3A = tpu.sem_alloc : memref<!tpu.dma_semaphore, #tpu.memory_space<semaphore_mem>>
      %dma_start3A_329 = arith.constant 0 : i32
      %dma_start3A_330 = tpu.memref_slice %arg15[%add3A_214, %dma_start3A_329] : memref<10240x64xf32, #tpu.memory_space<vmem_shared>> -> memref<128x64xf32, #tpu.memory_space<vmem_shared>>
      %dma_start3A_331 = arith.constant 0 : i32
      %dma_start3A_332 = tpu.memref_slice %arg15[%add3A_214, %dma_start3A_331] : memref<10240x64xf32, #tpu.memory_space<vmem_shared>> -> memref<128x64xf32, #tpu.memory_space<vmem_shared>>
      tpu.enqueue_dma source(%arg13 : memref<128x64xf32, #tpu.memory_space<vmem>>) target(%dma_start3A_332 : memref<128x64xf32, #tpu.memory_space<vmem_shared>>) target_semaphore(%run_scoped3A : memref<!tpu.dma_semaphore, #tpu.memory_space<semaphore_mem>>)
      %dma_wait3A_333 = arith.constant 0 : i32
      %dma_wait3A_334 = tpu.memref_slice %arg15[%add3A_214, %dma_wait3A_333] : memref<10240x64xf32, #tpu.memory_space<vmem_shared>> -> memref<128x64xf32, #tpu.memory_space<vmem_shared>>
      %dma_wait3A_335 = arith.constant 0 : i32
      %dma_wait3A_336 = tpu.memref_slice %arg15[%add3A_214, %dma_wait3A_335] : memref<10240x64xf32, #tpu.memory_space<vmem_shared>> -> memref<128x64xf32, #tpu.memory_space<vmem_shared>>
      tpu.wait_dma2 semaphore(%run_scoped3A : memref<!tpu.dma_semaphore, #tpu.memory_space<semaphore_mem>>) src(%arg13 : memref<128x64xf32, #tpu.memory_space<vmem>>) dst(%dma_wait3A_336 : memref<128x64xf32, #tpu.memory_space<vmem_shared>>)
      tpu.yield
    }) : () -> ()
    %barrier3A_225 = arith.constant 0 : index
    tpu.barrier barrier_id(%barrier3A_225)
    %mul3A_226 = arith.constant 160 : i32
    %mul3A_227 = arith.muli %arg1, %mul3A_226 : i32
    %add3A_228 = arith.constant 0 : i32
    %add3A_229 = arith.addi %mul3A_227, %add3A_228 : i32
    %dma_start3A_230 = arith.constant 0 : i32
    %dma_start3A_231 = arith.constant 0 : i32
    %dma_start3A_232 = arith.constant 0 : i32
    %dma_start3A_233 = tpu.memref_slice %arg9[%dma_start3A_230, %dma_start3A_231, %dma_start3A_232] : memref<2x32x128xi32, #tpu.memory_space<vmem>> -> memref<1x32x128xi32, #tpu.memory_space<vmem>>
    %dma_start3A_234 = tpu.memref_squeeze %dma_start3A_233 : memref<1x32x128xi32, #tpu.memory_space<vmem>> -> memref<32x128xi32, #tpu.memory_space<vmem>>
    %dma_start3A_235 = arith.constant 0 : i32
    %dma_start3A_236 = tpu.memref_slice %arg6[%add3A_229, %dma_start3A_235] : memref<2560x128xi32, #tpu.memory_space<hbm>> -> memref<32x128xi32, #tpu.memory_space<hbm>>
    %dma_start3A_237 = arith.constant 0 : i32
    %dma_start3A_238 = arith.constant 0 : i32
    %dma_start3A_239 = tpu.memref_slice %arg9[%dma_start3A_230, %dma_start3A_237, %dma_start3A_238] : memref<2x32x128xi32, #tpu.memory_space<vmem>> -> memref<1x32x128xi32, #tpu.memory_space<vmem>>
    %dma_start3A_240 = tpu.memref_squeeze %dma_start3A_239 : memref<1x32x128xi32, #tpu.memory_space<vmem>> -> memref<32x128xi32, #tpu.memory_space<vmem>>
    %dma_start3A_241 = arith.constant 0 : i32
    %dma_start3A_242 = tpu.memref_slice %arg6[%add3A_229, %dma_start3A_241] : memref<2560x128xi32, #tpu.memory_space<hbm>> -> memref<32x128xi32, #tpu.memory_space<hbm>>
    tpu.enqueue_dma source(%dma_start3A_242 : memref<32x128xi32, #tpu.memory_space<hbm>>) target(%dma_start3A_240 : memref<32x128xi32, #tpu.memory_space<vmem>>) target_semaphore(%arg20 : memref<!tpu.dma_semaphore, #tpu.memory_space<semaphore_mem>>)
    %dma_start3A_243 = arith.constant 0 : i32
    %dma_start3A_244 = arith.constant 0 : i32
    %dma_start3A_245 = arith.constant 0 : i32
    %dma_start3A_246 = tpu.memref_slice %arg10[%dma_start3A_243, %dma_start3A_244, %dma_start3A_245] : memref<2x32x128xi32, #tpu.memory_space<vmem>> -> memref<1x32x128xi32, #tpu.memory_space<vmem>>
    %dma_start3A_247 = tpu.memref_squeeze %dma_start3A_246 : memref<1x32x128xi32, #tpu.memory_space<vmem>> -> memref<32x128xi32, #tpu.memory_space<vmem>>
    %dma_start3A_248 = arith.constant 0 : i32
    %dma_start3A_249 = tpu.memref_slice %arg7[%add3A_229, %dma_start3A_248] : memref<2560x128xi32, #tpu.memory_space<hbm>> -> memref<32x128xi32, #tpu.memory_space<hbm>>
    %dma_start3A_250 = arith.constant 0 : i32
    %dma_start3A_251 = arith.constant 0 : i32
    %dma_start3A_252 = tpu.memref_slice %arg10[%dma_start3A_243, %dma_start3A_250, %dma_start3A_251] : memref<2x32x128xi32, #tpu.memory_space<vmem>> -> memref<1x32x128xi32, #tpu.memory_space<vmem>>
    %dma_start3A_253 = tpu.memref_squeeze %dma_start3A_252 : memref<1x32x128xi32, #tpu.memory_space<vmem>> -> memref<32x128xi32, #tpu.memory_space<vmem>>
    %dma_start3A_254 = arith.constant 0 : i32
    %dma_start3A_255 = tpu.memref_slice %arg7[%add3A_229, %dma_start3A_254] : memref<2560x128xi32, #tpu.memory_space<hbm>> -> memref<32x128xi32, #tpu.memory_space<hbm>>
    tpu.enqueue_dma source(%dma_start3A_255 : memref<32x128xi32, #tpu.memory_space<hbm>>) target(%dma_start3A_253 : memref<32x128xi32, #tpu.memory_space<vmem>>) target_semaphore(%arg20 : memref<!tpu.dma_semaphore, #tpu.memory_space<semaphore_mem>>)
    %scan3A_256 = arith.constant 0 : i32
    %scan3A_257 = arith.constant 0 : i32
    %scan3A_258 = arith.constant 5 : i32
    %scan3A_259 = arith.addi %scan3A_257, %scan3A_258 : i32
    %scan3A_260 = arith.constant 1 : i32
    scf.for %scan3A_329 = %scan3A_257 to %scan3A_259 step %scan3A_260  : i32 {
      %and3A = arith.constant 1 : i32
      %and3A_330 = arith.andi %scan3A_329, %and3A : i32
      %gt3A = arith.constant 0 : i32
      %gt3A_331 = arith.cmpi sgt, %scan3A_329, %gt3A : i32
      %convert_element_type3A_332 = arith.extui %gt3A_331 : i1 to i32
      %cond3A_333 = arith.constant 0 : i32
      %cond3A_334 = arith.cmpi ne, %convert_element_type3A_332, %cond3A_333 : i32
      scf.if %cond3A_334 {
        %dma_wait3A_384 = arith.constant 0 : i32
        %dma_wait3A_385 = arith.constant 0 : i32
        %dma_wait3A_386 = tpu.memref_slice %arg15[%dma_wait3A_384, %dma_wait3A_385] : memref<10240x64xf32, #tpu.memory_space<vmem_shared>> -> memref<128x64xf32, #tpu.memory_space<vmem_shared>>
        %dma_wait3A_387 = arith.constant 0 : i32
        %dma_wait3A_388 = arith.constant 0 : i32
        %dma_wait3A_389 = tpu.memref_slice %arg15[%dma_wait3A_387, %dma_wait3A_388] : memref<10240x64xf32, #tpu.memory_space<vmem_shared>> -> memref<128x64xf32, #tpu.memory_space<vmem_shared>>
        tpu.wait_dma2 semaphore(%arg19 : memref<!tpu.dma_semaphore, #tpu.memory_space<semaphore_mem>>) src(%arg12 : memref<128x64xf32, #tpu.memory_space<vmem>>) dst(%dma_wait3A_389 : memref<128x64xf32, #tpu.memory_space<vmem_shared>>)
      } else {
      }
      %dma_wait3A_335 = arith.constant 0 : i32
      %dma_wait3A_336 = arith.constant 0 : i32
      %dma_wait3A_337 = arith.constant 0 : i32
      %dma_wait3A_338 = tpu.memref_slice %arg9[%dma_wait3A_335, %dma_wait3A_336, %dma_wait3A_337] : memref<2x32x128xi32, #tpu.memory_space<vmem>> -> memref<1x32x128xi32, #tpu.memory_space<vmem>>
      %dma_wait3A_339 = tpu.memref_squeeze %dma_wait3A_338 : memref<1x32x128xi32, #tpu.memory_space<vmem>> -> memref<32x128xi32, #tpu.memory_space<vmem>>
      %dma_wait3A_340 = arith.constant 0 : i32
      %dma_wait3A_341 = arith.constant 0 : i32
      %dma_wait3A_342 = tpu.memref_slice %arg6[%dma_wait3A_340, %dma_wait3A_341] : memref<2560x128xi32, #tpu.memory_space<hbm>> -> memref<32x128xi32, #tpu.memory_space<hbm>>
      %dma_wait3A_343 = arith.constant 0 : i32
      %dma_wait3A_344 = arith.constant 0 : i32
      %dma_wait3A_345 = tpu.memref_slice %arg9[%dma_wait3A_335, %dma_wait3A_343, %dma_wait3A_344] : memref<2x32x128xi32, #tpu.memory_space<vmem>> -> memref<1x32x128xi32, #tpu.memory_space<vmem>>
      %dma_wait3A_346 = tpu.memref_squeeze %dma_wait3A_345 : memref<1x32x128xi32, #tpu.memory_space<vmem>> -> memref<32x128xi32, #tpu.memory_space<vmem>>
      %dma_wait3A_347 = arith.constant 0 : i32
      %dma_wait3A_348 = arith.constant 0 : i32
      %dma_wait3A_349 = tpu.memref_slice %arg6[%dma_wait3A_347, %dma_wait3A_348] : memref<2560x128xi32, #tpu.memory_space<hbm>> -> memref<32x128xi32, #tpu.memory_space<hbm>>
      tpu.wait_dma2 semaphore(%arg20 : memref<!tpu.dma_semaphore, #tpu.memory_space<semaphore_mem>>) src(%dma_wait3A_349 : memref<32x128xi32, #tpu.memory_space<hbm>>) dst(%dma_wait3A_346 : memref<32x128xi32, #tpu.memory_space<vmem>>)
      %dma_wait3A_350 = arith.constant 0 : i32
      %dma_wait3A_351 = arith.constant 0 : i32
      %dma_wait3A_352 = arith.constant 0 : i32
      %dma_wait3A_353 = tpu.memref_slice %arg9[%dma_wait3A_350, %dma_wait3A_351, %dma_wait3A_352] : memref<2x32x128xi32, #tpu.memory_space<vmem>> -> memref<1x32x128xi32, #tpu.memory_space<vmem>>
      %dma_wait3A_354 = tpu.memref_squeeze %dma_wait3A_353 : memref<1x32x128xi32, #tpu.memory_space<vmem>> -> memref<32x128xi32, #tpu.memory_space<vmem>>
      %dma_wait3A_355 = arith.constant 0 : i32
      %dma_wait3A_356 = arith.constant 0 : i32
      %dma_wait3A_357 = tpu.memref_slice %arg6[%dma_wait3A_355, %dma_wait3A_356] : memref<2560x128xi32, #tpu.memory_space<hbm>> -> memref<32x128xi32, #tpu.memory_space<hbm>>
      %dma_wait3A_358 = arith.constant 0 : i32
      %dma_wait3A_359 = arith.constant 0 : i32
      %dma_wait3A_360 = tpu.memref_slice %arg9[%dma_wait3A_350, %dma_wait3A_358, %dma_wait3A_359] : memref<2x32x128xi32, #tpu.memory_space<vmem>> -> memref<1x32x128xi32, #tpu.memory_space<vmem>>
      %dma_wait3A_361 = tpu.memref_squeeze %dma_wait3A_360 : memref<1x32x128xi32, #tpu.memory_space<vmem>> -> memref<32x128xi32, #tpu.memory_space<vmem>>
      %dma_wait3A_362 = arith.constant 0 : i32
      %dma_wait3A_363 = arith.constant 0 : i32
      %dma_wait3A_364 = tpu.memref_slice %arg6[%dma_wait3A_362, %dma_wait3A_363] : memref<2560x128xi32, #tpu.memory_space<hbm>> -> memref<32x128xi32, #tpu.memory_space<hbm>>
      tpu.wait_dma2 semaphore(%arg20 : memref<!tpu.dma_semaphore, #tpu.memory_space<semaphore_mem>>) src(%dma_wait3A_364 : memref<32x128xi32, #tpu.memory_space<hbm>>) dst(%dma_wait3A_361 : memref<32x128xi32, #tpu.memory_space<vmem>>)
      %add3A_365 = arith.constant 1 : i32
      %add3A_366 = arith.addi %scan3A_329, %add3A_365 : i32
      %lt3A = arith.constant 5 : i32
      %lt3A_367 = arith.cmpi slt, %add3A_366, %lt3A : i32
      %convert_element_type3A_368 = arith.extui %lt3A_367 : i1 to i32
      %cond3A_369 = arith.constant 0 : i32
      %cond3A_370 = arith.cmpi ne, %convert_element_type3A_368, %cond3A_369 : i32
      scf.if %cond3A_370 {
        %add3A_384 = arith.constant 1 : i32
        %add3A_385 = arith.addi %scan3A_329, %add3A_384 : i32
        %mul3A_386 = arith.constant 160 : i32
        %mul3A_387 = arith.muli %arg1, %mul3A_386 : i32
        %mul3A_388 = arith.constant 32 : i32
        %mul3A_389 = arith.muli %add3A_385, %mul3A_388 : i32
        %add3A_390 = arith.addi %mul3A_387, %mul3A_389 : i32
        %and3A_391 = arith.constant 1 : i32
        %and3A_392 = arith.andi %add3A_385, %and3A_391 : i32
        %dma_start3A_393 = arith.constant 0 : i32
        %dma_start3A_394 = arith.constant 0 : i32
        %dma_start3A_395 = tpu.memref_slice %arg9[%and3A_392, %dma_start3A_393, %dma_start3A_394] : memref<2x32x128xi32, #tpu.memory_space<vmem>> -> memref<1x32x128xi32, #tpu.memory_space<vmem>>
        %dma_start3A_396 = tpu.memref_squeeze %dma_start3A_395 : memref<1x32x128xi32, #tpu.memory_space<vmem>> -> memref<32x128xi32, #tpu.memory_space<vmem>>
        %dma_start3A_397 = arith.constant 0 : i32
        %dma_start3A_398 = tpu.memref_slice %arg6[%add3A_390, %dma_start3A_397] : memref<2560x128xi32, #tpu.memory_space<hbm>> -> memref<32x128xi32, #tpu.memory_space<hbm>>
        %dma_start3A_399 = arith.constant 0 : i32
        %dma_start3A_400 = arith.constant 0 : i32
        %dma_start3A_401 = tpu.memref_slice %arg9[%and3A_392, %dma_start3A_399, %dma_start3A_400] : memref<2x32x128xi32, #tpu.memory_space<vmem>> -> memref<1x32x128xi32, #tpu.memory_space<vmem>>
        %dma_start3A_402 = tpu.memref_squeeze %dma_start3A_401 : memref<1x32x128xi32, #tpu.memory_space<vmem>> -> memref<32x128xi32, #tpu.memory_space<vmem>>
        %dma_start3A_403 = arith.constant 0 : i32
        %dma_start3A_404 = tpu.memref_slice %arg6[%add3A_390, %dma_start3A_403] : memref<2560x128xi32, #tpu.memory_space<hbm>> -> memref<32x128xi32, #tpu.memory_space<hbm>>
        tpu.enqueue_dma source(%dma_start3A_404 : memref<32x128xi32, #tpu.memory_space<hbm>>) target(%dma_start3A_402 : memref<32x128xi32, #tpu.memory_space<vmem>>) target_semaphore(%arg20 : memref<!tpu.dma_semaphore, #tpu.memory_space<semaphore_mem>>)
        %dma_start3A_405 = arith.constant 0 : i32
        %dma_start3A_406 = arith.constant 0 : i32
        %dma_start3A_407 = tpu.memref_slice %arg10[%and3A_392, %dma_start3A_405, %dma_start3A_406] : memref<2x32x128xi32, #tpu.memory_space<vmem>> -> memref<1x32x128xi32, #tpu.memory_space<vmem>>
        %dma_start3A_408 = tpu.memref_squeeze %dma_start3A_407 : memref<1x32x128xi32, #tpu.memory_space<vmem>> -> memref<32x128xi32, #tpu.memory_space<vmem>>
        %dma_start3A_409 = arith.constant 0 : i32
        %dma_start3A_410 = tpu.memref_slice %arg7[%add3A_390, %dma_start3A_409] : memref<2560x128xi32, #tpu.memory_space<hbm>> -> memref<32x128xi32, #tpu.memory_space<hbm>>
        %dma_start3A_411 = arith.constant 0 : i32
        %dma_start3A_412 = arith.constant 0 : i32
        %dma_start3A_413 = tpu.memref_slice %arg10[%and3A_392, %dma_start3A_411, %dma_start3A_412] : memref<2x32x128xi32, #tpu.memory_space<vmem>> -> memref<1x32x128xi32, #tpu.memory_space<vmem>>
        %dma_start3A_414 = tpu.memref_squeeze %dma_start3A_413 : memref<1x32x128xi32, #tpu.memory_space<vmem>> -> memref<32x128xi32, #tpu.memory_space<vmem>>
        %dma_start3A_415 = arith.constant 0 : i32
        %dma_start3A_416 = tpu.memref_slice %arg7[%add3A_390, %dma_start3A_415] : memref<2560x128xi32, #tpu.memory_space<hbm>> -> memref<32x128xi32, #tpu.memory_space<hbm>>
        tpu.enqueue_dma source(%dma_start3A_416 : memref<32x128xi32, #tpu.memory_space<hbm>>) target(%dma_start3A_414 : memref<32x128xi32, #tpu.memory_space<vmem>>) target_semaphore(%arg20 : memref<!tpu.dma_semaphore, #tpu.memory_space<semaphore_mem>>)
      } else {
      }
      %dma_start3A_371 = arith.constant 0 : i32
      %dma_start3A_372 = arith.constant 0 : i32
      %dma_start3A_373 = tpu.memref_slice %arg9[%and3A_330, %dma_start3A_371, %dma_start3A_372] : memref<2x32x128xi32, #tpu.memory_space<vmem>> -> memref<1x1x128xi32, #tpu.memory_space<vmem>>
      %dma_start3A_374 = tpu.memref_squeeze %dma_start3A_373 : memref<1x1x128xi32, #tpu.memory_space<vmem>> -> memref<128xi32, #tpu.memory_space<vmem>>
      %dma_start3A_375 = arith.constant 0 : i32
      %dma_start3A_376 = arith.constant 0 : i32
      %dma_start3A_377 = tpu.memref_slice %arg14[%dma_start3A_375, %dma_start3A_376] : memref<10240x64xf32, #tpu.memory_space<vmem_shared>> -> memref<10240x64xf32, #tpu.memory_space<vmem_shared>>
      tpu.enqueue_indirect_dma source(%dma_start3A_377 : memref<10240x64xf32, #tpu.memory_space<vmem_shared>>) target(%arg11 : memref<128x64xf32, #tpu.memory_space<vmem>>) offsets(%dma_start3A_374 : memref<128xi32, #tpu.memory_space<vmem>>) semaphore(%arg16 : memref<!tpu.dma_semaphore, #tpu.memory_space<semaphore_mem>>)
      %scan3A_378 = arith.constant 0 : i32
      %scan3A_379 = arith.constant 0 : i32
      %scan3A_380 = arith.constant 16 : i32
      %scan3A_381 = arith.addi %scan3A_379, %scan3A_380 : i32
      %scan3A_382 = arith.constant 1 : i32
      scf.for %scan3A_384 = %scan3A_379 to %scan3A_381 step %scan3A_382  : i32 {
        %mul3A_385 = arith.constant 2 : i32
        %mul3A_386 = arith.muli %mul3A_385, %scan3A_384 : i32
        %mul3A_387 = arith.constant 2 : i32
        %mul3A_388 = arith.muli %mul3A_387, %scan3A_384 : i32
        %add3A_389 = arith.constant 1 : i32
        %add3A_390 = arith.addi %mul3A_388, %add3A_389 : i32
        %dma_wait3A_391 = arith.constant 0 : i32
        %dma_wait3A_392 = arith.constant 0 : i32
        %dma_wait3A_393 = tpu.memref_slice %arg14[%dma_wait3A_391, %dma_wait3A_392] : memref<10240x64xf32, #tpu.memory_space<vmem_shared>> -> memref<128x64xf32, #tpu.memory_space<vmem_shared>>
        %dma_wait3A_394 = arith.constant 0 : i32
        %dma_wait3A_395 = arith.constant 0 : i32
        %dma_wait3A_396 = tpu.memref_slice %arg14[%dma_wait3A_394, %dma_wait3A_395] : memref<10240x64xf32, #tpu.memory_space<vmem_shared>> -> memref<128x64xf32, #tpu.memory_space<vmem_shared>>
        tpu.wait_dma2 semaphore(%arg16 : memref<!tpu.dma_semaphore, #tpu.memory_space<semaphore_mem>>) src(%dma_wait3A_396 : memref<128x64xf32, #tpu.memory_space<vmem_shared>>) dst(%arg11 : memref<128x64xf32, #tpu.memory_space<vmem>>)
        %dma_start3A_397 = arith.constant 0 : i32
        %dma_start3A_398 = tpu.memref_slice %arg10[%and3A_330, %mul3A_386, %dma_start3A_397] : memref<2x32x128xi32, #tpu.memory_space<vmem>> -> memref<1x1x128xi32, #tpu.memory_space<vmem>>
        %dma_start3A_399 = tpu.memref_squeeze %dma_start3A_398 : memref<1x1x128xi32, #tpu.memory_space<vmem>> -> memref<128xi32, #tpu.memory_space<vmem>>
        %dma_start3A_400 = arith.constant 0 : i32
        %dma_start3A_401 = arith.constant 0 : i32
        %dma_start3A_402 = tpu.memref_slice %arg15[%dma_start3A_400, %dma_start3A_401] : memref<10240x64xf32, #tpu.memory_space<vmem_shared>> -> memref<10240x64xf32, #tpu.memory_space<vmem_shared>>
        tpu.enqueue_indirect_dma source(%arg11 : memref<128x64xf32, #tpu.memory_space<vmem>>) target(%dma_start3A_402 : memref<10240x64xf32, #tpu.memory_space<vmem_shared>>) offsets(%dma_start3A_399 : memref<128xi32, #tpu.memory_space<vmem>>) semaphore(%arg18 : memref<!tpu.dma_semaphore, #tpu.memory_space<semaphore_mem>>) {add = true}
        %gt3A_403 = arith.constant 0 : i32
        %gt3A_404 = arith.cmpi sgt, %scan3A_384, %gt3A_403 : i32
        %convert_element_type3A_405 = arith.extui %gt3A_404 : i1 to i32
        %cond3A_406 = arith.constant 0 : i32
        %cond3A_407 = arith.cmpi ne, %convert_element_type3A_405, %cond3A_406 : i32
        scf.if %cond3A_407 {
          %dma_wait3A_439 = arith.constant 0 : i32
          %dma_wait3A_440 = arith.constant 0 : i32
          %dma_wait3A_441 = tpu.memref_slice %arg15[%dma_wait3A_439, %dma_wait3A_440] : memref<10240x64xf32, #tpu.memory_space<vmem_shared>> -> memref<128x64xf32, #tpu.memory_space<vmem_shared>>
          %dma_wait3A_442 = arith.constant 0 : i32
          %dma_wait3A_443 = arith.constant 0 : i32
          %dma_wait3A_444 = tpu.memref_slice %arg15[%dma_wait3A_442, %dma_wait3A_443] : memref<10240x64xf32, #tpu.memory_space<vmem_shared>> -> memref<128x64xf32, #tpu.memory_space<vmem_shared>>
          tpu.wait_dma2 semaphore(%arg19 : memref<!tpu.dma_semaphore, #tpu.memory_space<semaphore_mem>>) src(%arg12 : memref<128x64xf32, #tpu.memory_space<vmem>>) dst(%dma_wait3A_444 : memref<128x64xf32, #tpu.memory_space<vmem_shared>>)
        } else {
        }
        %dma_start3A_408 = arith.constant 0 : i32
        %dma_start3A_409 = tpu.memref_slice %arg9[%and3A_330, %add3A_390, %dma_start3A_408] : memref<2x32x128xi32, #tpu.memory_space<vmem>> -> memref<1x1x128xi32, #tpu.memory_space<vmem>>
        %dma_start3A_410 = tpu.memref_squeeze %dma_start3A_409 : memref<1x1x128xi32, #tpu.memory_space<vmem>> -> memref<128xi32, #tpu.memory_space<vmem>>
        %dma_start3A_411 = arith.constant 0 : i32
        %dma_start3A_412 = arith.constant 0 : i32
        %dma_start3A_413 = tpu.memref_slice %arg14[%dma_start3A_411, %dma_start3A_412] : memref<10240x64xf32, #tpu.memory_space<vmem_shared>> -> memref<10240x64xf32, #tpu.memory_space<vmem_shared>>
        tpu.enqueue_indirect_dma source(%dma_start3A_413 : memref<10240x64xf32, #tpu.memory_space<vmem_shared>>) target(%arg12 : memref<128x64xf32, #tpu.memory_space<vmem>>) offsets(%dma_start3A_410 : memref<128xi32, #tpu.memory_space<vmem>>) semaphore(%arg17 : memref<!tpu.dma_semaphore, #tpu.memory_space<semaphore_mem>>)
        %dma_wait3A_414 = arith.constant 0 : i32
        %dma_wait3A_415 = arith.constant 0 : i32
        %dma_wait3A_416 = tpu.memref_slice %arg14[%dma_wait3A_414, %dma_wait3A_415] : memref<10240x64xf32, #tpu.memory_space<vmem_shared>> -> memref<128x64xf32, #tpu.memory_space<vmem_shared>>
        %dma_wait3A_417 = arith.constant 0 : i32
        %dma_wait3A_418 = arith.constant 0 : i32
        %dma_wait3A_419 = tpu.memref_slice %arg14[%dma_wait3A_417, %dma_wait3A_418] : memref<10240x64xf32, #tpu.memory_space<vmem_shared>> -> memref<128x64xf32, #tpu.memory_space<vmem_shared>>
        tpu.wait_dma2 semaphore(%arg17 : memref<!tpu.dma_semaphore, #tpu.memory_space<semaphore_mem>>) src(%dma_wait3A_419 : memref<128x64xf32, #tpu.memory_space<vmem_shared>>) dst(%arg12 : memref<128x64xf32, #tpu.memory_space<vmem>>)
        %dma_start3A_420 = arith.constant 0 : i32
        %dma_start3A_421 = tpu.memref_slice %arg10[%and3A_330, %add3A_390, %dma_start3A_420] : memref<2x32x128xi32, #tpu.memory_space<vmem>> -> memref<1x1x128xi32, #tpu.memory_space<vmem>>
        %dma_start3A_422 = tpu.memref_squeeze %dma_start3A_421 : memref<1x1x128xi32, #tpu.memory_space<vmem>> -> memref<128xi32, #tpu.memory_space<vmem>>
        %dma_start3A_423 = arith.constant 0 : i32
        %dma_start3A_424 = arith.constant 0 : i32
        %dma_start3A_425 = tpu.memref_slice %arg15[%dma_start3A_423, %dma_start3A_424] : memref<10240x64xf32, #tpu.memory_space<vmem_shared>> -> memref<10240x64xf32, #tpu.memory_space<vmem_shared>>
        tpu.enqueue_indirect_dma source(%arg12 : memref<128x64xf32, #tpu.memory_space<vmem>>) target(%dma_start3A_425 : memref<10240x64xf32, #tpu.memory_space<vmem_shared>>) offsets(%dma_start3A_422 : memref<128xi32, #tpu.memory_space<vmem>>) semaphore(%arg19 : memref<!tpu.dma_semaphore, #tpu.memory_space<semaphore_mem>>) {add = true}
        %dma_wait3A_426 = arith.constant 0 : i32
        %dma_wait3A_427 = arith.constant 0 : i32
        %dma_wait3A_428 = tpu.memref_slice %arg15[%dma_wait3A_426, %dma_wait3A_427] : memref<10240x64xf32, #tpu.memory_space<vmem_shared>> -> memref<128x64xf32, #tpu.memory_space<vmem_shared>>
        %dma_wait3A_429 = arith.constant 0 : i32
        %dma_wait3A_430 = arith.constant 0 : i32
        %dma_wait3A_431 = tpu.memref_slice %arg15[%dma_wait3A_429, %dma_wait3A_430] : memref<10240x64xf32, #tpu.memory_space<vmem_shared>> -> memref<128x64xf32, #tpu.memory_space<vmem_shared>>
        tpu.wait_dma2 semaphore(%arg18 : memref<!tpu.dma_semaphore, #tpu.memory_space<semaphore_mem>>) src(%arg11 : memref<128x64xf32, #tpu.memory_space<vmem>>) dst(%dma_wait3A_431 : memref<128x64xf32, #tpu.memory_space<vmem_shared>>)
        %add3A_432 = arith.constant 1 : i32
        %add3A_433 = arith.addi %add3A_390, %add3A_432 : i32
        %lt3A_434 = arith.constant 32 : i32
        %lt3A_435 = arith.cmpi slt, %add3A_433, %lt3A_434 : i32
        %convert_element_type3A_436 = arith.extui %lt3A_435 : i1 to i32
        %cond3A_437 = arith.constant 0 : i32
        %cond3A_438 = arith.cmpi ne, %convert_element_type3A_436, %cond3A_437 : i32
        scf.if %cond3A_438 {
          %add3A_439 = arith.constant 1 : i32
          %add3A_440 = arith.addi %add3A_390, %add3A_439 : i32
          %dma_start3A_441 = arith.constant 0 : i32
          %dma_start3A_442 = tpu.memref_slice %arg9[%and3A_330, %add3A_440, %dma_start3A_441] : memref<2x32x128xi32, #tpu.memory_space<vmem>> -> memref<1x1x128xi32, #tpu.memory_space<vmem>>
          %dma_start3A_443 = tpu.memref_squeeze %dma_start3A_442 : memref<1x1x128xi32, #tpu.memory_space<vmem>> -> memref<128xi32, #tpu.memory_space<vmem>>
          %dma_start3A_444 = arith.constant 0 : i32
          %dma_start3A_445 = arith.constant 0 : i32
          %dma_start3A_446 = tpu.memref_slice %arg14[%dma_start3A_444, %dma_start3A_445] : memref<10240x64xf32, #tpu.memory_space<vmem_shared>> -> memref<10240x64xf32, #tpu.memory_space<vmem_shared>>
          tpu.enqueue_indirect_dma source(%dma_start3A_446 : memref<10240x64xf32, #tpu.memory_space<vmem_shared>>) target(%arg11 : memref<128x64xf32, #tpu.memory_space<vmem>>) offsets(%dma_start3A_443 : memref<128xi32, #tpu.memory_space<vmem>>) semaphore(%arg16 : memref<!tpu.dma_semaphore, #tpu.memory_space<semaphore_mem>>)
        } else {
        }
      }
      %scan3A_383 = arith.constant 16 : i32
    }
    %scan3A_261 = arith.constant 5 : i32
    %dma_wait3A_262 = arith.constant 0 : i32
    %dma_wait3A_263 = arith.constant 0 : i32
    %dma_wait3A_264 = tpu.memref_slice %arg15[%dma_wait3A_262, %dma_wait3A_263] : memref<10240x64xf32, #tpu.memory_space<vmem_shared>> -> memref<128x64xf32, #tpu.memory_space<vmem_shared>>
    %dma_wait3A_265 = arith.constant 0 : i32
    %dma_wait3A_266 = arith.constant 0 : i32
    %dma_wait3A_267 = tpu.memref_slice %arg15[%dma_wait3A_265, %dma_wait3A_266] : memref<10240x64xf32, #tpu.memory_space<vmem_shared>> -> memref<128x64xf32, #tpu.memory_space<vmem_shared>>
    tpu.wait_dma2 semaphore(%arg19 : memref<!tpu.dma_semaphore, #tpu.memory_space<semaphore_mem>>) src(%arg12 : memref<128x64xf32, #tpu.memory_space<vmem>>) dst(%dma_wait3A_267 : memref<128x64xf32, #tpu.memory_space<vmem_shared>>)
    %barrier3A_268 = arith.constant 0 : index
    tpu.barrier barrier_id(%barrier3A_268)
    %add3A_269 = arith.constant 0 : i32
    %add3A_270 = arith.addi %mul3A_0, %add3A_269 : i32
    "tpu.region"() ({
      %run_scoped3A = tpu.sem_alloc : memref<!tpu.dma_semaphore, #tpu.memory_space<semaphore_mem>>
      %dma_start3A_329 = arith.constant 0 : i32
      %dma_start3A_330 = tpu.memref_slice %arg15[%add3A_270, %dma_start3A_329] : memref<10240x64xf32, #tpu.memory_space<vmem_shared>> -> memref<128x64xf32, #tpu.memory_space<vmem_shared>>
      %dma_start3A_331 = arith.constant 0 : i32
      %dma_start3A_332 = tpu.memref_slice %arg15[%add3A_270, %dma_start3A_331] : memref<10240x64xf32, #tpu.memory_space<vmem_shared>> -> memref<128x64xf32, #tpu.memory_space<vmem_shared>>
      tpu.enqueue_dma source(%dma_start3A_332 : memref<128x64xf32, #tpu.memory_space<vmem_shared>>) target(%arg11 : memref<128x64xf32, #tpu.memory_space<vmem>>) target_semaphore(%run_scoped3A : memref<!tpu.dma_semaphore, #tpu.memory_space<semaphore_mem>>)
      %dma_wait3A_333 = arith.constant 0 : i32
      %dma_wait3A_334 = tpu.memref_slice %arg15[%add3A_270, %dma_wait3A_333] : memref<10240x64xf32, #tpu.memory_space<vmem_shared>> -> memref<128x64xf32, #tpu.memory_space<vmem_shared>>
      %dma_wait3A_335 = arith.constant 0 : i32
      %dma_wait3A_336 = tpu.memref_slice %arg15[%add3A_270, %dma_wait3A_335] : memref<10240x64xf32, #tpu.memory_space<vmem_shared>> -> memref<128x64xf32, #tpu.memory_space<vmem_shared>>
      tpu.wait_dma2 semaphore(%run_scoped3A : memref<!tpu.dma_semaphore, #tpu.memory_space<semaphore_mem>>) src(%dma_wait3A_336 : memref<128x64xf32, #tpu.memory_space<vmem_shared>>) dst(%arg11 : memref<128x64xf32, #tpu.memory_space<vmem>>)
      tpu.yield
    }) : () -> ()
    %eq3A_271 = arith.constant 0 : i32
    %eq3A_272 = arith.cmpi eq, %arg0, %eq3A_271 : i32
    %convert_element_type3A_273 = arith.extui %eq3A_272 : i1 to i32
    %cond3A_274 = arith.constant 0 : i32
    %cond3A_275 = arith.cmpi ne, %convert_element_type3A_273, %cond3A_274 : i32
    scf.if %cond3A_275 {
      %run_scoped3A = arith.constant 2 : i32
      "tpu.region"() ({
        %run_scoped3A_329 = tpu.sem_alloc : memref<!tpu.dma_semaphore, #tpu.memory_space<semaphore_mem>>
        %dma_start3A_330 = arith.constant 0 : i32
        %dma_start3A_331 = tpu.memref_slice %arg8[%run_scoped3A, %add3A_270, %dma_start3A_330] : memref<4x10240x64xf32, #tpu.memory_space<hbm>> -> memref<1x128x64xf32, #tpu.memory_space<hbm>>
        %dma_start3A_332 = tpu.memref_squeeze %dma_start3A_331 : memref<1x128x64xf32, #tpu.memory_space<hbm>> -> memref<128x64xf32, #tpu.memory_space<hbm>>
        %dma_start3A_333 = arith.constant 0 : i32
        %dma_start3A_334 = tpu.memref_slice %arg8[%run_scoped3A, %add3A_270, %dma_start3A_333] : memref<4x10240x64xf32, #tpu.memory_space<hbm>> -> memref<1x128x64xf32, #tpu.memory_space<hbm>>
        %dma_start3A_335 = tpu.memref_squeeze %dma_start3A_334 : memref<1x128x64xf32, #tpu.memory_space<hbm>> -> memref<128x64xf32, #tpu.memory_space<hbm>>
        tpu.enqueue_dma source(%arg11 : memref<128x64xf32, #tpu.memory_space<vmem>>) target(%dma_start3A_335 : memref<128x64xf32, #tpu.memory_space<hbm>>) target_semaphore(%run_scoped3A_329 : memref<!tpu.dma_semaphore, #tpu.memory_space<semaphore_mem>>)
        %dma_wait3A_336 = arith.constant 0 : i32
        %dma_wait3A_337 = tpu.memref_slice %arg8[%run_scoped3A, %add3A_270, %dma_wait3A_336] : memref<4x10240x64xf32, #tpu.memory_space<hbm>> -> memref<1x128x64xf32, #tpu.memory_space<hbm>>
        %dma_wait3A_338 = tpu.memref_squeeze %dma_wait3A_337 : memref<1x128x64xf32, #tpu.memory_space<hbm>> -> memref<128x64xf32, #tpu.memory_space<hbm>>
        %dma_wait3A_339 = arith.constant 0 : i32
        %dma_wait3A_340 = tpu.memref_slice %arg8[%run_scoped3A, %add3A_270, %dma_wait3A_339] : memref<4x10240x64xf32, #tpu.memory_space<hbm>> -> memref<1x128x64xf32, #tpu.memory_space<hbm>>
        %dma_wait3A_341 = tpu.memref_squeeze %dma_wait3A_340 : memref<1x128x64xf32, #tpu.memory_space<hbm>> -> memref<128x64xf32, #tpu.memory_space<hbm>>
        tpu.wait_dma2 semaphore(%run_scoped3A_329 : memref<!tpu.dma_semaphore, #tpu.memory_space<semaphore_mem>>) src(%arg11 : memref<128x64xf32, #tpu.memory_space<vmem>>) dst(%dma_wait3A_341 : memref<128x64xf32, #tpu.memory_space<hbm>>)
        tpu.yield
      }) : () -> ()
    } else {
    }
    %eq3A_276 = arith.constant 1 : i32
    %eq3A_277 = arith.cmpi eq, %arg0, %eq3A_276 : i32
    %convert_element_type3A_278 = arith.extui %eq3A_277 : i1 to i32
    %cond3A_279 = arith.constant 0 : i32
    %cond3A_280 = arith.cmpi ne, %convert_element_type3A_278, %cond3A_279 : i32
    scf.if %cond3A_280 {
      %run_scoped3A = arith.constant 3 : i32
      "tpu.region"() ({
        %run_scoped3A_329 = tpu.sem_alloc : memref<!tpu.dma_semaphore, #tpu.memory_space<semaphore_mem>>
        %dma_start3A_330 = arith.constant 0 : i32
        %dma_start3A_331 = tpu.memref_slice %arg8[%run_scoped3A, %add3A_270, %dma_start3A_330] : memref<4x10240x64xf32, #tpu.memory_space<hbm>> -> memref<1x128x64xf32, #tpu.memory_space<hbm>>
        %dma_start3A_332 = tpu.memref_squeeze %dma_start3A_331 : memref<1x128x64xf32, #tpu.memory_space<hbm>> -> memref<128x64xf32, #tpu.memory_space<hbm>>
        %dma_start3A_333 = arith.constant 0 : i32
        %dma_start3A_334 = tpu.memref_slice %arg8[%run_scoped3A, %add3A_270, %dma_start3A_333] : memref<4x10240x64xf32, #tpu.memory_space<hbm>> -> memref<1x128x64xf32, #tpu.memory_space<hbm>>
        %dma_start3A_335 = tpu.memref_squeeze %dma_start3A_334 : memref<1x128x64xf32, #tpu.memory_space<hbm>> -> memref<128x64xf32, #tpu.memory_space<hbm>>
        tpu.enqueue_dma source(%arg11 : memref<128x64xf32, #tpu.memory_space<vmem>>) target(%dma_start3A_335 : memref<128x64xf32, #tpu.memory_space<hbm>>) target_semaphore(%run_scoped3A_329 : memref<!tpu.dma_semaphore, #tpu.memory_space<semaphore_mem>>)
        %dma_wait3A_336 = arith.constant 0 : i32
        %dma_wait3A_337 = tpu.memref_slice %arg8[%run_scoped3A, %add3A_270, %dma_wait3A_336] : memref<4x10240x64xf32, #tpu.memory_space<hbm>> -> memref<1x128x64xf32, #tpu.memory_space<hbm>>
        %dma_wait3A_338 = tpu.memref_squeeze %dma_wait3A_337 : memref<1x128x64xf32, #tpu.memory_space<hbm>> -> memref<128x64xf32, #tpu.memory_space<hbm>>
        %dma_wait3A_339 = arith.constant 0 : i32
        %dma_wait3A_340 = tpu.memref_slice %arg8[%run_scoped3A, %add3A_270, %dma_wait3A_339] : memref<4x10240x64xf32, #tpu.memory_space<hbm>> -> memref<1x128x64xf32, #tpu.memory_space<hbm>>
        %dma_wait3A_341 = tpu.memref_squeeze %dma_wait3A_340 : memref<1x128x64xf32, #tpu.memory_space<hbm>> -> memref<128x64xf32, #tpu.memory_space<hbm>>
        tpu.wait_dma2 semaphore(%run_scoped3A_329 : memref<!tpu.dma_semaphore, #tpu.memory_space<semaphore_mem>>) src(%arg11 : memref<128x64xf32, #tpu.memory_space<vmem>>) dst(%dma_wait3A_341 : memref<128x64xf32, #tpu.memory_space<hbm>>)
        tpu.yield
      }) : () -> ()
    } else {
    }
    %add3A_281 = arith.constant 128 : i32
    %add3A_282 = arith.addi %mul3A_0, %add3A_281 : i32
    "tpu.region"() ({
      %run_scoped3A = tpu.sem_alloc : memref<!tpu.dma_semaphore, #tpu.memory_space<semaphore_mem>>
      %dma_start3A_329 = arith.constant 0 : i32
      %dma_start3A_330 = tpu.memref_slice %arg15[%add3A_282, %dma_start3A_329] : memref<10240x64xf32, #tpu.memory_space<vmem_shared>> -> memref<128x64xf32, #tpu.memory_space<vmem_shared>>
      %dma_start3A_331 = arith.constant 0 : i32
      %dma_start3A_332 = tpu.memref_slice %arg15[%add3A_282, %dma_start3A_331] : memref<10240x64xf32, #tpu.memory_space<vmem_shared>> -> memref<128x64xf32, #tpu.memory_space<vmem_shared>>
      tpu.enqueue_dma source(%dma_start3A_332 : memref<128x64xf32, #tpu.memory_space<vmem_shared>>) target(%arg11 : memref<128x64xf32, #tpu.memory_space<vmem>>) target_semaphore(%run_scoped3A : memref<!tpu.dma_semaphore, #tpu.memory_space<semaphore_mem>>)
      %dma_wait3A_333 = arith.constant 0 : i32
      %dma_wait3A_334 = tpu.memref_slice %arg15[%add3A_282, %dma_wait3A_333] : memref<10240x64xf32, #tpu.memory_space<vmem_shared>> -> memref<128x64xf32, #tpu.memory_space<vmem_shared>>
      %dma_wait3A_335 = arith.constant 0 : i32
      %dma_wait3A_336 = tpu.memref_slice %arg15[%add3A_282, %dma_wait3A_335] : memref<10240x64xf32, #tpu.memory_space<vmem_shared>> -> memref<128x64xf32, #tpu.memory_space<vmem_shared>>
      tpu.wait_dma2 semaphore(%run_scoped3A : memref<!tpu.dma_semaphore, #tpu.memory_space<semaphore_mem>>) src(%dma_wait3A_336 : memref<128x64xf32, #tpu.memory_space<vmem_shared>>) dst(%arg11 : memref<128x64xf32, #tpu.memory_space<vmem>>)
      tpu.yield
    }) : () -> ()
    %eq3A_283 = arith.constant 0 : i32
    %eq3A_284 = arith.cmpi eq, %arg0, %eq3A_283 : i32
    %convert_element_type3A_285 = arith.extui %eq3A_284 : i1 to i32
    %cond3A_286 = arith.constant 0 : i32
    %cond3A_287 = arith.cmpi ne, %convert_element_type3A_285, %cond3A_286 : i32
    scf.if %cond3A_287 {
      %run_scoped3A = arith.constant 2 : i32
      "tpu.region"() ({
        %run_scoped3A_329 = tpu.sem_alloc : memref<!tpu.dma_semaphore, #tpu.memory_space<semaphore_mem>>
        %dma_start3A_330 = arith.constant 0 : i32
        %dma_start3A_331 = tpu.memref_slice %arg8[%run_scoped3A, %add3A_282, %dma_start3A_330] : memref<4x10240x64xf32, #tpu.memory_space<hbm>> -> memref<1x128x64xf32, #tpu.memory_space<hbm>>
        %dma_start3A_332 = tpu.memref_squeeze %dma_start3A_331 : memref<1x128x64xf32, #tpu.memory_space<hbm>> -> memref<128x64xf32, #tpu.memory_space<hbm>>
        %dma_start3A_333 = arith.constant 0 : i32
        %dma_start3A_334 = tpu.memref_slice %arg8[%run_scoped3A, %add3A_282, %dma_start3A_333] : memref<4x10240x64xf32, #tpu.memory_space<hbm>> -> memref<1x128x64xf32, #tpu.memory_space<hbm>>
        %dma_start3A_335 = tpu.memref_squeeze %dma_start3A_334 : memref<1x128x64xf32, #tpu.memory_space<hbm>> -> memref<128x64xf32, #tpu.memory_space<hbm>>
        tpu.enqueue_dma source(%arg11 : memref<128x64xf32, #tpu.memory_space<vmem>>) target(%dma_start3A_335 : memref<128x64xf32, #tpu.memory_space<hbm>>) target_semaphore(%run_scoped3A_329 : memref<!tpu.dma_semaphore, #tpu.memory_space<semaphore_mem>>)
        %dma_wait3A_336 = arith.constant 0 : i32
        %dma_wait3A_337 = tpu.memref_slice %arg8[%run_scoped3A, %add3A_282, %dma_wait3A_336] : memref<4x10240x64xf32, #tpu.memory_space<hbm>> -> memref<1x128x64xf32, #tpu.memory_space<hbm>>
        %dma_wait3A_338 = tpu.memref_squeeze %dma_wait3A_337 : memref<1x128x64xf32, #tpu.memory_space<hbm>> -> memref<128x64xf32, #tpu.memory_space<hbm>>
        %dma_wait3A_339 = arith.constant 0 : i32
        %dma_wait3A_340 = tpu.memref_slice %arg8[%run_scoped3A, %add3A_282, %dma_wait3A_339] : memref<4x10240x64xf32, #tpu.memory_space<hbm>> -> memref<1x128x64xf32, #tpu.memory_space<hbm>>
        %dma_wait3A_341 = tpu.memref_squeeze %dma_wait3A_340 : memref<1x128x64xf32, #tpu.memory_space<hbm>> -> memref<128x64xf32, #tpu.memory_space<hbm>>
        tpu.wait_dma2 semaphore(%run_scoped3A_329 : memref<!tpu.dma_semaphore, #tpu.memory_space<semaphore_mem>>) src(%arg11 : memref<128x64xf32, #tpu.memory_space<vmem>>) dst(%dma_wait3A_341 : memref<128x64xf32, #tpu.memory_space<hbm>>)
        tpu.yield
      }) : () -> ()
    } else {
    }
    %eq3A_288 = arith.constant 1 : i32
    %eq3A_289 = arith.cmpi eq, %arg0, %eq3A_288 : i32
    %convert_element_type3A_290 = arith.extui %eq3A_289 : i1 to i32
    %cond3A_291 = arith.constant 0 : i32
    %cond3A_292 = arith.cmpi ne, %convert_element_type3A_290, %cond3A_291 : i32
    scf.if %cond3A_292 {
      %run_scoped3A = arith.constant 3 : i32
      "tpu.region"() ({
        %run_scoped3A_329 = tpu.sem_alloc : memref<!tpu.dma_semaphore, #tpu.memory_space<semaphore_mem>>
        %dma_start3A_330 = arith.constant 0 : i32
        %dma_start3A_331 = tpu.memref_slice %arg8[%run_scoped3A, %add3A_282, %dma_start3A_330] : memref<4x10240x64xf32, #tpu.memory_space<hbm>> -> memref<1x128x64xf32, #tpu.memory_space<hbm>>
        %dma_start3A_332 = tpu.memref_squeeze %dma_start3A_331 : memref<1x128x64xf32, #tpu.memory_space<hbm>> -> memref<128x64xf32, #tpu.memory_space<hbm>>
        %dma_start3A_333 = arith.constant 0 : i32
        %dma_start3A_334 = tpu.memref_slice %arg8[%run_scoped3A, %add3A_282, %dma_start3A_333] : memref<4x10240x64xf32, #tpu.memory_space<hbm>> -> memref<1x128x64xf32, #tpu.memory_space<hbm>>
        %dma_start3A_335 = tpu.memref_squeeze %dma_start3A_334 : memref<1x128x64xf32, #tpu.memory_space<hbm>> -> memref<128x64xf32, #tpu.memory_space<hbm>>
        tpu.enqueue_dma source(%arg11 : memref<128x64xf32, #tpu.memory_space<vmem>>) target(%dma_start3A_335 : memref<128x64xf32, #tpu.memory_space<hbm>>) target_semaphore(%run_scoped3A_329 : memref<!tpu.dma_semaphore, #tpu.memory_space<semaphore_mem>>)
        %dma_wait3A_336 = arith.constant 0 : i32
        %dma_wait3A_337 = tpu.memref_slice %arg8[%run_scoped3A, %add3A_282, %dma_wait3A_336] : memref<4x10240x64xf32, #tpu.memory_space<hbm>> -> memref<1x128x64xf32, #tpu.memory_space<hbm>>
        %dma_wait3A_338 = tpu.memref_squeeze %dma_wait3A_337 : memref<1x128x64xf32, #tpu.memory_space<hbm>> -> memref<128x64xf32, #tpu.memory_space<hbm>>
        %dma_wait3A_339 = arith.constant 0 : i32
        %dma_wait3A_340 = tpu.memref_slice %arg8[%run_scoped3A, %add3A_282, %dma_wait3A_339] : memref<4x10240x64xf32, #tpu.memory_space<hbm>> -> memref<1x128x64xf32, #tpu.memory_space<hbm>>
        %dma_wait3A_341 = tpu.memref_squeeze %dma_wait3A_340 : memref<1x128x64xf32, #tpu.memory_space<hbm>> -> memref<128x64xf32, #tpu.memory_space<hbm>>
        tpu.wait_dma2 semaphore(%run_scoped3A_329 : memref<!tpu.dma_semaphore, #tpu.memory_space<semaphore_mem>>) src(%arg11 : memref<128x64xf32, #tpu.memory_space<vmem>>) dst(%dma_wait3A_341 : memref<128x64xf32, #tpu.memory_space<hbm>>)
        tpu.yield
      }) : () -> ()
    } else {
    }
    %add3A_293 = arith.constant 256 : i32
    %add3A_294 = arith.addi %mul3A_0, %add3A_293 : i32
    "tpu.region"() ({
      %run_scoped3A = tpu.sem_alloc : memref<!tpu.dma_semaphore, #tpu.memory_space<semaphore_mem>>
      %dma_start3A_329 = arith.constant 0 : i32
      %dma_start3A_330 = tpu.memref_slice %arg15[%add3A_294, %dma_start3A_329] : memref<10240x64xf32, #tpu.memory_space<vmem_shared>> -> memref<128x64xf32, #tpu.memory_space<vmem_shared>>
      %dma_start3A_331 = arith.constant 0 : i32
      %dma_start3A_332 = tpu.memref_slice %arg15[%add3A_294, %dma_start3A_331] : memref<10240x64xf32, #tpu.memory_space<vmem_shared>> -> memref<128x64xf32, #tpu.memory_space<vmem_shared>>
      tpu.enqueue_dma source(%dma_start3A_332 : memref<128x64xf32, #tpu.memory_space<vmem_shared>>) target(%arg11 : memref<128x64xf32, #tpu.memory_space<vmem>>) target_semaphore(%run_scoped3A : memref<!tpu.dma_semaphore, #tpu.memory_space<semaphore_mem>>)
      %dma_wait3A_333 = arith.constant 0 : i32
      %dma_wait3A_334 = tpu.memref_slice %arg15[%add3A_294, %dma_wait3A_333] : memref<10240x64xf32, #tpu.memory_space<vmem_shared>> -> memref<128x64xf32, #tpu.memory_space<vmem_shared>>
      %dma_wait3A_335 = arith.constant 0 : i32
      %dma_wait3A_336 = tpu.memref_slice %arg15[%add3A_294, %dma_wait3A_335] : memref<10240x64xf32, #tpu.memory_space<vmem_shared>> -> memref<128x64xf32, #tpu.memory_space<vmem_shared>>
      tpu.wait_dma2 semaphore(%run_scoped3A : memref<!tpu.dma_semaphore, #tpu.memory_space<semaphore_mem>>) src(%dma_wait3A_336 : memref<128x64xf32, #tpu.memory_space<vmem_shared>>) dst(%arg11 : memref<128x64xf32, #tpu.memory_space<vmem>>)
      tpu.yield
    }) : () -> ()
    %eq3A_295 = arith.constant 0 : i32
    %eq3A_296 = arith.cmpi eq, %arg0, %eq3A_295 : i32
    %convert_element_type3A_297 = arith.extui %eq3A_296 : i1 to i32
    %cond3A_298 = arith.constant 0 : i32
    %cond3A_299 = arith.cmpi ne, %convert_element_type3A_297, %cond3A_298 : i32
    scf.if %cond3A_299 {
      %run_scoped3A = arith.constant 2 : i32
      "tpu.region"() ({
        %run_scoped3A_329 = tpu.sem_alloc : memref<!tpu.dma_semaphore, #tpu.memory_space<semaphore_mem>>
        %dma_start3A_330 = arith.constant 0 : i32
        %dma_start3A_331 = tpu.memref_slice %arg8[%run_scoped3A, %add3A_294, %dma_start3A_330] : memref<4x10240x64xf32, #tpu.memory_space<hbm>> -> memref<1x128x64xf32, #tpu.memory_space<hbm>>
        %dma_start3A_332 = tpu.memref_squeeze %dma_start3A_331 : memref<1x128x64xf32, #tpu.memory_space<hbm>> -> memref<128x64xf32, #tpu.memory_space<hbm>>
        %dma_start3A_333 = arith.constant 0 : i32
        %dma_start3A_334 = tpu.memref_slice %arg8[%run_scoped3A, %add3A_294, %dma_start3A_333] : memref<4x10240x64xf32, #tpu.memory_space<hbm>> -> memref<1x128x64xf32, #tpu.memory_space<hbm>>
        %dma_start3A_335 = tpu.memref_squeeze %dma_start3A_334 : memref<1x128x64xf32, #tpu.memory_space<hbm>> -> memref<128x64xf32, #tpu.memory_space<hbm>>
        tpu.enqueue_dma source(%arg11 : memref<128x64xf32, #tpu.memory_space<vmem>>) target(%dma_start3A_335 : memref<128x64xf32, #tpu.memory_space<hbm>>) target_semaphore(%run_scoped3A_329 : memref<!tpu.dma_semaphore, #tpu.memory_space<semaphore_mem>>)
        %dma_wait3A_336 = arith.constant 0 : i32
        %dma_wait3A_337 = tpu.memref_slice %arg8[%run_scoped3A, %add3A_294, %dma_wait3A_336] : memref<4x10240x64xf32, #tpu.memory_space<hbm>> -> memref<1x128x64xf32, #tpu.memory_space<hbm>>
        %dma_wait3A_338 = tpu.memref_squeeze %dma_wait3A_337 : memref<1x128x64xf32, #tpu.memory_space<hbm>> -> memref<128x64xf32, #tpu.memory_space<hbm>>
        %dma_wait3A_339 = arith.constant 0 : i32
        %dma_wait3A_340 = tpu.memref_slice %arg8[%run_scoped3A, %add3A_294, %dma_wait3A_339] : memref<4x10240x64xf32, #tpu.memory_space<hbm>> -> memref<1x128x64xf32, #tpu.memory_space<hbm>>
        %dma_wait3A_341 = tpu.memref_squeeze %dma_wait3A_340 : memref<1x128x64xf32, #tpu.memory_space<hbm>> -> memref<128x64xf32, #tpu.memory_space<hbm>>
        tpu.wait_dma2 semaphore(%run_scoped3A_329 : memref<!tpu.dma_semaphore, #tpu.memory_space<semaphore_mem>>) src(%arg11 : memref<128x64xf32, #tpu.memory_space<vmem>>) dst(%dma_wait3A_341 : memref<128x64xf32, #tpu.memory_space<hbm>>)
        tpu.yield
      }) : () -> ()
    } else {
    }
    %eq3A_300 = arith.constant 1 : i32
    %eq3A_301 = arith.cmpi eq, %arg0, %eq3A_300 : i32
    %convert_element_type3A_302 = arith.extui %eq3A_301 : i1 to i32
    %cond3A_303 = arith.constant 0 : i32
    %cond3A_304 = arith.cmpi ne, %convert_element_type3A_302, %cond3A_303 : i32
    scf.if %cond3A_304 {
      %run_scoped3A = arith.constant 3 : i32
      "tpu.region"() ({
        %run_scoped3A_329 = tpu.sem_alloc : memref<!tpu.dma_semaphore, #tpu.memory_space<semaphore_mem>>
        %dma_start3A_330 = arith.constant 0 : i32
        %dma_start3A_331 = tpu.memref_slice %arg8[%run_scoped3A, %add3A_294, %dma_start3A_330] : memref<4x10240x64xf32, #tpu.memory_space<hbm>> -> memref<1x128x64xf32, #tpu.memory_space<hbm>>
        %dma_start3A_332 = tpu.memref_squeeze %dma_start3A_331 : memref<1x128x64xf32, #tpu.memory_space<hbm>> -> memref<128x64xf32, #tpu.memory_space<hbm>>
        %dma_start3A_333 = arith.constant 0 : i32
        %dma_start3A_334 = tpu.memref_slice %arg8[%run_scoped3A, %add3A_294, %dma_start3A_333] : memref<4x10240x64xf32, #tpu.memory_space<hbm>> -> memref<1x128x64xf32, #tpu.memory_space<hbm>>
        %dma_start3A_335 = tpu.memref_squeeze %dma_start3A_334 : memref<1x128x64xf32, #tpu.memory_space<hbm>> -> memref<128x64xf32, #tpu.memory_space<hbm>>
        tpu.enqueue_dma source(%arg11 : memref<128x64xf32, #tpu.memory_space<vmem>>) target(%dma_start3A_335 : memref<128x64xf32, #tpu.memory_space<hbm>>) target_semaphore(%run_scoped3A_329 : memref<!tpu.dma_semaphore, #tpu.memory_space<semaphore_mem>>)
        %dma_wait3A_336 = arith.constant 0 : i32
        %dma_wait3A_337 = tpu.memref_slice %arg8[%run_scoped3A, %add3A_294, %dma_wait3A_336] : memref<4x10240x64xf32, #tpu.memory_space<hbm>> -> memref<1x128x64xf32, #tpu.memory_space<hbm>>
        %dma_wait3A_338 = tpu.memref_squeeze %dma_wait3A_337 : memref<1x128x64xf32, #tpu.memory_space<hbm>> -> memref<128x64xf32, #tpu.memory_space<hbm>>
        %dma_wait3A_339 = arith.constant 0 : i32
        %dma_wait3A_340 = tpu.memref_slice %arg8[%run_scoped3A, %add3A_294, %dma_wait3A_339] : memref<4x10240x64xf32, #tpu.memory_space<hbm>> -> memref<1x128x64xf32, #tpu.memory_space<hbm>>
        %dma_wait3A_341 = tpu.memref_squeeze %dma_wait3A_340 : memref<1x128x64xf32, #tpu.memory_space<hbm>> -> memref<128x64xf32, #tpu.memory_space<hbm>>
        tpu.wait_dma2 semaphore(%run_scoped3A_329 : memref<!tpu.dma_semaphore, #tpu.memory_space<semaphore_mem>>) src(%arg11 : memref<128x64xf32, #tpu.memory_space<vmem>>) dst(%dma_wait3A_341 : memref<128x64xf32, #tpu.memory_space<hbm>>)
        tpu.yield
      }) : () -> ()
    } else {
    }
    %add3A_305 = arith.constant 384 : i32
    %add3A_306 = arith.addi %mul3A_0, %add3A_305 : i32
    "tpu.region"() ({
      %run_scoped3A = tpu.sem_alloc : memref<!tpu.dma_semaphore, #tpu.memory_space<semaphore_mem>>
      %dma_start3A_329 = arith.constant 0 : i32
      %dma_start3A_330 = tpu.memref_slice %arg15[%add3A_306, %dma_start3A_329] : memref<10240x64xf32, #tpu.memory_space<vmem_shared>> -> memref<128x64xf32, #tpu.memory_space<vmem_shared>>
      %dma_start3A_331 = arith.constant 0 : i32
      %dma_start3A_332 = tpu.memref_slice %arg15[%add3A_306, %dma_start3A_331] : memref<10240x64xf32, #tpu.memory_space<vmem_shared>> -> memref<128x64xf32, #tpu.memory_space<vmem_shared>>
      tpu.enqueue_dma source(%dma_start3A_332 : memref<128x64xf32, #tpu.memory_space<vmem_shared>>) target(%arg11 : memref<128x64xf32, #tpu.memory_space<vmem>>) target_semaphore(%run_scoped3A : memref<!tpu.dma_semaphore, #tpu.memory_space<semaphore_mem>>)
      %dma_wait3A_333 = arith.constant 0 : i32
      %dma_wait3A_334 = tpu.memref_slice %arg15[%add3A_306, %dma_wait3A_333] : memref<10240x64xf32, #tpu.memory_space<vmem_shared>> -> memref<128x64xf32, #tpu.memory_space<vmem_shared>>
      %dma_wait3A_335 = arith.constant 0 : i32
      %dma_wait3A_336 = tpu.memref_slice %arg15[%add3A_306, %dma_wait3A_335] : memref<10240x64xf32, #tpu.memory_space<vmem_shared>> -> memref<128x64xf32, #tpu.memory_space<vmem_shared>>
      tpu.wait_dma2 semaphore(%run_scoped3A : memref<!tpu.dma_semaphore, #tpu.memory_space<semaphore_mem>>) src(%dma_wait3A_336 : memref<128x64xf32, #tpu.memory_space<vmem_shared>>) dst(%arg11 : memref<128x64xf32, #tpu.memory_space<vmem>>)
      tpu.yield
    }) : () -> ()
    %eq3A_307 = arith.constant 0 : i32
    %eq3A_308 = arith.cmpi eq, %arg0, %eq3A_307 : i32
    %convert_element_type3A_309 = arith.extui %eq3A_308 : i1 to i32
    %cond3A_310 = arith.constant 0 : i32
    %cond3A_311 = arith.cmpi ne, %convert_element_type3A_309, %cond3A_310 : i32
    scf.if %cond3A_311 {
      %run_scoped3A = arith.constant 2 : i32
      "tpu.region"() ({
        %run_scoped3A_329 = tpu.sem_alloc : memref<!tpu.dma_semaphore, #tpu.memory_space<semaphore_mem>>
        %dma_start3A_330 = arith.constant 0 : i32
        %dma_start3A_331 = tpu.memref_slice %arg8[%run_scoped3A, %add3A_306, %dma_start3A_330] : memref<4x10240x64xf32, #tpu.memory_space<hbm>> -> memref<1x128x64xf32, #tpu.memory_space<hbm>>
        %dma_start3A_332 = tpu.memref_squeeze %dma_start3A_331 : memref<1x128x64xf32, #tpu.memory_space<hbm>> -> memref<128x64xf32, #tpu.memory_space<hbm>>
        %dma_start3A_333 = arith.constant 0 : i32
        %dma_start3A_334 = tpu.memref_slice %arg8[%run_scoped3A, %add3A_306, %dma_start3A_333] : memref<4x10240x64xf32, #tpu.memory_space<hbm>> -> memref<1x128x64xf32, #tpu.memory_space<hbm>>
        %dma_start3A_335 = tpu.memref_squeeze %dma_start3A_334 : memref<1x128x64xf32, #tpu.memory_space<hbm>> -> memref<128x64xf32, #tpu.memory_space<hbm>>
        tpu.enqueue_dma source(%arg11 : memref<128x64xf32, #tpu.memory_space<vmem>>) target(%dma_start3A_335 : memref<128x64xf32, #tpu.memory_space<hbm>>) target_semaphore(%run_scoped3A_329 : memref<!tpu.dma_semaphore, #tpu.memory_space<semaphore_mem>>)
        %dma_wait3A_336 = arith.constant 0 : i32
        %dma_wait3A_337 = tpu.memref_slice %arg8[%run_scoped3A, %add3A_306, %dma_wait3A_336] : memref<4x10240x64xf32, #tpu.memory_space<hbm>> -> memref<1x128x64xf32, #tpu.memory_space<hbm>>
        %dma_wait3A_338 = tpu.memref_squeeze %dma_wait3A_337 : memref<1x128x64xf32, #tpu.memory_space<hbm>> -> memref<128x64xf32, #tpu.memory_space<hbm>>
        %dma_wait3A_339 = arith.constant 0 : i32
        %dma_wait3A_340 = tpu.memref_slice %arg8[%run_scoped3A, %add3A_306, %dma_wait3A_339] : memref<4x10240x64xf32, #tpu.memory_space<hbm>> -> memref<1x128x64xf32, #tpu.memory_space<hbm>>
        %dma_wait3A_341 = tpu.memref_squeeze %dma_wait3A_340 : memref<1x128x64xf32, #tpu.memory_space<hbm>> -> memref<128x64xf32, #tpu.memory_space<hbm>>
        tpu.wait_dma2 semaphore(%run_scoped3A_329 : memref<!tpu.dma_semaphore, #tpu.memory_space<semaphore_mem>>) src(%arg11 : memref<128x64xf32, #tpu.memory_space<vmem>>) dst(%dma_wait3A_341 : memref<128x64xf32, #tpu.memory_space<hbm>>)
        tpu.yield
      }) : () -> ()
    } else {
    }
    %eq3A_312 = arith.constant 1 : i32
    %eq3A_313 = arith.cmpi eq, %arg0, %eq3A_312 : i32
    %convert_element_type3A_314 = arith.extui %eq3A_313 : i1 to i32
    %cond3A_315 = arith.constant 0 : i32
    %cond3A_316 = arith.cmpi ne, %convert_element_type3A_314, %cond3A_315 : i32
    scf.if %cond3A_316 {
      %run_scoped3A = arith.constant 3 : i32
      "tpu.region"() ({
        %run_scoped3A_329 = tpu.sem_alloc : memref<!tpu.dma_semaphore, #tpu.memory_space<semaphore_mem>>
        %dma_start3A_330 = arith.constant 0 : i32
        %dma_start3A_331 = tpu.memref_slice %arg8[%run_scoped3A, %add3A_306, %dma_start3A_330] : memref<4x10240x64xf32, #tpu.memory_space<hbm>> -> memref<1x128x64xf32, #tpu.memory_space<hbm>>
        %dma_start3A_332 = tpu.memref_squeeze %dma_start3A_331 : memref<1x128x64xf32, #tpu.memory_space<hbm>> -> memref<128x64xf32, #tpu.memory_space<hbm>>
        %dma_start3A_333 = arith.constant 0 : i32
        %dma_start3A_334 = tpu.memref_slice %arg8[%run_scoped3A, %add3A_306, %dma_start3A_333] : memref<4x10240x64xf32, #tpu.memory_space<hbm>> -> memref<1x128x64xf32, #tpu.memory_space<hbm>>
        %dma_start3A_335 = tpu.memref_squeeze %dma_start3A_334 : memref<1x128x64xf32, #tpu.memory_space<hbm>> -> memref<128x64xf32, #tpu.memory_space<hbm>>
        tpu.enqueue_dma source(%arg11 : memref<128x64xf32, #tpu.memory_space<vmem>>) target(%dma_start3A_335 : memref<128x64xf32, #tpu.memory_space<hbm>>) target_semaphore(%run_scoped3A_329 : memref<!tpu.dma_semaphore, #tpu.memory_space<semaphore_mem>>)
        %dma_wait3A_336 = arith.constant 0 : i32
        %dma_wait3A_337 = tpu.memref_slice %arg8[%run_scoped3A, %add3A_306, %dma_wait3A_336] : memref<4x10240x64xf32, #tpu.memory_space<hbm>> -> memref<1x128x64xf32, #tpu.memory_space<hbm>>
        %dma_wait3A_338 = tpu.memref_squeeze %dma_wait3A_337 : memref<1x128x64xf32, #tpu.memory_space<hbm>> -> memref<128x64xf32, #tpu.memory_space<hbm>>
        %dma_wait3A_339 = arith.constant 0 : i32
        %dma_wait3A_340 = tpu.memref_slice %arg8[%run_scoped3A, %add3A_306, %dma_wait3A_339] : memref<4x10240x64xf32, #tpu.memory_space<hbm>> -> memref<1x128x64xf32, #tpu.memory_space<hbm>>
        %dma_wait3A_341 = tpu.memref_squeeze %dma_wait3A_340 : memref<1x128x64xf32, #tpu.memory_space<hbm>> -> memref<128x64xf32, #tpu.memory_space<hbm>>
        tpu.wait_dma2 semaphore(%run_scoped3A_329 : memref<!tpu.dma_semaphore, #tpu.memory_space<semaphore_mem>>) src(%arg11 : memref<128x64xf32, #tpu.memory_space<vmem>>) dst(%dma_wait3A_341 : memref<128x64xf32, #tpu.memory_space<hbm>>)
        tpu.yield
      }) : () -> ()
    } else {
    }
    %add3A_317 = arith.constant 512 : i32
    %add3A_318 = arith.addi %mul3A_0, %add3A_317 : i32
    "tpu.region"() ({
      %run_scoped3A = tpu.sem_alloc : memref<!tpu.dma_semaphore, #tpu.memory_space<semaphore_mem>>
      %dma_start3A_329 = arith.constant 0 : i32
      %dma_start3A_330 = tpu.memref_slice %arg15[%add3A_318, %dma_start3A_329] : memref<10240x64xf32, #tpu.memory_space<vmem_shared>> -> memref<128x64xf32, #tpu.memory_space<vmem_shared>>
      %dma_start3A_331 = arith.constant 0 : i32
      %dma_start3A_332 = tpu.memref_slice %arg15[%add3A_318, %dma_start3A_331] : memref<10240x64xf32, #tpu.memory_space<vmem_shared>> -> memref<128x64xf32, #tpu.memory_space<vmem_shared>>
      tpu.enqueue_dma source(%dma_start3A_332 : memref<128x64xf32, #tpu.memory_space<vmem_shared>>) target(%arg11 : memref<128x64xf32, #tpu.memory_space<vmem>>) target_semaphore(%run_scoped3A : memref<!tpu.dma_semaphore, #tpu.memory_space<semaphore_mem>>)
      %dma_wait3A_333 = arith.constant 0 : i32
      %dma_wait3A_334 = tpu.memref_slice %arg15[%add3A_318, %dma_wait3A_333] : memref<10240x64xf32, #tpu.memory_space<vmem_shared>> -> memref<128x64xf32, #tpu.memory_space<vmem_shared>>
      %dma_wait3A_335 = arith.constant 0 : i32
      %dma_wait3A_336 = tpu.memref_slice %arg15[%add3A_318, %dma_wait3A_335] : memref<10240x64xf32, #tpu.memory_space<vmem_shared>> -> memref<128x64xf32, #tpu.memory_space<vmem_shared>>
      tpu.wait_dma2 semaphore(%run_scoped3A : memref<!tpu.dma_semaphore, #tpu.memory_space<semaphore_mem>>) src(%dma_wait3A_336 : memref<128x64xf32, #tpu.memory_space<vmem_shared>>) dst(%arg11 : memref<128x64xf32, #tpu.memory_space<vmem>>)
      tpu.yield
    }) : () -> ()
    %eq3A_319 = arith.constant 0 : i32
    %eq3A_320 = arith.cmpi eq, %arg0, %eq3A_319 : i32
    %convert_element_type3A_321 = arith.extui %eq3A_320 : i1 to i32
    %cond3A_322 = arith.constant 0 : i32
    %cond3A_323 = arith.cmpi ne, %convert_element_type3A_321, %cond3A_322 : i32
    scf.if %cond3A_323 {
      %run_scoped3A = arith.constant 2 : i32
      "tpu.region"() ({
        %run_scoped3A_329 = tpu.sem_alloc : memref<!tpu.dma_semaphore, #tpu.memory_space<semaphore_mem>>
        %dma_start3A_330 = arith.constant 0 : i32
        %dma_start3A_331 = tpu.memref_slice %arg8[%run_scoped3A, %add3A_318, %dma_start3A_330] : memref<4x10240x64xf32, #tpu.memory_space<hbm>> -> memref<1x128x64xf32, #tpu.memory_space<hbm>>
        %dma_start3A_332 = tpu.memref_squeeze %dma_start3A_331 : memref<1x128x64xf32, #tpu.memory_space<hbm>> -> memref<128x64xf32, #tpu.memory_space<hbm>>
        %dma_start3A_333 = arith.constant 0 : i32
        %dma_start3A_334 = tpu.memref_slice %arg8[%run_scoped3A, %add3A_318, %dma_start3A_333] : memref<4x10240x64xf32, #tpu.memory_space<hbm>> -> memref<1x128x64xf32, #tpu.memory_space<hbm>>
        %dma_start3A_335 = tpu.memref_squeeze %dma_start3A_334 : memref<1x128x64xf32, #tpu.memory_space<hbm>> -> memref<128x64xf32, #tpu.memory_space<hbm>>
        tpu.enqueue_dma source(%arg11 : memref<128x64xf32, #tpu.memory_space<vmem>>) target(%dma_start3A_335 : memref<128x64xf32, #tpu.memory_space<hbm>>) target_semaphore(%run_scoped3A_329 : memref<!tpu.dma_semaphore, #tpu.memory_space<semaphore_mem>>)
        %dma_wait3A_336 = arith.constant 0 : i32
        %dma_wait3A_337 = tpu.memref_slice %arg8[%run_scoped3A, %add3A_318, %dma_wait3A_336] : memref<4x10240x64xf32, #tpu.memory_space<hbm>> -> memref<1x128x64xf32, #tpu.memory_space<hbm>>
        %dma_wait3A_338 = tpu.memref_squeeze %dma_wait3A_337 : memref<1x128x64xf32, #tpu.memory_space<hbm>> -> memref<128x64xf32, #tpu.memory_space<hbm>>
        %dma_wait3A_339 = arith.constant 0 : i32
        %dma_wait3A_340 = tpu.memref_slice %arg8[%run_scoped3A, %add3A_318, %dma_wait3A_339] : memref<4x10240x64xf32, #tpu.memory_space<hbm>> -> memref<1x128x64xf32, #tpu.memory_space<hbm>>
        %dma_wait3A_341 = tpu.memref_squeeze %dma_wait3A_340 : memref<1x128x64xf32, #tpu.memory_space<hbm>> -> memref<128x64xf32, #tpu.memory_space<hbm>>
        tpu.wait_dma2 semaphore(%run_scoped3A_329 : memref<!tpu.dma_semaphore, #tpu.memory_space<semaphore_mem>>) src(%arg11 : memref<128x64xf32, #tpu.memory_space<vmem>>) dst(%dma_wait3A_341 : memref<128x64xf32, #tpu.memory_space<hbm>>)
        tpu.yield
      }) : () -> ()
    } else {
    }
    %eq3A_324 = arith.constant 1 : i32
    %eq3A_325 = arith.cmpi eq, %arg0, %eq3A_324 : i32
    %convert_element_type3A_326 = arith.extui %eq3A_325 : i1 to i32
    %cond3A_327 = arith.constant 0 : i32
    %cond3A_328 = arith.cmpi ne, %convert_element_type3A_326, %cond3A_327 : i32
    scf.if %cond3A_328 {
      %run_scoped3A = arith.constant 3 : i32
      "tpu.region"() ({
        %run_scoped3A_329 = tpu.sem_alloc : memref<!tpu.dma_semaphore, #tpu.memory_space<semaphore_mem>>
        %dma_start3A_330 = arith.constant 0 : i32
        %dma_start3A_331 = tpu.memref_slice %arg8[%run_scoped3A, %add3A_318, %dma_start3A_330] : memref<4x10240x64xf32, #tpu.memory_space<hbm>> -> memref<1x128x64xf32, #tpu.memory_space<hbm>>
        %dma_start3A_332 = tpu.memref_squeeze %dma_start3A_331 : memref<1x128x64xf32, #tpu.memory_space<hbm>> -> memref<128x64xf32, #tpu.memory_space<hbm>>
        %dma_start3A_333 = arith.constant 0 : i32
        %dma_start3A_334 = tpu.memref_slice %arg8[%run_scoped3A, %add3A_318, %dma_start3A_333] : memref<4x10240x64xf32, #tpu.memory_space<hbm>> -> memref<1x128x64xf32, #tpu.memory_space<hbm>>
        %dma_start3A_335 = tpu.memref_squeeze %dma_start3A_334 : memref<1x128x64xf32, #tpu.memory_space<hbm>> -> memref<128x64xf32, #tpu.memory_space<hbm>>
        tpu.enqueue_dma source(%arg11 : memref<128x64xf32, #tpu.memory_space<vmem>>) target(%dma_start3A_335 : memref<128x64xf32, #tpu.memory_space<hbm>>) target_semaphore(%run_scoped3A_329 : memref<!tpu.dma_semaphore, #tpu.memory_space<semaphore_mem>>)
        %dma_wait3A_336 = arith.constant 0 : i32
        %dma_wait3A_337 = tpu.memref_slice %arg8[%run_scoped3A, %add3A_318, %dma_wait3A_336] : memref<4x10240x64xf32, #tpu.memory_space<hbm>> -> memref<1x128x64xf32, #tpu.memory_space<hbm>>
        %dma_wait3A_338 = tpu.memref_squeeze %dma_wait3A_337 : memref<1x128x64xf32, #tpu.memory_space<hbm>> -> memref<128x64xf32, #tpu.memory_space<hbm>>
        %dma_wait3A_339 = arith.constant 0 : i32
        %dma_wait3A_340 = tpu.memref_slice %arg8[%run_scoped3A, %add3A_318, %dma_wait3A_339] : memref<4x10240x64xf32, #tpu.memory_space<hbm>> -> memref<1x128x64xf32, #tpu.memory_space<hbm>>
        %dma_wait3A_341 = tpu.memref_squeeze %dma_wait3A_340 : memref<1x128x64xf32, #tpu.memory_space<hbm>> -> memref<128x64xf32, #tpu.memory_space<hbm>>
        tpu.wait_dma2 semaphore(%run_scoped3A_329 : memref<!tpu.dma_semaphore, #tpu.memory_space<semaphore_mem>>) src(%arg11 : memref<128x64xf32, #tpu.memory_space<vmem>>) dst(%dma_wait3A_341 : memref<128x64xf32, #tpu.memory_space<hbm>>)
        tpu.yield
      }) : () -> ()
    } else {
    }
    return
  }
}

module attributes {stable_mosaic.version = 14 : i64} {
  func.func @_mlp1_body(%arg0: i32, %arg1: memref<1x1xf32, #tpu.memory_space<smem>>, %arg2: memref<2000x128xf32, #tpu.memory_space<vmem>>, %arg3: memref<2x2000x64xf32, #tpu.memory_space<vmem>>, %arg4: memref<128x256xf32, #tpu.memory_space<vmem>>, %arg5: memref<1x256xf32, #tpu.memory_space<vmem>>, %arg6: memref<256x256xf32, #tpu.memory_space<vmem>>, %arg7: memref<1x256xf32, #tpu.memory_space<vmem>>, %arg8: memref<2000x64xf32, #tpu.memory_space<vmem>>, %arg9: memref<2000x64xf32, #tpu.memory_space<vmem>>, %arg10: memref<2000x64xf32, #tpu.memory_space<vmem>>, %arg11: memref<2000x64xf32, #tpu.memory_space<vmem>>) attributes {dimension_semantics = [#tpu.dimension_semantics<arbitrary>], iteration_bounds = array<i64: 5>, scalar_prefetch = 0 : i64, scratch_operands = 0 : i64, tpu.core_type = #tpu.core_type<tc>, window_params = [{transform_indices = @transform_0, window_bounds = array<i64: 1, 1>}, {transform_indices = @transform_1, window_bounds = array<i64: 2000, 128>}, {transform_indices = @transform_2, window_bounds = array<i64: 2, 2000, 64>}, {pipeline_mode = #tpu.pipeline_mode<synchronous>, transform_indices = @transform_3, window_bounds = array<i64: 128, 256>}, {pipeline_mode = #tpu.pipeline_mode<synchronous>, transform_indices = @transform_4, window_bounds = array<i64: 1, 256>}, {pipeline_mode = #tpu.pipeline_mode<synchronous>, transform_indices = @transform_5, window_bounds = array<i64: 256, 256>}, {pipeline_mode = #tpu.pipeline_mode<synchronous>, transform_indices = @transform_6, window_bounds = array<i64: 1, 256>}, {transform_indices = @transform_7, window_bounds = array<i64: 2000, 64>}, {transform_indices = @transform_8, window_bounds = array<i64: 2000, 64>}, {transform_indices = @transform_9, window_bounds = array<i64: 2000, 64>}, {transform_indices = @transform_10, window_bounds = array<i64: 2000, 64>}]} {
    %get3A = arith.constant 0 : index
    %get3A_0 = arith.constant 0 : index
    %get3A_1 = vector.load %arg2[%get3A, %get3A_0] : memref<2000x128xf32, #tpu.memory_space<vmem>>, vector<2000x128xf32>
    %get3A_2 = arith.constant 0 : index
    %get3A_3 = arith.constant 0 : index
    %get3A_4 = memref.load %arg1[%get3A_2, %get3A_3] : memref<1x1xf32, #tpu.memory_space<smem>>
    %add3A = arith.constant 1.000000e+00 : f32
    %add3A_5 = arith.addf %add3A, %get3A_4 : f32
    %mul3A = vector.broadcast %add3A_5 : f32 to vector<2000x128xf32>
    %mul3A_6 = arith.mulf %get3A_1, %mul3A : vector<2000x128xf32>
    %get3A_7 = arith.constant 0 : index
    %get3A_8 = arith.constant 0 : index
    %get3A_9 = arith.constant 0 : index
    %get3A_10 = vector.load %arg3[%get3A_7, %get3A_8, %get3A_9] : memref<2x2000x64xf32, #tpu.memory_space<vmem>>, vector<1x2000x64xf32>
    %get3A_11 = vector.shape_cast %get3A_10 : vector<1x2000x64xf32> to vector<2000x64xf32>
    %get3A_12 = arith.constant 1 : index
    %get3A_13 = arith.constant 0 : index
    %get3A_14 = arith.constant 0 : index
    %get3A_15 = vector.load %arg3[%get3A_12, %get3A_13, %get3A_14] : memref<2x2000x64xf32, #tpu.memory_space<vmem>>, vector<1x2000x64xf32>
    %get3A_16 = vector.shape_cast %get3A_15 : vector<1x2000x64xf32> to vector<2000x64xf32>
    %concatenate3A = tpu.concatenate %get3A_11, %get3A_16 in 1 : vector<2000x64xf32>, vector<2000x64xf32> -> vector<2000x128xf32>
    %add3A_17 = arith.addf %mul3A_6, %concatenate3A : vector<2000x128xf32>
    %get3A_18 = arith.constant 0 : index
    %get3A_19 = arith.constant 0 : index
    %get3A_20 = vector.load %arg4[%get3A_18, %get3A_19] : memref<128x256xf32, #tpu.memory_space<vmem>>, vector<128x256xf32>
    %dot_general3A = arith.constant dense<0.000000e+00> : vector<2000x256xf32>
    %dot_general3A_21 = tpu.matmul %add3A_17, %get3A_20, %dot_general3A {dimension_numbers = #tpu.dot_dimension_numbers<[1], [0], [0], [1], [0, 0, 1, 1], [], []>, transpose_lhs_hint = false} : vector<2000x128xf32>, vector<128x256xf32>, vector<2000x256xf32> -> vector<2000x256xf32>
    %get3A_22 = arith.constant 0 : index
    %get3A_23 = arith.constant 0 : index
    %get3A_24 = vector.load %arg5[%get3A_22, %get3A_23] : memref<1x256xf32, #tpu.memory_space<vmem>>, vector<1x256xf32>
    %add3A_25 = vector.broadcast %get3A_24 : vector<1x256xf32> to vector<2000x256xf32>
    %add3A_26 = arith.addf %dot_general3A_21, %add3A_25 : vector<2000x256xf32>
    %max3A = arith.constant 0.000000e+00 : f32
    %max3A_27 = vector.broadcast %max3A : f32 to vector<2000x256xf32>
    %max3A_28 = arith.maximumf %add3A_26, %max3A_27 : vector<2000x256xf32>
    %get3A_29 = arith.constant 0 : index
    %get3A_30 = arith.constant 0 : index
    %get3A_31 = vector.load %arg6[%get3A_29, %get3A_30] : memref<256x256xf32, #tpu.memory_space<vmem>>, vector<256x256xf32>
    %dot_general3A_32 = arith.constant dense<0.000000e+00> : vector<2000x256xf32>
    %dot_general3A_33 = tpu.matmul %max3A_28, %get3A_31, %dot_general3A_32 {dimension_numbers = #tpu.dot_dimension_numbers<[1], [0], [0], [1], [0, 0, 1, 1], [], []>, transpose_lhs_hint = false} : vector<2000x256xf32>, vector<256x256xf32>, vector<2000x256xf32> -> vector<2000x256xf32>
    %get3A_34 = arith.constant 0 : index
    %get3A_35 = arith.constant 0 : index
    %get3A_36 = vector.load %arg7[%get3A_34, %get3A_35] : memref<1x256xf32, #tpu.memory_space<vmem>>, vector<1x256xf32>
    %add3A_37 = vector.broadcast %get3A_36 : vector<1x256xf32> to vector<2000x256xf32>
    %add3A_38 = arith.addf %dot_general3A_33, %add3A_37 : vector<2000x256xf32>
    %max3A_39 = arith.constant 0.000000e+00 : f32
    %max3A_40 = vector.broadcast %max3A_39 : f32 to vector<2000x256xf32>
    %max3A_41 = arith.maximumf %add3A_38, %max3A_40 : vector<2000x256xf32>
    %slice3A = vector.extract_strided_slice %max3A_41 {offsets = [0, 0], sizes = [2000, 64], strides = [1, 1]} : vector<2000x256xf32> to vector<2000x64xf32>
    %swap3A = arith.constant 0 : index
    %swap3A_42 = arith.constant 0 : index
    %swap3A_43 = vector.load %arg8[%swap3A, %swap3A_42] : memref<2000x64xf32, #tpu.memory_space<vmem>>, vector<2000x64xf32>
    tpu.vector_store %arg8[%swap3A, %swap3A_42], %slice3A {strides = array<i32>} : memref<2000x64xf32, #tpu.memory_space<vmem>>, vector<2000x64xf32>,
    %slice3A_44 = vector.extract_strided_slice %max3A_41 {offsets = [0, 64], sizes = [2000, 64], strides = [1, 1]} : vector<2000x256xf32> to vector<2000x64xf32>
    %swap3A_45 = arith.constant 0 : index
    %swap3A_46 = arith.constant 0 : index
    %swap3A_47 = vector.load %arg9[%swap3A_45, %swap3A_46] : memref<2000x64xf32, #tpu.memory_space<vmem>>, vector<2000x64xf32>
    tpu.vector_store %arg9[%swap3A_45, %swap3A_46], %slice3A_44 {strides = array<i32>} : memref<2000x64xf32, #tpu.memory_space<vmem>>, vector<2000x64xf32>,
    %slice3A_48 = vector.extract_strided_slice %max3A_41 {offsets = [0, 128], sizes = [2000, 64], strides = [1, 1]} : vector<2000x256xf32> to vector<2000x64xf32>
    %swap3A_49 = arith.constant 0 : index
    %swap3A_50 = arith.constant 0 : index
    %swap3A_51 = vector.load %arg10[%swap3A_49, %swap3A_50] : memref<2000x64xf32, #tpu.memory_space<vmem>>, vector<2000x64xf32>
    tpu.vector_store %arg10[%swap3A_49, %swap3A_50], %slice3A_48 {strides = array<i32>} : memref<2000x64xf32, #tpu.memory_space<vmem>>, vector<2000x64xf32>,
    %slice3A_52 = vector.extract_strided_slice %max3A_41 {offsets = [0, 192], sizes = [2000, 64], strides = [1, 1]} : vector<2000x256xf32> to vector<2000x64xf32>
    %swap3A_53 = arith.constant 0 : index
    %swap3A_54 = arith.constant 0 : index
    %swap3A_55 = vector.load %arg11[%swap3A_53, %swap3A_54] : memref<2000x64xf32, #tpu.memory_space<vmem>>, vector<2000x64xf32>
    tpu.vector_store %arg11[%swap3A_53, %swap3A_54], %slice3A_52 {strides = array<i32>} : memref<2000x64xf32, #tpu.memory_space<vmem>>, vector<2000x64xf32>,
    return
  }
  func.func @transform_0(%arg0: i32) -> (i32, i32) {
    %c0_i32 = arith.constant 0 : i32
    %c0_i32_0 = arith.constant 0 : i32
    %c0_i32_1 = arith.constant 0 : i32
    return %c0_i32, %c0_i32_0 : i32, i32
  }
  func.func @transform_1(%arg0: i32) -> (i32, i32) {
    %c0_i32 = arith.constant 0 : i32
    %c0_i32_0 = arith.constant 0 : i32
    return %arg0, %c0_i32 : i32, i32
  }
  func.func @transform_2(%arg0: i32) -> (i32, i32, i32) {
    %c0_i32 = arith.constant 0 : i32
    %c0_i32_0 = arith.constant 0 : i32
    %c0_i32_1 = arith.constant 0 : i32
    return %c0_i32, %arg0, %c0_i32_0 : i32, i32, i32
  }
  func.func @transform_3(%arg0: i32) -> (i32, i32) {
    %c0_i32 = arith.constant 0 : i32
    %c0_i32_0 = arith.constant 0 : i32
    %c0_i32_1 = arith.constant 0 : i32
    return %c0_i32, %c0_i32_0 : i32, i32
  }
  func.func @transform_4(%arg0: i32) -> (i32, i32) {
    %c0_i32 = arith.constant 0 : i32
    %c0_i32_0 = arith.constant 0 : i32
    %c0_i32_1 = arith.constant 0 : i32
    return %c0_i32, %c0_i32_0 : i32, i32
  }
  func.func @transform_5(%arg0: i32) -> (i32, i32) {
    %c0_i32 = arith.constant 0 : i32
    %c0_i32_0 = arith.constant 0 : i32
    %c0_i32_1 = arith.constant 0 : i32
    return %c0_i32, %c0_i32_0 : i32, i32
  }
  func.func @transform_6(%arg0: i32) -> (i32, i32) {
    %c0_i32 = arith.constant 0 : i32
    %c0_i32_0 = arith.constant 0 : i32
    %c0_i32_1 = arith.constant 0 : i32
    return %c0_i32, %c0_i32_0 : i32, i32
  }
  func.func @transform_7(%arg0: i32) -> (i32, i32) {
    %c0_i32 = arith.constant 0 : i32
    %c0_i32_0 = arith.constant 0 : i32
    return %arg0, %c0_i32 : i32, i32
  }
  func.func @transform_8(%arg0: i32) -> (i32, i32) {
    %c0_i32 = arith.constant 0 : i32
    %c0_i32_0 = arith.constant 0 : i32
    return %arg0, %c0_i32 : i32, i32
  }
  func.func @transform_9(%arg0: i32) -> (i32, i32) {
    %c0_i32 = arith.constant 0 : i32
    %c0_i32_0 = arith.constant 0 : i32
    return %arg0, %c0_i32 : i32, i32
  }
  func.func @transform_10(%arg0: i32) -> (i32, i32) {
    %c0_i32 = arith.constant 0 : i32
    %c0_i32_0 = arith.constant 0 : i32
    return %arg0, %c0_i32 : i32, i32
  }
}

module attributes {stable_mosaic.version = 14 : i64} {
  func.func @_mlp2_body(%arg0: i32, %arg1: memref<1x1xf32, #tpu.memory_space<smem>>, %arg2: memref<2000x64xf32, #tpu.memory_space<vmem>>, %arg3: memref<2000x64xf32, #tpu.memory_space<vmem>>, %arg4: memref<2000x64xf32, #tpu.memory_space<vmem>>, %arg5: memref<2000x64xf32, #tpu.memory_space<vmem>>, %arg6: memref<4x2000x64xf32, #tpu.memory_space<vmem>>, %arg7: memref<256x64xf32, #tpu.memory_space<vmem>>, %arg8: memref<1x64xf32, #tpu.memory_space<vmem>>, %arg9: memref<64x64xf32, #tpu.memory_space<vmem>>, %arg10: memref<1x64xf32, #tpu.memory_space<vmem>>, %arg11: memref<64x64xf32, #tpu.memory_space<vmem>>, %arg12: memref<1x64xf32, #tpu.memory_space<vmem>>, %arg13: memref<2000x64xf32, #tpu.memory_space<vmem>>, %arg14: memref<2000x64xf32, #tpu.memory_space<vmem>>) attributes {dimension_semantics = [#tpu.dimension_semantics<arbitrary>], iteration_bounds = array<i64: 5>, scalar_prefetch = 0 : i64, scratch_operands = 0 : i64, tpu.core_type = #tpu.core_type<tc>, window_params = [{transform_indices = @transform_0, window_bounds = array<i64: 1, 1>}, {transform_indices = @transform_1, window_bounds = array<i64: 2000, 64>}, {transform_indices = @transform_2, window_bounds = array<i64: 2000, 64>}, {transform_indices = @transform_3, window_bounds = array<i64: 2000, 64>}, {transform_indices = @transform_4, window_bounds = array<i64: 2000, 64>}, {transform_indices = @transform_5, window_bounds = array<i64: 4, 2000, 64>}, {pipeline_mode = #tpu.pipeline_mode<synchronous>, transform_indices = @transform_6, window_bounds = array<i64: 256, 64>}, {pipeline_mode = #tpu.pipeline_mode<synchronous>, transform_indices = @transform_7, window_bounds = array<i64: 1, 64>}, {pipeline_mode = #tpu.pipeline_mode<synchronous>, transform_indices = @transform_8, window_bounds = array<i64: 64, 64>}, {pipeline_mode = #tpu.pipeline_mode<synchronous>, transform_indices = @transform_9, window_bounds = array<i64: 1, 64>}, {pipeline_mode = #tpu.pipeline_mode<synchronous>, transform_indices = @transform_10, window_bounds = array<i64: 64, 64>}, {pipeline_mode = #tpu.pipeline_mode<synchronous>, transform_indices = @transform_11, window_bounds = array<i64: 1, 64>}, {transform_indices = @transform_12, window_bounds = array<i64: 2000, 64>}, {transform_indices = @transform_13, window_bounds = array<i64: 2000, 64>}]} {
    %get3A = arith.constant 0 : index
    %get3A_0 = arith.constant 0 : index
    %get3A_1 = memref.load %arg1[%get3A, %get3A_0] : memref<1x1xf32, #tpu.memory_space<smem>>
    %add3A = arith.constant 1.000000e+00 : f32
    %add3A_2 = arith.addf %add3A, %get3A_1 : f32
    %get3A_3 = arith.constant 0 : index
    %get3A_4 = arith.constant 0 : index
    %get3A_5 = vector.load %arg2[%get3A_3, %get3A_4] : memref<2000x64xf32, #tpu.memory_space<vmem>>, vector<2000x64xf32>
    %mul3A = vector.broadcast %add3A_2 : f32 to vector<2000x64xf32>
    %mul3A_6 = arith.mulf %get3A_5, %mul3A : vector<2000x64xf32>
    %get3A_7 = arith.constant 0 : index
    %get3A_8 = arith.constant 0 : index
    %get3A_9 = arith.constant 0 : index
    %get3A_10 = vector.load %arg6[%get3A_7, %get3A_8, %get3A_9] : memref<4x2000x64xf32, #tpu.memory_space<vmem>>, vector<1x2000x64xf32>
    %get3A_11 = vector.shape_cast %get3A_10 : vector<1x2000x64xf32> to vector<2000x64xf32>
    %add3A_12 = arith.addf %mul3A_6, %get3A_11 : vector<2000x64xf32>
    %get3A_13 = arith.constant 0 : index
    %get3A_14 = arith.constant 0 : index
    %get3A_15 = vector.load %arg3[%get3A_13, %get3A_14] : memref<2000x64xf32, #tpu.memory_space<vmem>>, vector<2000x64xf32>
    %mul3A_16 = vector.broadcast %add3A_2 : f32 to vector<2000x64xf32>
    %mul3A_17 = arith.mulf %get3A_15, %mul3A_16 : vector<2000x64xf32>
    %get3A_18 = arith.constant 1 : index
    %get3A_19 = arith.constant 0 : index
    %get3A_20 = arith.constant 0 : index
    %get3A_21 = vector.load %arg6[%get3A_18, %get3A_19, %get3A_20] : memref<4x2000x64xf32, #tpu.memory_space<vmem>>, vector<1x2000x64xf32>
    %get3A_22 = vector.shape_cast %get3A_21 : vector<1x2000x64xf32> to vector<2000x64xf32>
    %add3A_23 = arith.addf %mul3A_17, %get3A_22 : vector<2000x64xf32>
    %get3A_24 = arith.constant 0 : index
    %get3A_25 = arith.constant 0 : index
    %get3A_26 = vector.load %arg4[%get3A_24, %get3A_25] : memref<2000x64xf32, #tpu.memory_space<vmem>>, vector<2000x64xf32>
    %mul3A_27 = vector.broadcast %add3A_2 : f32 to vector<2000x64xf32>
    %mul3A_28 = arith.mulf %get3A_26, %mul3A_27 : vector<2000x64xf32>
    %get3A_29 = arith.constant 2 : index
    %get3A_30 = arith.constant 0 : index
    %get3A_31 = arith.constant 0 : index
    %get3A_32 = vector.load %arg6[%get3A_29, %get3A_30, %get3A_31] : memref<4x2000x64xf32, #tpu.memory_space<vmem>>, vector<1x2000x64xf32>
    %get3A_33 = vector.shape_cast %get3A_32 : vector<1x2000x64xf32> to vector<2000x64xf32>
    %add3A_34 = arith.addf %mul3A_28, %get3A_33 : vector<2000x64xf32>
    %get3A_35 = arith.constant 0 : index
    %get3A_36 = arith.constant 0 : index
    %get3A_37 = vector.load %arg5[%get3A_35, %get3A_36] : memref<2000x64xf32, #tpu.memory_space<vmem>>, vector<2000x64xf32>
    %mul3A_38 = vector.broadcast %add3A_2 : f32 to vector<2000x64xf32>
    %mul3A_39 = arith.mulf %get3A_37, %mul3A_38 : vector<2000x64xf32>
    %get3A_40 = arith.constant 3 : index
    %get3A_41 = arith.constant 0 : index
    %get3A_42 = arith.constant 0 : index
    %get3A_43 = vector.load %arg6[%get3A_40, %get3A_41, %get3A_42] : memref<4x2000x64xf32, #tpu.memory_space<vmem>>, vector<1x2000x64xf32>
    %get3A_44 = vector.shape_cast %get3A_43 : vector<1x2000x64xf32> to vector<2000x64xf32>
    %add3A_45 = arith.addf %mul3A_39, %get3A_44 : vector<2000x64xf32>
    %concatenate3A = tpu.concatenate %add3A_12, %add3A_23, %add3A_34, %add3A_45 in 1 : vector<2000x64xf32>, vector<2000x64xf32>, vector<2000x64xf32>, vector<2000x64xf32> -> vector<2000x256xf32>
    %get3A_46 = arith.constant 0 : index
    %get3A_47 = arith.constant 0 : index
    %get3A_48 = vector.load %arg7[%get3A_46, %get3A_47] : memref<256x64xf32, #tpu.memory_space<vmem>>, vector<256x64xf32>
    %dot_general3A = arith.constant dense<0.000000e+00> : vector<2000x64xf32>
    %dot_general3A_49 = tpu.matmul %concatenate3A, %get3A_48, %dot_general3A {dimension_numbers = #tpu.dot_dimension_numbers<[1], [0], [0], [1], [0, 0, 1, 1], [], []>, transpose_lhs_hint = false} : vector<2000x256xf32>, vector<256x64xf32>, vector<2000x64xf32> -> vector<2000x64xf32>
    %get3A_50 = arith.constant 0 : index
    %get3A_51 = arith.constant 0 : index
    %get3A_52 = vector.load %arg8[%get3A_50, %get3A_51] : memref<1x64xf32, #tpu.memory_space<vmem>>, vector<1x64xf32>
    %add3A_53 = vector.broadcast %get3A_52 : vector<1x64xf32> to vector<2000x64xf32>
    %add3A_54 = arith.addf %dot_general3A_49, %add3A_53 : vector<2000x64xf32>
    %max3A = arith.constant 0.000000e+00 : f32
    %max3A_55 = vector.broadcast %max3A : f32 to vector<2000x64xf32>
    %max3A_56 = arith.maximumf %add3A_54, %max3A_55 : vector<2000x64xf32>
    %get3A_57 = arith.constant 0 : index
    %get3A_58 = arith.constant 0 : index
    %get3A_59 = vector.load %arg9[%get3A_57, %get3A_58] : memref<64x64xf32, #tpu.memory_space<vmem>>, vector<64x64xf32>
    %dot_general3A_60 = arith.constant dense<0.000000e+00> : vector<2000x64xf32>
    %dot_general3A_61 = tpu.matmul %max3A_56, %get3A_59, %dot_general3A_60 {dimension_numbers = #tpu.dot_dimension_numbers<[1], [0], [0], [1], [0, 0, 1, 1], [], []>, transpose_lhs_hint = false} : vector<2000x64xf32>, vector<64x64xf32>, vector<2000x64xf32> -> vector<2000x64xf32>
    %get3A_62 = arith.constant 0 : index
    %get3A_63 = arith.constant 0 : index
    %get3A_64 = vector.load %arg10[%get3A_62, %get3A_63] : memref<1x64xf32, #tpu.memory_space<vmem>>, vector<1x64xf32>
    %add3A_65 = vector.broadcast %get3A_64 : vector<1x64xf32> to vector<2000x64xf32>
    %add3A_66 = arith.addf %dot_general3A_61, %add3A_65 : vector<2000x64xf32>
    %max3A_67 = arith.constant 0.000000e+00 : f32
    %max3A_68 = vector.broadcast %max3A_67 : f32 to vector<2000x64xf32>
    %max3A_69 = arith.maximumf %add3A_66, %max3A_68 : vector<2000x64xf32>
    %swap3A = arith.constant 0 : index
    %swap3A_70 = arith.constant 0 : index
    %swap3A_71 = vector.load %arg14[%swap3A, %swap3A_70] : memref<2000x64xf32, #tpu.memory_space<vmem>>, vector<2000x64xf32>
    tpu.vector_store %arg14[%swap3A, %swap3A_70], %max3A_69 {strides = array<i32>} : memref<2000x64xf32, #tpu.memory_space<vmem>>, vector<2000x64xf32>,
    %get3A_72 = arith.constant 0 : index
    %get3A_73 = arith.constant 0 : index
    %get3A_74 = vector.load %arg11[%get3A_72, %get3A_73] : memref<64x64xf32, #tpu.memory_space<vmem>>, vector<64x64xf32>
    %dot_general3A_75 = arith.constant dense<0.000000e+00> : vector<2000x64xf32>
    %dot_general3A_76 = tpu.matmul %max3A_69, %get3A_74, %dot_general3A_75 {dimension_numbers = #tpu.dot_dimension_numbers<[1], [0], [0], [1], [0, 0, 1, 1], [], []>, transpose_lhs_hint = false} : vector<2000x64xf32>, vector<64x64xf32>, vector<2000x64xf32> -> vector<2000x64xf32>
    %get3A_77 = arith.constant 0 : index
    %get3A_78 = arith.constant 0 : index
    %get3A_79 = vector.load %arg12[%get3A_77, %get3A_78] : memref<1x64xf32, #tpu.memory_space<vmem>>, vector<1x64xf32>
    %add3A_80 = vector.broadcast %get3A_79 : vector<1x64xf32> to vector<2000x64xf32>
    %add3A_81 = arith.addf %dot_general3A_76, %add3A_80 : vector<2000x64xf32>
    %swap3A_82 = arith.constant 0 : index
    %swap3A_83 = arith.constant 0 : index
    %swap3A_84 = vector.load %arg13[%swap3A_82, %swap3A_83] : memref<2000x64xf32, #tpu.memory_space<vmem>>, vector<2000x64xf32>
    tpu.vector_store %arg13[%swap3A_82, %swap3A_83], %add3A_81 {strides = array<i32>} : memref<2000x64xf32, #tpu.memory_space<vmem>>, vector<2000x64xf32>,
    return
  }
  func.func @transform_0(%arg0: i32) -> (i32, i32) {
    %c0_i32 = arith.constant 0 : i32
    %c0_i32_0 = arith.constant 0 : i32
    %c0_i32_1 = arith.constant 0 : i32
    return %c0_i32, %c0_i32_0 : i32, i32
  }
  func.func @transform_1(%arg0: i32) -> (i32, i32) {
    %c0_i32 = arith.constant 0 : i32
    %c0_i32_0 = arith.constant 0 : i32
    return %arg0, %c0_i32 : i32, i32
  }
  func.func @transform_2(%arg0: i32) -> (i32, i32) {
    %c0_i32 = arith.constant 0 : i32
    %c0_i32_0 = arith.constant 0 : i32
    return %arg0, %c0_i32 : i32, i32
  }
  func.func @transform_3(%arg0: i32) -> (i32, i32) {
    %c0_i32 = arith.constant 0 : i32
    %c0_i32_0 = arith.constant 0 : i32
    return %arg0, %c0_i32 : i32, i32
  }
  func.func @transform_4(%arg0: i32) -> (i32, i32) {
    %c0_i32 = arith.constant 0 : i32
    %c0_i32_0 = arith.constant 0 : i32
    return %arg0, %c0_i32 : i32, i32
  }
  func.func @transform_5(%arg0: i32) -> (i32, i32, i32) {
    %c0_i32 = arith.constant 0 : i32
    %c0_i32_0 = arith.constant 0 : i32
    %c0_i32_1 = arith.constant 0 : i32
    return %c0_i32, %arg0, %c0_i32_0 : i32, i32, i32
  }
  func.func @transform_6(%arg0: i32) -> (i32, i32) {
    %c0_i32 = arith.constant 0 : i32
    %c0_i32_0 = arith.constant 0 : i32
    %c0_i32_1 = arith.constant 0 : i32
    return %c0_i32, %c0_i32_0 : i32, i32
  }
  func.func @transform_7(%arg0: i32) -> (i32, i32) {
    %c0_i32 = arith.constant 0 : i32
    %c0_i32_0 = arith.constant 0 : i32
    %c0_i32_1 = arith.constant 0 : i32
    return %c0_i32, %c0_i32_0 : i32, i32
  }
  func.func @transform_8(%arg0: i32) -> (i32, i32) {
    %c0_i32 = arith.constant 0 : i32
    %c0_i32_0 = arith.constant 0 : i32
    %c0_i32_1 = arith.constant 0 : i32
    return %c0_i32, %c0_i32_0 : i32, i32
  }
  func.func @transform_9(%arg0: i32) -> (i32, i32) {
    %c0_i32 = arith.constant 0 : i32
    %c0_i32_0 = arith.constant 0 : i32
    %c0_i32_1 = arith.constant 0 : i32
    return %c0_i32, %c0_i32_0 : i32, i32
  }
  func.func @transform_10(%arg0: i32) -> (i32, i32) {
    %c0_i32 = arith.constant 0 : i32
    %c0_i32_0 = arith.constant 0 : i32
    %c0_i32_1 = arith.constant 0 : i32
    return %c0_i32, %c0_i32_0 : i32, i32
  }
  func.func @transform_11(%arg0: i32) -> (i32, i32) {
    %c0_i32 = arith.constant 0 : i32
    %c0_i32_0 = arith.constant 0 : i32
    %c0_i32_1 = arith.constant 0 : i32
    return %c0_i32, %c0_i32_0 : i32, i32
  }
  func.func @transform_12(%arg0: i32) -> (i32, i32) {
    %c0_i32 = arith.constant 0 : i32
    %c0_i32_0 = arith.constant 0 : i32
    return %arg0, %c0_i32 : i32, i32
  }
  func.func @transform_13(%arg0: i32) -> (i32, i32) {
    %c0_i32 = arith.constant 0 : i32
    %c0_i32_0 = arith.constant 0 : i32
    return %arg0, %c0_i32 : i32, i32
  }
}

</mosaic_0001>

<sc_bundles>
// kernel: kernel.6.cloned.1.call-start
scs
__scs_entry_jumppad:
0x0: {  	(pc) =	sbr.rel $0x88, $3  }
0x1: {  	(tag) =	ssettag $0x0;
	lr =	simm.s32 $0x1  }
0x2: {  	[smem:$0x3F93] =	sst lr;
	_ =	strace $0xD0000000  }
0x3: {  	_ = 	snop  }
0x4: {  	_ = 	snop  }
0x5: {  	_ = 	snop  }
0x6: {  	_ = 	snop  }
0x7: {  	_ = 	snop  }
__scs_overlays_trampoline_lowered:
0x8: {  	[smem:$0x3FA2] =	sst s0  }
0x9: {  	[smem:$0x3FA3] =	sst s1  }
0xa: {  	[smem:$0x3FA4] =	sst s2  }
0xb: {  	[smem:$0x3FA5] =	sst s3  }
0xc: {  	[smem:$0x3FA6] =	sst s4  }
0xd: {  	[smem:$0x3FA7] =	sst s5  }
0xe: {  	[smem:$0x3FA8] =	sst s6  }
0xf: {  	[smem:$0x3FA9] =	sst s7  }
0x10: {  	[smem:$0x3FAA] =	sst s8  }
0x11: {  	[smem:$0x3FAB] =	sst s9;
	s0 =	simm.s32 @!p0 $0x0  }
0x12: {  	s1 =	sld [smem:$0x3F91];
	s0 =	simm.s32 @p0 $0x1  }
0x13: {  	[smem:$0x3FAC] =	sst s0;
	s0 =	simm.s32 @!p1 $0x0  }
0x14: {  	s2 =	sld [smem:$0x3F90];
	s0 =	simm.s32 @p1 $0x1  }
0x15: {  	[smem:$0x3FAD] =	sst s0;
	s0 =	simm.s32 @!p2 $0x0  }
0x16: {  	s3 =	sld [smem:$0x3FDB];
	s0 =	simm.s32 @p2 $0x1  }
0x17: {  	s4 =	simm.s32 $0x1BF5;
	[smem:$0x3FAF] =	sst s0  }
0x18: {  	s0 =	sld [smem:$0x3F92];
	_ =	swait.ge [sflag:s4], $0x0  }
0x19: {  	s7 =	sld [smem:$0x3F93]  }
0x1a: {  	s8 =	sadd.s32 $0xFFFFE003, lr  }
0x1b: {  	s9 =	sadd.s32 $0xFFFFFEF7, lr;
	s5 =	simm.s32 $0xFFFFFFFF;
	p2 =	slt.u32 s8, $0xFFFFF086  }
0x1c: {  	p1 =	slt.u32 s9, $0xF7A;
	s5 =	simm.s32 @!p2 $0x0  }
0x1d: {  	s5 =	simm.s32 @p1 $0x1;
	p0 =	seq.s32 s7, s2  }
0x1e: {  	s7 =	smul.u32 @!p0 $0xF7A, s2;
	p2 =	seq.s32 @!p0 s5, $0x0  }
0x1f: {  	s9 =	smul.u32 $0xF7A, s1;
	s8 =	simm.s32 @!p0 $0x1BF5;
	p2 =	por !p2, p0  }
0x20: {  	[sflag:s8] =	ssyncset.s32 @!p0 $0xFFFFF086;
	s6 =	sadd.s32 @!p0 s3, s7;
	s7 =	simm.s32 @!p0 $0x108  }
0x21: {  	s3 =	sadd.s32 s3, s9;
	s6 =	sadd.s32 @!p0 $0x88, s6;
	s7 =	simm.s32 @p2 $0x1082  }
0x22: {  	[simem:s7], [sflag:s8] =	dma.local @!p0 [hbm:s6], $0xF7A  }
0x23: {  	s9 =	sor.u32 $0xD0000000, s2;
	s6 =	simm.s32 $0x108;
	_ =	swait.ge @!p0 [sflag:s8], $0x0  }
0x24: {  	s3 =	sadd.s32 $0x88, s3;
	s6 =	simm.s32 @!p1 $0x1082;
	[sflag:s4] =	ssyncset.s32 $0xFFFFF086  }
0x25: {  	[simem:s6], [sflag:s4] =	dma.local [hbm:s3], $0xF7A  }
0x26: {  	[smem:$0x3F93] =	sst s1;
	(tag) =	ssettag s2;
	_ =	strace s9  }
0x27: {  	s1 =	sld [smem:$0x3FA3]  }
0x28: {  	s2 =	sld [smem:$0x3FA4]  }
0x29: {  	s4 =	sld [smem:$0x3FA6]  }
0x2a: {  	p0 =	seq.s32 s5, $0x0;
	s5 =	sld [smem:$0x3FA7]  }
0x2b: {  	s6 =	sld [smem:$0x3FA8]  }
0x2c: {  	s7 =	sld [smem:$0x3FA9]  }
0x2d: {  	s3 =	simm.s32 $0x108;
	s8 =	sld [smem:$0x3FAA]  }
0x2e: {  	s3 =	simm.s32 @!p0 $0x1082;
	s9 =	sld [smem:$0x3FAB]  }
0x2f: {  	lr =	sadd.s32 s0, s3;
	s0 =	sld [smem:$0x3FA2]  }
0x30: {  	s3 =	sld [smem:$0x3FA5]  }
0x31: {  	[smem:$0x3FAE] =	sst s10  }
0x32: {  	s10 =	sld [smem:$0x3FAC];
	_ =	sdelay $0x3  }
0x33: {  	p0 =	seq.s32 s10, $0x1;
	s10 =	sld [smem:$0x3FAE];
	_ =	sdelay $0x3  }
0x34: {  	[smem:$0x3FAE] =	sst s10  }
0x35: {  	s10 =	sld [smem:$0x3FAD];
	_ =	sdelay $0x3  }
0x36: {  	p1 =	seq.s32 s10, $0x1;
	s10 =	sld [smem:$0x3FAE];
	_ =	sdelay $0x3  }
0x37: {  	[smem:$0x3FAE] =	sst s10  }
0x38: {  	s10 =	sld [smem:$0x3FAF]  }
0x39: {  	_ = 	snop;
	(pc) =	sbr.ind lr, $3  }
0x3a: {  	_ = 	snop  }
0x3b: {  	_ = 	snop  }
0x3c: {  	p2 =	seq.s32 s10, $0x1;
	s10 =	sld [smem:$0x3FAE]  }
0x3d: {  	_ =	shalt  }
0x3e: {  	_ =	shalt  }
0x3f: {  	_ =	shalt  }
0x40: {  	_ =	shalt  }
0x41: {  	_ =	shalt  }
0x42: {  	_ =	shalt  }
0x43: {  	_ =	shalt  }
0x44: {  	_ =	shalt  }
0x45: {  	_ =	shalt  }
0x46: {  	_ =	shalt  }
0x47: {  	_ =	shalt  }
0x48: {  	_ =	shalt  }
0x49: {  	_ =	shalt  }
0x4a: {  	_ =	shalt  }
0x4b: {  	_ =	shalt  }
0x4c: {  	_ =	shalt  }
0x4d: {  	_ =	shalt  }
0x4e: {  	_ =	shalt  }
0x4f: {  	_ =	shalt  }
0x50: {  	_ =	shalt  }
0x51: {  	_ =	shalt  }
0x52: {  	_ =	shalt  }
0x53: {  	_ =	shalt  }
0x54: {  	_ =	shalt  }
0x55: {  	_ =	shalt  }
0x56: {  	_ =	shalt  }
0x57: {  	_ =	shalt  }
0x58: {  	_ =	shalt  }
0x59: {  	_ =	shalt  }
0x5a: {  	_ =	shalt  }
0x5b: {  	_ =	shalt  }
0x5c: {  	_ =	shalt  }
0x5d: {  	_ =	shalt  }
0x5e: {  	_ =	shalt  }
0x5f: {  	_ =	shalt  }
0x60: {  	_ =	shalt  }
0x61: {  	_ =	shalt  }
0x62: {  	_ =	shalt  }
0x63: {  	_ =	shalt  }
0x64: {  	_ =	shalt  }
0x65: {  	_ =	shalt  }
0x66: {  	_ =	shalt  }
0x67: {  	_ =	shalt  }
0x68: {  	_ =	shalt  }
0x69: {  	_ =	shalt  }
0x6a: {  	_ =	shalt  }
0x6b: {  	_ =	shalt  }
0x6c: {  	_ =	shalt  }
0x6d: {  	_ =	shalt  }
0x6e: {  	_ =	shalt  }
0x6f: {  	_ =	shalt  }
0x70: {  	_ =	shalt  }
0x71: {  	_ =	shalt  }
0x72: {  	_ =	shalt  }
0x73: {  	_ =	shalt  }
0x74: {  	_ =	shalt  }
0x75: {  	_ =	shalt  }
0x76: {  	_ =	shalt  }
0x77: {  	_ =	shalt  }
0x78: {  	_ =	shalt  }
0x79: {  	_ =	shalt  }
0x7a: {  	_ =	shalt  }
0x7b: {  	_ =	shalt  }
0x7c: {  	_ =	shalt  }
0x7d: {  	_ =	shalt  }
0x7e: {  	_ =	shalt  }
0x7f: {  	_ =	shalt  }
0x80: {  	_ =	shalt  }
0x81: {  	_ =	shalt  }
0x82: {  	_ =	shalt  }
0x83: {  	_ =	shalt  }
0x84: {  	_ =	shalt  }
0x85: {  	_ =	shalt  }
0x86: {  	_ =	shalt  }
0x87: {  	_ =	shalt  }
.Lfunc_end0:
.L_simem_size_0:
called_computation_lowered:
.L_overlay_start_0:
0x88: {  	s2 =	sld [smem:$0x3FD9]  }
0x89: {  	s3 =	sld [smem:$0x3FFE];
	_ =	sdelay $0x1  }
0x8a: {  	s1 =	srdreg.scid  }
0x8b: {  	s0 =	sand.u32 $0x1, s1  }
0x8c: {  	s14 =	sshll.u32 s0, $0xA;
	s2 =	sadd.s32 s3, s2  }
0x8d: {  	s2 =	sadd.s32 s2, s14  }
0x8e: {  	[smem:$0x3FBA] =	sst s2  }
0x8f: {  	_ = 	snop  }
0x90: {  	s2 =	sld [smem:$0x3FD0];
	_ =	sdelay $0x2  }
0x91: {  	s15 =	simm.s32 $0xA;
	s4 =	simm.s32 $0x10  }
0x92: {  	[smem:s4], [sflag:s15] =	dma.local [hbm:s2], $0x1  }
0x93: {  	_ =	swait.eq [sflag:s15], $0x1  }
0x94: {  	[sflag:s15] =	ssyncset.done $0x0  }
0x95: {  	s16 =	sld [smem:$0x10];
	[sflag:s15] =	ssyncadd.s32 $0xFFFFFFFF  }
0x96: {  	s17 =	sld [smem:$0x11];
	(tm) =	ssettm $0x1  }
0x97: {  	s18 =	sld [smem:$0x3FFB];
	_ =	sdelay $0x3  }
0x98: {  	_ =	strace s18  }
0x99: {  	s4 =	sld [smem:$0x3FFC];
	_ =	sdelay $0x3  }
0x9a: {  	_ =	strace s4  }
0x9b: {  	s4 =	sld [smem:$0x3FFD];
	_ =	sdelay $0x3  }
0x9c: {  	_ =	strace s4  }
0x9d: {  	_ =	strace $0x8FFFFFFF  }
0x9e: {  	s19 =	sld [smem:$0x3FDB];
	_ =	sdelay $0x1  }
0x9f: {  	s5 =	simm.s32 $_scs_section_size  }
0xa0: {  	s6 =	simm.s32 $_size__tile_overlayer_lowered;
	s7 =	simm.s32 $_tile_overlayer_lowered  }
0xa1: {  	s22 =	simm.s32 $0x1BFF;
	s21 =	sshll.u32 s7, $0x1;
	s4 =	sadd.s32 s5, s19  }
0xa2: {  	s8 =	simm.s32 $0x0;
	s20 =	sshll.u32 s6, $0x1;
	s6 =	sadd.s32 s21, s4  }
0xa3: {  	[timem:s8], [sflag:s22] =	dma.local [hbm:s6], s20  }
0xa4: {  	_ =	swait.ge [sflag:s22], s20  }
0xa5: {  	s5 =	ssub.s32 $0x0, s20;
	[sflag:s22] =	ssyncset.done $0x0  }
0xa6: {  	[sflag:s22] =	ssyncadd.s32 s5;
	_ =	sdelay $0x1  }
0xa7: {  	s23 =	simm.s32 $0x1B8B  }
0xa8: {  	_ =	swait.ge [sflag:s23], $0x1  }
0xa9: {  	[sflag:s23] =	ssyncset.done $0x0  }
0xaa: {  	s25 =	simm.s32 $0x1B8E;
	s24 =	sld [smem:$0x3FFE];
	[sflag:s23] =	ssyncadd.s32 $0xFFFFFFFF  }
0xab: {  	s26 =	simm.s32 $execute0_lowered;
	[smem:$0x3FD2] =	sst s25  }
0xac: {  	s6 =	sshll.u32 s26, $0x1;
	_ =	strace $0x80000046;
	[dreg:$0x1] =	wrdreg $0xFFFFFFFF  }
0xad: {  	s28 =	simm.s32 $_size_execute0_lowered;
	s4 =	sadd.s32 s4, s6;
	[dreg:$0x0] =	wrdreg $0x0  }
0xae: {  	s6 =	sshll.u32 s28, $0x1;
	[dreg:$0x2] =	wrdreg s4  }
0xaf: {  	[dreg:$0x3] =	wrdreg s6  }
0xb0: {  	[dreg:$0x4] =	wrdreg $0xC0  }
0xb1: {  	_ =	task [dreg:s8], $0x5FFFF  }
0xb2: {  	[dreg:$0x1] =	wrdreg $0xFFFFFFFF  }
0xb3: {  	[dreg:$0x0] =	wrdreg $0x60  }
0xb4: {  	[dreg:$0x2] =	wrdreg s24  }
0xb5: {  	[dreg:$0x3] =	wrdreg s17  }
0xb6: {  	[dreg:$0x4] =	wrdreg s16  }
0xb7: {  	[dreg:$0x5] =	wrdreg $0xA0000  }
0xb8: {  	[dreg:$0x6] =	wrdreg $0x140000  }
0xb9: {  	[dreg:$0x7] =	wrdreg $0x9  }
0xba: {  	_ =	task.clear_ibuf [dreg:s8], $0x8FFFF;
	_ =	strace $0x90000046  }
0xbb: {  	s29 =	simm.s32 $0x9;
	_ =	strace $0x80000048  }
0xbc: {  	_ =	swait.ge [sflag:s29], $0x1  }
0xbd: {  	[sflag:s29] =	ssyncadd.s32 $0xFFFFFFFF  }
0xbe: {  	_ =	strace $0x90000048  }
0xbf: {  	_ =	sfence  }
0xc0: {  	s30 =	sld [smem:$0x0];
	_ =	sdelay $0x2  }
0xc1: {  	s31 =	sshll.u32 s1, $0xD;
	s1 =	sshrl.u32 s1, $0x2  }
0xc2: {  	s3 =	sand.u32 $0x4000, s31;
	s1 =	sadd.s32 s1, s30  }
0xc3: {  	s0 =	sor.u32 s3, s0;
	s1 =	sshll.u32 s1, $0x11  }
0xc4: {  	s0 =	sor.u32 s1, s0  }
0xc5: {  	s0 =	sadd.s32 $0x8F2B, s0  }
0xc6: {  	[sflag:s0] =	ssyncadd.remote.s32 $0x1  }
0xc7: {  	_ =	sfence.sel $0xFFFF  }
0xc8: {  	[dreg:$0x0] =	wrdreg $0xFFFFFFFF;
	(pc) =	sbr.abs _section_cstart, $3  }
0xc9: {  	[dreg:$0x1] =	wrdreg $0xFFFFFFFF  }
0xca: {  	_ =	task.clear_ibuf [dreg:s8], $0x2FFFF;
	_ =	strace $0x9FFFFFFF  }
0xcb: {  	(tm) =	ssettm $0x7FFFFFFF  }
tec
execute0_lowered:
.L_overlay_start_1:
0x0: {  	(tag) =	ssettag $0x1  }
0x1: {  	s0 =	rddreg [dreg:$0x0]  }
0x2: {  	s1 =	rddreg [dreg:$0x1]  }
0x3: {  	s2 =	rddreg [dreg:$0x2]  }
0x4: {  	s3 =	rddreg [dreg:$0x3]  }
0x5: {  	s4 =	rddreg [dreg:$0x4];
	s23 =	stileid.u32  }
0x6: {  	s6 =	simm.s32 $0x0;
	s5 =	srdreg.scid;
	s9 =	smul.u32 $0x280, s23  }
0x7: {  	[smem:$0x7FF] =	sst s6;
	s5 =	sand.u32 $0x1, s5;
	s12 =	smul.u32 $0xA000, s23  }
0x8: {  	s7 =	sadd.s32 $0x16E00, s0;
	s10 =	sadd.s32 $0x2E00, s0;
	s24 =	smul.u32 $0x1400, s23  }
0x9: {  	s0 =	sadd.s32 $0x2AE00, s0;
	s31 =	smul.u32 $0x5000, s23;
	s8 =	ssub.s32 $0x2, s5  }
0xa: {  	_ =	strace $0x80000047;
	p0 =	seq.s32 s5, $0x0;
	s11 =	sshrl.u32 s8, $0x1  }
0xb: {  	s25 =	sadd.s32 s12, s3;
	s13 =	sadd.s32 $0x80, s9;
	s15 =	sadd.s32 $0x100, s9  }
0xc: {  	s17 =	sadd.s32 $0x180, s9;
	s9 =	sadd.s32 $0x200, s9;
	s20 =	sadd.s32 $0xA0000, s12  }
0xd: {  	s10 =	smov.u32 @p0 s7;
	s11 =	ssub.s32 s8, s11;
	[dreg:$0x6] =	wrdreg s25  }
0xe: {  	s8 =	sadd.s32 s12, s4;
	s14 =	sshll.u32 s13, $0x3;
	s13 =	sshll.u32 s13, $0x6  }
0xf: {  	s16 =	sshll.u32 s15, $0x3;
	s18 =	sshll.u32 s15, $0x6;
	s15 =	sshll.u32 s17, $0x3  }
0x10: {  	s17 =	sshll.u32 s17, $0x6;
	s19 =	sshll.u32 s9, $0x3;
	s9 =	sshll.u32 s9, $0x6  }
0x11: {  	s20 =	smov.u32 @p0 s12;
	s5 =	sadd.s32 s10, s24;
	s21 =	sshrl.u32 s13, $0x3  }
0x12: {  	s22 =	sshrl.u32 s18, $0x3;
	s26 =	sshrl.u32 s17, $0x3;
	s28 =	sshrl.u32 s9, $0x3  }
0x13: {  	[dreg:$0x7] =	wrdreg s5;
	s24 =	sadd.s32 s10, s15;
	s25 =	sadd.s32 s10, s19  }
0x14: {  	s30 =	smax.u32 s11, $0x1;
	s11 =	simm.s32 $0x80;
	s21 =	sadd.s32 $0x14000, s21  }
0x15: {  	s22 =	sadd.s32 $0x14000, s22;
	s7 =	sadd.s32 $0x14000, s26;
	[dreg:$0xa] =	wrdreg s24  }
0x16: {  	s12 =	sadd.s32 $0x14000, s28;
	[dreg:$0xb] =	wrdreg s25;
	s26 =	sshrl.u32 s20, $0x3  }
0x17: {  	s28 =	sadd.s32 s13, s3;
	s20 =	sadd.s32 s18, s3;
	s25 =	sadd.s32 s17, s3  }
0x18: {  	s24 =	sadd.s32 s17, s4;
	s17 =	simm.s32 $0x0;
	s21 =	smov.u32 @p0 s14  }
0x19: {  	s14 =	sadd.s32 s10, s14;
	s22 =	smov.u32 @p0 s16;
	[dreg:$0xc] =	wrdreg s28  }
0x1a: {  	s16 =	sadd.s32 s10, s16;
	s7 =	smov.u32 @p0 s15;
	[dreg:$0x12] =	wrdreg s20  }
0x1b: {  	s12 =	smov.u32 @p0 s19;
	s15 =	sadd.s32 s13, s4;
	[dreg:$0x13] =	wrdreg s25  }
0x1c: {  	s5 =	sadd.s32 s0, s26;
	s26 =	sadd.s32 s9, s3;
	[dreg:$0x8] =	wrdreg s14  }
0x1d: {  	s10 =	simm.s32 $0x5;
	s13 =	simm.s32 $0x2;
	[dreg:$0x9] =	wrdreg s16  }
0x1e: {  	[dreg:$0xd] =	wrdreg s5;
	s14 =	sadd.s32 s0, s21;
	s16 =	sadd.s32 s0, s22  }
0x1f: {  	s19 =	sadd.s32 s0, s7;
	s0 =	sadd.s32 s0, s12;
	[dreg:$0x14] =	wrdreg s26  }
0x20: {  	s21 =	smul.u32 $0xA00, s23;
	s22 =	sadd.s32 s18, s4;
	[dreg:$0xe] =	wrdreg s14  }
.Ltmp0:
0x21: {  	s26 =	sadd.s32 s9, s4;
	[dreg:$0xf] =	wrdreg s16;
	(pc) =	sbr.rel .LBB2_1-.Ltmp0, $4  }
0x22: {  	s5 =	simm.s32 $0x6;
	s7 =	simm.s32 $0x8000;
	[dreg:$0x10] =	wrdreg s19  }
0x23: {  	s9 =	simm.s32 $0x1;
	s12 =	simm.s32 $0x6000;
	[dreg:$0x11] =	wrdreg s0  }
0x24: {  	s0 =	simm.s32 $0x4000;
	s14 =	simm.s32 $0x3;
	s28 =	sadd.s32 s1, s21  }
0x25: {  	v0 =	vimm.f32 $0.0e+00;
	s16 =	simm.s32 $0x4;
	s29 =	sadd.s32 s2, s21;
	[dreg:$0x15] =	wrdreg s28  }
.LBB2_8:
0x26: {  	_ =	swait.ge [sflag:s16], $0x2000  }
0x27: {  	[sflag:s16] =	ssyncset.done $0x0  }
0x28: {  	[sflag:s16] =	ssyncadd.s32 $0xFFFFE000  }
0x29: {  	[bflag:$0x0] =	sbarrier.arrive $0xFFFF  }
0x2a: {  	[tilespmem:s0], [sflag:$0x6] =	stream.linear.gather [spmem:s8], $0x2000, $0x38;
	[tilespmem:$0x1E000] =	vst v63  }
0x2b: {  	_ =	swait.ge [sflag:s5], $0x2000  }
0x2c: {  	[sflag:s5] =	ssyncset.done $0x0  }
0x2d: {  	s18 =	rddreg [dreg:$0xd];
	[sflag:s5] =	ssyncadd.s32 $0xFFFFE000  }
0x2e: {  	[hbm4b:s18+s6] =	stream.linear.scatter [tilespmem:s0], [sflag:$0x6], $0x2000, $0x38;
	[tilespmem:$0x1E000] =	vst v63  }
0x2f: {  	_ =	swait.ge [sflag:s5], $0x2000  }
0x30: {  	[sflag:s5] =	ssyncset.done $0x0  }
0x31: {  	[sflag:s5] =	ssyncadd.s32 $0xFFFFE000  }
0x32: {  	[tilespmem:s0], [sflag:$0x6] =	stream.linear.gather [spmem:s15], $0x2000, $0x38;
	[tilespmem:$0x1E000] =	vst v63  }
0x33: {  	_ =	swait.ge [sflag:s5], $0x2000  }
0x34: {  	[sflag:s5] =	ssyncset.done $0x0  }
0x35: {  	s21 =	rddreg [dreg:$0xe];
	[sflag:s5] =	ssyncadd.s32 $0xFFFFE000  }
0x36: {  	[hbm4b:s21+s6] =	stream.linear.scatter [tilespmem:s0], [sflag:$0x6], $0x2000, $0x38;
	[tilespmem:$0x1E000] =	vst v63  }
0x37: {  	_ =	swait.ge [sflag:s5], $0x2000  }
0x38: {  	[sflag:s5] =	ssyncset.done $0x0  }
0x39: {  	[sflag:s5] =	ssyncadd.s32 $0xFFFFE000  }
0x3a: {  	[tilespmem:s0], [sflag:$0x6] =	stream.linear.gather [spmem:s22], $0x2000, $0x38;
	[tilespmem:$0x1E000] =	vst v63  }
0x3b: {  	_ =	swait.ge [sflag:s5], $0x2000  }
0x3c: {  	[sflag:s5] =	ssyncset.done $0x0  }
0x3d: {  	s23 =	rddreg [dreg:$0xf];
	[sflag:s5] =	ssyncadd.s32 $0xFFFFE000  }
0x3e: {  	[hbm4b:s23+s6] =	stream.linear.scatter [tilespmem:s0], [sflag:$0x6], $0x2000, $0x38;
	[tilespmem:$0x1E000] =	vst v63  }
0x3f: {  	_ =	swait.ge [sflag:s5], $0x2000  }
0x40: {  	[sflag:s5] =	ssyncset.done $0x0  }
0x41: {  	[sflag:s5] =	ssyncadd.s32 $0xFFFFE000  }
0x42: {  	[tilespmem:s0], [sflag:$0x6] =	stream.linear.gather [spmem:s24], $0x2000, $0x38;
	[tilespmem:$0x1E000] =	vst v63  }
0x43: {  	_ =	swait.ge [sflag:s5], $0x2000  }
0x44: {  	[sflag:s5] =	ssyncset.done $0x0  }
0x45: {  	s25 =	rddreg [dreg:$0x10];
	[sflag:s5] =	ssyncadd.s32 $0xFFFFE000  }
0x46: {  	[hbm4b:s25+s6] =	stream.linear.scatter [tilespmem:s0], [sflag:$0x6], $0x2000, $0x38;
	[tilespmem:$0x1E000] =	vst v63  }
0x47: {  	_ =	swait.ge [sflag:s5], $0x2000  }
0x48: {  	[sflag:s5] =	ssyncset.done $0x0  }
0x49: {  	[sflag:s5] =	ssyncadd.s32 $0xFFFFE000  }
0x4a: {  	[tilespmem:s0], [sflag:$0x6] =	stream.linear.gather [spmem:s26], $0x2000, $0x38;
	[tilespmem:$0x1E000] =	vst v63  }
0x4b: {  	s17 =	sadd.s32 $0x1, s17;
	_ =	swait.ge [sflag:s5], $0x2000  }
0x4c: {  	p0 =	sne.s32 s17, s30;
	[sflag:s5] =	ssyncset.done $0x0  }
.Ltmp1:
0x4d: {  	s28 =	rddreg [dreg:$0x11];
	[sflag:s5] =	ssyncadd.s32 $0xFFFFE000;
	(pc) =	sbr.rel @!p0 .LBB2_9-.Ltmp1, $4  }
0x4e: {  	[hbm4b:s28+s6] =	stream.linear.scatter [tilespmem:s0], [sflag:$0x6], $0x2000, $0x38;
	[tilespmem:$0x1E000] =	vst v63  }
0x4f: {  	_ =	swait.ge [sflag:s5], $0x2000  }
0x50: {  	[sflag:s5] =	ssyncset.done $0x0  }
0x51: {  	[sflag:s5] =	ssyncadd.s32 $0xFFFFE000  }
.LBB2_1:
0x52: {  	s19 =	simm.s32 $0x100;
	s18 =	simm.s32 $0x0  }
.LBB2_2:
0x53: {  	p0 =	sne.s32 s19, $0x7F00;
	[tilespmem:s18+$0x8030] =	vst v0;
	s20 =	smov.u32 s19;
	s19 =	sadd.s32 $0x100, s19  }
.Ltmp2:
0x54: {  	[tilespmem:s18+$0x8020] =	vst v0;
	(pc) =	sbr.rel @p0 .LBB2_2-.Ltmp2, $3  }
0x55: {  	[tilespmem:s18+$0x8000] =	vst v0  }
0x56: {  	[tilespmem:s18+$0x8010] =	vst v0;
	_ =	sdelay $0x1  }
0x57: {  	s18 =	sshra.s32 s20, $0x2  }
0x58: {  	[tilespmem:s18+$0x8030] =	vst v0  }
0x59: {  	[tilespmem:s18+$0x8020] =	vst v0  }
0x5a: {  	[tilespmem:s18+$0x8000] =	vst v0  }
0x5b: {  	[tilespmem:s18+$0x8010] =	vst v0;
	s18 =	simm.s32 $0x0;
	s19 =	rddreg [dreg:$0x7]  }
0x5c: {  	[tilespmem:s0], [sflag:$0x6] =	stream.linear.gather [hbm4b:s19+s18], $0x2000, $0x38;
	[tilespmem:$0x1E000] =	vst v63  }
0x5d: {  	_ =	swait.ge [sflag:s5], $0x2000  }
0x5e: {  	[sflag:s5] =	ssyncset.done $0x0  }
0x5f: {  	s28 =	rddreg [dreg:$0x6];
	[sflag:s5] =	ssyncadd.s32 $0xFFFFE000  }
0x60: {  	[spmem:s28] =	stream.linear.scatter [tilespmem:s0], [sflag:$0x6], $0x2000, $0x38;
	[tilespmem:$0x1E000] =	vst v63  }
0x61: {  	_ =	swait.ge [sflag:s5], $0x2000  }
0x62: {  	[sflag:s5] =	ssyncset.done $0x0  }
0x63: {  	[sflag:s5] =	ssyncadd.s32 $0xFFFFE000  }
0x64: {  	[spmem:s8] =	stream.linear.scatter [tilespmem:s7], [sflag:$0x6], $0x2000, $0x38;
	[tilespmem:$0x1E000] =	vst v63  }
0x65: {  	_ =	swait.ge [sflag:s5], $0x2000  }
0x66: {  	[sflag:s5] =	ssyncset.done $0x0  }
0x67: {  	s20 =	rddreg [dreg:$0x8];
	[sflag:s5] =	ssyncadd.s32 $0xFFFFE000  }
0x68: {  	[tilespmem:s0], [sflag:$0x6] =	stream.linear.gather [hbm4b:s20+s18], $0x2000, $0x38;
	[tilespmem:$0x1E000] =	vst v63  }
0x69: {  	_ =	swait.ge [sflag:s5], $0x2000  }
0x6a: {  	[sflag:s5] =	ssyncset.done $0x0  }
0x6b: {  	s21 =	rddreg [dreg:$0xc];
	[sflag:s5] =	ssyncadd.s32 $0xFFFFE000  }
0x6c: {  	[spmem:s21] =	stream.linear.scatter [tilespmem:s0], [sflag:$0x6], $0x2000, $0x38;
	[tilespmem:$0x1E000] =	vst v63  }
0x6d: {  	_ =	swait.ge [sflag:s5], $0x2000  }
0x6e: {  	[sflag:s5] =	ssyncset.done $0x0  }
0x6f: {  	[sflag:s5] =	ssyncadd.s32 $0xFFFFE000  }
0x70: {  	[spmem:s15] =	stream.linear.scatter [tilespmem:s7], [sflag:$0x6], $0x2000, $0x38;
	[tilespmem:$0x1E000] =	vst v63  }
0x71: {  	_ =	swait.ge [sflag:s5], $0x2000  }
0x72: {  	[sflag:s5] =	ssyncset.done $0x0  }
0x73: {  	s23 =	rddreg [dreg:$0x9];
	[sflag:s5] =	ssyncadd.s32 $0xFFFFE000  }
0x74: {  	[tilespmem:s0], [sflag:$0x6] =	stream.linear.gather [hbm4b:s23+s18], $0x2000, $0x38;
	[tilespmem:$0x1E000] =	vst v63  }
0x75: {  	_ =	swait.ge [sflag:s5], $0x2000  }
0x76: {  	[sflag:s5] =	ssyncset.done $0x0  }
0x77: {  	s25 =	rddreg [dreg:$0x12];
	[sflag:s5] =	ssyncadd.s32 $0xFFFFE000  }
0x78: {  	[spmem:s25] =	stream.linear.scatter [tilespmem:s0], [sflag:$0x6], $0x2000, $0x38;
	[tilespmem:$0x1E000] =	vst v63  }
0x79: {  	_ =	swait.ge [sflag:s5], $0x2000  }
0x7a: {  	[sflag:s5] =	ssyncset.done $0x0  }
0x7b: {  	[sflag:s5] =	ssyncadd.s32 $0xFFFFE000  }
0x7c: {  	[spmem:s22] =	stream.linear.scatter [tilespmem:s7], [sflag:$0x6], $0x2000, $0x38;
	[tilespmem:$0x1E000] =	vst v63  }
0x7d: {  	_ =	swait.ge [sflag:s5], $0x2000  }
0x7e: {  	[sflag:s5] =	ssyncset.done $0x0  }
0x7f: {  	s28 =	rddreg [dreg:$0xa];
	[sflag:s5] =	ssyncadd.s32 $0xFFFFE000  }
0x80: {  	[tilespmem:s0], [sflag:$0x6] =	stream.linear.gather [hbm4b:s28+s18], $0x2000, $0x38;
	[tilespmem:$0x1E000] =	vst v63  }
0x81: {  	_ =	swait.ge [sflag:s5], $0x2000  }
0x82: {  	[sflag:s5] =	ssyncset.done $0x0  }
0x83: {  	s20 =	rddreg [dreg:$0x13];
	[sflag:s5] =	ssyncadd.s32 $0xFFFFE000  }
0x84: {  	[spmem:s20] =	stream.linear.scatter [tilespmem:s0], [sflag:$0x6], $0x2000, $0x38;
	[tilespmem:$0x1E000] =	vst v63  }
0x85: {  	_ =	swait.ge [sflag:s5], $0x2000  }
0x86: {  	[sflag:s5] =	ssyncset.done $0x0  }
0x87: {  	[sflag:s5] =	ssyncadd.s32 $0xFFFFE000  }
0x88: {  	[spmem:s24] =	stream.linear.scatter [tilespmem:s7], [sflag:$0x6], $0x2000, $0x38;
	[tilespmem:$0x1E000] =	vst v63  }
0x89: {  	_ =	swait.ge [sflag:s5], $0x2000  }
0x8a: {  	[sflag:s5] =	ssyncset.done $0x0  }
0x8b: {  	s21 =	rddreg [dreg:$0xb];
	[sflag:s5] =	ssyncadd.s32 $0xFFFFE000  }
0x8c: {  	[tilespmem:s0], [sflag:$0x6] =	stream.linear.gather [hbm4b:s21+s18], $0x2000, $0x38;
	[tilespmem:$0x1E000] =	vst v63  }
0x8d: {  	_ =	swait.ge [sflag:s5], $0x2000  }
0x8e: {  	[sflag:s5] =	ssyncset.done $0x0  }
0x8f: {  	s23 =	rddreg [dreg:$0x14];
	[sflag:s5] =	ssyncadd.s32 $0xFFFFE000  }
0x90: {  	[spmem:s23] =	stream.linear.scatter [tilespmem:s0], [sflag:$0x6], $0x2000, $0x38;
	[tilespmem:$0x1E000] =	vst v63  }
0x91: {  	_ =	swait.ge [sflag:s5], $0x2000  }
0x92: {  	[sflag:s5] =	ssyncset.done $0x0  }
0x93: {  	[sflag:s5] =	ssyncadd.s32 $0xFFFFE000  }
0x94: {  	[spmem:s26] =	stream.linear.scatter [tilespmem:s7], [sflag:$0x6], $0x2000, $0x38;
	[tilespmem:$0x1E000] =	vst v63  }
0x95: {  	_ =	swait.ge [sflag:s5], $0x2000  }
0x96: {  	[sflag:s5] =	ssyncset.done $0x0  }
0x97: {  	[sflag:s5] =	ssyncadd.s32 $0xFFFFE000  }
.Ltmp3:
0x98: {  	[bflag:$0x0] =	sbarrier.arrive $0xFFFF;
	(pc) =	sbr.rel .LBB2_5-.Ltmp3, $4  }
0x99: {  	s25 =	rddreg [dreg:$0x15]  }
0x9a: {  	[tilespmem:s18], [sflag:$0x5] =	stream.linear.gather [hbm4b:s25+s18], $0x1000, $0x38;
	[tilespmem:$0x1E000] =	vst v63  }
0x9b: {  	p0 =	por $0x0, $0x0;
	s28 =	simm.s32 $0x2000  }
0x9c: {  	[tilespmem:s28], [sflag:$0x5] =	stream.linear.gather [hbm4b:s29+s18], $0x1000, $0x38;
	[tilespmem:$0x1E000] =	vst v63  }
.LBB2_4:
0x9d: {  	p1 =	seq.s32 s18, $0x5  }
.Ltmp4:
0x9e: {  	_ = 	snop;
	(pc) =	sbr.rel @p1 .LBB2_8-.Ltmp4, $2  }
0x9f: {  	_ =	sdelay $0x2  }
0xa0: {  	p0 =	por !p0, !p0  }
.LBB2_5:
0xa1: {  	p1 =	seq.s32 s18, $0x0  }
0xa2: {  	s19 =	smov.u32 s18;
	s18 =	simm.s32 @!p1 $0x4  }
0xa3: {  	_ =	swait.ge @!p1 [sflag:s18], $0x2000  }
0xa4: {  	[sflag:s18] =	ssyncset.done @!p1 $0x0  }
0xa5: {  	[sflag:s18] =	ssyncadd.s32 @!p1 $0xFFFFE000  }
0xa6: {  	_ =	swait.ge [sflag:s10], $0x1000  }
0xa7: {  	s18 =	sadd.s32 $0x1, s19;
	p1 =	seq.s32 s19, $0x4;
	[sflag:s10] =	ssyncset.done $0x0  }
0xa8: {  	s20 =	sshll.u32 @!p1 s18, $0xC;
	[sflag:s10] =	ssyncadd.s32 $0xFFFFF000  }
0xa9: {  	s21 =	sadd.s32 @!p1 s31, s20;
	_ =	swait.ge [sflag:s10], $0x1000  }
0xaa: {  	s25 =	simm.s32 @!p1 $0x0;
	s21 =	sshrl.u32 @!p1 s21, $0x3;
	[sflag:s10] =	ssyncset.done $0x0  }
0xab: {  	s20 =	sand.u32 @!p1 $0x1000, s20;
	s23 =	sadd.s32 @!p1 s1, s21;
	[sflag:s10] =	ssyncadd.s32 $0xFFFFF000  }
0xac: {  	[tilespmem:s20], [sflag:$0x5] =	stream.linear.gather @!p1 [hbm4b:s23+s25], $0x1000, $0x38;
	[tilespmem:$0x1E000] =	vst v63  }
0xad: {  	s19 =	sshll.u32 s19, $0xC;
	s21 =	sadd.s32 @!p1 s2, s21;
	s20 =	sor.u32 @!p1 $0x2000, s20  }
0xae: {  	[tilespmem:s20], [sflag:$0x5] =	stream.linear.gather @!p1 [hbm4b:s21+s25], $0x1000, $0x38;
	[tilespmem:$0x1E000] =	vst v63  }
0xaf: {  	s19 =	sand.u32 $0x1000, s19  }
0xb0: {  	[tilespmem:s0], [sflag:$0x1] =	stream.indirect.gather [spmem:s3], $0x40, s19, s11, $0xb8;
	[tilespmem:$0x1E000] =	vst v63  }
0xb1: {  	_ =	swait.ge [sflag:s9], $0x2000  }
0xb2: {  	[sflag:s9] =	ssyncset.done $0x0  }
0xb3: {  	s23 =	sor.u32 $0x2000, s19;
	[sflag:s9] =	ssyncadd.s32 $0xFFFFE000  }
0xb4: {  	[spmem:s4] =	stream.indirect.scatter.add.f32 [tilespmem:s0], [sflag:$0x3], $0x40, s23, s11, $0xb8;
	[tilespmem:$0x1E000] =	vst v63  }
0xb5: {  	s25 =	sor.u32 $0x80, s19  }
0xb6: {  	[tilespmem:s12], [sflag:$0x2] =	stream.indirect.gather [spmem:s3], $0x40, s25, s11, $0xb8;
	[tilespmem:$0x1E000] =	vst v63  }
0xb7: {  	_ =	swait.ge [sflag:s13], $0x2000  }
0xb8: {  	[sflag:s13] =	ssyncset.done $0x0  }
0xb9: {  	s28 =	sor.u32 $0x2080, s19;
	[sflag:s13] =	ssyncadd.s32 $0xFFFFE000  }
0xba: {  	[spmem:s4] =	stream.indirect.scatter.add.f32 [tilespmem:s12], [sflag:$0x4], $0x40, s28, s11, $0xb8;
	[tilespmem:$0x1E000] =	vst v63  }
0xbb: {  	_ =	swait.ge [sflag:s14], $0x2000  }
0xbc: {  	s20 =	simm.s32 $0x1;
	[sflag:s14] =	ssyncset.done $0x0  }
0xbd: {  	s20 =	simm.s32 @!p0 $0x0;
	s19 =	sor.u32 $0x100, s19;
	[sflag:s14] =	ssyncadd.s32 $0xFFFFE000  }
0xbe: {  	[tilespmem:s0], [sflag:$0x1] =	stream.indirect.gather [spmem:s3], $0x40, s19, s11, $0xb8;
	[tilespmem:$0x1E000] =	vst v63  }
0xbf: {  	s19 =	sshll.u32 s20, $0xC  }
0xc0: {  	s21 =	simm.s32 $0xFFFFC800;
	s20 =	sor.u32 $0x2000, s19  }
.LBB2_6:
0xc1: {  	_ =	swait.ge [sflag:s9], $0x2000;
	s23 =	sshra.s32 s21, $0x2  }
0xc2: {  	[sflag:s9] =	ssyncset.done $0x0;
	s25 =	sadd.s32 s23, s20  }
0xc3: {  	[sflag:s9] =	ssyncadd.s32 $0xFFFFE000;
	s28 =	sadd.s32 $0xF00, s25  }
0xc4: {  	[spmem:s4] =	stream.indirect.scatter.add.f32 [tilespmem:s0], [sflag:$0x3], $0x40, s28, s11, $0xb8;
	[tilespmem:$0x1E000] =	vst v63  }
0xc5: {  	_ =	swait.ge [sflag:s16], $0x2000  }
0xc6: {  	s23 =	sadd.s32 s23, s19;
	[sflag:s16] =	ssyncset.done $0x0  }
0xc7: {  	s28 =	sadd.s32 $0xF80, s23;
	[sflag:s16] =	ssyncadd.s32 $0xFFFFE000  }
0xc8: {  	[tilespmem:s12], [sflag:$0x2] =	stream.indirect.gather [spmem:s3], $0x40, s28, s11, $0xb8;
	[tilespmem:$0x1E000] =	vst v63  }
0xc9: {  	_ =	swait.ge [sflag:s13], $0x2000  }
0xca: {  	p1 =	seq.s32 s21, $0x0;
	[sflag:s13] =	ssyncset.done $0x0  }
.Ltmp5:
0xcb: {  	s25 =	sadd.s32 $0xF80, s25;
	[sflag:s13] =	ssyncadd.s32 $0xFFFFE000;
	(pc) =	sbr.rel @p1 .LBB2_4-.Ltmp5, $4  }
0xcc: {  	[spmem:s4] =	stream.indirect.scatter.add.f32 [tilespmem:s12], [sflag:$0x4], $0x40, s25, s11, $0xb8;
	[tilespmem:$0x1E000] =	vst v63  }
0xcd: {  	_ =	swait.ge [sflag:s14], $0x2000  }
0xce: {  	[sflag:s14] =	ssyncset.done $0x0  }
0xcf: {  	[sflag:s14] =	ssyncadd.s32 $0xFFFFE000  }
.Ltmp6:
0xd0: {  	(pc) =	sbr.rel .LBB2_6-.Ltmp6, $3  }
0xd1: {  	_ =	sdelay $0x1  }
0xd2: {  	s23 =	sadd.s32 $0x1000, s23;
	s21 =	sadd.s32 $0x400, s21  }
0xd3: {  	[tilespmem:s0], [sflag:$0x1] =	stream.indirect.gather [spmem:s3], $0x40, s23, s11, $0xb8;
	[tilespmem:$0x1E000] =	vst v63  }
.LBB2_9:
0xd4: {  	_ =	sfence.sel $0x180000  }
0xd5: {  	[bflag:$0x0] =	sbarrier.arrive $0xFFFF  }
0xd6: {  	_ =	strace $0x90000047  }
0xd7: {  	s0 =	stileid.u32;
	[bflag:$0x2] =	sbarrier.arrive $0xFFFF  }
0xd8: {  	p0 =	sne.s32 s0, $0x0;
	s0 =	rddreg [dreg:$0x5]  }
0xd9: {  	s0 =	sadd.s32 @!p0 $0x100000, s0  }
0xda: {  	[sflag:s0] =	ssyncadd.tile.s32 @!p0 $0x1;
	_ =	shalt  }
.Lfunc_end2:
_tile_overlayer_lowered:
.L_overlay_start_2:
0xdb: {  	(tag) =	ssettag $0x2  }
0xdc: {  	s0 =	rddreg [dreg:$0x0];
	s2 =	stileid.u32  }
0xdd: {  	s1 =	rddreg [dreg:$0x1];
	p0 =	sne.s32 s2, $0x0  }
0xde: {  	s3 =	rddreg [dreg:$0x2];
	[bflag:$0x3] =	sbarrier.arrive $0xFFFF;
	s2 =	simm.s32 @!p0 $0x1C06  }
0xdf: {  	[timem:s3], [sflag:s2] =	dma.local @!p0 [hbm:s0], s1  }
0xe0: {  	s0 =	simm.s32 @!p0 $0x6  }
0xe1: {  	_ =	swait.ge @!p0 [sflag:s0], s1  }
0xe2: {  	s1 =	ssub.s32 @!p0 $0x0, s1;
	[sflag:s0] =	ssyncset.done @!p0 $0x0  }
0xe3: {  	[sflag:s0] =	ssyncadd.s32 @!p0 s1  }
0xe4: {  	[bflag:$0x3] =	sbarrier.arrive $0xFFFF  }
0xe5: {  	_ =	shalt  }

// kernel: kernel.9.cloned.1.call-start
scs
__scs_entry_jumppad:
0x0: {  	(pc) =	sbr.rel $0x88, $3  }
0x1: {  	(tag) =	ssettag $0x0;
	lr =	simm.s32 $0x1  }
0x2: {  	[smem:$0x3F93] =	sst lr;
	_ =	strace $0xD0000000  }
0x3: {  	_ = 	snop  }
0x4: {  	_ = 	snop  }
0x5: {  	_ = 	snop  }
0x6: {  	_ = 	snop  }
0x7: {  	_ = 	snop  }
__scs_overlays_trampoline_lowered:
0x8: {  	[smem:$0x3FA2] =	sst s0  }
0x9: {  	[smem:$0x3FA3] =	sst s1  }
0xa: {  	[smem:$0x3FA4] =	sst s2  }
0xb: {  	[smem:$0x3FA5] =	sst s3  }
0xc: {  	[smem:$0x3FA6] =	sst s4  }
0xd: {  	[smem:$0x3FA7] =	sst s5  }
0xe: {  	[smem:$0x3FA8] =	sst s6  }
0xf: {  	[smem:$0x3FA9] =	sst s7  }
0x10: {  	[smem:$0x3FAA] =	sst s8  }
0x11: {  	[smem:$0x3FAB] =	sst s9;
	s0 =	simm.s32 @!p0 $0x0  }
0x12: {  	s1 =	sld [smem:$0x3F91];
	s0 =	simm.s32 @p0 $0x1  }
0x13: {  	[smem:$0x3FAC] =	sst s0;
	s0 =	simm.s32 @!p1 $0x0  }
0x14: {  	s2 =	sld [smem:$0x3F90];
	s0 =	simm.s32 @p1 $0x1  }
0x15: {  	[smem:$0x3FAD] =	sst s0;
	s0 =	simm.s32 @!p2 $0x0  }
0x16: {  	s3 =	sld [smem:$0x3FDB];
	s0 =	simm.s32 @p2 $0x1  }
0x17: {  	s4 =	simm.s32 $0x1BF5;
	[smem:$0x3FAF] =	sst s0  }
0x18: {  	s0 =	sld [smem:$0x3F92];
	_ =	swait.ge [sflag:s4], $0x0  }
0x19: {  	s7 =	sld [smem:$0x3F93]  }
0x1a: {  	s8 =	sadd.s32 $0xFFFFE003, lr  }
0x1b: {  	s9 =	sadd.s32 $0xFFFFFEF7, lr;
	s5 =	simm.s32 $0xFFFFFFFF;
	p2 =	slt.u32 s8, $0xFFFFF086  }
0x1c: {  	p1 =	slt.u32 s9, $0xF7A;
	s5 =	simm.s32 @!p2 $0x0  }
0x1d: {  	s5 =	simm.s32 @p1 $0x1;
	p0 =	seq.s32 s7, s2  }
0x1e: {  	s7 =	smul.u32 @!p0 $0xF7A, s2;
	p2 =	seq.s32 @!p0 s5, $0x0  }
0x1f: {  	s9 =	smul.u32 $0xF7A, s1;
	s8 =	simm.s32 @!p0 $0x1BF5;
	p2 =	por !p2, p0  }
0x20: {  	[sflag:s8] =	ssyncset.s32 @!p0 $0xFFFFF086;
	s6 =	sadd.s32 @!p0 s3, s7;
	s7 =	simm.s32 @!p0 $0x108  }
0x21: {  	s3 =	sadd.s32 s3, s9;
	s6 =	sadd.s32 @!p0 $0x88, s6;
	s7 =	simm.s32 @p2 $0x1082  }
0x22: {  	[simem:s7], [sflag:s8] =	dma.local @!p0 [hbm:s6], $0xF7A  }
0x23: {  	s9 =	sor.u32 $0xD0000000, s2;
	s6 =	simm.s32 $0x108;
	_ =	swait.ge @!p0 [sflag:s8], $0x0  }
0x24: {  	s3 =	sadd.s32 $0x88, s3;
	s6 =	simm.s32 @!p1 $0x1082;
	[sflag:s4] =	ssyncset.s32 $0xFFFFF086  }
0x25: {  	[simem:s6], [sflag:s4] =	dma.local [hbm:s3], $0xF7A  }
0x26: {  	[smem:$0x3F93] =	sst s1;
	(tag) =	ssettag s2;
	_ =	strace s9  }
0x27: {  	s1 =	sld [smem:$0x3FA3]  }
0x28: {  	s2 =	sld [smem:$0x3FA4]  }
0x29: {  	s4 =	sld [smem:$0x3FA6]  }
0x2a: {  	p0 =	seq.s32 s5, $0x0;
	s5 =	sld [smem:$0x3FA7]  }
0x2b: {  	s6 =	sld [smem:$0x3FA8]  }
0x2c: {  	s7 =	sld [smem:$0x3FA9]  }
0x2d: {  	s3 =	simm.s32 $0x108;
	s8 =	sld [smem:$0x3FAA]  }
0x2e: {  	s3 =	simm.s32 @!p0 $0x1082;
	s9 =	sld [smem:$0x3FAB]  }
0x2f: {  	lr =	sadd.s32 s0, s3;
	s0 =	sld [smem:$0x3FA2]  }
0x30: {  	s3 =	sld [smem:$0x3FA5]  }
0x31: {  	[smem:$0x3FAE] =	sst s10  }
0x32: {  	s10 =	sld [smem:$0x3FAC];
	_ =	sdelay $0x3  }
0x33: {  	p0 =	seq.s32 s10, $0x1;
	s10 =	sld [smem:$0x3FAE];
	_ =	sdelay $0x3  }
0x34: {  	[smem:$0x3FAE] =	sst s10  }
0x35: {  	s10 =	sld [smem:$0x3FAD];
	_ =	sdelay $0x3  }
0x36: {  	p1 =	seq.s32 s10, $0x1;
	s10 =	sld [smem:$0x3FAE];
	_ =	sdelay $0x3  }
0x37: {  	[smem:$0x3FAE] =	sst s10  }
0x38: {  	s10 =	sld [smem:$0x3FAF]  }
0x39: {  	_ = 	snop;
	(pc) =	sbr.ind lr, $3  }
0x3a: {  	_ = 	snop  }
0x3b: {  	_ = 	snop  }
0x3c: {  	p2 =	seq.s32 s10, $0x1;
	s10 =	sld [smem:$0x3FAE]  }
0x3d: {  	_ =	shalt  }
0x3e: {  	_ =	shalt  }
0x3f: {  	_ =	shalt  }
0x40: {  	_ =	shalt  }
0x41: {  	_ =	shalt  }
0x42: {  	_ =	shalt  }
0x43: {  	_ =	shalt  }
0x44: {  	_ =	shalt  }
0x45: {  	_ =	shalt  }
0x46: {  	_ =	shalt  }
0x47: {  	_ =	shalt  }
0x48: {  	_ =	shalt  }
0x49: {  	_ =	shalt  }
0x4a: {  	_ =	shalt  }
0x4b: {  	_ =	shalt  }
0x4c: {  	_ =	shalt  }
0x4d: {  	_ =	shalt  }
0x4e: {  	_ =	shalt  }
0x4f: {  	_ =	shalt  }
0x50: {  	_ =	shalt  }
0x51: {  	_ =	shalt  }
0x52: {  	_ =	shalt  }
0x53: {  	_ =	shalt  }
0x54: {  	_ =	shalt  }
0x55: {  	_ =	shalt  }
0x56: {  	_ =	shalt  }
0x57: {  	_ =	shalt  }
0x58: {  	_ =	shalt  }
0x59: {  	_ =	shalt  }
0x5a: {  	_ =	shalt  }
0x5b: {  	_ =	shalt  }
0x5c: {  	_ =	shalt  }
0x5d: {  	_ =	shalt  }
0x5e: {  	_ =	shalt  }
0x5f: {  	_ =	shalt  }
0x60: {  	_ =	shalt  }
0x61: {  	_ =	shalt  }
0x62: {  	_ =	shalt  }
0x63: {  	_ =	shalt  }
0x64: {  	_ =	shalt  }
0x65: {  	_ =	shalt  }
0x66: {  	_ =	shalt  }
0x67: {  	_ =	shalt  }
0x68: {  	_ =	shalt  }
0x69: {  	_ =	shalt  }
0x6a: {  	_ =	shalt  }
0x6b: {  	_ =	shalt  }
0x6c: {  	_ =	shalt  }
0x6d: {  	_ =	shalt  }
0x6e: {  	_ =	shalt  }
0x6f: {  	_ =	shalt  }
0x70: {  	_ =	shalt  }
0x71: {  	_ =	shalt  }
0x72: {  	_ =	shalt  }
0x73: {  	_ =	shalt  }
0x74: {  	_ =	shalt  }
0x75: {  	_ =	shalt  }
0x76: {  	_ =	shalt  }
0x77: {  	_ =	shalt  }
0x78: {  	_ =	shalt  }
0x79: {  	_ =	shalt  }
0x7a: {  	_ =	shalt  }
0x7b: {  	_ =	shalt  }
0x7c: {  	_ =	shalt  }
0x7d: {  	_ =	shalt  }
0x7e: {  	_ =	shalt  }
0x7f: {  	_ =	shalt  }
0x80: {  	_ =	shalt  }
0x81: {  	_ =	shalt  }
0x82: {  	_ =	shalt  }
0x83: {  	_ =	shalt  }
0x84: {  	_ =	shalt  }
0x85: {  	_ =	shalt  }
0x86: {  	_ =	shalt  }
0x87: {  	_ =	shalt  }
.Lfunc_end0:
.L_simem_size_0:
called_computation.1_lowered:
.L_overlay_start_0:
0x88: {  	s2 =	sld [smem:$0x3FD9]  }
0x89: {  	s3 =	sld [smem:$0x3FFE];
	_ =	sdelay $0x1  }
0x8a: {  	s1 =	srdreg.scid  }
0x8b: {  	s0 =	sand.u32 $0x1, s1  }
0x8c: {  	s14 =	sshll.u32 s0, $0xA;
	s2 =	sadd.s32 s3, s2  }
0x8d: {  	s2 =	sadd.s32 s2, s14  }
0x8e: {  	[smem:$0x3FBA] =	sst s2  }
0x8f: {  	_ = 	snop  }
0x90: {  	s2 =	sld [smem:$0x3FD0];
	_ =	sdelay $0x2  }
0x91: {  	s15 =	simm.s32 $0xA;
	s4 =	simm.s32 $0x10  }
0x92: {  	[smem:s4], [sflag:s15] =	dma.local [hbm:s2], $0x1  }
0x93: {  	_ =	swait.eq [sflag:s15], $0x1  }
0x94: {  	[sflag:s15] =	ssyncset.done $0x0  }
0x95: {  	s16 =	sld [smem:$0x10];
	[sflag:s15] =	ssyncadd.s32 $0xFFFFFFFF  }
0x96: {  	s17 =	sld [smem:$0x11];
	(tm) =	ssettm $0x1  }
0x97: {  	s18 =	sld [smem:$0x3FFB];
	_ =	sdelay $0x3  }
0x98: {  	_ =	strace s18  }
0x99: {  	s4 =	sld [smem:$0x3FFC];
	_ =	sdelay $0x3  }
0x9a: {  	_ =	strace s4  }
0x9b: {  	s4 =	sld [smem:$0x3FFD];
	_ =	sdelay $0x3  }
0x9c: {  	_ =	strace s4  }
0x9d: {  	_ =	strace $0x8FFFFFFF  }
0x9e: {  	s19 =	sld [smem:$0x3FDB];
	_ =	sdelay $0x1  }
0x9f: {  	s5 =	simm.s32 $_scs_section_size  }
0xa0: {  	s6 =	simm.s32 $_size__tile_overlayer_lowered;
	s7 =	simm.s32 $_tile_overlayer_lowered  }
0xa1: {  	s22 =	simm.s32 $0x1BFF;
	s21 =	sshll.u32 s7, $0x1;
	s4 =	sadd.s32 s5, s19  }
0xa2: {  	s8 =	simm.s32 $0x0;
	s20 =	sshll.u32 s6, $0x1;
	s6 =	sadd.s32 s21, s4  }
0xa3: {  	[timem:s8], [sflag:s22] =	dma.local [hbm:s6], s20  }
0xa4: {  	_ =	swait.ge [sflag:s22], s20  }
0xa5: {  	s5 =	ssub.s32 $0x0, s20;
	[sflag:s22] =	ssyncset.done $0x0  }
0xa6: {  	[sflag:s22] =	ssyncadd.s32 s5;
	_ =	sdelay $0x1  }
0xa7: {  	s23 =	simm.s32 $0x1B8B  }
0xa8: {  	_ =	swait.ge [sflag:s23], $0x1  }
0xa9: {  	[sflag:s23] =	ssyncset.done $0x0  }
0xaa: {  	s25 =	simm.s32 $0x1B8E;
	s24 =	sld [smem:$0x3FFE];
	[sflag:s23] =	ssyncadd.s32 $0xFFFFFFFF  }
0xab: {  	s26 =	simm.s32 $execute0_lowered;
	[smem:$0x3FD2] =	sst s25  }
0xac: {  	s6 =	sshll.u32 s26, $0x1;
	_ =	strace $0x80000049;
	[dreg:$0x1] =	wrdreg $0xFFFFFFFF  }
0xad: {  	s28 =	simm.s32 $_size_execute0_lowered;
	s4 =	sadd.s32 s4, s6;
	[dreg:$0x0] =	wrdreg $0x0  }
0xae: {  	s6 =	sshll.u32 s28, $0x1;
	[dreg:$0x2] =	wrdreg s4  }
0xaf: {  	[dreg:$0x3] =	wrdreg s6  }
0xb0: {  	[dreg:$0x4] =	wrdreg $0xC0  }
0xb1: {  	_ =	task [dreg:s8], $0x5FFFF  }
0xb2: {  	[dreg:$0x1] =	wrdreg $0xFFFFFFFF  }
0xb3: {  	[dreg:$0x0] =	wrdreg $0x60  }
0xb4: {  	[dreg:$0x2] =	wrdreg s24  }
0xb5: {  	[dreg:$0x3] =	wrdreg s17  }
0xb6: {  	[dreg:$0x4] =	wrdreg s16  }
0xb7: {  	[dreg:$0x5] =	wrdreg $0xA0000  }
0xb8: {  	[dreg:$0x6] =	wrdreg $0x140000  }
0xb9: {  	[dreg:$0x7] =	wrdreg $0x9  }
0xba: {  	_ =	task.clear_ibuf [dreg:s8], $0x8FFFF;
	_ =	strace $0x90000049  }
0xbb: {  	s29 =	simm.s32 $0x9;
	_ =	strace $0x8000004B  }
0xbc: {  	_ =	swait.ge [sflag:s29], $0x1  }
0xbd: {  	[sflag:s29] =	ssyncadd.s32 $0xFFFFFFFF  }
0xbe: {  	_ =	strace $0x9000004B  }
0xbf: {  	_ =	sfence  }
0xc0: {  	s30 =	sld [smem:$0x0];
	_ =	sdelay $0x2  }
0xc1: {  	s31 =	sshll.u32 s1, $0xD;
	s1 =	sshrl.u32 s1, $0x2  }
0xc2: {  	s3 =	sand.u32 $0x4000, s31;
	s1 =	sadd.s32 s1, s30  }
0xc3: {  	s0 =	sor.u32 s3, s0;
	s1 =	sshll.u32 s1, $0x11  }
0xc4: {  	s0 =	sor.u32 s1, s0  }
0xc5: {  	s0 =	sadd.s32 $0x8F2B, s0  }
0xc6: {  	[sflag:s0] =	ssyncadd.remote.s32 $0x1  }
0xc7: {  	_ =	sfence.sel $0xFFFF  }
0xc8: {  	[dreg:$0x0] =	wrdreg $0xFFFFFFFF;
	(pc) =	sbr.abs _section_cstart, $3  }
0xc9: {  	[dreg:$0x1] =	wrdreg $0xFFFFFFFF  }
0xca: {  	_ =	task.clear_ibuf [dreg:s8], $0x2FFFF;
	_ =	strace $0x9FFFFFFF  }
0xcb: {  	(tm) =	ssettm $0x7FFFFFFF  }
tec
execute0_lowered:
.L_overlay_start_1:
0x0: {  	(tag) =	ssettag $0x1  }
0x1: {  	s1 =	rddreg [dreg:$0x0];
	s0 =	simm.s32 $0x0;
	s2 =	srdreg.scid  }
0x2: {  	s25 =	stileid.u32;
	[smem:$0x7FF] =	sst s0  }
0x3: {  	s7 =	sadd.s32 $0x8EE00, s1;
	s9 =	sadd.s32 $0x7AE00, s1;
	s2 =	sand.u32 $0x1, s2  }
0x4: {  	s10 =	sadd.s32 $0x66E00, s1;
	s11 =	sadd.s32 $0x52E00, s1;
	s6 =	smul.u32 $0x280, s25  }
0x5: {  	s1 =	sadd.s32 $0xA2E00, s1;
	s12 =	smul.u32 $0x1400, s25;
	s3 =	ssub.s32 $0x2, s2  }
0x6: {  	p0 =	seq.s32 s2, $0x0;
	s2 =	smul.u32 $0xA000, s25;
	s4 =	sshrl.u32 s3, $0x1  }
0x7: {  	s23 =	sadd.s32 $0x80, s6;
	s24 =	sadd.s32 $0x100, s6;
	s5 =	sadd.s32 $0x180, s6  }
0x8: {  	s6 =	sadd.s32 $0x200, s6;
	s9 =	smov.u32 @p0 s7;
	s11 =	smov.u32 @p0 s10  }
0x9: {  	s8 =	ssub.s32 s3, s4;
	s13 =	sshll.u32 s23, $0x3;
	s3 =	sshll.u32 s23, $0x6  }
0xa: {  	s14 =	sshll.u32 s24, $0x3;
	s4 =	sshll.u32 s24, $0x6;
	s15 =	sshll.u32 s5, $0x3  }
0xb: {  	s5 =	sshll.u32 s5, $0x6;
	s16 =	sshll.u32 s6, $0x3;
	s17 =	sshrl.u32 s2, $0x3  }
0xc: {  	s6 =	sshll.u32 s6, $0x6;
	s12 =	sadd.s32 s9, s12;
	s18 =	sadd.s32 $0x14000, s17  }
0xd: {  	s19 =	sshrl.u32 s3, $0x3;
	s20 =	sshrl.u32 s4, $0x3;
	s21 =	sshrl.u32 s5, $0x3  }
0xe: {  	s22 =	sshrl.u32 s6, $0x3;
	[dreg:$0x6] =	wrdreg s12;
	s26 =	sadd.s32 s9, s13  }
0xf: {  	s28 =	sadd.s32 s9, s14;
	s30 =	sadd.s32 s9, s15;
	[dreg:$0x7] =	wrdreg s26  }
0x10: {  	s9 =	sadd.s32 s9, s16;
	s10 =	sadd.s32 s11, s13;
	[dreg:$0x8] =	wrdreg s28  }
0x11: {  	s23 =	sadd.s32 s11, s16;
	s19 =	sadd.s32 $0x14000, s19;
	[dreg:$0x9] =	wrdreg s30  }
0x12: {  	s20 =	sadd.s32 $0x14000, s20;
	s21 =	sadd.s32 $0x14000, s21;
	[dreg:$0xa] =	wrdreg s9  }
0x13: {  	s7 =	sadd.s32 $0x14000, s22;
	s18 =	smov.u32 @p0 s17;
	[dreg:$0xd] =	wrdreg s10  }
0x14: {  	s17 =	sadd.s32 s11, s17;
	s9 =	simm.s32 $0x140000;
	[dreg:$0x10] =	wrdreg s23  }
0x15: {  	s22 =	sadd.s32 s11, s15;
	s23 =	rddreg [dreg:$0x3];
	s19 =	smov.u32 @p0 s13  }
0x16: {  	s20 =	smov.u32 @p0 s14;
	s12 =	sadd.s32 s1, s18;
	[dreg:$0xc] =	wrdreg s17  }
0x17: {  	s21 =	smov.u32 @p0 s15;
	s7 =	smov.u32 @p0 s16;
	[dreg:$0xf] =	wrdreg s22  }
0x18: {  	s18 =	sadd.s32 s11, s14;
	s9 =	simm.s32 @!p0 $0x1E0000;
	[dreg:$0xb] =	wrdreg s12  }
0x19: {  	s17 =	sadd.s32 s2, s23;
	s22 =	smul.u32 $0xA00, s25;
	[dreg:$0xe] =	wrdreg s18  }
0x1a: {  	s11 =	simm.s32 $0x6;
	s24 =	sadd.s32 s9, s2;
	s18 =	rddreg [dreg:$0x1]  }
0x1b: {  	s26 =	sadd.s32 s1, s19;
	s28 =	sadd.s32 s1, s20;
	s19 =	rddreg [dreg:$0x2]  }
0x1c: {  	s30 =	sadd.s32 s1, s21;
	s7 =	sadd.s32 s1, s7;
	[dreg:$0x11] =	wrdreg s26  }
0x1d: {  	s13 =	sadd.s32 s9, s3;
	s14 =	sadd.s32 s9, s4;
	[dreg:$0x12] =	wrdreg s28  }
0x1e: {  	s16 =	sadd.s32 s9, s5;
	s9 =	sadd.s32 s9, s6;
	[dreg:$0x13] =	wrdreg s30  }
0x1f: {  	s20 =	sadd.s32 s3, s23;
	s21 =	sadd.s32 s4, s23;
	[dreg:$0x14] =	wrdreg s7  }
0x20: {  	s10 =	sshrl.u32 s24, $0x3;
	s7 =	sshrl.u32 s13, $0x3;
	s24 =	rddreg [dreg:$0x4]  }
0x21: {  	s9 =	sshrl.u32 s9, $0x3;
	s26 =	sadd.s32 s5, s23;
	s28 =	sadd.s32 s6, s23  }
0x22: {  	s30 =	smax.u32 s8, $0x1;
	s12 =	sadd.s32 s1, s10;
	s10 =	sshrl.u32 s14, $0x3  }
0x23: {  	s7 =	sadd.s32 s1, s7;
	s29 =	sadd.s32 s2, s24;
	[dreg:$0x15] =	wrdreg s12  }
0x24: {  	[dreg:$0x16] =	wrdreg s7;
	s15 =	sadd.s32 s1, s10;
	s7 =	sshrl.u32 s16, $0x3  }
0x25: {  	s31 =	sadd.s32 s3, s24;
	[dreg:$0x17] =	wrdreg s15;
	s7 =	sadd.s32 s1, s7  }
0x26: {  	s3 =	sadd.s32 s5, s24;
	s1 =	sadd.s32 s1, s9;
	[dreg:$0x18] =	wrdreg s7  }
0x27: {  	s5 =	sadd.s32 s6, s24;
	s6 =	sadd.s32 s18, s22;
	[dreg:$0x19] =	wrdreg s1  }
0x28: {  	s14 =	simm.s32 $0x1;
	_ =	strace $0x8000004A;
	[dreg:$0x1a] =	wrdreg s17  }
0x29: {  	s10 =	simm.s32 $0x4000;
	s12 =	simm.s32 $0x8000;
	[dreg:$0x1b] =	wrdreg s20  }
.Ltmp0:
0x2a: {  	s16 =	simm.s32 $0x80;
	[dreg:$0x1c] =	wrdreg s21;
	(pc) =	sbr.rel .LBB2_1-.Ltmp0, $4  }
0x2b: {  	s9 =	smul.u32 $0x5000, s25;
	s15 =	simm.s32 $0x5;
	[dreg:$0x1d] =	wrdreg s26  }
0x2c: {  	s25 =	simm.s32 $0x4;
	s1 =	sadd.s32 s4, s24;
	[dreg:$0x1e] =	wrdreg s28  }
0x2d: {  	s7 =	sadd.s32 s19, s22;
	[dreg:$0x1f] =	wrdreg s30;
	s17 =	simm.s32 $0x6000  }
0x2e: {  	v0 =	vimm.f32 $0.0e+00;
	s20 =	simm.s32 $0x2;
	s21 =	simm.s32 $0x3;
	s26 =	simm.s32 $0x0  }
.LBB2_13:
0x2f: {  	_ =	swait.ge [sflag:s25], $0x2000  }
0x30: {  	[sflag:s25] =	ssyncset.done $0x0  }
0x31: {  	[sflag:s25] =	ssyncadd.s32 $0xFFFFE000  }
0x32: {  	[bflag:$0x0] =	sbarrier.arrive $0xFFFF  }
0x33: {  	[tilespmem:s10], [sflag:$0x6] =	stream.linear.gather [spmem:s29], $0x2000, $0x38;
	[tilespmem:$0x1E000] =	vst v63  }
0x34: {  	_ =	swait.ge [sflag:s11], $0x2000  }
0x35: {  	[sflag:s11] =	ssyncset.done $0x0  }
0x36: {  	s2 =	rddreg [dreg:$0x15];
	[sflag:s11] =	ssyncadd.s32 $0xFFFFE000  }
0x37: {  	[hbm4b:s2+s0] =	stream.linear.scatter [tilespmem:s10], [sflag:$0x6], $0x2000, $0x38;
	[tilespmem:$0x1E000] =	vst v63  }
0x38: {  	_ =	swait.ge [sflag:s11], $0x2000  }
0x39: {  	[sflag:s11] =	ssyncset.done $0x0  }
0x3a: {  	[sflag:s11] =	ssyncadd.s32 $0xFFFFE000  }
0x3b: {  	[tilespmem:s10], [sflag:$0x6] =	stream.linear.gather [spmem:s31], $0x2000, $0x38;
	[tilespmem:$0x1E000] =	vst v63  }
0x3c: {  	_ =	swait.ge [sflag:s11], $0x2000  }
0x3d: {  	[sflag:s11] =	ssyncset.done $0x0  }
0x3e: {  	s8 =	rddreg [dreg:$0x16];
	[sflag:s11] =	ssyncadd.s32 $0xFFFFE000  }
0x3f: {  	[hbm4b:s8+s0] =	stream.linear.scatter [tilespmem:s10], [sflag:$0x6], $0x2000, $0x38;
	[tilespmem:$0x1E000] =	vst v63  }
0x40: {  	_ =	swait.ge [sflag:s11], $0x2000  }
0x41: {  	[sflag:s11] =	ssyncset.done $0x0  }
0x42: {  	[sflag:s11] =	ssyncadd.s32 $0xFFFFE000  }
0x43: {  	[tilespmem:s10], [sflag:$0x6] =	stream.linear.gather [spmem:s1], $0x2000, $0x38;
	[tilespmem:$0x1E000] =	vst v63  }
0x44: {  	_ =	swait.ge [sflag:s11], $0x2000  }
0x45: {  	[sflag:s11] =	ssyncset.done $0x0  }
0x46: {  	s13 =	rddreg [dreg:$0x17];
	[sflag:s11] =	ssyncadd.s32 $0xFFFFE000  }
0x47: {  	[hbm4b:s13+s0] =	stream.linear.scatter [tilespmem:s10], [sflag:$0x6], $0x2000, $0x38;
	[tilespmem:$0x1E000] =	vst v63  }
0x48: {  	_ =	swait.ge [sflag:s11], $0x2000  }
0x49: {  	[sflag:s11] =	ssyncset.done $0x0  }
0x4a: {  	[sflag:s11] =	ssyncadd.s32 $0xFFFFE000  }
0x4b: {  	[tilespmem:s10], [sflag:$0x6] =	stream.linear.gather [spmem:s3], $0x2000, $0x38;
	[tilespmem:$0x1E000] =	vst v63  }
0x4c: {  	_ =	swait.ge [sflag:s11], $0x2000  }
0x4d: {  	[sflag:s11] =	ssyncset.done $0x0  }
0x4e: {  	s22 =	rddreg [dreg:$0x18];
	[sflag:s11] =	ssyncadd.s32 $0xFFFFE000  }
0x4f: {  	[hbm4b:s22+s0] =	stream.linear.scatter [tilespmem:s10], [sflag:$0x6], $0x2000, $0x38;
	[tilespmem:$0x1E000] =	vst v63  }
0x50: {  	_ =	swait.ge [sflag:s11], $0x2000  }
0x51: {  	[sflag:s11] =	ssyncset.done $0x0  }
0x52: {  	[sflag:s11] =	ssyncadd.s32 $0xFFFFE000  }
0x53: {  	[tilespmem:s10], [sflag:$0x6] =	stream.linear.gather [spmem:s5], $0x2000, $0x38;
	[tilespmem:$0x1E000] =	vst v63  }
0x54: {  	_ =	swait.ge [sflag:s11], $0x2000  }
0x55: {  	[sflag:s11] =	ssyncset.done $0x0  }
0x56: {  	s28 =	rddreg [dreg:$0x19];
	[sflag:s11] =	ssyncadd.s32 $0xFFFFE000  }
0x57: {  	[hbm4b:s28+s0] =	stream.linear.scatter [tilespmem:s10], [sflag:$0x6], $0x2000, $0x38;
	[tilespmem:$0x1E000] =	vst v63  }
0x58: {  	_ =	swait.ge [sflag:s11], $0x2000  }
0x59: {  	s26 =	sadd.s32 $0x1, s26;
	s30 =	rddreg [dreg:$0x1f]  }
0x5a: {  	p0 =	sne.s32 s26, s30  }
.Ltmp1:
0x5b: {  	_ = 	snop;
	(pc) =	sbr.rel @!p0 .LBB2_14-.Ltmp1, $3  }
0x5c: {  	_ =	sdelay $0x1  }
0x5d: {  	[sflag:s11] =	ssyncset.done $0x0  }
0x5e: {  	[sflag:s11] =	ssyncadd.s32 $0xFFFFE000  }
.LBB2_1:
0x5f: {  	s13 =	simm.s32 $0x100;
	s8 =	simm.s32 $0x0  }
.LBB2_2:
0x60: {  	p0 =	sne.s32 s13, $0x7F00;
	[tilespmem:s8+$0x8030] =	vst v0;
	s22 =	smov.u32 s13;
	s13 =	sadd.s32 $0x100, s13  }
.Ltmp2:
0x61: {  	[tilespmem:s8+$0x8020] =	vst v0;
	(pc) =	sbr.rel @p0 .LBB2_2-.Ltmp2, $3  }
0x62: {  	[tilespmem:s8+$0x8000] =	vst v0  }
0x63: {  	[tilespmem:s8+$0x8010] =	vst v0;
	_ =	sdelay $0x1  }
0x64: {  	s8 =	sshra.s32 s22, $0x2  }
0x65: {  	[tilespmem:s8+$0x8030] =	vst v0  }
0x66: {  	[tilespmem:s8+$0x8020] =	vst v0  }
0x67: {  	[tilespmem:s8+$0x8000] =	vst v0  }
0x68: {  	[tilespmem:s8+$0x8010] =	vst v0;
	s13 =	simm.s32 $0x0;
	s2 =	rddreg [dreg:$0x6]  }
0x69: {  	[tilespmem:s10], [sflag:$0x6] =	stream.linear.gather [hbm4b:s2+s13], $0x2000, $0x38;
	[tilespmem:$0x1E000] =	vst v63  }
0x6a: {  	_ =	swait.ge [sflag:s11], $0x2000  }
0x6b: {  	[sflag:s11] =	ssyncset.done $0x0  }
0x6c: {  	s4 =	rddreg [dreg:$0x1a];
	[sflag:s11] =	ssyncadd.s32 $0xFFFFE000  }
0x6d: {  	[spmem:s4] =	stream.linear.scatter [tilespmem:s10], [sflag:$0x6], $0x2000, $0x38;
	[tilespmem:$0x1E000] =	vst v63  }
0x6e: {  	_ =	swait.ge [sflag:s11], $0x2000  }
0x6f: {  	[sflag:s11] =	ssyncset.done $0x0  }
0x70: {  	[sflag:s11] =	ssyncadd.s32 $0xFFFFE000  }
0x71: {  	[spmem:s29] =	stream.linear.scatter [tilespmem:s12], [sflag:$0x6], $0x2000, $0x38;
	[tilespmem:$0x1E000] =	vst v63  }
0x72: {  	_ =	swait.ge [sflag:s11], $0x2000  }
0x73: {  	[sflag:s11] =	ssyncset.done $0x0  }
0x74: {  	s8 =	rddreg [dreg:$0x7];
	[sflag:s11] =	ssyncadd.s32 $0xFFFFE000  }
0x75: {  	[tilespmem:s10], [sflag:$0x6] =	stream.linear.gather [hbm4b:s8+s13], $0x2000, $0x38;
	[tilespmem:$0x1E000] =	vst v63  }
0x76: {  	_ =	swait.ge [sflag:s11], $0x2000  }
0x77: {  	[sflag:s11] =	ssyncset.done $0x0  }
0x78: {  	s22 =	rddreg [dreg:$0x1b];
	[sflag:s11] =	ssyncadd.s32 $0xFFFFE000  }
0x79: {  	[spmem:s22] =	stream.linear.scatter [tilespmem:s10], [sflag:$0x6], $0x2000, $0x38;
	[tilespmem:$0x1E000] =	vst v63  }
0x7a: {  	_ =	swait.ge [sflag:s11], $0x2000  }
0x7b: {  	[sflag:s11] =	ssyncset.done $0x0  }
0x7c: {  	[sflag:s11] =	ssyncadd.s32 $0xFFFFE000  }
0x7d: {  	[spmem:s31] =	stream.linear.scatter [tilespmem:s12], [sflag:$0x6], $0x2000, $0x38;
	[tilespmem:$0x1E000] =	vst v63  }
0x7e: {  	_ =	swait.ge [sflag:s11], $0x2000  }
0x7f: {  	[sflag:s11] =	ssyncset.done $0x0  }
0x80: {  	s28 =	rddreg [dreg:$0x8];
	[sflag:s11] =	ssyncadd.s32 $0xFFFFE000  }
0x81: {  	[tilespmem:s10], [sflag:$0x6] =	stream.linear.gather [hbm4b:s28+s13], $0x2000, $0x38;
	[tilespmem:$0x1E000] =	vst v63  }
0x82: {  	_ =	swait.ge [sflag:s11], $0x2000  }
0x83: {  	[sflag:s11] =	ssyncset.done $0x0  }
0x84: {  	s30 =	rddreg [dreg:$0x1c];
	[sflag:s11] =	ssyncadd.s32 $0xFFFFE000  }
0x85: {  	[spmem:s30] =	stream.linear.scatter [tilespmem:s10], [sflag:$0x6], $0x2000, $0x38;
	[tilespmem:$0x1E000] =	vst v63  }
0x86: {  	_ =	swait.ge [sflag:s11], $0x2000  }
0x87: {  	[sflag:s11] =	ssyncset.done $0x0  }
0x88: {  	[sflag:s11] =	ssyncadd.s32 $0xFFFFE000  }
0x89: {  	[spmem:s1] =	stream.linear.scatter [tilespmem:s12], [sflag:$0x6], $0x2000, $0x38;
	[tilespmem:$0x1E000] =	vst v63  }
0x8a: {  	_ =	swait.ge [sflag:s11], $0x2000  }
0x8b: {  	[sflag:s11] =	ssyncset.done $0x0  }
0x8c: {  	s4 =	rddreg [dreg:$0x9];
	[sflag:s11] =	ssyncadd.s32 $0xFFFFE000  }
0x8d: {  	[tilespmem:s10], [sflag:$0x6] =	stream.linear.gather [hbm4b:s4+s13], $0x2000, $0x38;
	[tilespmem:$0x1E000] =	vst v63  }
0x8e: {  	_ =	swait.ge [sflag:s11], $0x2000  }
0x8f: {  	[sflag:s11] =	ssyncset.done $0x0  }
0x90: {  	s8 =	rddreg [dreg:$0x1d];
	[sflag:s11] =	ssyncadd.s32 $0xFFFFE000  }
0x91: {  	[spmem:s8] =	stream.linear.scatter [tilespmem:s10], [sflag:$0x6], $0x2000, $0x38;
	[tilespmem:$0x1E000] =	vst v63  }
0x92: {  	_ =	swait.ge [sflag:s11], $0x2000  }
0x93: {  	[sflag:s11] =	ssyncset.done $0x0  }
0x94: {  	[sflag:s11] =	ssyncadd.s32 $0xFFFFE000  }
0x95: {  	[spmem:s3] =	stream.linear.scatter [tilespmem:s12], [sflag:$0x6], $0x2000, $0x38;
	[tilespmem:$0x1E000] =	vst v63  }
0x96: {  	_ =	swait.ge [sflag:s11], $0x2000  }
0x97: {  	[sflag:s11] =	ssyncset.done $0x0  }
0x98: {  	s22 =	rddreg [dreg:$0xa];
	[sflag:s11] =	ssyncadd.s32 $0xFFFFE000  }
0x99: {  	[tilespmem:s10], [sflag:$0x6] =	stream.linear.gather [hbm4b:s22+s13], $0x2000, $0x38;
	[tilespmem:$0x1E000] =	vst v63  }
0x9a: {  	_ =	swait.ge [sflag:s11], $0x2000  }
0x9b: {  	[sflag:s11] =	ssyncset.done $0x0  }
0x9c: {  	s28 =	rddreg [dreg:$0x1e];
	[sflag:s11] =	ssyncadd.s32 $0xFFFFE000  }
0x9d: {  	[spmem:s28] =	stream.linear.scatter [tilespmem:s10], [sflag:$0x6], $0x2000, $0x38;
	[tilespmem:$0x1E000] =	vst v63  }
0x9e: {  	_ =	swait.ge [sflag:s11], $0x2000  }
0x9f: {  	[sflag:s11] =	ssyncset.done $0x0  }
0xa0: {  	[sflag:s11] =	ssyncadd.s32 $0xFFFFE000  }
0xa1: {  	[spmem:s5] =	stream.linear.scatter [tilespmem:s12], [sflag:$0x6], $0x2000, $0x38;
	[tilespmem:$0x1E000] =	vst v63  }
0xa2: {  	_ =	swait.ge [sflag:s11], $0x2000  }
0xa3: {  	[sflag:s11] =	ssyncset.done $0x0  }
.Ltmp3:
0xa4: {  	[sflag:s11] =	ssyncadd.s32 $0xFFFFE000;
	(pc) =	sbr.rel .LBB2_5-.Ltmp3, $4  }
0xa5: {  	[bflag:$0x0] =	sbarrier.arrive $0xFFFF  }
0xa6: {  	[tilespmem:s13], [sflag:$0x5] =	stream.linear.gather [hbm4b:s6+s13], $0x1000, $0x38;
	[tilespmem:$0x1E000] =	vst v63  }
0xa7: {  	p0 =	por $0x0, $0x0;
	s30 =	simm.s32 $0x2000  }
0xa8: {  	[tilespmem:s30], [sflag:$0x5] =	stream.linear.gather [hbm4b:s7+s13], $0x1000, $0x38;
	[tilespmem:$0x1E000] =	vst v63  }
.LBB2_4:
0xa9: {  	p1 =	seq.s32 s13, $0x5  }
.Ltmp4:
0xaa: {  	_ = 	snop;
	(pc) =	sbr.rel @p1 .LBB2_8-.Ltmp4, $2  }
0xab: {  	_ =	sdelay $0x2  }
0xac: {  	p0 =	por !p0, !p0  }
.LBB2_5:
0xad: {  	p1 =	seq.s32 s13, $0x0  }
0xae: {  	s8 =	smov.u32 s13;
	s13 =	simm.s32 @!p1 $0x4  }
0xaf: {  	_ =	swait.ge @!p1 [sflag:s13], $0x2000  }
0xb0: {  	[sflag:s13] =	ssyncset.done @!p1 $0x0  }
0xb1: {  	[sflag:s13] =	ssyncadd.s32 @!p1 $0xFFFFE000  }
0xb2: {  	_ =	swait.ge [sflag:s15], $0x1000  }
0xb3: {  	s13 =	sadd.s32 $0x1, s8;
	p1 =	seq.s32 s8, $0x4;
	[sflag:s15] =	ssyncset.done $0x0  }
0xb4: {  	s22 =	sshll.u32 @!p1 s13, $0xC;
	[sflag:s15] =	ssyncadd.s32 $0xFFFFF000  }
0xb5: {  	s28 =	sadd.s32 @!p1 s9, s22;
	_ =	swait.ge [sflag:s15], $0x1000  }
0xb6: {  	s2 =	simm.s32 @!p1 $0x0;
	s28 =	sshrl.u32 @!p1 s28, $0x3;
	[sflag:s15] =	ssyncset.done $0x0  }
0xb7: {  	s22 =	sand.u32 @!p1 $0x1000, s22;
	s30 =	sadd.s32 @!p1 s18, s28;
	[sflag:s15] =	ssyncadd.s32 $0xFFFFF000  }
0xb8: {  	[tilespmem:s22], [sflag:$0x5] =	stream.linear.gather @!p1 [hbm4b:s30+s2], $0x1000, $0x38;
	[tilespmem:$0x1E000] =	vst v63  }
0xb9: {  	s8 =	sshll.u32 s8, $0xC;
	s28 =	sadd.s32 @!p1 s19, s28;
	s22 =	sor.u32 @!p1 $0x2000, s22  }
0xba: {  	[tilespmem:s22], [sflag:$0x5] =	stream.linear.gather @!p1 [hbm4b:s28+s2], $0x1000, $0x38;
	[tilespmem:$0x1E000] =	vst v63  }
0xbb: {  	s2 =	sand.u32 $0x1000, s8  }
0xbc: {  	[tilespmem:s10], [sflag:$0x1] =	stream.indirect.gather [spmem:s23], $0x40, s2, s16, $0xb8;
	[tilespmem:$0x1E000] =	vst v63  }
0xbd: {  	_ =	swait.ge [sflag:s14], $0x2000  }
0xbe: {  	[sflag:s14] =	ssyncset.done $0x0  }
0xbf: {  	s22 =	sor.u32 $0x2000, s2;
	[sflag:s14] =	ssyncadd.s32 $0xFFFFE000  }
0xc0: {  	[spmem:s24] =	stream.indirect.scatter.add.f32 [tilespmem:s10], [sflag:$0x3], $0x40, s22, s16, $0xb8;
	[tilespmem:$0x1E000] =	vst v63  }
0xc1: {  	s4 =	sor.u32 $0x80, s2  }
0xc2: {  	[tilespmem:s17], [sflag:$0x2] =	stream.indirect.gather [spmem:s23], $0x40, s4, s16, $0xb8;
	[tilespmem:$0x1E000] =	vst v63  }
0xc3: {  	_ =	swait.ge [sflag:s20], $0x2000  }
0xc4: {  	[sflag:s20] =	ssyncset.done $0x0  }
0xc5: {  	s8 =	simm.s32 $0x1;
	s22 =	sor.u32 $0x2080, s2;
	[sflag:s20] =	ssyncadd.s32 $0xFFFFE000  }
0xc6: {  	[spmem:s24] =	stream.indirect.scatter.add.f32 [tilespmem:s17], [sflag:$0x4], $0x40, s22, s16, $0xb8;
	[tilespmem:$0x1E000] =	vst v63  }
0xc7: {  	s8 =	simm.s32 @!p0 $0x0;
	_ =	swait.ge [sflag:s21], $0x2000  }
0xc8: {  	s30 =	simm.s32 $0xFFFFC800;
	s8 =	sshll.u32 s8, $0xC;
	[sflag:s21] =	ssyncset.done $0x0  }
0xc9: {  	s28 =	sor.u32 $0x2000, s8;
	s2 =	sor.u32 $0x100, s2;
	[sflag:s21] =	ssyncadd.s32 $0xFFFFE000  }
0xca: {  	[tilespmem:s10], [sflag:$0x1] =	stream.indirect.gather [spmem:s23], $0x40, s2, s16, $0xb8;
	[tilespmem:$0x1E000] =	vst v63  }
.LBB2_6:
0xcb: {  	_ =	swait.ge [sflag:s14], $0x2000;
	s2 =	sshra.s32 s30, $0x2  }
0xcc: {  	[sflag:s14] =	ssyncset.done $0x0;
	s4 =	sadd.s32 s2, s28  }
0xcd: {  	[sflag:s14] =	ssyncadd.s32 $0xFFFFE000;
	s22 =	sadd.s32 $0xF00, s4  }
0xce: {  	[spmem:s24] =	stream.indirect.scatter.add.f32 [tilespmem:s10], [sflag:$0x3], $0x40, s22, s16, $0xb8;
	[tilespmem:$0x1E000] =	vst v63  }
0xcf: {  	_ =	swait.ge [sflag:s25], $0x2000  }
0xd0: {  	s22 =	sadd.s32 s2, s8;
	[sflag:s25] =	ssyncset.done $0x0  }
0xd1: {  	s2 =	sadd.s32 $0xF80, s22;
	[sflag:s25] =	ssyncadd.s32 $0xFFFFE000  }
0xd2: {  	[tilespmem:s17], [sflag:$0x2] =	stream.indirect.gather [spmem:s23], $0x40, s2, s16, $0xb8;
	[tilespmem:$0x1E000] =	vst v63  }
0xd3: {  	_ =	swait.ge [sflag:s20], $0x2000  }
0xd4: {  	p1 =	seq.s32 s30, $0x0;
	[sflag:s20] =	ssyncset.done $0x0  }
.Ltmp5:
0xd5: {  	s4 =	sadd.s32 $0xF80, s4;
	[sflag:s20] =	ssyncadd.s32 $0xFFFFE000;
	(pc) =	sbr.rel @p1 .LBB2_4-.Ltmp5, $4  }
0xd6: {  	[spmem:s24] =	stream.indirect.scatter.add.f32 [tilespmem:s17], [sflag:$0x4], $0x40, s4, s16, $0xb8;
	[tilespmem:$0x1E000] =	vst v63  }
0xd7: {  	_ =	swait.ge [sflag:s21], $0x2000  }
0xd8: {  	[sflag:s21] =	ssyncset.done $0x0  }
0xd9: {  	[sflag:s21] =	ssyncadd.s32 $0xFFFFE000  }
.Ltmp6:
0xda: {  	(pc) =	sbr.rel .LBB2_6-.Ltmp6, $3  }
0xdb: {  	_ =	sdelay $0x1  }
0xdc: {  	s2 =	sadd.s32 $0x1000, s22;
	s30 =	sadd.s32 $0x400, s30  }
0xdd: {  	[tilespmem:s10], [sflag:$0x1] =	stream.indirect.gather [spmem:s23], $0x40, s2, s16, $0xb8;
	[tilespmem:$0x1E000] =	vst v63  }
.LBB2_8:
0xde: {  	_ =	swait.ge [sflag:s25], $0x2000  }
0xdf: {  	[sflag:s25] =	ssyncset.done $0x0  }
0xe0: {  	[sflag:s25] =	ssyncadd.s32 $0xFFFFE000  }
0xe1: {  	[bflag:$0x0] =	sbarrier.arrive $0xFFFF  }
0xe2: {  	[tilespmem:s10], [sflag:$0x6] =	stream.linear.gather [spmem:s29], $0x2000, $0x38;
	[tilespmem:$0x1E000] =	vst v63  }
0xe3: {  	_ =	swait.ge [sflag:s11], $0x2000  }
0xe4: {  	[sflag:s11] =	ssyncset.done $0x0  }
0xe5: {  	s13 =	simm.s32 $0x0;
	s2 =	rddreg [dreg:$0xb];
	[sflag:s11] =	ssyncadd.s32 $0xFFFFE000  }
0xe6: {  	[hbm4b:s2+s13] =	stream.linear.scatter [tilespmem:s10], [sflag:$0x6], $0x2000, $0x38;
	[tilespmem:$0x1E000] =	vst v63  }
0xe7: {  	_ =	swait.ge [sflag:s11], $0x2000  }
0xe8: {  	[sflag:s11] =	ssyncset.done $0x0  }
0xe9: {  	[sflag:s11] =	ssyncadd.s32 $0xFFFFE000  }
0xea: {  	[tilespmem:s10], [sflag:$0x6] =	stream.linear.gather [spmem:s31], $0x2000, $0x38;
	[tilespmem:$0x1E000] =	vst v63  }
0xeb: {  	_ =	swait.ge [sflag:s11], $0x2000  }
0xec: {  	[sflag:s11] =	ssyncset.done $0x0  }
0xed: {  	s4 =	rddreg [dreg:$0x11];
	[sflag:s11] =	ssyncadd.s32 $0xFFFFE000  }
0xee: {  	[hbm4b:s4+s13] =	stream.linear.scatter [tilespmem:s10], [sflag:$0x6], $0x2000, $0x38;
	[tilespmem:$0x1E000] =	vst v63  }
0xef: {  	_ =	swait.ge [sflag:s11], $0x2000  }
0xf0: {  	[sflag:s11] =	ssyncset.done $0x0  }
0xf1: {  	[sflag:s11] =	ssyncadd.s32 $0xFFFFE000  }
0xf2: {  	[tilespmem:s10], [sflag:$0x6] =	stream.linear.gather [spmem:s1], $0x2000, $0x38;
	[tilespmem:$0x1E000] =	vst v63  }
0xf3: {  	_ =	swait.ge [sflag:s11], $0x2000  }
0xf4: {  	[sflag:s11] =	ssyncset.done $0x0  }
0xf5: {  	s8 =	rddreg [dreg:$0x12];
	[sflag:s11] =	ssyncadd.s32 $0xFFFFE000  }
0xf6: {  	[hbm4b:s8+s13] =	stream.linear.scatter [tilespmem:s10], [sflag:$0x6], $0x2000, $0x38;
	[tilespmem:$0x1E000] =	vst v63  }
0xf7: {  	_ =	swait.ge [sflag:s11], $0x2000  }
0xf8: {  	[sflag:s11] =	ssyncset.done $0x0  }
0xf9: {  	[sflag:s11] =	ssyncadd.s32 $0xFFFFE000  }
0xfa: {  	[tilespmem:s10], [sflag:$0x6] =	stream.linear.gather [spmem:s3], $0x2000, $0x38;
	[tilespmem:$0x1E000] =	vst v63  }
0xfb: {  	_ =	swait.ge [sflag:s11], $0x2000  }
0xfc: {  	[sflag:s11] =	ssyncset.done $0x0  }
0xfd: {  	s22 =	rddreg [dreg:$0x13];
	[sflag:s11] =	ssyncadd.s32 $0xFFFFE000  }
0xfe: {  	[hbm4b:s22+s13] =	stream.linear.scatter [tilespmem:s10], [sflag:$0x6], $0x2000, $0x38;
	[tilespmem:$0x1E000] =	vst v63  }
0xff: {  	_ =	swait.ge [sflag:s11], $0x2000  }
0x100: {  	[sflag:s11] =	ssyncset.done $0x0  }
0x101: {  	[sflag:s11] =	ssyncadd.s32 $0xFFFFE000  }
0x102: {  	[tilespmem:s10], [sflag:$0x6] =	stream.linear.gather [spmem:s5], $0x2000, $0x38;
	[tilespmem:$0x1E000] =	vst v63  }
0x103: {  	_ =	swait.ge [sflag:s11], $0x2000  }
0x104: {  	[sflag:s11] =	ssyncset.done $0x0  }
0x105: {  	s28 =	rddreg [dreg:$0x14];
	[sflag:s11] =	ssyncadd.s32 $0xFFFFE000  }
0x106: {  	[hbm4b:s28+s13] =	stream.linear.scatter [tilespmem:s10], [sflag:$0x6], $0x2000, $0x38;
	[tilespmem:$0x1E000] =	vst v63  }
0x107: {  	_ =	swait.ge [sflag:s11], $0x2000  }
0x108: {  	[sflag:s11] =	ssyncset.done $0x0  }
0x109: {  	[sflag:s11] =	ssyncadd.s32 $0xFFFFE000  }
0x10a: {  	[bflag:$0x0] =	sbarrier.arrive $0xFFFF  }
0x10b: {  	s30 =	rddreg [dreg:$0xc]  }
0x10c: {  	[tilespmem:s10], [sflag:$0x6] =	stream.linear.gather [hbm4b:s30+s13], $0x2000, $0x38;
	[tilespmem:$0x1E000] =	vst v63  }
0x10d: {  	_ =	swait.ge [sflag:s11], $0x2000  }
0x10e: {  	[sflag:s11] =	ssyncset.done $0x0  }
0x10f: {  	s4 =	rddreg [dreg:$0x1a];
	[sflag:s11] =	ssyncadd.s32 $0xFFFFE000  }
0x110: {  	[spmem:s4] =	stream.linear.scatter [tilespmem:s10], [sflag:$0x6], $0x2000, $0x38;
	[tilespmem:$0x1E000] =	vst v63  }
0x111: {  	_ =	swait.ge [sflag:s11], $0x2000  }
0x112: {  	[sflag:s11] =	ssyncset.done $0x0  }
0x113: {  	[sflag:s11] =	ssyncadd.s32 $0xFFFFE000  }
0x114: {  	[spmem:s29] =	stream.linear.scatter [tilespmem:s12], [sflag:$0x6], $0x2000, $0x38;
	[tilespmem:$0x1E000] =	vst v63  }
0x115: {  	_ =	swait.ge [sflag:s11], $0x2000  }
0x116: {  	[sflag:s11] =	ssyncset.done $0x0  }
0x117: {  	s8 =	rddreg [dreg:$0xd];
	[sflag:s11] =	ssyncadd.s32 $0xFFFFE000  }
0x118: {  	[tilespmem:s10], [sflag:$0x6] =	stream.linear.gather [hbm4b:s8+s13], $0x2000, $0x38;
	[tilespmem:$0x1E000] =	vst v63  }
0x119: {  	_ =	swait.ge [sflag:s11], $0x2000  }
0x11a: {  	[sflag:s11] =	ssyncset.done $0x0  }
0x11b: {  	s22 =	rddreg [dreg:$0x1b];
	[sflag:s11] =	ssyncadd.s32 $0xFFFFE000  }
0x11c: {  	[spmem:s22] =	stream.linear.scatter [tilespmem:s10], [sflag:$0x6], $0x2000, $0x38;
	[tilespmem:$0x1E000] =	vst v63  }
0x11d: {  	_ =	swait.ge [sflag:s11], $0x2000  }
0x11e: {  	[sflag:s11] =	ssyncset.done $0x0  }
0x11f: {  	[sflag:s11] =	ssyncadd.s32 $0xFFFFE000  }
0x120: {  	[spmem:s31] =	stream.linear.scatter [tilespmem:s12], [sflag:$0x6], $0x2000, $0x38;
	[tilespmem:$0x1E000] =	vst v63  }
0x121: {  	_ =	swait.ge [sflag:s11], $0x2000  }
0x122: {  	[sflag:s11] =	ssyncset.done $0x0  }
0x123: {  	s28 =	rddreg [dreg:$0xe];
	[sflag:s11] =	ssyncadd.s32 $0xFFFFE000  }
0x124: {  	[tilespmem:s10], [sflag:$0x6] =	stream.linear.gather [hbm4b:s28+s13], $0x2000, $0x38;
	[tilespmem:$0x1E000] =	vst v63  }
0x125: {  	_ =	swait.ge [sflag:s11], $0x2000  }
0x126: {  	[sflag:s11] =	ssyncset.done $0x0  }
0x127: {  	s30 =	rddreg [dreg:$0x1c];
	[sflag:s11] =	ssyncadd.s32 $0xFFFFE000  }
0x128: {  	[spmem:s30] =	stream.linear.scatter [tilespmem:s10], [sflag:$0x6], $0x2000, $0x38;
	[tilespmem:$0x1E000] =	vst v63  }
0x129: {  	_ =	swait.ge [sflag:s11], $0x2000  }
0x12a: {  	[sflag:s11] =	ssyncset.done $0x0  }
0x12b: {  	[sflag:s11] =	ssyncadd.s32 $0xFFFFE000  }
0x12c: {  	[spmem:s1] =	stream.linear.scatter [tilespmem:s12], [sflag:$0x6], $0x2000, $0x38;
	[tilespmem:$0x1E000] =	vst v63  }
0x12d: {  	_ =	swait.ge [sflag:s11], $0x2000  }
0x12e: {  	[sflag:s11] =	ssyncset.done $0x0  }
0x12f: {  	s4 =	rddreg [dreg:$0xf];
	[sflag:s11] =	ssyncadd.s32 $0xFFFFE000  }
0x130: {  	[tilespmem:s10], [sflag:$0x6] =	stream.linear.gather [hbm4b:s4+s13], $0x2000, $0x38;
	[tilespmem:$0x1E000] =	vst v63  }
0x131: {  	_ =	swait.ge [sflag:s11], $0x2000  }
0x132: {  	[sflag:s11] =	ssyncset.done $0x0  }
0x133: {  	s8 =	rddreg [dreg:$0x1d];
	[sflag:s11] =	ssyncadd.s32 $0xFFFFE000  }
0x134: {  	[spmem:s8] =	stream.linear.scatter [tilespmem:s10], [sflag:$0x6], $0x2000, $0x38;
	[tilespmem:$0x1E000] =	vst v63  }
0x135: {  	_ =	swait.ge [sflag:s11], $0x2000  }
0x136: {  	[sflag:s11] =	ssyncset.done $0x0  }
0x137: {  	[sflag:s11] =	ssyncadd.s32 $0xFFFFE000  }
0x138: {  	[spmem:s3] =	stream.linear.scatter [tilespmem:s12], [sflag:$0x6], $0x2000, $0x38;
	[tilespmem:$0x1E000] =	vst v63  }
0x139: {  	_ =	swait.ge [sflag:s11], $0x2000  }
0x13a: {  	[sflag:s11] =	ssyncset.done $0x0  }
0x13b: {  	s22 =	rddreg [dreg:$0x10];
	[sflag:s11] =	ssyncadd.s32 $0xFFFFE000  }
0x13c: {  	[tilespmem:s10], [sflag:$0x6] =	stream.linear.gather [hbm4b:s22+s13], $0x2000, $0x38;
	[tilespmem:$0x1E000] =	vst v63  }
0x13d: {  	_ =	swait.ge [sflag:s11], $0x2000  }
0x13e: {  	[sflag:s11] =	ssyncset.done $0x0  }
0x13f: {  	s28 =	rddreg [dreg:$0x1e];
	[sflag:s11] =	ssyncadd.s32 $0xFFFFE000  }
0x140: {  	[spmem:s28] =	stream.linear.scatter [tilespmem:s10], [sflag:$0x6], $0x2000, $0x38;
	[tilespmem:$0x1E000] =	vst v63  }
0x141: {  	_ =	swait.ge [sflag:s11], $0x2000  }
0x142: {  	[sflag:s11] =	ssyncset.done $0x0  }
0x143: {  	[sflag:s11] =	ssyncadd.s32 $0xFFFFE000  }
0x144: {  	[spmem:s5] =	stream.linear.scatter [tilespmem:s12], [sflag:$0x6], $0x2000, $0x38;
	[tilespmem:$0x1E000] =	vst v63  }
0x145: {  	_ =	swait.ge [sflag:s11], $0x2000  }
0x146: {  	[sflag:s11] =	ssyncset.done $0x0  }
.Ltmp7:
0x147: {  	[sflag:s11] =	ssyncadd.s32 $0xFFFFE000;
	(pc) =	sbr.rel .LBB2_10-.Ltmp7, $4  }
0x148: {  	[bflag:$0x0] =	sbarrier.arrive $0xFFFF  }
0x149: {  	[tilespmem:s13], [sflag:$0x5] =	stream.linear.gather [hbm4b:s6+s13], $0x1000, $0x38;
	[tilespmem:$0x1E000] =	vst v63  }
0x14a: {  	p0 =	por $0x0, $0x0;
	s30 =	simm.s32 $0x2000  }
0x14b: {  	[tilespmem:s30], [sflag:$0x5] =	stream.linear.gather [hbm4b:s7+s13], $0x1000, $0x38;
	[tilespmem:$0x1E000] =	vst v63  }
.LBB2_9:
0x14c: {  	p1 =	seq.s32 s13, $0x5  }
.Ltmp8:
0x14d: {  	_ = 	snop;
	(pc) =	sbr.rel @p1 .LBB2_13-.Ltmp8, $2  }
0x14e: {  	_ =	sdelay $0x2  }
0x14f: {  	p0 =	por !p0, !p0  }
.LBB2_10:
0x150: {  	p1 =	seq.s32 s13, $0x0  }
0x151: {  	s4 =	simm.s32 @!p1 $0x4  }
0x152: {  	_ =	swait.ge @!p1 [sflag:s4], $0x2000  }
0x153: {  	[sflag:s4] =	ssyncset.done @!p1 $0x0  }
0x154: {  	[sflag:s4] =	ssyncadd.s32 @!p1 $0xFFFFE000  }
0x155: {  	s2 =	smov.u32 s13;
	_ =	swait.ge [sflag:s15], $0x1000  }
0x156: {  	s13 =	sadd.s32 $0x1, s13;
	p1 =	seq.s32 s2, $0x4;
	[sflag:s15] =	ssyncset.done $0x0  }
0x157: {  	s4 =	sshll.u32 @!p1 s13, $0xC;
	[sflag:s15] =	ssyncadd.s32 $0xFFFFF000  }
0x158: {  	s8 =	sadd.s32 @!p1 s9, s4;
	_ =	swait.ge [sflag:s15], $0x1000  }
0x159: {  	s28 =	simm.s32 @!p1 $0x0;
	s8 =	sshrl.u32 @!p1 s8, $0x3;
	[sflag:s15] =	ssyncset.done $0x0  }
0x15a: {  	s4 =	sand.u32 @!p1 $0x1000, s4;
	s22 =	sadd.s32 @!p1 s18, s8;
	[sflag:s15] =	ssyncadd.s32 $0xFFFFF000  }
0x15b: {  	[tilespmem:s4], [sflag:$0x5] =	stream.linear.gather @!p1 [hbm4b:s22+s28], $0x1000, $0x38;
	[tilespmem:$0x1E000] =	vst v63  }
0x15c: {  	s2 =	sshll.u32 s2, $0xC;
	s8 =	sadd.s32 @!p1 s19, s8;
	s4 =	sor.u32 @!p1 $0x2000, s4  }
0x15d: {  	[tilespmem:s4], [sflag:$0x5] =	stream.linear.gather @!p1 [hbm4b:s8+s28], $0x1000, $0x38;
	[tilespmem:$0x1E000] =	vst v63  }
0x15e: {  	s2 =	sand.u32 $0x1000, s2  }
0x15f: {  	[tilespmem:s10], [sflag:$0x1] =	stream.indirect.gather [spmem:s23], $0x40, s2, s16, $0xb8;
	[tilespmem:$0x1E000] =	vst v63  }
0x160: {  	_ =	swait.ge [sflag:s14], $0x2000  }
0x161: {  	[sflag:s14] =	ssyncset.done $0x0  }
0x162: {  	s22 =	sor.u32 $0x2000, s2;
	[sflag:s14] =	ssyncadd.s32 $0xFFFFE000  }
0x163: {  	[spmem:s24] =	stream.indirect.scatter.add.f32 [tilespmem:s10], [sflag:$0x3], $0x40, s22, s16, $0xb8;
	[tilespmem:$0x1E000] =	vst v63  }
0x164: {  	s8 =	sor.u32 $0x80, s2  }
0x165: {  	[tilespmem:s17], [sflag:$0x2] =	stream.indirect.gather [spmem:s23], $0x40, s8, s16, $0xb8;
	[tilespmem:$0x1E000] =	vst v63  }
0x166: {  	_ =	swait.ge [sflag:s20], $0x2000  }
0x167: {  	[sflag:s20] =	ssyncset.done $0x0  }
0x168: {  	s4 =	simm.s32 $0x1;
	s22 =	sor.u32 $0x2080, s2;
	[sflag:s20] =	ssyncadd.s32 $0xFFFFE000  }
0x169: {  	[spmem:s24] =	stream.indirect.scatter.add.f32 [tilespmem:s17], [sflag:$0x4], $0x40, s22, s16, $0xb8;
	[tilespmem:$0x1E000] =	vst v63  }
0x16a: {  	s4 =	simm.s32 @!p0 $0x0;
	_ =	swait.ge [sflag:s21], $0x2000  }
0x16b: {  	s30 =	simm.s32 $0xFFFFC800;
	s8 =	sshll.u32 s4, $0xC;
	[sflag:s21] =	ssyncset.done $0x0  }
0x16c: {  	s2 =	sor.u32 $0x100, s2;
	s28 =	sor.u32 $0x2000, s8;
	[sflag:s21] =	ssyncadd.s32 $0xFFFFE000  }
0x16d: {  	[tilespmem:s10], [sflag:$0x1] =	stream.indirect.gather [spmem:s23], $0x40, s2, s16, $0xb8;
	[tilespmem:$0x1E000] =	vst v63  }
.LBB2_11:
0x16e: {  	_ =	swait.ge [sflag:s14], $0x2000;
	s2 =	sshra.s32 s30, $0x2  }
0x16f: {  	[sflag:s14] =	ssyncset.done $0x0;
	s4 =	sadd.s32 s2, s28  }
0x170: {  	[sflag:s14] =	ssyncadd.s32 $0xFFFFE000;
	s22 =	sadd.s32 $0xF00, s4  }
0x171: {  	[spmem:s24] =	stream.indirect.scatter.add.f32 [tilespmem:s10], [sflag:$0x3], $0x40, s22, s16, $0xb8;
	[tilespmem:$0x1E000] =	vst v63  }
0x172: {  	_ =	swait.ge [sflag:s25], $0x2000  }
0x173: {  	s22 =	sadd.s32 s2, s8;
	[sflag:s25] =	ssyncset.done $0x0  }
0x174: {  	s2 =	sadd.s32 $0xF80, s22;
	[sflag:s25] =	ssyncadd.s32 $0xFFFFE000  }
0x175: {  	[tilespmem:s17], [sflag:$0x2] =	stream.indirect.gather [spmem:s23], $0x40, s2, s16, $0xb8;
	[tilespmem:$0x1E000] =	vst v63  }
0x176: {  	_ =	swait.ge [sflag:s20], $0x2000  }
0x177: {  	p1 =	seq.s32 s30, $0x0;
	[sflag:s20] =	ssyncset.done $0x0  }
.Ltmp9:
0x178: {  	s4 =	sadd.s32 $0xF80, s4;
	[sflag:s20] =	ssyncadd.s32 $0xFFFFE000;
	(pc) =	sbr.rel @p1 .LBB2_9-.Ltmp9, $4  }
0x179: {  	[spmem:s24] =	stream.indirect.scatter.add.f32 [tilespmem:s17], [sflag:$0x4], $0x40, s4, s16, $0xb8;
	[tilespmem:$0x1E000] =	vst v63  }
0x17a: {  	_ =	swait.ge [sflag:s21], $0x2000  }
0x17b: {  	[sflag:s21] =	ssyncset.done $0x0  }
0x17c: {  	[sflag:s21] =	ssyncadd.s32 $0xFFFFE000  }
.Ltmp10:
0x17d: {  	(pc) =	sbr.rel .LBB2_11-.Ltmp10, $3  }
0x17e: {  	_ =	sdelay $0x1  }
0x17f: {  	s2 =	sadd.s32 $0x1000, s22;
	s30 =	sadd.s32 $0x400, s30  }
0x180: {  	[tilespmem:s10], [sflag:$0x1] =	stream.indirect.gather [spmem:s23], $0x40, s2, s16, $0xb8;
	[tilespmem:$0x1E000] =	vst v63  }
.LBB2_14:
0x181: {  	_ =	sfence.sel $0x180000  }
0x182: {  	[bflag:$0x0] =	sbarrier.arrive $0xFFFF  }
0x183: {  	_ =	strace $0x9000004A  }
0x184: {  	s0 =	stileid.u32;
	[bflag:$0x2] =	sbarrier.arrive $0xFFFF  }
0x185: {  	p0 =	sne.s32 s0, $0x0;
	s0 =	rddreg [dreg:$0x5]  }
0x186: {  	s0 =	sadd.s32 @!p0 $0x100000, s0  }
0x187: {  	[sflag:s0] =	ssyncadd.tile.s32 @!p0 $0x1;
	_ =	shalt  }
.Lfunc_end2:
_tile_overlayer_lowered:
.L_overlay_start_2:
0x188: {  	(tag) =	ssettag $0x2  }
0x189: {  	s0 =	rddreg [dreg:$0x0];
	s2 =	stileid.u32  }
0x18a: {  	s1 =	rddreg [dreg:$0x1];
	p0 =	sne.s32 s2, $0x0  }
0x18b: {  	s3 =	rddreg [dreg:$0x2];
	[bflag:$0x3] =	sbarrier.arrive $0xFFFF;
	s2 =	simm.s32 @!p0 $0x1C06  }
0x18c: {  	[timem:s3], [sflag:s2] =	dma.local @!p0 [hbm:s0], s1  }
0x18d: {  	s0 =	simm.s32 @!p0 $0x6  }
0x18e: {  	_ =	swait.ge @!p0 [sflag:s0], s1  }
0x18f: {  	s1 =	ssub.s32 @!p0 $0x0, s1;
	[sflag:s0] =	ssyncset.done @!p0 $0x0  }
0x190: {  	[sflag:s0] =	ssyncadd.s32 @!p0 s1  }
0x191: {  	[bflag:$0x3] =	sbarrier.arrive $0xFFFF  }
0x192: {  	_ =	shalt  }

</sc_bundles>
